<compile_context>
chip_gen: v7x
topology: tpu7x:2x2x1
jax: 0.10.2.dev20260603
libtpu: 0.0.44.dev20260713+nightly
codegen_flags: <defaults>
</compile_context>

<pallas_src>
import functools

import jax
import jax.numpy as jnp
from jax import lax
from jax.experimental import pallas as pl
from jax.experimental.pallas import tpu as pltpu
from jax.experimental.pallas import tpu_sc as plsc

N_NODES = 50000
N_EDGES = 800000
U = 16
L = 16
NC, NS = 2, 16
NW = NC * NS
S_NODE = 1568
N_PAD = NW * S_NODE
E_W = N_EDGES // NW
EK = 128
N_FULL = E_W // EK
E_TAIL = E_W - N_FULL * EK

_mesh = plsc.VectorSubcoreMesh(core_axis_name="c", subcore_axis_name="s")


def _wid():
    return lax.axis_index("s") * NC + lax.axis_index("c")


def _iota():
    return lax.iota(jnp.int32, L)


def _vperm(x, idx):
    return x.at[idx].get(mode="promise_in_bounds")


@functools.partial(
    pl.kernel,
    mesh=_mesh,
    compiler_params=pltpu.CompilerParams(needs_layout_passes=False, use_tc_tiling_on_sc=False),
    out_type=jax.ShapeDtypeStruct((N_PAD, U), jnp.float32),
    scratch_types=[
        pltpu.VMEM((2, 112, U), jnp.float32),
        pltpu.VMEM((2, 112, U), jnp.float32),
        pltpu.VMEM((L,), jnp.float32),
        pltpu.SemaphoreType.DMA((2,)),
        pltpu.SemaphoreType.DMA((2,)),
    ],
)
def _k1(unary_hbm, wu_hbm, u_hbm, inbuf, outbuf, wubuf, semi, semo):
    wid = _wid()
    io = _iota()
    wubuf[...] = jnp.zeros((L,), jnp.float32)
    pltpu.sync_copy(wu_hbm, wubuf.at[pl.ds(0, 4)])
    wuv = wubuf[...]
    wulane = _vperm(wuv, io >> 1)
    evenlane = (io & 1) == 0
    active = io < 8
    sgn_a = jnp.where(active & evenlane, -1.0, jnp.where(active, 1.0, 0.0))
    sgn_d = sgn_a
    perm = jnp.where(active, io ^ 1, io)
    base = wid * S_NODE

    CH = 112
    NCH = S_NODE // CH

    def start_of(c):
        return jnp.minimum(base + c * CH, N_NODES - CH)

    def in_cp(c, s):
        return pltpu.make_async_copy(unary_hbm.at[pl.ds(start_of(c), CH)],
                                     inbuf.at[s], semi.at[s])

    def out_cp(c, s):
        return pltpu.make_async_copy(outbuf.at[s],
                                     u_hbm.at[pl.ds(start_of(c), CH)],
                                     semo.at[s])

    in_cp(0, 0).start()
    in_cp(1, 1).start()

    def chunk(c, _):
        s = lax.rem(c, 2)
        in_cp(c, s).wait()

        @pl.when(c >= 2)
        def _():
            out_cp(c - 2, s).wait()

        def row(r, _):
            x = inbuf[s, r]
            e = jnp.exp(sgn_a * x)
            esw = _vperm(e, perm)
            delta = sgn_d * wulane * e / (e + esw)
            outbuf[s, r] = x + delta
            return 0

        lax.fori_loop(0, CH, row, 0)
        out_cp(c, s).start()

        @pl.when(c + 2 < NCH)
        def _():
            in_cp(c + 2, s).start()

        return 0

    lax.fori_loop(0, NCH, chunk, 0)
    out_cp(NCH - 2, (NCH - 2) % 2).wait()
    out_cp(NCH - 1, (NCH - 1) % 2).wait()


@functools.partial(
    pl.kernel,
    mesh=_mesh,
    compiler_params=pltpu.CompilerParams(needs_layout_passes=False, use_tc_tiling_on_sc=False),
    out_type=[
        jax.ShapeDtypeStruct((N_EDGES,), jnp.float32),
        jax.ShapeDtypeStruct((NW, N_PAD), jnp.int32),
        jax.ShapeDtypeStruct((NW, N_PAD), jnp.int32),
    ],
    scratch_types=[
        pltpu.VMEM((N_PAD,), jnp.int32),
        pltpu.VMEM((N_PAD,), jnp.int32),
        pltpu.VMEM((2, EK), jnp.int32),
        pltpu.VMEM((2, EK), jnp.int32),
        pltpu.VMEM((2, EK), jnp.float32),
        pltpu.VMEM((2, EK), jnp.float32),
        pltpu.VMEM((2, EK, U), jnp.float32),
        pltpu.VMEM((2, EK, U), jnp.float32),
        pltpu.VMEM((L,), jnp.float32),
        pltpu.SemaphoreType.DMA((2,)),
        pltpu.SemaphoreType.DMA((2,)),
        pltpu.SemaphoreType.DMA((2,)),
    ],
)
def _k2(u_hbm, b_hbm, i1_hbm, i2_hbm, wb_hbm, bout_hbm, t1_hbm, t2_hbm,
        t1, t2, i1c, i2c, bc, boutc, rows1, rows2, wbbuf,
        semi, semg, semo):
    wid = _wid()
    io = _iota()
    pltpu.sync_copy(wb_hbm, wbbuf)
    wblv = wbbuf[...]
    ebase = wid * E_W

    def in_copies(c, s):
        off = ebase + c * EK
        return (
            pltpu.make_async_copy(i1_hbm.at[pl.ds(off, EK)], i1c.at[s], semi.at[s]),
            pltpu.make_async_copy(i2_hbm.at[pl.ds(off, EK)], i2c.at[s], semi.at[s]),
            pltpu.make_async_copy(b_hbm.at[pl.ds(off, EK)], bc.at[s], semi.at[s]),
        )

    def gather_copies(s):
        return (
            pltpu.make_async_copy(u_hbm.at[i1c.at[s]], rows1.at[s], semg.at[s]),
            pltpu.make_async_copy(u_hbm.at[i2c.at[s]], rows2.at[s], semg.at[s]),
        )

    def out_copy(c, s):
        off = ebase + c * EK
        return pltpu.make_async_copy(boutc.at[s], bout_hbm.at[pl.ds(off, EK)],
                                     semo.at[s])

    def do_group(t, off, n_valid, s):
        b16 = bc[s, pl.ds(t * L, L)]
        eb = jnp.exp(-b16)
        rowidx = t * L + io
        acc = jnp.zeros((L,), jnp.float32)
        for c in range(U):
            colidx = jnp.full((L,), c, jnp.int32)
            v1 = plsc.load_gather(rows1.at[s], [rowidx, colidx])
            v2 = plsc.load_gather(rows2.at[s], [rowidx, colidx])
            d = jnp.exp(-v1) + eb + jnp.exp(v2)
            acc = acc + wblv[c] / d
        boutc[s, pl.ds(t * L, L)] = b16 - eb * acc
        eids = off + t * L + io
        for idxc, tab in ((i1c, t1), (i2c, t2)):
            nid = idxc[s, pl.ds(t * L, L)]
            key = nid * L + io
            ks, vs = plsc.sort_key_val(key, eids)
            nxt = _vperm(ks, jnp.minimum(io + 1, L - 1))
            last = ((ks >> 4) != (nxt >> 4)) | (io == L - 1)
            vmask = (ks & (L - 1)) < (n_valid - t * L)
            plsc.store_scatter(tab, [ks >> 4], vs, mask=last & vmask)

    for d in in_copies(0, 0) + in_copies(1, 1):
        d.start()

    def initt(i, _):
        neg1 = jnp.full((L,), -1, jnp.int32)
        t1[pl.ds(i * L, L)] = neg1
        t2[pl.ds(i * L, L)] = neg1
        return 0

    lax.fori_loop(0, N_PAD // L, initt, 0)

    for d in in_copies(0, 0):
        d.wait()
    for d in gather_copies(0):
        d.start()

    def pipe_chunk(c, _):
        s = lax.rem(c, 2)
        sn = 1 - s
        for d in gather_copies(s):
            d.wait()

        @pl.when(c + 1 < N_FULL)
        def _():
            for d in in_copies(c + 1, sn):
                d.wait()
            for d in gather_copies(sn):
                d.start()

        @pl.when(c >= 2)
        def _():
            out_copy(c - 2, s).wait()

        off = ebase + c * EK

        def grp(t, _):
            do_group(t, off, EK, s)
            return 0

        lax.fori_loop(0, EK // L, grp, 0)
        out_copy(c, s).start()

        @pl.when(c + 2 < N_FULL)
        def _():
            for d in in_copies(c + 2, s):
                d.start()

        return 0

    lax.fori_loop(0, N_FULL, pipe_chunk, 0)
    out_copy(N_FULL - 2, (N_FULL - 2) % 2).wait()
    out_copy(N_FULL - 1, (N_FULL - 1) % 2).wait()

    toff = ebase + N_FULL * EK
    pltpu.sync_copy(i1_hbm.at[pl.ds(toff, E_TAIL)], i1c.at[0, pl.ds(0, E_TAIL)])
    pltpu.sync_copy(i2_hbm.at[pl.ds(toff, E_TAIL)], i2c.at[0, pl.ds(0, E_TAIL)])
    pltpu.sync_copy(b_hbm.at[pl.ds(toff, E_TAIL)], bc.at[0, pl.ds(0, E_TAIL)])
    pltpu.sync_copy(u_hbm.at[i1c.at[0]], rows1.at[0])
    pltpu.sync_copy(u_hbm.at[i2c.at[0]], rows2.at[0])

    def tgrp(t, _):
        do_group(t, toff, E_TAIL, 0)
        return 0

    lax.fori_loop(0, (E_TAIL + L - 1) // L, tgrp, 0)
    pltpu.sync_copy(boutc.at[0, pl.ds(0, E_TAIL)],
                    bout_hbm.at[pl.ds(toff, E_TAIL)])

    pltpu.sync_copy(t1, t1_hbm.at[wid])
    pltpu.sync_copy(t2, t2_hbm.at[wid])


GK = 112


@functools.partial(
    pl.kernel,
    mesh=_mesh,
    compiler_params=pltpu.CompilerParams(needs_layout_passes=False, use_tc_tiling_on_sc=False),
    out_type=jax.ShapeDtypeStruct((N_PAD, U), jnp.float32),
    scratch_types=[
        pltpu.VMEM((S_NODE,), jnp.int32),
        pltpu.VMEM((S_NODE,), jnp.int32),
        pltpu.VMEM((4, S_NODE), jnp.int32),
        pltpu.VMEM((S_NODE // GK, GK), jnp.int32),
        pltpu.VMEM((S_NODE // GK, GK), jnp.int32),
        pltpu.VMEM((S_NODE // GK, GK), jnp.int32),
        pltpu.VMEM((S_NODE // GK, GK), jnp.int32),
        pltpu.VMEM((S_NODE,), jnp.float32),
        pltpu.VMEM((S_NODE,), jnp.float32),
        pltpu.VMEM((S_NODE, U), jnp.float32),
        pltpu.VMEM((S_NODE, U), jnp.float32),
        pltpu.VMEM((S_NODE, U), jnp.float32),
        pltpu.VMEM((L,), jnp.float32),
        pltpu.SemaphoreType.DMA,
        pltpu.SemaphoreType.DMA,
        pltpu.SemaphoreType.DMA((4,)),
        pltpu.SemaphoreType.DMA((2,)),
        pltpu.SemaphoreType.DMA((2,)),
        pltpu.SemaphoreType.DMA((2,)),
        pltpu.SemaphoreType.DMA((2,)),
    ],
)
def _k3(u_hbm, b_hbm, i1_hbm, i2_hbm, wb_hbm, t1_hbm, t2_hbm, uout_hbm,
        acc1, acc2, tmp, ecl1, ecl2, jfar1, jfar2, bw1, bw2,
        rowsf1, rowsf2, ubuf, wbbuf,
        semus, sema, semm, semfb1, semfb2, semu1, semu2):
    wid = _wid()
    base = wid * S_NODE
    ubuf_cp = pltpu.make_async_copy(u_hbm.at[pl.ds(base, S_NODE)], ubuf, semus)
    ubuf_cp.start()
    pltpu.sync_copy(wb_hbm, wbbuf)
    wbl = wbbuf[...]

    def merge(acc, tab_hbm):
        acc_cp = pltpu.make_async_copy(tab_hbm.at[0, pl.ds(base, S_NODE)],
                                       acc, sema)
        acc_cp.start()

        def tcopy(t, s):
            return pltpu.make_async_copy(tab_hbm.at[t, pl.ds(base, S_NODE)],
                                         tmp.at[s], semm.at[s])

        tcopy(1, 1).start()
        tcopy(2, 2).start()
        tcopy(3, 3).start()
        acc_cp.wait()

        def step(t, _):
            s = lax.rem(t, 4)

            @pl.when(t + 3 < NW)
            def _():
                tcopy(t + 3, lax.rem(t + 3, 4)).start()

            tcopy(t, s).wait()

            def mx(k, _):
                sl = pl.ds(k * L, L)
                acc[sl] = jnp.maximum(acc[sl], tmp[s, sl])
                return 0

            lax.fori_loop(0, S_NODE // L, mx, 0)
            return 0

        lax.fori_loop(1, NW, step, 0)

    def clamp_into(acc, ecl):
        def clampk(k, _):
            def clampc(cc, _):
                ecl[k, pl.ds(cc * L, L)] = jnp.clip(
                    acc[pl.ds(k * GK + cc * L, L)], 0, N_EDGES - 1)
                return 0

            lax.fori_loop(0, GK // L, clampc, 0)
            return 0

        lax.fori_loop(0, S_NODE // GK, clampk, 0)

    merge(acc1, t1_hbm)
    clamp_into(acc1, ecl1)
    merge(acc2, t2_hbm)
    clamp_into(acc2, ecl2)

    NGK = S_NODE // GK

    def farb_copies(k, s, ecl, far_hbm, jfar, bwbuf, sem):
        sl = pl.ds(k * GK, GK)
        return (
            pltpu.make_async_copy(far_hbm.at[ecl.at[k]], jfar.at[k], sem.at[s]),
            pltpu.make_async_copy(b_hbm.at[ecl.at[k]], bwbuf.at[sl], sem.at[s]),
        )

    def u_copy(k, s, jfar, rowsbuf, sem):
        sl = pl.ds(k * GK, GK)
        return pltpu.make_async_copy(u_hbm.at[jfar.at[k]], rowsbuf.at[sl],
                                     sem.at[s])

    def fb1(k, s):
        return farb_copies(k, s, ecl1, i2_hbm, jfar1, bw1, semfb1)

    def fb2(k, s):
        return farb_copies(k, s, ecl2, i1_hbm, jfar2, bw2, semfb2)

    def uc1(k, s):
        return u_copy(k, s, jfar1, rowsf1, semu1)

    def uc2(k, s):
        return u_copy(k, s, jfar2, rowsf2, semu2)

    for d in fb1(0, 0) + fb2(0, 0) + fb1(1, 1) + fb2(1, 1):
        d.start()

    def gloop(k, _):
        s = lax.rem(k, 2)
        for d in fb1(k, s) + fb2(k, s):
            d.wait()

        @pl.when(k + 2 < NGK)
        def _():
            for d in fb1(k + 2, s) + fb2(k + 2, s):
                d.start()

        @pl.when(k >= 2)
        def _():
            uc1(k - 2, s).wait()
            uc2(k - 2, s).wait()

        uc1(k, s).start()
        uc2(k, s).start()
        return 0

    lax.fori_loop(0, NGK, gloop, 0)
    for k in (NGK - 2, NGK - 1):
        uc1(k, k % 2).wait()
        uc2(k, k % 2).wait()
    ubuf_cp.wait()

    io = _iota()

    def group(g, _):
        sl = pl.ds(g * L, L)
        m1 = acc1[sl] >= 0
        m2 = acc2[sl] >= 0
        eb1 = jnp.exp(-bw1[sl])
        eb2 = jnp.exp(-bw2[sl])
        rowvec = g * L + io
        for c in range(U):
            colvec = jnp.full((L,), c, jnp.int32)
            x = plsc.load_gather(ubuf, [rowvec, colvec])
            u2 = plsc.load_gather(rowsf1, [rowvec, colvec])
            u1 = plsc.load_gather(rowsf2, [rowvec, colvec])
            exn = jnp.exp(-x)
            exp_ = jnp.exp(x)
            den1 = exn + eb1 + jnp.exp(u2)
            d1 = jnp.where(m1, -(wbl[c] * exn / den1), 0.0)
            den2 = jnp.exp(-u1) + eb2 + exp_
            d2 = jnp.where(m2, wbl[c] * exp_ / den2, 0.0)
            plsc.store_scatter(ubuf, [rowvec, colvec], x + d1 + d2)
        return 0

    lax.fori_loop(0, S_NODE // L, group, 0)
    pltpu.sync_copy(ubuf, uout_hbm.at[pl.ds(base, S_NODE)])


def kernel(unary, binary, index1, index2, w_unary, w_binary):
    u_pad = _k1(unary, w_unary)
    bout, t1, t2 = _k2(u_pad, binary, index1, index2, w_binary)
    uout_pad = _k3(u_pad, binary, index1, index2, w_binary, t1, t2)
    return uout_pad[:N_NODES], bout

# --- scband reference (transcript-rebuilt; emitter-appended) ---
"""Pipeline reference for scband-relational-kenn-23287312679568 (READ-ONLY COPY).

The authoritative reference and input builder live on the scoring server;
editing this copy changes nothing except your own understanding.
"""

import jax, jax.numpy as jnp
import numpy as np

N_NODES = 50000
N_EDGES = 800000
N_UNARY = 16

# Clause structure parsed from init clause strings.
# Unary clauses: "_:nU{2i},U{2i+1}" -> literal indices + signs (n -> -1).
UNARY_IDX = np.array([[0, 1], [2, 3], [4, 5], [6, 7]], dtype=np.int32)
UNARY_SIGNS = np.array([[-1.0, 1.0]] * 4, dtype=np.float32)
# Binary clauses over joined space [Ux(16) | Uy(16) | B0]: "_:nU{c}x,nB0,U{c}y".
BIN_IDX = np.stack([np.arange(N_UNARY), np.full(N_UNARY, 2 * N_UNARY), np.arange(N_UNARY) + N_UNARY], axis=1).astype(np.int32)
BIN_SIGNS = np.tile(np.array([-1.0, -1.0, 1.0], dtype=np.float32), (N_UNARY, 1))


def setup_inputs(seed: int = 0) -> dict:
    key = jax.random.key(seed)
    k1, k2, k3, k4 = jax.random.split(key, 4)
    unary = jax.random.normal(k1, (N_NODES, N_UNARY), dtype=jnp.float32)
    binary = jax.random.normal(k2, (N_EDGES,), dtype=jnp.float32)
    index1 = jax.random.randint(k3, (N_EDGES,), 0, N_NODES, dtype=jnp.int32)
    index2 = jax.random.randint(k4, (N_EDGES,), 0, N_NODES, dtype=jnp.int32)
    # Learned clause weights (KnowledgeEnhancer params), init = initial_clause_weight.
    w_unary = jnp.full((UNARY_IDX.shape[0],), 0.5, dtype=jnp.float32)
    w_binary = jnp.full((BIN_IDX.shape[0],), 0.5, dtype=jnp.float32)
    return {"unary": unary, "binary": binary, "index1": index1, "index2": index2,
            "w_unary": w_unary, "w_binary": w_binary}


def _knowledge_enhancer(preact, idxs, signs, weights):
    # KENN ClauseEnhancer with Godel t-conorm boost (softmax form):
    # gather literal preactivations (sign-flipped for negated literals),
    # delta = w * softmax(gathered), scattered back with signs and summed over clauses.
    idxs = jnp.asarray(idxs)
    signs = jnp.asarray(signs)
    gathered = preact[:, idxs] * signs                      # [N, C, L] gather
    deltas = weights[None, :, None] * jax.nn.softmax(gathered, axis=-1)
    scattered = signs * deltas
    return jnp.zeros_like(preact).at[:, idxs].add(scattered)  # scatter-add over clauses


def reference(unary, binary, index1, index2, w_unary, w_binary):
    # unary KE: u = unary + deltas_sum
    u = unary + _knowledge_enhancer(unary, UNARY_IDX, UNARY_SIGNS, w_unary)
    # Join: gather node states for both endpoints of each edge
    u1 = jnp.take(u, index1, axis=0)
    u2 = jnp.take(u, index2, axis=0)
    joined = jnp.concatenate([u1, u2, binary[:, None]], axis=1)  # [E, 2U+1]
    # binary KE on joined matrix
    deltas_sum = _knowledge_enhancer(joined, BIN_IDX, BIN_SIGNS, w_binary)
    # GroupBy: split deltas and scatter (torch uses overwrite assignment -> .set)
    ux = deltas_sum[:, :N_UNARY]
    uy = deltas_sum[:, N_UNARY:2 * N_UNARY]
    b = deltas_sum[:, 2 * N_UNARY:]
    delta_ux = jnp.zeros_like(u).at[index1].set(ux)
    delta_uy = jnp.zeros_like(u).at[index2].set(uy)
    delta_up = delta_ux + delta_uy
    delta_bp = b[:, 0]  # per-edge binary delta (squeezed; see notes)
    # activation is identity (default activation=lambda x: x)
    return (u + delta_up, binary + delta_bp)

if __name__ == "__main__":
    import jax
    _d = setup_inputs()
    print(jax.jit(kernel)(*tuple(_d.values())))

</pallas_src>

<mosaic_0001>
#map = affine_map<(d0, d1) -> (0, 0)>
#map1 = affine_map<(d0, d1) -> (0)>
module attributes {stable_mosaic.version = 14 : i64} {
  func.func @_k3(%arg0: i32, %arg1: i32, %arg2: memref<50176x16xf32, #tpu.memory_space<hbm>>, %arg3: memref<800000xf32, #tpu.memory_space<hbm>>, %arg4: memref<800000xi32, #tpu.memory_space<hbm>>, %arg5: memref<800000xi32, #tpu.memory_space<hbm>>, %arg6: memref<16xf32, #tpu.memory_space<hbm>>, %arg7: memref<32x50176xi32, #tpu.memory_space<hbm>>, %arg8: memref<32x50176xi32, #tpu.memory_space<hbm>>, %arg9: memref<50176x16xf32, #tpu.memory_space<hbm>>, %arg10: memref<1568xi32, #tpu.memory_space<vmem>>, %arg11: memref<1568xi32, #tpu.memory_space<vmem>>, %arg12: memref<4x1568xi32, #tpu.memory_space<vmem>>, %arg13: memref<14x112xi32, #tpu.memory_space<vmem>>, %arg14: memref<14x112xi32, #tpu.memory_space<vmem>>, %arg15: memref<14x112xi32, #tpu.memory_space<vmem>>, %arg16: memref<14x112xi32, #tpu.memory_space<vmem>>, %arg17: memref<1568xf32, #tpu.memory_space<vmem>>, %arg18: memref<1568xf32, #tpu.memory_space<vmem>>, %arg19: memref<1568x16xf32, #tpu.memory_space<vmem>>, %arg20: memref<1568x16xf32, #tpu.memory_space<vmem>>, %arg21: memref<1568x16xf32, #tpu.memory_space<vmem>>, %arg22: memref<16xf32, #tpu.memory_space<vmem>>, %arg23: memref<!tpu.dma_semaphore, #tpu.memory_space<semaphore_mem>>, %arg24: memref<!tpu.dma_semaphore, #tpu.memory_space<semaphore_mem>>, %arg25: memref<4x!tpu.dma_semaphore, #tpu.memory_space<semaphore_mem>>, %arg26: memref<2x!tpu.dma_semaphore, #tpu.memory_space<semaphore_mem>>, %arg27: memref<2x!tpu.dma_semaphore, #tpu.memory_space<semaphore_mem>>, %arg28: memref<2x!tpu.dma_semaphore, #tpu.memory_space<semaphore_mem>>, %arg29: memref<2x!tpu.dma_semaphore, #tpu.memory_space<semaphore_mem>>) attributes {dimension_semantics = [#tpu.dimension_semantics<core_parallel>, #tpu.dimension_semantics<subcore_parallel>], iteration_bounds = array<i64: 2, 16>, scalar_prefetch = 0 : i64, scratch_operands = 20 : i64, tpu.core_type = #tpu.core_type<sc_vector_subcore>, window_params = [{transform_indices = #map}, {transform_indices = #map1}, {transform_indices = #map1}, {transform_indices = #map1}, {transform_indices = #map1}, {transform_indices = #map}, {transform_indices = #map}, {transform_indices = #map}]} {
    %mul3A = arith.constant 2 : i32
    %mul3A_0 = arith.muli %arg1, %mul3A : i32
    %add3A = arith.addi %mul3A_0, %arg0 : i32
    %mul3A_1 = arith.constant 1568 : i32
    %mul3A_2 = arith.muli %add3A, %mul3A_1 : i32
    %dma_start3A = arith.constant 0 : i32
    %dma_start3A_3 = tpu.memref_slice %arg2[%mul3A_2, %dma_start3A] : memref<50176x16xf32, #tpu.memory_space<hbm>> -> memref<1568x16xf32, #tpu.memory_space<hbm>>
    %dma_start3A_4 = arith.constant 0 : i32
    %dma_start3A_5 = tpu.memref_slice %arg2[%mul3A_2, %dma_start3A_4] : memref<50176x16xf32, #tpu.memory_space<hbm>> -> memref<1568x16xf32, #tpu.memory_space<hbm>>
    tpu.enqueue_dma source(%dma_start3A_5 : memref<1568x16xf32, #tpu.memory_space<hbm>>) target(%arg21 : memref<1568x16xf32, #tpu.memory_space<vmem>>) target_semaphore(%arg23 : memref<!tpu.dma_semaphore, #tpu.memory_space<semaphore_mem>>)
    "tpu.region"() ({
      %run_scoped3A = tpu.sem_alloc : memref<!tpu.dma_semaphore, #tpu.memory_space<semaphore_mem>>
      tpu.enqueue_dma source(%arg6 : memref<16xf32, #tpu.memory_space<hbm>>) target(%arg22 : memref<16xf32, #tpu.memory_space<vmem>>) target_semaphore(%run_scoped3A : memref<!tpu.dma_semaphore, #tpu.memory_space<semaphore_mem>>)
      tpu.wait_dma2 semaphore(%run_scoped3A : memref<!tpu.dma_semaphore, #tpu.memory_space<semaphore_mem>>) src(%arg6 : memref<16xf32, #tpu.memory_space<hbm>>) dst(%arg22 : memref<16xf32, #tpu.memory_space<vmem>>)
      tpu.yield
    }) : () -> ()
    %get3A = arith.constant 0 : index
    %get3A_6 = tpu.vector_load %arg22[%get3A] {strides = array<i32>} : memref<16xf32, #tpu.memory_space<vmem>>, vector<16xf32>,
    %dma_start3A_7 = arith.constant 0 : i32
    %dma_start3A_8 = tpu.memref_slice %arg7[%dma_start3A_7, %mul3A_2] : memref<32x50176xi32, #tpu.memory_space<hbm>> -> memref<1x1568xi32, #tpu.memory_space<hbm>>
    %dma_start3A_9 = tpu.memref_squeeze %dma_start3A_8 : memref<1x1568xi32, #tpu.memory_space<hbm>> -> memref<1568xi32, #tpu.memory_space<hbm>>
    %dma_start3A_10 = tpu.memref_slice %arg7[%dma_start3A_7, %mul3A_2] : memref<32x50176xi32, #tpu.memory_space<hbm>> -> memref<1x1568xi32, #tpu.memory_space<hbm>>
    %dma_start3A_11 = tpu.memref_squeeze %dma_start3A_10 : memref<1x1568xi32, #tpu.memory_space<hbm>> -> memref<1568xi32, #tpu.memory_space<hbm>>
    tpu.enqueue_dma source(%dma_start3A_11 : memref<1568xi32, #tpu.memory_space<hbm>>) target(%arg10 : memref<1568xi32, #tpu.memory_space<vmem>>) target_semaphore(%arg24 : memref<!tpu.dma_semaphore, #tpu.memory_space<semaphore_mem>>)
    %dma_start3A_12 = arith.constant 1 : i32
    %dma_start3A_13 = arith.constant 1 : i32
    %dma_start3A_14 = arith.constant 1 : i32
    %dma_start3A_15 = arith.constant 0 : i32
    %dma_start3A_16 = tpu.memref_slice %arg12[%dma_start3A_13, %dma_start3A_15] : memref<4x1568xi32, #tpu.memory_space<vmem>> -> memref<1x1568xi32, #tpu.memory_space<vmem>>
    %dma_start3A_17 = tpu.memref_squeeze %dma_start3A_16 : memref<1x1568xi32, #tpu.memory_space<vmem>> -> memref<1568xi32, #tpu.memory_space<vmem>>
    %dma_start3A_18 = tpu.memref_slice %arg7[%dma_start3A_12, %mul3A_2] : memref<32x50176xi32, #tpu.memory_space<hbm>> -> memref<1x1568xi32, #tpu.memory_space<hbm>>
    %dma_start3A_19 = tpu.memref_squeeze %dma_start3A_18 : memref<1x1568xi32, #tpu.memory_space<hbm>> -> memref<1568xi32, #tpu.memory_space<hbm>>
    %dma_start3A_20 = tpu.memref_slice %arg25[%dma_start3A_14] : memref<4x!tpu.dma_semaphore, #tpu.memory_space<semaphore_mem>> -> memref<1x!tpu.dma_semaphore, #tpu.memory_space<semaphore_mem>>
    %dma_start3A_21 = tpu.memref_squeeze %dma_start3A_20 : memref<1x!tpu.dma_semaphore, #tpu.memory_space<semaphore_mem>> -> memref<!tpu.dma_semaphore, #tpu.memory_space<semaphore_mem>>
    %dma_start3A_22 = arith.constant 0 : i32
    %dma_start3A_23 = tpu.memref_slice %arg12[%dma_start3A_13, %dma_start3A_22] : memref<4x1568xi32, #tpu.memory_space<vmem>> -> memref<1x1568xi32, #tpu.memory_space<vmem>>
    %dma_start3A_24 = tpu.memref_squeeze %dma_start3A_23 : memref<1x1568xi32, #tpu.memory_space<vmem>> -> memref<1568xi32, #tpu.memory_space<vmem>>
    %dma_start3A_25 = tpu.memref_slice %arg7[%dma_start3A_12, %mul3A_2] : memref<32x50176xi32, #tpu.memory_space<hbm>> -> memref<1x1568xi32, #tpu.memory_space<hbm>>
    %dma_start3A_26 = tpu.memref_squeeze %dma_start3A_25 : memref<1x1568xi32, #tpu.memory_space<hbm>> -> memref<1568xi32, #tpu.memory_space<hbm>>
    tpu.enqueue_dma source(%dma_start3A_26 : memref<1568xi32, #tpu.memory_space<hbm>>) target(%dma_start3A_24 : memref<1568xi32, #tpu.memory_space<vmem>>) target_semaphore(%dma_start3A_21 : memref<!tpu.dma_semaphore, #tpu.memory_space<semaphore_mem>>)
    %dma_start3A_27 = arith.constant 2 : i32
    %dma_start3A_28 = arith.constant 2 : i32
    %dma_start3A_29 = arith.constant 2 : i32
    %dma_start3A_30 = arith.constant 0 : i32
    %dma_start3A_31 = tpu.memref_slice %arg12[%dma_start3A_28, %dma_start3A_30] : memref<4x1568xi32, #tpu.memory_space<vmem>> -> memref<1x1568xi32, #tpu.memory_space<vmem>>
    %dma_start3A_32 = tpu.memref_squeeze %dma_start3A_31 : memref<1x1568xi32, #tpu.memory_space<vmem>> -> memref<1568xi32, #tpu.memory_space<vmem>>
    %dma_start3A_33 = tpu.memref_slice %arg7[%dma_start3A_27, %mul3A_2] : memref<32x50176xi32, #tpu.memory_space<hbm>> -> memref<1x1568xi32, #tpu.memory_space<hbm>>
    %dma_start3A_34 = tpu.memref_squeeze %dma_start3A_33 : memref<1x1568xi32, #tpu.memory_space<hbm>> -> memref<1568xi32, #tpu.memory_space<hbm>>
    %dma_start3A_35 = tpu.memref_slice %arg25[%dma_start3A_29] : memref<4x!tpu.dma_semaphore, #tpu.memory_space<semaphore_mem>> -> memref<1x!tpu.dma_semaphore, #tpu.memory_space<semaphore_mem>>
    %dma_start3A_36 = tpu.memref_squeeze %dma_start3A_35 : memref<1x!tpu.dma_semaphore, #tpu.memory_space<semaphore_mem>> -> memref<!tpu.dma_semaphore, #tpu.memory_space<semaphore_mem>>
    %dma_start3A_37 = arith.constant 0 : i32
    %dma_start3A_38 = tpu.memref_slice %arg12[%dma_start3A_28, %dma_start3A_37] : memref<4x1568xi32, #tpu.memory_space<vmem>> -> memref<1x1568xi32, #tpu.memory_space<vmem>>
    %dma_start3A_39 = tpu.memref_squeeze %dma_start3A_38 : memref<1x1568xi32, #tpu.memory_space<vmem>> -> memref<1568xi32, #tpu.memory_space<vmem>>
    %dma_start3A_40 = tpu.memref_slice %arg7[%dma_start3A_27, %mul3A_2] : memref<32x50176xi32, #tpu.memory_space<hbm>> -> memref<1x1568xi32, #tpu.memory_space<hbm>>
    %dma_start3A_41 = tpu.memref_squeeze %dma_start3A_40 : memref<1x1568xi32, #tpu.memory_space<hbm>> -> memref<1568xi32, #tpu.memory_space<hbm>>
    tpu.enqueue_dma source(%dma_start3A_41 : memref<1568xi32, #tpu.memory_space<hbm>>) target(%dma_start3A_39 : memref<1568xi32, #tpu.memory_space<vmem>>) target_semaphore(%dma_start3A_36 : memref<!tpu.dma_semaphore, #tpu.memory_space<semaphore_mem>>)
    %dma_start3A_42 = arith.constant 3 : i32
    %dma_start3A_43 = arith.constant 3 : i32
    %dma_start3A_44 = arith.constant 3 : i32
    %dma_start3A_45 = arith.constant 0 : i32
    %dma_start3A_46 = tpu.memref_slice %arg12[%dma_start3A_43, %dma_start3A_45] : memref<4x1568xi32, #tpu.memory_space<vmem>> -> memref<1x1568xi32, #tpu.memory_space<vmem>>
    %dma_start3A_47 = tpu.memref_squeeze %dma_start3A_46 : memref<1x1568xi32, #tpu.memory_space<vmem>> -> memref<1568xi32, #tpu.memory_space<vmem>>
    %dma_start3A_48 = tpu.memref_slice %arg7[%dma_start3A_42, %mul3A_2] : memref<32x50176xi32, #tpu.memory_space<hbm>> -> memref<1x1568xi32, #tpu.memory_space<hbm>>
    %dma_start3A_49 = tpu.memref_squeeze %dma_start3A_48 : memref<1x1568xi32, #tpu.memory_space<hbm>> -> memref<1568xi32, #tpu.memory_space<hbm>>
    %dma_start3A_50 = tpu.memref_slice %arg25[%dma_start3A_44] : memref<4x!tpu.dma_semaphore, #tpu.memory_space<semaphore_mem>> -> memref<1x!tpu.dma_semaphore, #tpu.memory_space<semaphore_mem>>
    %dma_start3A_51 = tpu.memref_squeeze %dma_start3A_50 : memref<1x!tpu.dma_semaphore, #tpu.memory_space<semaphore_mem>> -> memref<!tpu.dma_semaphore, #tpu.memory_space<semaphore_mem>>
    %dma_start3A_52 = arith.constant 0 : i32
    %dma_start3A_53 = tpu.memref_slice %arg12[%dma_start3A_43, %dma_start3A_52] : memref<4x1568xi32, #tpu.memory_space<vmem>> -> memref<1x1568xi32, #tpu.memory_space<vmem>>
    %dma_start3A_54 = tpu.memref_squeeze %dma_start3A_53 : memref<1x1568xi32, #tpu.memory_space<vmem>> -> memref<1568xi32, #tpu.memory_space<vmem>>
    %dma_start3A_55 = tpu.memref_slice %arg7[%dma_start3A_42, %mul3A_2] : memref<32x50176xi32, #tpu.memory_space<hbm>> -> memref<1x1568xi32, #tpu.memory_space<hbm>>
    %dma_start3A_56 = tpu.memref_squeeze %dma_start3A_55 : memref<1x1568xi32, #tpu.memory_space<hbm>> -> memref<1568xi32, #tpu.memory_space<hbm>>
    tpu.enqueue_dma source(%dma_start3A_56 : memref<1568xi32, #tpu.memory_space<hbm>>) target(%dma_start3A_54 : memref<1568xi32, #tpu.memory_space<vmem>>) target_semaphore(%dma_start3A_51 : memref<!tpu.dma_semaphore, #tpu.memory_space<semaphore_mem>>)
    %dma_wait3A = arith.constant 0 : i32
    %dma_wait3A_57 = tpu.memref_slice %arg7[%dma_wait3A, %mul3A_2] : memref<32x50176xi32, #tpu.memory_space<hbm>> -> memref<1x1568xi32, #tpu.memory_space<hbm>>
    %dma_wait3A_58 = tpu.memref_squeeze %dma_wait3A_57 : memref<1x1568xi32, #tpu.memory_space<hbm>> -> memref<1568xi32, #tpu.memory_space<hbm>>
    %dma_wait3A_59 = tpu.memref_slice %arg7[%dma_wait3A, %mul3A_2] : memref<32x50176xi32, #tpu.memory_space<hbm>> -> memref<1x1568xi32, #tpu.memory_space<hbm>>
    %dma_wait3A_60 = tpu.memref_squeeze %dma_wait3A_59 : memref<1x1568xi32, #tpu.memory_space<hbm>> -> memref<1568xi32, #tpu.memory_space<hbm>>
    tpu.wait_dma2 semaphore(%arg24 : memref<!tpu.dma_semaphore, #tpu.memory_space<semaphore_mem>>) src(%dma_wait3A_60 : memref<1568xi32, #tpu.memory_space<hbm>>) dst(%arg10 : memref<1568xi32, #tpu.memory_space<vmem>>)
    %scan3A = arith.constant 0 : i32
    %scan3A_61 = arith.constant 1 : i32
    %scan3A_62 = arith.constant 31 : i32
    %scan3A_63 = arith.addi %scan3A_61, %scan3A_62 : i32
    %scan3A_64 = arith.constant 1 : i32
    %scan3A_65 = scf.for %scan3A_309 = %scan3A_61 to %scan3A_63 step %scan3A_64 iter_args(%scan3A_310 = %scan3A) -> (i32)  : i32 {
      %rem3A = arith.constant 4 : i32
      %rem3A_311 = arith.remsi %scan3A_309, %rem3A : i32
      %add3A_312 = arith.constant 3 : i32
      %add3A_313 = arith.addi %scan3A_309, %add3A_312 : i32
      %lt3A = arith.constant 32 : i32
      %lt3A_314 = arith.cmpi slt, %add3A_313, %lt3A : i32
      %convert_element_type3A = arith.extui %lt3A_314 : i1 to i32
      %cond3A = arith.constant 0 : i32
      %cond3A_315 = arith.cmpi ne, %convert_element_type3A, %cond3A : i32
      scf.if %cond3A_315 {
        %add3A_336 = arith.constant 3 : i32
        %add3A_337 = arith.addi %scan3A_309, %add3A_336 : i32
        %add3A_338 = arith.constant 3 : i32
        %add3A_339 = arith.addi %scan3A_309, %add3A_338 : i32
        %rem3A_340 = arith.constant 4 : i32
        %rem3A_341 = arith.remsi %add3A_339, %rem3A_340 : i32
        %dma_start3A_342 = arith.constant 0 : i32
        %dma_start3A_343 = tpu.memref_slice %arg12[%rem3A_341, %dma_start3A_342] : memref<4x1568xi32, #tpu.memory_space<vmem>> -> memref<1x1568xi32, #tpu.memory_space<vmem>>
        %dma_start3A_344 = tpu.memref_squeeze %dma_start3A_343 : memref<1x1568xi32, #tpu.memory_space<vmem>> -> memref<1568xi32, #tpu.memory_space<vmem>>
        %dma_start3A_345 = tpu.memref_slice %arg7[%add3A_337, %mul3A_2] : memref<32x50176xi32, #tpu.memory_space<hbm>> -> memref<1x1568xi32, #tpu.memory_space<hbm>>
        %dma_start3A_346 = tpu.memref_squeeze %dma_start3A_345 : memref<1x1568xi32, #tpu.memory_space<hbm>> -> memref<1568xi32, #tpu.memory_space<hbm>>
        %dma_start3A_347 = tpu.memref_slice %arg25[%rem3A_341] : memref<4x!tpu.dma_semaphore, #tpu.memory_space<semaphore_mem>> -> memref<1x!tpu.dma_semaphore, #tpu.memory_space<semaphore_mem>>
        %dma_start3A_348 = tpu.memref_squeeze %dma_start3A_347 : memref<1x!tpu.dma_semaphore, #tpu.memory_space<semaphore_mem>> -> memref<!tpu.dma_semaphore, #tpu.memory_space<semaphore_mem>>
        %dma_start3A_349 = arith.constant 0 : i32
        %dma_start3A_350 = tpu.memref_slice %arg12[%rem3A_341, %dma_start3A_349] : memref<4x1568xi32, #tpu.memory_space<vmem>> -> memref<1x1568xi32, #tpu.memory_space<vmem>>
        %dma_start3A_351 = tpu.memref_squeeze %dma_start3A_350 : memref<1x1568xi32, #tpu.memory_space<vmem>> -> memref<1568xi32, #tpu.memory_space<vmem>>
        %dma_start3A_352 = tpu.memref_slice %arg7[%add3A_337, %mul3A_2] : memref<32x50176xi32, #tpu.memory_space<hbm>> -> memref<1x1568xi32, #tpu.memory_space<hbm>>
        %dma_start3A_353 = tpu.memref_squeeze %dma_start3A_352 : memref<1x1568xi32, #tpu.memory_space<hbm>> -> memref<1568xi32, #tpu.memory_space<hbm>>
        tpu.enqueue_dma source(%dma_start3A_353 : memref<1568xi32, #tpu.memory_space<hbm>>) target(%dma_start3A_351 : memref<1568xi32, #tpu.memory_space<vmem>>) target_semaphore(%dma_start3A_348 : memref<!tpu.dma_semaphore, #tpu.memory_space<semaphore_mem>>)
      } else {
      }
      %dma_wait3A_316 = arith.constant 0 : i32
      %dma_wait3A_317 = tpu.memref_slice %arg12[%rem3A_311, %dma_wait3A_316] : memref<4x1568xi32, #tpu.memory_space<vmem>> -> memref<1x1568xi32, #tpu.memory_space<vmem>>
      %dma_wait3A_318 = tpu.memref_squeeze %dma_wait3A_317 : memref<1x1568xi32, #tpu.memory_space<vmem>> -> memref<1568xi32, #tpu.memory_space<vmem>>
      %dma_wait3A_319 = tpu.memref_slice %arg7[%scan3A_309, %mul3A_2] : memref<32x50176xi32, #tpu.memory_space<hbm>> -> memref<1x1568xi32, #tpu.memory_space<hbm>>
      %dma_wait3A_320 = tpu.memref_squeeze %dma_wait3A_319 : memref<1x1568xi32, #tpu.memory_space<hbm>> -> memref<1568xi32, #tpu.memory_space<hbm>>
      %dma_wait3A_321 = tpu.memref_slice %arg25[%rem3A_311] : memref<4x!tpu.dma_semaphore, #tpu.memory_space<semaphore_mem>> -> memref<1x!tpu.dma_semaphore, #tpu.memory_space<semaphore_mem>>
      %dma_wait3A_322 = tpu.memref_squeeze %dma_wait3A_321 : memref<1x!tpu.dma_semaphore, #tpu.memory_space<semaphore_mem>> -> memref<!tpu.dma_semaphore, #tpu.memory_space<semaphore_mem>>
      %dma_wait3A_323 = arith.constant 0 : i32
      %dma_wait3A_324 = tpu.memref_slice %arg12[%rem3A_311, %dma_wait3A_323] : memref<4x1568xi32, #tpu.memory_space<vmem>> -> memref<1x1568xi32, #tpu.memory_space<vmem>>
      %dma_wait3A_325 = tpu.memref_squeeze %dma_wait3A_324 : memref<1x1568xi32, #tpu.memory_space<vmem>> -> memref<1568xi32, #tpu.memory_space<vmem>>
      %dma_wait3A_326 = tpu.memref_slice %arg7[%scan3A_309, %mul3A_2] : memref<32x50176xi32, #tpu.memory_space<hbm>> -> memref<1x1568xi32, #tpu.memory_space<hbm>>
      %dma_wait3A_327 = tpu.memref_squeeze %dma_wait3A_326 : memref<1x1568xi32, #tpu.memory_space<hbm>> -> memref<1568xi32, #tpu.memory_space<hbm>>
      tpu.wait_dma2 semaphore(%dma_wait3A_322 : memref<!tpu.dma_semaphore, #tpu.memory_space<semaphore_mem>>) src(%dma_wait3A_327 : memref<1568xi32, #tpu.memory_space<hbm>>) dst(%dma_wait3A_325 : memref<1568xi32, #tpu.memory_space<vmem>>)
      %scan3A_328 = arith.constant 0 : i32
      %scan3A_329 = arith.constant 0 : i32
      %scan3A_330 = arith.constant 98 : i32
      %scan3A_331 = arith.addi %scan3A_329, %scan3A_330 : i32
      %scan3A_332 = arith.constant 1 : i32
      %scan3A_333 = scf.for %scan3A_336 = %scan3A_329 to %scan3A_331 step %scan3A_332 iter_args(%scan3A_337 = %scan3A_328) -> (i32)  : i32 {
        %mul3A_338 = arith.constant 16 : i32
        %mul3A_339 = arith.muli %scan3A_336, %mul3A_338 : i32
        %get3A_340 = arith.index_cast %mul3A_339 : i32 to index
        %get3A_341 = tpu.vector_load %arg10[%get3A_340] {strides = array<i32>} : memref<1568xi32, #tpu.memory_space<vmem>>, vector<16xi32>,
        %get3A_342 = arith.index_cast %rem3A_311 : i32 to index
        %get3A_343 = arith.index_cast %mul3A_339 : i32 to index
        %get3A_344 = tpu.vector_load %arg12[%get3A_342, %get3A_343] {strides = array<i32>} : memref<4x1568xi32, #tpu.memory_space<vmem>>, vector<16xi32>,
        %max3A = arith.maxsi %get3A_341, %get3A_344 : vector<16xi32>
        %swap3A = arith.index_cast %mul3A_339 : i32 to index
        %swap3A_345 = tpu.vector_load %arg10[%swap3A] {strides = array<i32>} : memref<1568xi32, #tpu.memory_space<vmem>>, vector<16xi32>,
        tpu.vector_store %arg10[%swap3A], %max3A {strides = array<i32>} : memref<1568xi32, #tpu.memory_space<vmem>>, vector<16xi32>,
        %scan3A_346 = arith.constant 0 : i32
        scf.yield %scan3A_346 : i32
      }
      %scan3A_334 = arith.constant 98 : i32
      %scan3A_335 = arith.constant 0 : i32
      scf.yield %scan3A_335 : i32
    }
    %scan3A_66 = arith.constant 31 : i32
    %scan3A_67 = arith.constant 0 : i32
    %scan3A_68 = arith.constant 0 : i32
    %scan3A_69 = arith.constant 14 : i32
    %scan3A_70 = arith.addi %scan3A_68, %scan3A_69 : i32
    %scan3A_71 = arith.constant 1 : i32
    %scan3A_72 = scf.for %scan3A_309 = %scan3A_68 to %scan3A_70 step %scan3A_71 iter_args(%scan3A_310 = %scan3A_67) -> (i32)  : i32 {
      %scan3A_311 = arith.constant 0 : i32
      %scan3A_312 = arith.constant 0 : i32
      %scan3A_313 = arith.constant 7 : i32
      %scan3A_314 = arith.addi %scan3A_312, %scan3A_313 : i32
      %scan3A_315 = arith.constant 1 : i32
      %scan3A_316 = scf.for %scan3A_319 = %scan3A_312 to %scan3A_314 step %scan3A_315 iter_args(%scan3A_320 = %scan3A_311) -> (i32)  : i32 {
        %mul3A_321 = arith.constant 112 : i32
        %mul3A_322 = arith.muli %scan3A_309, %mul3A_321 : i32
        %mul3A_323 = arith.constant 16 : i32
        %mul3A_324 = arith.muli %scan3A_319, %mul3A_323 : i32
        %add3A_325 = arith.addi %mul3A_322, %mul3A_324 : i32
        %get3A_326 = arith.index_cast %add3A_325 : i32 to index
        %get3A_327 = tpu.vector_load %arg10[%get3A_326] {strides = array<i32>} : memref<1568xi32, #tpu.memory_space<vmem>>, vector<16xi32>,
        %jit3A = arith.constant 0 : i32
        %jit3A_328 = arith.constant 799999 : i32
        %max3A = vector.broadcast %jit3A : i32 to vector<16xi32>
        %max3A_329 = arith.maxsi %max3A, %get3A_327 : vector<16xi32>
        %min3A = vector.broadcast %jit3A_328 : i32 to vector<16xi32>
        %min3A_330 = arith.minsi %min3A, %max3A_329 : vector<16xi32>
        %mul3A_331 = arith.constant 16 : i32
        %mul3A_332 = arith.muli %scan3A_319, %mul3A_331 : i32
        %swap3A = arith.index_cast %scan3A_309 : i32 to index
        %swap3A_333 = arith.index_cast %mul3A_332 : i32 to index
        %swap3A_334 = tpu.vector_load %arg13[%swap3A, %swap3A_333] {strides = array<i32>} : memref<14x112xi32, #tpu.memory_space<vmem>>, vector<16xi32>,
        tpu.vector_store %arg13[%swap3A, %swap3A_333], %min3A_330 {strides = array<i32>} : memref<14x112xi32, #tpu.memory_space<vmem>>, vector<16xi32>,
        %scan3A_335 = arith.constant 0 : i32
        scf.yield %scan3A_335 : i32
      }
      %scan3A_317 = arith.constant 7 : i32
      %scan3A_318 = arith.constant 0 : i32
      scf.yield %scan3A_318 : i32
    }
    %scan3A_73 = arith.constant 14 : i32
    %dma_start3A_74 = arith.constant 0 : i32
    %dma_start3A_75 = tpu.memref_slice %arg8[%dma_start3A_74, %mul3A_2] : memref<32x50176xi32, #tpu.memory_space<hbm>> -> memref<1x1568xi32, #tpu.memory_space<hbm>>
    %dma_start3A_76 = tpu.memref_squeeze %dma_start3A_75 : memref<1x1568xi32, #tpu.memory_space<hbm>> -> memref<1568xi32, #tpu.memory_space<hbm>>
    %dma_start3A_77 = tpu.memref_slice %arg8[%dma_start3A_74, %mul3A_2] : memref<32x50176xi32, #tpu.memory_space<hbm>> -> memref<1x1568xi32, #tpu.memory_space<hbm>>
    %dma_start3A_78 = tpu.memref_squeeze %dma_start3A_77 : memref<1x1568xi32, #tpu.memory_space<hbm>> -> memref<1568xi32, #tpu.memory_space<hbm>>
    tpu.enqueue_dma source(%dma_start3A_78 : memref<1568xi32, #tpu.memory_space<hbm>>) target(%arg11 : memref<1568xi32, #tpu.memory_space<vmem>>) target_semaphore(%arg24 : memref<!tpu.dma_semaphore, #tpu.memory_space<semaphore_mem>>)
    %dma_start3A_79 = arith.constant 1 : i32
    %dma_start3A_80 = arith.constant 1 : i32
    %dma_start3A_81 = arith.constant 1 : i32
    %dma_start3A_82 = arith.constant 0 : i32
    %dma_start3A_83 = tpu.memref_slice %arg12[%dma_start3A_80, %dma_start3A_82] : memref<4x1568xi32, #tpu.memory_space<vmem>> -> memref<1x1568xi32, #tpu.memory_space<vmem>>
    %dma_start3A_84 = tpu.memref_squeeze %dma_start3A_83 : memref<1x1568xi32, #tpu.memory_space<vmem>> -> memref<1568xi32, #tpu.memory_space<vmem>>
    %dma_start3A_85 = tpu.memref_slice %arg8[%dma_start3A_79, %mul3A_2] : memref<32x50176xi32, #tpu.memory_space<hbm>> -> memref<1x1568xi32, #tpu.memory_space<hbm>>
    %dma_start3A_86 = tpu.memref_squeeze %dma_start3A_85 : memref<1x1568xi32, #tpu.memory_space<hbm>> -> memref<1568xi32, #tpu.memory_space<hbm>>
    %dma_start3A_87 = tpu.memref_slice %arg25[%dma_start3A_81] : memref<4x!tpu.dma_semaphore, #tpu.memory_space<semaphore_mem>> -> memref<1x!tpu.dma_semaphore, #tpu.memory_space<semaphore_mem>>
    %dma_start3A_88 = tpu.memref_squeeze %dma_start3A_87 : memref<1x!tpu.dma_semaphore, #tpu.memory_space<semaphore_mem>> -> memref<!tpu.dma_semaphore, #tpu.memory_space<semaphore_mem>>
    %dma_start3A_89 = arith.constant 0 : i32
    %dma_start3A_90 = tpu.memref_slice %arg12[%dma_start3A_80, %dma_start3A_89] : memref<4x1568xi32, #tpu.memory_space<vmem>> -> memref<1x1568xi32, #tpu.memory_space<vmem>>
    %dma_start3A_91 = tpu.memref_squeeze %dma_start3A_90 : memref<1x1568xi32, #tpu.memory_space<vmem>> -> memref<1568xi32, #tpu.memory_space<vmem>>
    %dma_start3A_92 = tpu.memref_slice %arg8[%dma_start3A_79, %mul3A_2] : memref<32x50176xi32, #tpu.memory_space<hbm>> -> memref<1x1568xi32, #tpu.memory_space<hbm>>
    %dma_start3A_93 = tpu.memref_squeeze %dma_start3A_92 : memref<1x1568xi32, #tpu.memory_space<hbm>> -> memref<1568xi32, #tpu.memory_space<hbm>>
    tpu.enqueue_dma source(%dma_start3A_93 : memref<1568xi32, #tpu.memory_space<hbm>>) target(%dma_start3A_91 : memref<1568xi32, #tpu.memory_space<vmem>>) target_semaphore(%dma_start3A_88 : memref<!tpu.dma_semaphore, #tpu.memory_space<semaphore_mem>>)
    %dma_start3A_94 = arith.constant 2 : i32
    %dma_start3A_95 = arith.constant 2 : i32
    %dma_start3A_96 = arith.constant 2 : i32
    %dma_start3A_97 = arith.constant 0 : i32
    %dma_start3A_98 = tpu.memref_slice %arg12[%dma_start3A_95, %dma_start3A_97] : memref<4x1568xi32, #tpu.memory_space<vmem>> -> memref<1x1568xi32, #tpu.memory_space<vmem>>
    %dma_start3A_99 = tpu.memref_squeeze %dma_start3A_98 : memref<1x1568xi32, #tpu.memory_space<vmem>> -> memref<1568xi32, #tpu.memory_space<vmem>>
    %dma_start3A_100 = tpu.memref_slice %arg8[%dma_start3A_94, %mul3A_2] : memref<32x50176xi32, #tpu.memory_space<hbm>> -> memref<1x1568xi32, #tpu.memory_space<hbm>>
    %dma_start3A_101 = tpu.memref_squeeze %dma_start3A_100 : memref<1x1568xi32, #tpu.memory_space<hbm>> -> memref<1568xi32, #tpu.memory_space<hbm>>
    %dma_start3A_102 = tpu.memref_slice %arg25[%dma_start3A_96] : memref<4x!tpu.dma_semaphore, #tpu.memory_space<semaphore_mem>> -> memref<1x!tpu.dma_semaphore, #tpu.memory_space<semaphore_mem>>
    %dma_start3A_103 = tpu.memref_squeeze %dma_start3A_102 : memref<1x!tpu.dma_semaphore, #tpu.memory_space<semaphore_mem>> -> memref<!tpu.dma_semaphore, #tpu.memory_space<semaphore_mem>>
    %dma_start3A_104 = arith.constant 0 : i32
    %dma_start3A_105 = tpu.memref_slice %arg12[%dma_start3A_95, %dma_start3A_104] : memref<4x1568xi32, #tpu.memory_space<vmem>> -> memref<1x1568xi32, #tpu.memory_space<vmem>>
    %dma_start3A_106 = tpu.memref_squeeze %dma_start3A_105 : memref<1x1568xi32, #tpu.memory_space<vmem>> -> memref<1568xi32, #tpu.memory_space<vmem>>
    %dma_start3A_107 = tpu.memref_slice %arg8[%dma_start3A_94, %mul3A_2] : memref<32x50176xi32, #tpu.memory_space<hbm>> -> memref<1x1568xi32, #tpu.memory_space<hbm>>
    %dma_start3A_108 = tpu.memref_squeeze %dma_start3A_107 : memref<1x1568xi32, #tpu.memory_space<hbm>> -> memref<1568xi32, #tpu.memory_space<hbm>>
    tpu.enqueue_dma source(%dma_start3A_108 : memref<1568xi32, #tpu.memory_space<hbm>>) target(%dma_start3A_106 : memref<1568xi32, #tpu.memory_space<vmem>>) target_semaphore(%dma_start3A_103 : memref<!tpu.dma_semaphore, #tpu.memory_space<semaphore_mem>>)
    %dma_start3A_109 = arith.constant 3 : i32
    %dma_start3A_110 = arith.constant 3 : i32
    %dma_start3A_111 = arith.constant 3 : i32
    %dma_start3A_112 = arith.constant 0 : i32
    %dma_start3A_113 = tpu.memref_slice %arg12[%dma_start3A_110, %dma_start3A_112] : memref<4x1568xi32, #tpu.memory_space<vmem>> -> memref<1x1568xi32, #tpu.memory_space<vmem>>
    %dma_start3A_114 = tpu.memref_squeeze %dma_start3A_113 : memref<1x1568xi32, #tpu.memory_space<vmem>> -> memref<1568xi32, #tpu.memory_space<vmem>>
    %dma_start3A_115 = tpu.memref_slice %arg8[%dma_start3A_109, %mul3A_2] : memref<32x50176xi32, #tpu.memory_space<hbm>> -> memref<1x1568xi32, #tpu.memory_space<hbm>>
    %dma_start3A_116 = tpu.memref_squeeze %dma_start3A_115 : memref<1x1568xi32, #tpu.memory_space<hbm>> -> memref<1568xi32, #tpu.memory_space<hbm>>
    %dma_start3A_117 = tpu.memref_slice %arg25[%dma_start3A_111] : memref<4x!tpu.dma_semaphore, #tpu.memory_space<semaphore_mem>> -> memref<1x!tpu.dma_semaphore, #tpu.memory_space<semaphore_mem>>
    %dma_start3A_118 = tpu.memref_squeeze %dma_start3A_117 : memref<1x!tpu.dma_semaphore, #tpu.memory_space<semaphore_mem>> -> memref<!tpu.dma_semaphore, #tpu.memory_space<semaphore_mem>>
    %dma_start3A_119 = arith.constant 0 : i32
    %dma_start3A_120 = tpu.memref_slice %arg12[%dma_start3A_110, %dma_start3A_119] : memref<4x1568xi32, #tpu.memory_space<vmem>> -> memref<1x1568xi32, #tpu.memory_space<vmem>>
    %dma_start3A_121 = tpu.memref_squeeze %dma_start3A_120 : memref<1x1568xi32, #tpu.memory_space<vmem>> -> memref<1568xi32, #tpu.memory_space<vmem>>
    %dma_start3A_122 = tpu.memref_slice %arg8[%dma_start3A_109, %mul3A_2] : memref<32x50176xi32, #tpu.memory_space<hbm>> -> memref<1x1568xi32, #tpu.memory_space<hbm>>
    %dma_start3A_123 = tpu.memref_squeeze %dma_start3A_122 : memref<1x1568xi32, #tpu.memory_space<hbm>> -> memref<1568xi32, #tpu.memory_space<hbm>>
    tpu.enqueue_dma source(%dma_start3A_123 : memref<1568xi32, #tpu.memory_space<hbm>>) target(%dma_start3A_121 : memref<1568xi32, #tpu.memory_space<vmem>>) target_semaphore(%dma_start3A_118 : memref<!tpu.dma_semaphore, #tpu.memory_space<semaphore_mem>>)
    %dma_wait3A_124 = arith.constant 0 : i32
    %dma_wait3A_125 = tpu.memref_slice %arg8[%dma_wait3A_124, %mul3A_2] : memref<32x50176xi32, #tpu.memory_space<hbm>> -> memref<1x1568xi32, #tpu.memory_space<hbm>>
    %dma_wait3A_126 = tpu.memref_squeeze %dma_wait3A_125 : memref<1x1568xi32, #tpu.memory_space<hbm>> -> memref<1568xi32, #tpu.memory_space<hbm>>
    %dma_wait3A_127 = tpu.memref_slice %arg8[%dma_wait3A_124, %mul3A_2] : memref<32x50176xi32, #tpu.memory_space<hbm>> -> memref<1x1568xi32, #tpu.memory_space<hbm>>
    %dma_wait3A_128 = tpu.memref_squeeze %dma_wait3A_127 : memref<1x1568xi32, #tpu.memory_space<hbm>> -> memref<1568xi32, #tpu.memory_space<hbm>>
    tpu.wait_dma2 semaphore(%arg24 : memref<!tpu.dma_semaphore, #tpu.memory_space<semaphore_mem>>) src(%dma_wait3A_128 : memref<1568xi32, #tpu.memory_space<hbm>>) dst(%arg11 : memref<1568xi32, #tpu.memory_space<vmem>>)
    %scan3A_129 = arith.constant 0 : i32
    %scan3A_130 = arith.constant 1 : i32
    %scan3A_131 = arith.constant 31 : i32
    %scan3A_132 = arith.addi %scan3A_130, %scan3A_131 : i32
    %scan3A_133 = arith.constant 1 : i32
    %scan3A_134 = scf.for %scan3A_309 = %scan3A_130 to %scan3A_132 step %scan3A_133 iter_args(%scan3A_310 = %scan3A_129) -> (i32)  : i32 {
      %rem3A = arith.constant 4 : i32
      %rem3A_311 = arith.remsi %scan3A_309, %rem3A : i32
      %add3A_312 = arith.constant 3 : i32
      %add3A_313 = arith.addi %scan3A_309, %add3A_312 : i32
      %lt3A = arith.constant 32 : i32
      %lt3A_314 = arith.cmpi slt, %add3A_313, %lt3A : i32
      %convert_element_type3A = arith.extui %lt3A_314 : i1 to i32
      %cond3A = arith.constant 0 : i32
      %cond3A_315 = arith.cmpi ne, %convert_element_type3A, %cond3A : i32
      scf.if %cond3A_315 {
        %add3A_336 = arith.constant 3 : i32
        %add3A_337 = arith.addi %scan3A_309, %add3A_336 : i32
        %add3A_338 = arith.constant 3 : i32
        %add3A_339 = arith.addi %scan3A_309, %add3A_338 : i32
        %rem3A_340 = arith.constant 4 : i32
        %rem3A_341 = arith.remsi %add3A_339, %rem3A_340 : i32
        %dma_start3A_342 = arith.constant 0 : i32
        %dma_start3A_343 = tpu.memref_slice %arg12[%rem3A_341, %dma_start3A_342] : memref<4x1568xi32, #tpu.memory_space<vmem>> -> memref<1x1568xi32, #tpu.memory_space<vmem>>
        %dma_start3A_344 = tpu.memref_squeeze %dma_start3A_343 : memref<1x1568xi32, #tpu.memory_space<vmem>> -> memref<1568xi32, #tpu.memory_space<vmem>>
        %dma_start3A_345 = tpu.memref_slice %arg8[%add3A_337, %mul3A_2] : memref<32x50176xi32, #tpu.memory_space<hbm>> -> memref<1x1568xi32, #tpu.memory_space<hbm>>
        %dma_start3A_346 = tpu.memref_squeeze %dma_start3A_345 : memref<1x1568xi32, #tpu.memory_space<hbm>> -> memref<1568xi32, #tpu.memory_space<hbm>>
        %dma_start3A_347 = tpu.memref_slice %arg25[%rem3A_341] : memref<4x!tpu.dma_semaphore, #tpu.memory_space<semaphore_mem>> -> memref<1x!tpu.dma_semaphore, #tpu.memory_space<semaphore_mem>>
        %dma_start3A_348 = tpu.memref_squeeze %dma_start3A_347 : memref<1x!tpu.dma_semaphore, #tpu.memory_space<semaphore_mem>> -> memref<!tpu.dma_semaphore, #tpu.memory_space<semaphore_mem>>
        %dma_start3A_349 = arith.constant 0 : i32
        %dma_start3A_350 = tpu.memref_slice %arg12[%rem3A_341, %dma_start3A_349] : memref<4x1568xi32, #tpu.memory_space<vmem>> -> memref<1x1568xi32, #tpu.memory_space<vmem>>
        %dma_start3A_351 = tpu.memref_squeeze %dma_start3A_350 : memref<1x1568xi32, #tpu.memory_space<vmem>> -> memref<1568xi32, #tpu.memory_space<vmem>>
        %dma_start3A_352 = tpu.memref_slice %arg8[%add3A_337, %mul3A_2] : memref<32x50176xi32, #tpu.memory_space<hbm>> -> memref<1x1568xi32, #tpu.memory_space<hbm>>
        %dma_start3A_353 = tpu.memref_squeeze %dma_start3A_352 : memref<1x1568xi32, #tpu.memory_space<hbm>> -> memref<1568xi32, #tpu.memory_space<hbm>>
        tpu.enqueue_dma source(%dma_start3A_353 : memref<1568xi32, #tpu.memory_space<hbm>>) target(%dma_start3A_351 : memref<1568xi32, #tpu.memory_space<vmem>>) target_semaphore(%dma_start3A_348 : memref<!tpu.dma_semaphore, #tpu.memory_space<semaphore_mem>>)
      } else {
      }
      %dma_wait3A_316 = arith.constant 0 : i32
      %dma_wait3A_317 = tpu.memref_slice %arg12[%rem3A_311, %dma_wait3A_316] : memref<4x1568xi32, #tpu.memory_space<vmem>> -> memref<1x1568xi32, #tpu.memory_space<vmem>>
      %dma_wait3A_318 = tpu.memref_squeeze %dma_wait3A_317 : memref<1x1568xi32, #tpu.memory_space<vmem>> -> memref<1568xi32, #tpu.memory_space<vmem>>
      %dma_wait3A_319 = tpu.memref_slice %arg8[%scan3A_309, %mul3A_2] : memref<32x50176xi32, #tpu.memory_space<hbm>> -> memref<1x1568xi32, #tpu.memory_space<hbm>>
      %dma_wait3A_320 = tpu.memref_squeeze %dma_wait3A_319 : memref<1x1568xi32, #tpu.memory_space<hbm>> -> memref<1568xi32, #tpu.memory_space<hbm>>
      %dma_wait3A_321 = tpu.memref_slice %arg25[%rem3A_311] : memref<4x!tpu.dma_semaphore, #tpu.memory_space<semaphore_mem>> -> memref<1x!tpu.dma_semaphore, #tpu.memory_space<semaphore_mem>>
      %dma_wait3A_322 = tpu.memref_squeeze %dma_wait3A_321 : memref<1x!tpu.dma_semaphore, #tpu.memory_space<semaphore_mem>> -> memref<!tpu.dma_semaphore, #tpu.memory_space<semaphore_mem>>
      %dma_wait3A_323 = arith.constant 0 : i32
      %dma_wait3A_324 = tpu.memref_slice %arg12[%rem3A_311, %dma_wait3A_323] : memref<4x1568xi32, #tpu.memory_space<vmem>> -> memref<1x1568xi32, #tpu.memory_space<vmem>>
      %dma_wait3A_325 = tpu.memref_squeeze %dma_wait3A_324 : memref<1x1568xi32, #tpu.memory_space<vmem>> -> memref<1568xi32, #tpu.memory_space<vmem>>
      %dma_wait3A_326 = tpu.memref_slice %arg8[%scan3A_309, %mul3A_2] : memref<32x50176xi32, #tpu.memory_space<hbm>> -> memref<1x1568xi32, #tpu.memory_space<hbm>>
      %dma_wait3A_327 = tpu.memref_squeeze %dma_wait3A_326 : memref<1x1568xi32, #tpu.memory_space<hbm>> -> memref<1568xi32, #tpu.memory_space<hbm>>
      tpu.wait_dma2 semaphore(%dma_wait3A_322 : memref<!tpu.dma_semaphore, #tpu.memory_space<semaphore_mem>>) src(%dma_wait3A_327 : memref<1568xi32, #tpu.memory_space<hbm>>) dst(%dma_wait3A_325 : memref<1568xi32, #tpu.memory_space<vmem>>)
      %scan3A_328 = arith.constant 0 : i32
      %scan3A_329 = arith.constant 0 : i32
      %scan3A_330 = arith.constant 98 : i32
      %scan3A_331 = arith.addi %scan3A_329, %scan3A_330 : i32
      %scan3A_332 = arith.constant 1 : i32
      %scan3A_333 = scf.for %scan3A_336 = %scan3A_329 to %scan3A_331 step %scan3A_332 iter_args(%scan3A_337 = %scan3A_328) -> (i32)  : i32 {
        %mul3A_338 = arith.constant 16 : i32
        %mul3A_339 = arith.muli %scan3A_336, %mul3A_338 : i32
        %get3A_340 = arith.index_cast %mul3A_339 : i32 to index
        %get3A_341 = tpu.vector_load %arg11[%get3A_340] {strides = array<i32>} : memref<1568xi32, #tpu.memory_space<vmem>>, vector<16xi32>,
        %get3A_342 = arith.index_cast %rem3A_311 : i32 to index
        %get3A_343 = arith.index_cast %mul3A_339 : i32 to index
        %get3A_344 = tpu.vector_load %arg12[%get3A_342, %get3A_343] {strides = array<i32>} : memref<4x1568xi32, #tpu.memory_space<vmem>>, vector<16xi32>,
        %max3A = arith.maxsi %get3A_341, %get3A_344 : vector<16xi32>
        %swap3A = arith.index_cast %mul3A_339 : i32 to index
        %swap3A_345 = tpu.vector_load %arg11[%swap3A] {strides = array<i32>} : memref<1568xi32, #tpu.memory_space<vmem>>, vector<16xi32>,
        tpu.vector_store %arg11[%swap3A], %max3A {strides = array<i32>} : memref<1568xi32, #tpu.memory_space<vmem>>, vector<16xi32>,
        %scan3A_346 = arith.constant 0 : i32
        scf.yield %scan3A_346 : i32
      }
      %scan3A_334 = arith.constant 98 : i32
      %scan3A_335 = arith.constant 0 : i32
      scf.yield %scan3A_335 : i32
    }
    %scan3A_135 = arith.constant 31 : i32
    %scan3A_136 = arith.constant 0 : i32
    %scan3A_137 = arith.constant 0 : i32
    %scan3A_138 = arith.constant 14 : i32
    %scan3A_139 = arith.addi %scan3A_137, %scan3A_138 : i32
    %scan3A_140 = arith.constant 1 : i32
    %scan3A_141 = scf.for %scan3A_309 = %scan3A_137 to %scan3A_139 step %scan3A_140 iter_args(%scan3A_310 = %scan3A_136) -> (i32)  : i32 {
      %scan3A_311 = arith.constant 0 : i32
      %scan3A_312 = arith.constant 0 : i32
      %scan3A_313 = arith.constant 7 : i32
      %scan3A_314 = arith.addi %scan3A_312, %scan3A_313 : i32
      %scan3A_315 = arith.constant 1 : i32
      %scan3A_316 = scf.for %scan3A_319 = %scan3A_312 to %scan3A_314 step %scan3A_315 iter_args(%scan3A_320 = %scan3A_311) -> (i32)  : i32 {
        %mul3A_321 = arith.constant 112 : i32
        %mul3A_322 = arith.muli %scan3A_309, %mul3A_321 : i32
        %mul3A_323 = arith.constant 16 : i32
        %mul3A_324 = arith.muli %scan3A_319, %mul3A_323 : i32
        %add3A_325 = arith.addi %mul3A_322, %mul3A_324 : i32
        %get3A_326 = arith.index_cast %add3A_325 : i32 to index
        %get3A_327 = tpu.vector_load %arg11[%get3A_326] {strides = array<i32>} : memref<1568xi32, #tpu.memory_space<vmem>>, vector<16xi32>,
        %jit3A = arith.constant 0 : i32
        %jit3A_328 = arith.constant 799999 : i32
        %max3A = vector.broadcast %jit3A : i32 to vector<16xi32>
        %max3A_329 = arith.maxsi %max3A, %get3A_327 : vector<16xi32>
        %min3A = vector.broadcast %jit3A_328 : i32 to vector<16xi32>
        %min3A_330 = arith.minsi %min3A, %max3A_329 : vector<16xi32>
        %mul3A_331 = arith.constant 16 : i32
        %mul3A_332 = arith.muli %scan3A_319, %mul3A_331 : i32
        %swap3A = arith.index_cast %scan3A_309 : i32 to index
        %swap3A_333 = arith.index_cast %mul3A_332 : i32 to index
        %swap3A_334 = tpu.vector_load %arg14[%swap3A, %swap3A_333] {strides = array<i32>} : memref<14x112xi32, #tpu.memory_space<vmem>>, vector<16xi32>,
        tpu.vector_store %arg14[%swap3A, %swap3A_333], %min3A_330 {strides = array<i32>} : memref<14x112xi32, #tpu.memory_space<vmem>>, vector<16xi32>,
        %scan3A_335 = arith.constant 0 : i32
        scf.yield %scan3A_335 : i32
      }
      %scan3A_317 = arith.constant 7 : i32
      %scan3A_318 = arith.constant 0 : i32
      scf.yield %scan3A_318 : i32
    }
    %scan3A_142 = arith.constant 14 : i32
    %dma_start3A_143 = arith.constant 0 : i32
    %dma_start3A_144 = arith.constant 0 : i32
    %dma_start3A_145 = arith.constant 0 : i32
    %dma_start3A_146 = arith.constant 0 : i32
    %dma_start3A_147 = tpu.memref_slice %arg15[%dma_start3A_144, %dma_start3A_146] : memref<14x112xi32, #tpu.memory_space<vmem>> -> memref<1x112xi32, #tpu.memory_space<vmem>>
    %dma_start3A_148 = tpu.memref_squeeze %dma_start3A_147 : memref<1x112xi32, #tpu.memory_space<vmem>> -> memref<112xi32, #tpu.memory_space<vmem>>
    %dma_start3A_149 = arith.constant 0 : i32
    %dma_start3A_150 = tpu.memref_slice %arg13[%dma_start3A_143, %dma_start3A_149] : memref<14x112xi32, #tpu.memory_space<vmem>> -> memref<1x112xi32, #tpu.memory_space<vmem>>
    %dma_start3A_151 = tpu.memref_squeeze %dma_start3A_150 : memref<1x112xi32, #tpu.memory_space<vmem>> -> memref<112xi32, #tpu.memory_space<vmem>>
    %dma_start3A_152 = arith.constant 0 : i32
    %dma_start3A_153 = tpu.memref_slice %arg5[%dma_start3A_152] : memref<800000xi32, #tpu.memory_space<hbm>> -> memref<800000xi32, #tpu.memory_space<hbm>>
    %dma_start3A_154 = tpu.memref_slice %arg26[%dma_start3A_145] : memref<2x!tpu.dma_semaphore, #tpu.memory_space<semaphore_mem>> -> memref<1x!tpu.dma_semaphore, #tpu.memory_space<semaphore_mem>>
    %dma_start3A_155 = tpu.memref_squeeze %dma_start3A_154 : memref<1x!tpu.dma_semaphore, #tpu.memory_space<semaphore_mem>> -> memref<!tpu.dma_semaphore, #tpu.memory_space<semaphore_mem>>
    tpu.enqueue_indirect_dma source(%dma_start3A_153 : memref<800000xi32, #tpu.memory_space<hbm>>) target(%dma_start3A_148 : memref<112xi32, #tpu.memory_space<vmem>>) offsets(%dma_start3A_151 : memref<112xi32, #tpu.memory_space<vmem>>) semaphore(%dma_start3A_155 : memref<!tpu.dma_semaphore, #tpu.memory_space<semaphore_mem>>)
    %dma_start3A_156 = arith.constant 0 : i32
    %dma_start3A_157 = arith.constant 0 : i32
    %dma_start3A_158 = arith.constant 0 : i32
    %dma_start3A_159 = tpu.memref_slice %arg17[%dma_start3A_158] : memref<1568xf32, #tpu.memory_space<vmem>> -> memref<112xf32, #tpu.memory_space<vmem>>
    %dma_start3A_160 = arith.constant 0 : i32
    %dma_start3A_161 = tpu.memref_slice %arg13[%dma_start3A_156, %dma_start3A_160] : memref<14x112xi32, #tpu.memory_space<vmem>> -> memref<1x112xi32, #tpu.memory_space<vmem>>
    %dma_start3A_162 = tpu.memref_squeeze %dma_start3A_161 : memref<1x112xi32, #tpu.memory_space<vmem>> -> memref<112xi32, #tpu.memory_space<vmem>>
    %dma_start3A_163 = arith.constant 0 : i32
    %dma_start3A_164 = tpu.memref_slice %arg3[%dma_start3A_163] : memref<800000xf32, #tpu.memory_space<hbm>> -> memref<800000xf32, #tpu.memory_space<hbm>>
    %dma_start3A_165 = tpu.memref_slice %arg26[%dma_start3A_157] : memref<2x!tpu.dma_semaphore, #tpu.memory_space<semaphore_mem>> -> memref<1x!tpu.dma_semaphore, #tpu.memory_space<semaphore_mem>>
    %dma_start3A_166 = tpu.memref_squeeze %dma_start3A_165 : memref<1x!tpu.dma_semaphore, #tpu.memory_space<semaphore_mem>> -> memref<!tpu.dma_semaphore, #tpu.memory_space<semaphore_mem>>
    tpu.enqueue_indirect_dma source(%dma_start3A_164 : memref<800000xf32, #tpu.memory_space<hbm>>) target(%dma_start3A_159 : memref<112xf32, #tpu.memory_space<vmem>>) offsets(%dma_start3A_162 : memref<112xi32, #tpu.memory_space<vmem>>) semaphore(%dma_start3A_166 : memref<!tpu.dma_semaphore, #tpu.memory_space<semaphore_mem>>)
    %dma_start3A_167 = arith.constant 0 : i32
    %dma_start3A_168 = arith.constant 0 : i32
    %dma_start3A_169 = arith.constant 0 : i32
    %dma_start3A_170 = arith.constant 0 : i32
    %dma_start3A_171 = tpu.memref_slice %arg16[%dma_start3A_168, %dma_start3A_170] : memref<14x112xi32, #tpu.memory_space<vmem>> -> memref<1x112xi32, #tpu.memory_space<vmem>>
    %dma_start3A_172 = tpu.memref_squeeze %dma_start3A_171 : memref<1x112xi32, #tpu.memory_space<vmem>> -> memref<112xi32, #tpu.memory_space<vmem>>
    %dma_start3A_173 = arith.constant 0 : i32
    %dma_start3A_174 = tpu.memref_slice %arg14[%dma_start3A_167, %dma_start3A_173] : memref<14x112xi32, #tpu.memory_space<vmem>> -> memref<1x112xi32, #tpu.memory_space<vmem>>
    %dma_start3A_175 = tpu.memref_squeeze %dma_start3A_174 : memref<1x112xi32, #tpu.memory_space<vmem>> -> memref<112xi32, #tpu.memory_space<vmem>>
    %dma_start3A_176 = arith.constant 0 : i32
    %dma_start3A_177 = tpu.memref_slice %arg4[%dma_start3A_176] : memref<800000xi32, #tpu.memory_space<hbm>> -> memref<800000xi32, #tpu.memory_space<hbm>>
    %dma_start3A_178 = tpu.memref_slice %arg27[%dma_start3A_169] : memref<2x!tpu.dma_semaphore, #tpu.memory_space<semaphore_mem>> -> memref<1x!tpu.dma_semaphore, #tpu.memory_space<semaphore_mem>>
    %dma_start3A_179 = tpu.memref_squeeze %dma_start3A_178 : memref<1x!tpu.dma_semaphore, #tpu.memory_space<semaphore_mem>> -> memref<!tpu.dma_semaphore, #tpu.memory_space<semaphore_mem>>
    tpu.enqueue_indirect_dma source(%dma_start3A_177 : memref<800000xi32, #tpu.memory_space<hbm>>) target(%dma_start3A_172 : memref<112xi32, #tpu.memory_space<vmem>>) offsets(%dma_start3A_175 : memref<112xi32, #tpu.memory_space<vmem>>) semaphore(%dma_start3A_179 : memref<!tpu.dma_semaphore, #tpu.memory_space<semaphore_mem>>)
    %dma_start3A_180 = arith.constant 0 : i32
    %dma_start3A_181 = arith.constant 0 : i32
    %dma_start3A_182 = arith.constant 0 : i32
    %dma_start3A_183 = tpu.memref_slice %arg18[%dma_start3A_182] : memref<1568xf32, #tpu.memory_space<vmem>> -> memref<112xf32, #tpu.memory_space<vmem>>
    %dma_start3A_184 = arith.constant 0 : i32
    %dma_start3A_185 = tpu.memref_slice %arg14[%dma_start3A_180, %dma_start3A_184] : memref<14x112xi32, #tpu.memory_space<vmem>> -> memref<1x112xi32, #tpu.memory_space<vmem>>
    %dma_start3A_186 = tpu.memref_squeeze %dma_start3A_185 : memref<1x112xi32, #tpu.memory_space<vmem>> -> memref<112xi32, #tpu.memory_space<vmem>>
    %dma_start3A_187 = arith.constant 0 : i32
    %dma_start3A_188 = tpu.memref_slice %arg3[%dma_start3A_187] : memref<800000xf32, #tpu.memory_space<hbm>> -> memref<800000xf32, #tpu.memory_space<hbm>>
    %dma_start3A_189 = tpu.memref_slice %arg27[%dma_start3A_181] : memref<2x!tpu.dma_semaphore, #tpu.memory_space<semaphore_mem>> -> memref<1x!tpu.dma_semaphore, #tpu.memory_space<semaphore_mem>>
    %dma_start3A_190 = tpu.memref_squeeze %dma_start3A_189 : memref<1x!tpu.dma_semaphore, #tpu.memory_space<semaphore_mem>> -> memref<!tpu.dma_semaphore, #tpu.memory_space<semaphore_mem>>
    tpu.enqueue_indirect_dma source(%dma_start3A_188 : memref<800000xf32, #tpu.memory_space<hbm>>) target(%dma_start3A_183 : memref<112xf32, #tpu.memory_space<vmem>>) offsets(%dma_start3A_186 : memref<112xi32, #tpu.memory_space<vmem>>) semaphore(%dma_start3A_190 : memref<!tpu.dma_semaphore, #tpu.memory_space<semaphore_mem>>)
    %dma_start3A_191 = arith.constant 1 : i32
    %dma_start3A_192 = arith.constant 1 : i32
    %dma_start3A_193 = arith.constant 1 : i32
    %dma_start3A_194 = arith.constant 0 : i32
    %dma_start3A_195 = tpu.memref_slice %arg15[%dma_start3A_192, %dma_start3A_194] : memref<14x112xi32, #tpu.memory_space<vmem>> -> memref<1x112xi32, #tpu.memory_space<vmem>>
    %dma_start3A_196 = tpu.memref_squeeze %dma_start3A_195 : memref<1x112xi32, #tpu.memory_space<vmem>> -> memref<112xi32, #tpu.memory_space<vmem>>
    %dma_start3A_197 = arith.constant 0 : i32
    %dma_start3A_198 = tpu.memref_slice %arg13[%dma_start3A_191, %dma_start3A_197] : memref<14x112xi32, #tpu.memory_space<vmem>> -> memref<1x112xi32, #tpu.memory_space<vmem>>
    %dma_start3A_199 = tpu.memref_squeeze %dma_start3A_198 : memref<1x112xi32, #tpu.memory_space<vmem>> -> memref<112xi32, #tpu.memory_space<vmem>>
    %dma_start3A_200 = arith.constant 0 : i32
    %dma_start3A_201 = tpu.memref_slice %arg5[%dma_start3A_200] : memref<800000xi32, #tpu.memory_space<hbm>> -> memref<800000xi32, #tpu.memory_space<hbm>>
    %dma_start3A_202 = tpu.memref_slice %arg26[%dma_start3A_193] : memref<2x!tpu.dma_semaphore, #tpu.memory_space<semaphore_mem>> -> memref<1x!tpu.dma_semaphore, #tpu.memory_space<semaphore_mem>>
    %dma_start3A_203 = tpu.memref_squeeze %dma_start3A_202 : memref<1x!tpu.dma_semaphore, #tpu.memory_space<semaphore_mem>> -> memref<!tpu.dma_semaphore, #tpu.memory_space<semaphore_mem>>
    tpu.enqueue_indirect_dma source(%dma_start3A_201 : memref<800000xi32, #tpu.memory_space<hbm>>) target(%dma_start3A_196 : memref<112xi32, #tpu.memory_space<vmem>>) offsets(%dma_start3A_199 : memref<112xi32, #tpu.memory_space<vmem>>) semaphore(%dma_start3A_203 : memref<!tpu.dma_semaphore, #tpu.memory_space<semaphore_mem>>)
    %dma_start3A_204 = arith.constant 1 : i32
    %dma_start3A_205 = arith.constant 1 : i32
    %dma_start3A_206 = arith.constant 112 : i32
    %dma_start3A_207 = tpu.memref_slice %arg17[%dma_start3A_206] : memref<1568xf32, #tpu.memory_space<vmem>> -> memref<112xf32, #tpu.memory_space<vmem>>
    %dma_start3A_208 = arith.constant 0 : i32
    %dma_start3A_209 = tpu.memref_slice %arg13[%dma_start3A_204, %dma_start3A_208] : memref<14x112xi32, #tpu.memory_space<vmem>> -> memref<1x112xi32, #tpu.memory_space<vmem>>
    %dma_start3A_210 = tpu.memref_squeeze %dma_start3A_209 : memref<1x112xi32, #tpu.memory_space<vmem>> -> memref<112xi32, #tpu.memory_space<vmem>>
    %dma_start3A_211 = arith.constant 0 : i32
    %dma_start3A_212 = tpu.memref_slice %arg3[%dma_start3A_211] : memref<800000xf32, #tpu.memory_space<hbm>> -> memref<800000xf32, #tpu.memory_space<hbm>>
    %dma_start3A_213 = tpu.memref_slice %arg26[%dma_start3A_205] : memref<2x!tpu.dma_semaphore, #tpu.memory_space<semaphore_mem>> -> memref<1x!tpu.dma_semaphore, #tpu.memory_space<semaphore_mem>>
    %dma_start3A_214 = tpu.memref_squeeze %dma_start3A_213 : memref<1x!tpu.dma_semaphore, #tpu.memory_space<semaphore_mem>> -> memref<!tpu.dma_semaphore, #tpu.memory_space<semaphore_mem>>
    tpu.enqueue_indirect_dma source(%dma_start3A_212 : memref<800000xf32, #tpu.memory_space<hbm>>) target(%dma_start3A_207 : memref<112xf32, #tpu.memory_space<vmem>>) offsets(%dma_start3A_210 : memref<112xi32, #tpu.memory_space<vmem>>) semaphore(%dma_start3A_214 : memref<!tpu.dma_semaphore, #tpu.memory_space<semaphore_mem>>)
    %dma_start3A_215 = arith.constant 1 : i32
    %dma_start3A_216 = arith.constant 1 : i32
    %dma_start3A_217 = arith.constant 1 : i32
    %dma_start3A_218 = arith.constant 0 : i32
    %dma_start3A_219 = tpu.memref_slice %arg16[%dma_start3A_216, %dma_start3A_218] : memref<14x112xi32, #tpu.memory_space<vmem>> -> memref<1x112xi32, #tpu.memory_space<vmem>>
    %dma_start3A_220 = tpu.memref_squeeze %dma_start3A_219 : memref<1x112xi32, #tpu.memory_space<vmem>> -> memref<112xi32, #tpu.memory_space<vmem>>
    %dma_start3A_221 = arith.constant 0 : i32
    %dma_start3A_222 = tpu.memref_slice %arg14[%dma_start3A_215, %dma_start3A_221] : memref<14x112xi32, #tpu.memory_space<vmem>> -> memref<1x112xi32, #tpu.memory_space<vmem>>
    %dma_start3A_223 = tpu.memref_squeeze %dma_start3A_222 : memref<1x112xi32, #tpu.memory_space<vmem>> -> memref<112xi32, #tpu.memory_space<vmem>>
    %dma_start3A_224 = arith.constant 0 : i32
    %dma_start3A_225 = tpu.memref_slice %arg4[%dma_start3A_224] : memref<800000xi32, #tpu.memory_space<hbm>> -> memref<800000xi32, #tpu.memory_space<hbm>>
    %dma_start3A_226 = tpu.memref_slice %arg27[%dma_start3A_217] : memref<2x!tpu.dma_semaphore, #tpu.memory_space<semaphore_mem>> -> memref<1x!tpu.dma_semaphore, #tpu.memory_space<semaphore_mem>>
    %dma_start3A_227 = tpu.memref_squeeze %dma_start3A_226 : memref<1x!tpu.dma_semaphore, #tpu.memory_space<semaphore_mem>> -> memref<!tpu.dma_semaphore, #tpu.memory_space<semaphore_mem>>
    tpu.enqueue_indirect_dma source(%dma_start3A_225 : memref<800000xi32, #tpu.memory_space<hbm>>) target(%dma_start3A_220 : memref<112xi32, #tpu.memory_space<vmem>>) offsets(%dma_start3A_223 : memref<112xi32, #tpu.memory_space<vmem>>) semaphore(%dma_start3A_227 : memref<!tpu.dma_semaphore, #tpu.memory_space<semaphore_mem>>)
    %dma_start3A_228 = arith.constant 1 : i32
    %dma_start3A_229 = arith.constant 1 : i32
    %dma_start3A_230 = arith.constant 112 : i32
    %dma_start3A_231 = tpu.memref_slice %arg18[%dma_start3A_230] : memref<1568xf32, #tpu.memory_space<vmem>> -> memref<112xf32, #tpu.memory_space<vmem>>
    %dma_start3A_232 = arith.constant 0 : i32
    %dma_start3A_233 = tpu.memref_slice %arg14[%dma_start3A_228, %dma_start3A_232] : memref<14x112xi32, #tpu.memory_space<vmem>> -> memref<1x112xi32, #tpu.memory_space<vmem>>
    %dma_start3A_234 = tpu.memref_squeeze %dma_start3A_233 : memref<1x112xi32, #tpu.memory_space<vmem>> -> memref<112xi32, #tpu.memory_space<vmem>>
    %dma_start3A_235 = arith.constant 0 : i32
    %dma_start3A_236 = tpu.memref_slice %arg3[%dma_start3A_235] : memref<800000xf32, #tpu.memory_space<hbm>> -> memref<800000xf32, #tpu.memory_space<hbm>>
    %dma_start3A_237 = tpu.memref_slice %arg27[%dma_start3A_229] : memref<2x!tpu.dma_semaphore, #tpu.memory_space<semaphore_mem>> -> memref<1x!tpu.dma_semaphore, #tpu.memory_space<semaphore_mem>>
    %dma_start3A_238 = tpu.memref_squeeze %dma_start3A_237 : memref<1x!tpu.dma_semaphore, #tpu.memory_space<semaphore_mem>> -> memref<!tpu.dma_semaphore, #tpu.memory_space<semaphore_mem>>
    tpu.enqueue_indirect_dma source(%dma_start3A_236 : memref<800000xf32, #tpu.memory_space<hbm>>) target(%dma_start3A_231 : memref<112xf32, #tpu.memory_space<vmem>>) offsets(%dma_start3A_234 : memref<112xi32, #tpu.memory_space<vmem>>) semaphore(%dma_start3A_238 : memref<!tpu.dma_semaphore, #tpu.memory_space<semaphore_mem>>)
    %scan3A_239 = arith.constant 0 : i32
    %scan3A_240 = arith.constant 0 : i32
    %scan3A_241 = arith.constant 14 : i32
    %scan3A_242 = arith.addi %scan3A_240, %scan3A_241 : i32
    %scan3A_243 = arith.constant 1 : i32
    %scan3A_244 = scf.for %scan3A_309 = %scan3A_240 to %scan3A_242 step %scan3A_243 iter_args(%scan3A_310 = %scan3A_239) -> (i32)  : i32 {
      %rem3A = arith.constant 2 : i32
      %rem3A_311 = arith.remsi %scan3A_309, %rem3A : i32
      %mul3A_312 = arith.constant 112 : i32
      %mul3A_313 = arith.muli %scan3A_309, %mul3A_312 : i32
      %mul3A_314 = arith.constant 112 : i32
      %mul3A_315 = arith.muli %scan3A_309, %mul3A_314 : i32
      %dma_wait3A_316 = arith.constant 0 : i32
      %dma_wait3A_317 = tpu.memref_slice %arg15[%scan3A_309, %dma_wait3A_316] : memref<14x112xi32, #tpu.memory_space<vmem>> -> memref<1x112xi32, #tpu.memory_space<vmem>>
      %dma_wait3A_318 = tpu.memref_squeeze %dma_wait3A_317 : memref<1x112xi32, #tpu.memory_space<vmem>> -> memref<112xi32, #tpu.memory_space<vmem>>
      %dma_wait3A_319 = arith.constant 0 : i32
      %dma_wait3A_320 = tpu.memref_slice %arg13[%scan3A_309, %dma_wait3A_319] : memref<14x112xi32, #tpu.memory_space<vmem>> -> memref<1x112xi32, #tpu.memory_space<vmem>>
      %dma_wait3A_321 = tpu.memref_squeeze %dma_wait3A_320 : memref<1x112xi32, #tpu.memory_space<vmem>> -> memref<112xi32, #tpu.memory_space<vmem>>
      %dma_wait3A_322 = arith.constant 0 : i32
      %dma_wait3A_323 = tpu.memref_slice %arg5[%dma_wait3A_322] : memref<800000xi32, #tpu.memory_space<hbm>> -> memref<800000xi32, #tpu.memory_space<hbm>>
      %dma_wait3A_324 = tpu.memref_slice %arg26[%rem3A_311] : memref<2x!tpu.dma_semaphore, #tpu.memory_space<semaphore_mem>> -> memref<1x!tpu.dma_semaphore, #tpu.memory_space<semaphore_mem>>
      %dma_wait3A_325 = tpu.memref_squeeze %dma_wait3A_324 : memref<1x!tpu.dma_semaphore, #tpu.memory_space<semaphore_mem>> -> memref<!tpu.dma_semaphore, #tpu.memory_space<semaphore_mem>>
      tpu.wait_indirect_dma semaphore(%dma_wait3A_325 : memref<!tpu.dma_semaphore, #tpu.memory_space<semaphore_mem>>) src(%dma_wait3A_323 : memref<800000xi32, #tpu.memory_space<hbm>>) dst(%dma_wait3A_318 : memref<112xi32, #tpu.memory_space<vmem>>)
      %dma_wait3A_326 = tpu.memref_slice %arg17[%mul3A_313] : memref<1568xf32, #tpu.memory_space<vmem>> -> memref<112xf32, #tpu.memory_space<vmem>>
      %dma_wait3A_327 = arith.constant 0 : i32
      %dma_wait3A_328 = tpu.memref_slice %arg13[%scan3A_309, %dma_wait3A_327] : memref<14x112xi32, #tpu.memory_space<vmem>> -> memref<1x112xi32, #tpu.memory_space<vmem>>
      %dma_wait3A_329 = tpu.memref_squeeze %dma_wait3A_328 : memref<1x112xi32, #tpu.memory_space<vmem>> -> memref<112xi32, #tpu.memory_space<vmem>>
      %dma_wait3A_330 = arith.constant 0 : i32
      %dma_wait3A_331 = tpu.memref_slice %arg3[%dma_wait3A_330] : memref<800000xf32, #tpu.memory_space<hbm>> -> memref<800000xf32, #tpu.memory_space<hbm>>
      %dma_wait3A_332 = tpu.memref_slice %arg26[%rem3A_311] : memref<2x!tpu.dma_semaphore, #tpu.memory_space<semaphore_mem>> -> memref<1x!tpu.dma_semaphore, #tpu.memory_space<semaphore_mem>>
      %dma_wait3A_333 = tpu.memref_squeeze %dma_wait3A_332 : memref<1x!tpu.dma_semaphore, #tpu.memory_space<semaphore_mem>> -> memref<!tpu.dma_semaphore, #tpu.memory_space<semaphore_mem>>
      tpu.wait_indirect_dma semaphore(%dma_wait3A_333 : memref<!tpu.dma_semaphore, #tpu.memory_space<semaphore_mem>>) src(%dma_wait3A_331 : memref<800000xf32, #tpu.memory_space<hbm>>) dst(%dma_wait3A_326 : memref<112xf32, #tpu.memory_space<vmem>>)
      %dma_wait3A_334 = arith.constant 0 : i32
      %dma_wait3A_335 = tpu.memref_slice %arg16[%scan3A_309, %dma_wait3A_334] : memref<14x112xi32, #tpu.memory_space<vmem>> -> memref<1x112xi32, #tpu.memory_space<vmem>>
      %dma_wait3A_336 = tpu.memref_squeeze %dma_wait3A_335 : memref<1x112xi32, #tpu.memory_space<vmem>> -> memref<112xi32, #tpu.memory_space<vmem>>
      %dma_wait3A_337 = arith.constant 0 : i32
      %dma_wait3A_338 = tpu.memref_slice %arg14[%scan3A_309, %dma_wait3A_337] : memref<14x112xi32, #tpu.memory_space<vmem>> -> memref<1x112xi32, #tpu.memory_space<vmem>>
      %dma_wait3A_339 = tpu.memref_squeeze %dma_wait3A_338 : memref<1x112xi32, #tpu.memory_space<vmem>> -> memref<112xi32, #tpu.memory_space<vmem>>
      %dma_wait3A_340 = arith.constant 0 : i32
      %dma_wait3A_341 = tpu.memref_slice %arg4[%dma_wait3A_340] : memref<800000xi32, #tpu.memory_space<hbm>> -> memref<800000xi32, #tpu.memory_space<hbm>>
      %dma_wait3A_342 = tpu.memref_slice %arg27[%rem3A_311] : memref<2x!tpu.dma_semaphore, #tpu.memory_space<semaphore_mem>> -> memref<1x!tpu.dma_semaphore, #tpu.memory_space<semaphore_mem>>
      %dma_wait3A_343 = tpu.memref_squeeze %dma_wait3A_342 : memref<1x!tpu.dma_semaphore, #tpu.memory_space<semaphore_mem>> -> memref<!tpu.dma_semaphore, #tpu.memory_space<semaphore_mem>>
      tpu.wait_indirect_dma semaphore(%dma_wait3A_343 : memref<!tpu.dma_semaphore, #tpu.memory_space<semaphore_mem>>) src(%dma_wait3A_341 : memref<800000xi32, #tpu.memory_space<hbm>>) dst(%dma_wait3A_336 : memref<112xi32, #tpu.memory_space<vmem>>)
      %dma_wait3A_344 = tpu.memref_slice %arg18[%mul3A_315] : memref<1568xf32, #tpu.memory_space<vmem>> -> memref<112xf32, #tpu.memory_space<vmem>>
      %dma_wait3A_345 = arith.constant 0 : i32
      %dma_wait3A_346 = tpu.memref_slice %arg14[%scan3A_309, %dma_wait3A_345] : memref<14x112xi32, #tpu.memory_space<vmem>> -> memref<1x112xi32, #tpu.memory_space<vmem>>
      %dma_wait3A_347 = tpu.memref_squeeze %dma_wait3A_346 : memref<1x112xi32, #tpu.memory_space<vmem>> -> memref<112xi32, #tpu.memory_space<vmem>>
      %dma_wait3A_348 = arith.constant 0 : i32
      %dma_wait3A_349 = tpu.memref_slice %arg3[%dma_wait3A_348] : memref<800000xf32, #tpu.memory_space<hbm>> -> memref<800000xf32, #tpu.memory_space<hbm>>
      %dma_wait3A_350 = tpu.memref_slice %arg27[%rem3A_311] : memref<2x!tpu.dma_semaphore, #tpu.memory_space<semaphore_mem>> -> memref<1x!tpu.dma_semaphore, #tpu.memory_space<semaphore_mem>>
      %dma_wait3A_351 = tpu.memref_squeeze %dma_wait3A_350 : memref<1x!tpu.dma_semaphore, #tpu.memory_space<semaphore_mem>> -> memref<!tpu.dma_semaphore, #tpu.memory_space<semaphore_mem>>
      tpu.wait_indirect_dma semaphore(%dma_wait3A_351 : memref<!tpu.dma_semaphore, #tpu.memory_space<semaphore_mem>>) src(%dma_wait3A_349 : memref<800000xf32, #tpu.memory_space<hbm>>) dst(%dma_wait3A_344 : memref<112xf32, #tpu.memory_space<vmem>>)
      %add3A_352 = arith.constant 2 : i32
      %add3A_353 = arith.addi %scan3A_309, %add3A_352 : i32
      %lt3A = arith.constant 14 : i32
      %lt3A_354 = arith.cmpi slt, %add3A_353, %lt3A : i32
      %convert_element_type3A = arith.extui %lt3A_354 : i1 to i32
      %cond3A = arith.constant 0 : i32
      %cond3A_355 = arith.cmpi ne, %convert_element_type3A, %cond3A : i32
      scf.if %cond3A_355 {
        %add3A_385 = arith.constant 2 : i32
        %add3A_386 = arith.addi %scan3A_309, %add3A_385 : i32
        %mul3A_387 = arith.constant 112 : i32
        %mul3A_388 = arith.muli %add3A_386, %mul3A_387 : i32
        %add3A_389 = arith.constant 2 : i32
        %add3A_390 = arith.addi %scan3A_309, %add3A_389 : i32
        %mul3A_391 = arith.constant 112 : i32
        %mul3A_392 = arith.muli %add3A_390, %mul3A_391 : i32
        %dma_start3A_393 = arith.constant 0 : i32
        %dma_start3A_394 = tpu.memref_slice %arg15[%add3A_386, %dma_start3A_393] : memref<14x112xi32, #tpu.memory_space<vmem>> -> memref<1x112xi32, #tpu.memory_space<vmem>>
        %dma_start3A_395 = tpu.memref_squeeze %dma_start3A_394 : memref<1x112xi32, #tpu.memory_space<vmem>> -> memref<112xi32, #tpu.memory_space<vmem>>
        %dma_start3A_396 = arith.constant 0 : i32
        %dma_start3A_397 = tpu.memref_slice %arg13[%add3A_386, %dma_start3A_396] : memref<14x112xi32, #tpu.memory_space<vmem>> -> memref<1x112xi32, #tpu.memory_space<vmem>>
        %dma_start3A_398 = tpu.memref_squeeze %dma_start3A_397 : memref<1x112xi32, #tpu.memory_space<vmem>> -> memref<112xi32, #tpu.memory_space<vmem>>
        %dma_start3A_399 = arith.constant 0 : i32
        %dma_start3A_400 = tpu.memref_slice %arg5[%dma_start3A_399] : memref<800000xi32, #tpu.memory_space<hbm>> -> memref<800000xi32, #tpu.memory_space<hbm>>
        %dma_start3A_401 = tpu.memref_slice %arg26[%rem3A_311] : memref<2x!tpu.dma_semaphore, #tpu.memory_space<semaphore_mem>> -> memref<1x!tpu.dma_semaphore, #tpu.memory_space<semaphore_mem>>
        %dma_start3A_402 = tpu.memref_squeeze %dma_start3A_401 : memref<1x!tpu.dma_semaphore, #tpu.memory_space<semaphore_mem>> -> memref<!tpu.dma_semaphore, #tpu.memory_space<semaphore_mem>>
        tpu.enqueue_indirect_dma source(%dma_start3A_400 : memref<800000xi32, #tpu.memory_space<hbm>>) target(%dma_start3A_395 : memref<112xi32, #tpu.memory_space<vmem>>) offsets(%dma_start3A_398 : memref<112xi32, #tpu.memory_space<vmem>>) semaphore(%dma_start3A_402 : memref<!tpu.dma_semaphore, #tpu.memory_space<semaphore_mem>>)
        %dma_start3A_403 = tpu.memref_slice %arg17[%mul3A_388] : memref<1568xf32, #tpu.memory_space<vmem>> -> memref<112xf32, #tpu.memory_space<vmem>>
        %dma_start3A_404 = arith.constant 0 : i32
        %dma_start3A_405 = tpu.memref_slice %arg13[%add3A_386, %dma_start3A_404] : memref<14x112xi32, #tpu.memory_space<vmem>> -> memref<1x112xi32, #tpu.memory_space<vmem>>
        %dma_start3A_406 = tpu.memref_squeeze %dma_start3A_405 : memref<1x112xi32, #tpu.memory_space<vmem>> -> memref<112xi32, #tpu.memory_space<vmem>>
        %dma_start3A_407 = arith.constant 0 : i32
        %dma_start3A_408 = tpu.memref_slice %arg3[%dma_start3A_407] : memref<800000xf32, #tpu.memory_space<hbm>> -> memref<800000xf32, #tpu.memory_space<hbm>>
        %dma_start3A_409 = tpu.memref_slice %arg26[%rem3A_311] : memref<2x!tpu.dma_semaphore, #tpu.memory_space<semaphore_mem>> -> memref<1x!tpu.dma_semaphore, #tpu.memory_space<semaphore_mem>>
        %dma_start3A_410 = tpu.memref_squeeze %dma_start3A_409 : memref<1x!tpu.dma_semaphore, #tpu.memory_space<semaphore_mem>> -> memref<!tpu.dma_semaphore, #tpu.memory_space<semaphore_mem>>
        tpu.enqueue_indirect_dma source(%dma_start3A_408 : memref<800000xf32, #tpu.memory_space<hbm>>) target(%dma_start3A_403 : memref<112xf32, #tpu.memory_space<vmem>>) offsets(%dma_start3A_406 : memref<112xi32, #tpu.memory_space<vmem>>) semaphore(%dma_start3A_410 : memref<!tpu.dma_semaphore, #tpu.memory_space<semaphore_mem>>)
        %dma_start3A_411 = arith.constant 0 : i32
        %dma_start3A_412 = tpu.memref_slice %arg16[%add3A_390, %dma_start3A_411] : memref<14x112xi32, #tpu.memory_space<vmem>> -> memref<1x112xi32, #tpu.memory_space<vmem>>
        %dma_start3A_413 = tpu.memref_squeeze %dma_start3A_412 : memref<1x112xi32, #tpu.memory_space<vmem>> -> memref<112xi32, #tpu.memory_space<vmem>>
        %dma_start3A_414 = arith.constant 0 : i32
        %dma_start3A_415 = tpu.memref_slice %arg14[%add3A_390, %dma_start3A_414] : memref<14x112xi32, #tpu.memory_space<vmem>> -> memref<1x112xi32, #tpu.memory_space<vmem>>
        %dma_start3A_416 = tpu.memref_squeeze %dma_start3A_415 : memref<1x112xi32, #tpu.memory_space<vmem>> -> memref<112xi32, #tpu.memory_space<vmem>>
        %dma_start3A_417 = arith.constant 0 : i32
        %dma_start3A_418 = tpu.memref_slice %arg4[%dma_start3A_417] : memref<800000xi32, #tpu.memory_space<hbm>> -> memref<800000xi32, #tpu.memory_space<hbm>>
        %dma_start3A_419 = tpu.memref_slice %arg27[%rem3A_311] : memref<2x!tpu.dma_semaphore, #tpu.memory_space<semaphore_mem>> -> memref<1x!tpu.dma_semaphore, #tpu.memory_space<semaphore_mem>>
        %dma_start3A_420 = tpu.memref_squeeze %dma_start3A_419 : memref<1x!tpu.dma_semaphore, #tpu.memory_space<semaphore_mem>> -> memref<!tpu.dma_semaphore, #tpu.memory_space<semaphore_mem>>
        tpu.enqueue_indirect_dma source(%dma_start3A_418 : memref<800000xi32, #tpu.memory_space<hbm>>) target(%dma_start3A_413 : memref<112xi32, #tpu.memory_space<vmem>>) offsets(%dma_start3A_416 : memref<112xi32, #tpu.memory_space<vmem>>) semaphore(%dma_start3A_420 : memref<!tpu.dma_semaphore, #tpu.memory_space<semaphore_mem>>)
        %dma_start3A_421 = tpu.memref_slice %arg18[%mul3A_392] : memref<1568xf32, #tpu.memory_space<vmem>> -> memref<112xf32, #tpu.memory_space<vmem>>
        %dma_start3A_422 = arith.constant 0 : i32
        %dma_start3A_423 = tpu.memref_slice %arg14[%add3A_390, %dma_start3A_422] : memref<14x112xi32, #tpu.memory_space<vmem>> -> memref<1x112xi32, #tpu.memory_space<vmem>>
        %dma_start3A_424 = tpu.memref_squeeze %dma_start3A_423 : memref<1x112xi32, #tpu.memory_space<vmem>> -> memref<112xi32, #tpu.memory_space<vmem>>
        %dma_start3A_425 = arith.constant 0 : i32
        %dma_start3A_426 = tpu.memref_slice %arg3[%dma_start3A_425] : memref<800000xf32, #tpu.memory_space<hbm>> -> memref<800000xf32, #tpu.memory_space<hbm>>
        %dma_start3A_427 = tpu.memref_slice %arg27[%rem3A_311] : memref<2x!tpu.dma_semaphore, #tpu.memory_space<semaphore_mem>> -> memref<1x!tpu.dma_semaphore, #tpu.memory_space<semaphore_mem>>
        %dma_start3A_428 = tpu.memref_squeeze %dma_start3A_427 : memref<1x!tpu.dma_semaphore, #tpu.memory_space<semaphore_mem>> -> memref<!tpu.dma_semaphore, #tpu.memory_space<semaphore_mem>>
        tpu.enqueue_indirect_dma source(%dma_start3A_426 : memref<800000xf32, #tpu.memory_space<hbm>>) target(%dma_start3A_421 : memref<112xf32, #tpu.memory_space<vmem>>) offsets(%dma_start3A_424 : memref<112xi32, #tpu.memory_space<vmem>>) semaphore(%dma_start3A_428 : memref<!tpu.dma_semaphore, #tpu.memory_space<semaphore_mem>>)
      } else {
      }
      %ge3A = arith.constant 2 : i32
      %ge3A_356 = arith.cmpi sge, %scan3A_309, %ge3A : i32
      %convert_element_type3A_357 = arith.extui %ge3A_356 : i1 to i32
      %cond3A_358 = arith.constant 0 : i32
      %cond3A_359 = arith.cmpi ne, %convert_element_type3A_357, %cond3A_358 : i32
      scf.if %cond3A_359 {
        %sub3A = arith.constant 2 : i32
        %sub3A_385 = arith.subi %scan3A_309, %sub3A : i32
        %mul3A_386 = arith.constant 112 : i32
        %mul3A_387 = arith.muli %sub3A_385, %mul3A_386 : i32
        %dma_wait3A_388 = arith.constant 0 : i32
        %dma_wait3A_389 = tpu.memref_slice %arg19[%mul3A_387, %dma_wait3A_388] : memref<1568x16xf32, #tpu.memory_space<vmem>> -> memref<112x16xf32, #tpu.memory_space<vmem>>
        %dma_wait3A_390 = arith.constant 0 : i32
        %dma_wait3A_391 = tpu.memref_slice %arg15[%sub3A_385, %dma_wait3A_390] : memref<14x112xi32, #tpu.memory_space<vmem>> -> memref<1x112xi32, #tpu.memory_space<vmem>>
        %dma_wait3A_392 = tpu.memref_squeeze %dma_wait3A_391 : memref<1x112xi32, #tpu.memory_space<vmem>> -> memref<112xi32, #tpu.memory_space<vmem>>
        %dma_wait3A_393 = arith.constant 0 : i32
        %dma_wait3A_394 = arith.constant 0 : i32
        %dma_wait3A_395 = tpu.memref_slice %arg2[%dma_wait3A_393, %dma_wait3A_394] : memref<50176x16xf32, #tpu.memory_space<hbm>> -> memref<50176x16xf32, #tpu.memory_space<hbm>>
        %dma_wait3A_396 = tpu.memref_slice %arg28[%rem3A_311] : memref<2x!tpu.dma_semaphore, #tpu.memory_space<semaphore_mem>> -> memref<1x!tpu.dma_semaphore, #tpu.memory_space<semaphore_mem>>
        %dma_wait3A_397 = tpu.memref_squeeze %dma_wait3A_396 : memref<1x!tpu.dma_semaphore, #tpu.memory_space<semaphore_mem>> -> memref<!tpu.dma_semaphore, #tpu.memory_space<semaphore_mem>>
        tpu.wait_indirect_dma semaphore(%dma_wait3A_397 : memref<!tpu.dma_semaphore, #tpu.memory_space<semaphore_mem>>) src(%dma_wait3A_395 : memref<50176x16xf32, #tpu.memory_space<hbm>>) dst(%dma_wait3A_389 : memref<112x16xf32, #tpu.memory_space<vmem>>)
        %sub3A_398 = arith.constant 2 : i32
        %sub3A_399 = arith.subi %scan3A_309, %sub3A_398 : i32
        %mul3A_400 = arith.constant 112 : i32
        %mul3A_401 = arith.muli %sub3A_399, %mul3A_400 : i32
        %dma_wait3A_402 = arith.constant 0 : i32
        %dma_wait3A_403 = tpu.memref_slice %arg20[%mul3A_401, %dma_wait3A_402] : memref<1568x16xf32, #tpu.memory_space<vmem>> -> memref<112x16xf32, #tpu.memory_space<vmem>>
        %dma_wait3A_404 = arith.constant 0 : i32
        %dma_wait3A_405 = tpu.memref_slice %arg16[%sub3A_399, %dma_wait3A_404] : memref<14x112xi32, #tpu.memory_space<vmem>> -> memref<1x112xi32, #tpu.memory_space<vmem>>
        %dma_wait3A_406 = tpu.memref_squeeze %dma_wait3A_405 : memref<1x112xi32, #tpu.memory_space<vmem>> -> memref<112xi32, #tpu.memory_space<vmem>>
        %dma_wait3A_407 = arith.constant 0 : i32
        %dma_wait3A_408 = arith.constant 0 : i32
        %dma_wait3A_409 = tpu.memref_slice %arg2[%dma_wait3A_407, %dma_wait3A_408] : memref<50176x16xf32, #tpu.memory_space<hbm>> -> memref<50176x16xf32, #tpu.memory_space<hbm>>
        %dma_wait3A_410 = tpu.memref_slice %arg29[%rem3A_311] : memref<2x!tpu.dma_semaphore, #tpu.memory_space<semaphore_mem>> -> memref<1x!tpu.dma_semaphore, #tpu.memory_space<semaphore_mem>>
        %dma_wait3A_411 = tpu.memref_squeeze %dma_wait3A_410 : memref<1x!tpu.dma_semaphore, #tpu.memory_space<semaphore_mem>> -> memref<!tpu.dma_semaphore, #tpu.memory_space<semaphore_mem>>
        tpu.wait_indirect_dma semaphore(%dma_wait3A_411 : memref<!tpu.dma_semaphore, #tpu.memory_space<semaphore_mem>>) src(%dma_wait3A_409 : memref<50176x16xf32, #tpu.memory_space<hbm>>) dst(%dma_wait3A_403 : memref<112x16xf32, #tpu.memory_space<vmem>>)
      } else {
      }
      %mul3A_360 = arith.constant 112 : i32
      %mul3A_361 = arith.muli %scan3A_309, %mul3A_360 : i32
      %dma_start3A_362 = arith.constant 0 : i32
      %dma_start3A_363 = tpu.memref_slice %arg19[%mul3A_361, %dma_start3A_362] : memref<1568x16xf32, #tpu.memory_space<vmem>> -> memref<112x16xf32, #tpu.memory_space<vmem>>
      %dma_start3A_364 = arith.constant 0 : i32
      %dma_start3A_365 = tpu.memref_slice %arg15[%scan3A_309, %dma_start3A_364] : memref<14x112xi32, #tpu.memory_space<vmem>> -> memref<1x112xi32, #tpu.memory_space<vmem>>
      %dma_start3A_366 = tpu.memref_squeeze %dma_start3A_365 : memref<1x112xi32, #tpu.memory_space<vmem>> -> memref<112xi32, #tpu.memory_space<vmem>>
      %dma_start3A_367 = arith.constant 0 : i32
      %dma_start3A_368 = arith.constant 0 : i32
      %dma_start3A_369 = tpu.memref_slice %arg2[%dma_start3A_367, %dma_start3A_368] : memref<50176x16xf32, #tpu.memory_space<hbm>> -> memref<50176x16xf32, #tpu.memory_space<hbm>>
      %dma_start3A_370 = tpu.memref_slice %arg28[%rem3A_311] : memref<2x!tpu.dma_semaphore, #tpu.memory_space<semaphore_mem>> -> memref<1x!tpu.dma_semaphore, #tpu.memory_space<semaphore_mem>>
      %dma_start3A_371 = tpu.memref_squeeze %dma_start3A_370 : memref<1x!tpu.dma_semaphore, #tpu.memory_space<semaphore_mem>> -> memref<!tpu.dma_semaphore, #tpu.memory_space<semaphore_mem>>
      tpu.enqueue_indirect_dma source(%dma_start3A_369 : memref<50176x16xf32, #tpu.memory_space<hbm>>) target(%dma_start3A_363 : memref<112x16xf32, #tpu.memory_space<vmem>>) offsets(%dma_start3A_366 : memref<112xi32, #tpu.memory_space<vmem>>) semaphore(%dma_start3A_371 : memref<!tpu.dma_semaphore, #tpu.memory_space<semaphore_mem>>)
      %mul3A_372 = arith.constant 112 : i32
      %mul3A_373 = arith.muli %scan3A_309, %mul3A_372 : i32
      %dma_start3A_374 = arith.constant 0 : i32
      %dma_start3A_375 = tpu.memref_slice %arg20[%mul3A_373, %dma_start3A_374] : memref<1568x16xf32, #tpu.memory_space<vmem>> -> memref<112x16xf32, #tpu.memory_space<vmem>>
      %dma_start3A_376 = arith.constant 0 : i32
      %dma_start3A_377 = tpu.memref_slice %arg16[%scan3A_309, %dma_start3A_376] : memref<14x112xi32, #tpu.memory_space<vmem>> -> memref<1x112xi32, #tpu.memory_space<vmem>>
      %dma_start3A_378 = tpu.memref_squeeze %dma_start3A_377 : memref<1x112xi32, #tpu.memory_space<vmem>> -> memref<112xi32, #tpu.memory_space<vmem>>
      %dma_start3A_379 = arith.constant 0 : i32
      %dma_start3A_380 = arith.constant 0 : i32
      %dma_start3A_381 = tpu.memref_slice %arg2[%dma_start3A_379, %dma_start3A_380] : memref<50176x16xf32, #tpu.memory_space<hbm>> -> memref<50176x16xf32, #tpu.memory_space<hbm>>
      %dma_start3A_382 = tpu.memref_slice %arg29[%rem3A_311] : memref<2x!tpu.dma_semaphore, #tpu.memory_space<semaphore_mem>> -> memref<1x!tpu.dma_semaphore, #tpu.memory_space<semaphore_mem>>
      %dma_start3A_383 = tpu.memref_squeeze %dma_start3A_382 : memref<1x!tpu.dma_semaphore, #tpu.memory_space<semaphore_mem>> -> memref<!tpu.dma_semaphore, #tpu.memory_space<semaphore_mem>>
      tpu.enqueue_indirect_dma source(%dma_start3A_381 : memref<50176x16xf32, #tpu.memory_space<hbm>>) target(%dma_start3A_375 : memref<112x16xf32, #tpu.memory_space<vmem>>) offsets(%dma_start3A_378 : memref<112xi32, #tpu.memory_space<vmem>>) semaphore(%dma_start3A_383 : memref<!tpu.dma_semaphore, #tpu.memory_space<semaphore_mem>>)
      %scan3A_384 = arith.constant 0 : i32
      scf.yield %scan3A_384 : i32
    }
    %scan3A_245 = arith.constant 14 : i32
    %dma_wait3A_246 = arith.constant 12 : i32
    %dma_wait3A_247 = arith.constant 0 : i32
    %dma_wait3A_248 = arith.constant 1344 : i32
    %dma_wait3A_249 = arith.constant 0 : i32
    %dma_wait3A_250 = tpu.memref_slice %arg19[%dma_wait3A_248, %dma_wait3A_249] : memref<1568x16xf32, #tpu.memory_space<vmem>> -> memref<112x16xf32, #tpu.memory_space<vmem>>
    %dma_wait3A_251 = arith.constant 0 : i32
    %dma_wait3A_252 = tpu.memref_slice %arg15[%dma_wait3A_246, %dma_wait3A_251] : memref<14x112xi32, #tpu.memory_space<vmem>> -> memref<1x112xi32, #tpu.memory_space<vmem>>
    %dma_wait3A_253 = tpu.memref_squeeze %dma_wait3A_252 : memref<1x112xi32, #tpu.memory_space<vmem>> -> memref<112xi32, #tpu.memory_space<vmem>>
    %dma_wait3A_254 = arith.constant 0 : i32
    %dma_wait3A_255 = arith.constant 0 : i32
    %dma_wait3A_256 = tpu.memref_slice %arg2[%dma_wait3A_254, %dma_wait3A_255] : memref<50176x16xf32, #tpu.memory_space<hbm>> -> memref<50176x16xf32, #tpu.memory_space<hbm>>
    %dma_wait3A_257 = tpu.memref_slice %arg28[%dma_wait3A_247] : memref<2x!tpu.dma_semaphore, #tpu.memory_space<semaphore_mem>> -> memref<1x!tpu.dma_semaphore, #tpu.memory_space<semaphore_mem>>
    %dma_wait3A_258 = tpu.memref_squeeze %dma_wait3A_257 : memref<1x!tpu.dma_semaphore, #tpu.memory_space<semaphore_mem>> -> memref<!tpu.dma_semaphore, #tpu.memory_space<semaphore_mem>>
    tpu.wait_indirect_dma semaphore(%dma_wait3A_258 : memref<!tpu.dma_semaphore, #tpu.memory_space<semaphore_mem>>) src(%dma_wait3A_256 : memref<50176x16xf32, #tpu.memory_space<hbm>>) dst(%dma_wait3A_250 : memref<112x16xf32, #tpu.memory_space<vmem>>)
    %dma_wait3A_259 = arith.constant 12 : i32
    %dma_wait3A_260 = arith.constant 0 : i32
    %dma_wait3A_261 = arith.constant 1344 : i32
    %dma_wait3A_262 = arith.constant 0 : i32
    %dma_wait3A_263 = tpu.memref_slice %arg20[%dma_wait3A_261, %dma_wait3A_262] : memref<1568x16xf32, #tpu.memory_space<vmem>> -> memref<112x16xf32, #tpu.memory_space<vmem>>
    %dma_wait3A_264 = arith.constant 0 : i32
    %dma_wait3A_265 = tpu.memref_slice %arg16[%dma_wait3A_259, %dma_wait3A_264] : memref<14x112xi32, #tpu.memory_space<vmem>> -> memref<1x112xi32, #tpu.memory_space<vmem>>
    %dma_wait3A_266 = tpu.memref_squeeze %dma_wait3A_265 : memref<1x112xi32, #tpu.memory_space<vmem>> -> memref<112xi32, #tpu.memory_space<vmem>>
    %dma_wait3A_267 = arith.constant 0 : i32
    %dma_wait3A_268 = arith.constant 0 : i32
    %dma_wait3A_269 = tpu.memref_slice %arg2[%dma_wait3A_267, %dma_wait3A_268] : memref<50176x16xf32, #tpu.memory_space<hbm>> -> memref<50176x16xf32, #tpu.memory_space<hbm>>
    %dma_wait3A_270 = tpu.memref_slice %arg29[%dma_wait3A_260] : memref<2x!tpu.dma_semaphore, #tpu.memory_space<semaphore_mem>> -> memref<1x!tpu.dma_semaphore, #tpu.memory_space<semaphore_mem>>
    %dma_wait3A_271 = tpu.memref_squeeze %dma_wait3A_270 : memref<1x!tpu.dma_semaphore, #tpu.memory_space<semaphore_mem>> -> memref<!tpu.dma_semaphore, #tpu.memory_space<semaphore_mem>>
    tpu.wait_indirect_dma semaphore(%dma_wait3A_271 : memref<!tpu.dma_semaphore, #tpu.memory_space<semaphore_mem>>) src(%dma_wait3A_269 : memref<50176x16xf32, #tpu.memory_space<hbm>>) dst(%dma_wait3A_263 : memref<112x16xf32, #tpu.memory_space<vmem>>)
    %dma_wait3A_272 = arith.constant 13 : i32
    %dma_wait3A_273 = arith.constant 1 : i32
    %dma_wait3A_274 = arith.constant 1456 : i32
    %dma_wait3A_275 = arith.constant 0 : i32
    %dma_wait3A_276 = tpu.memref_slice %arg19[%dma_wait3A_274, %dma_wait3A_275] : memref<1568x16xf32, #tpu.memory_space<vmem>> -> memref<112x16xf32, #tpu.memory_space<vmem>>
    %dma_wait3A_277 = arith.constant 0 : i32
    %dma_wait3A_278 = tpu.memref_slice %arg15[%dma_wait3A_272, %dma_wait3A_277] : memref<14x112xi32, #tpu.memory_space<vmem>> -> memref<1x112xi32, #tpu.memory_space<vmem>>
    %dma_wait3A_279 = tpu.memref_squeeze %dma_wait3A_278 : memref<1x112xi32, #tpu.memory_space<vmem>> -> memref<112xi32, #tpu.memory_space<vmem>>
    %dma_wait3A_280 = arith.constant 0 : i32
    %dma_wait3A_281 = arith.constant 0 : i32
    %dma_wait3A_282 = tpu.memref_slice %arg2[%dma_wait3A_280, %dma_wait3A_281] : memref<50176x16xf32, #tpu.memory_space<hbm>> -> memref<50176x16xf32, #tpu.memory_space<hbm>>
    %dma_wait3A_283 = tpu.memref_slice %arg28[%dma_wait3A_273] : memref<2x!tpu.dma_semaphore, #tpu.memory_space<semaphore_mem>> -> memref<1x!tpu.dma_semaphore, #tpu.memory_space<semaphore_mem>>
    %dma_wait3A_284 = tpu.memref_squeeze %dma_wait3A_283 : memref<1x!tpu.dma_semaphore, #tpu.memory_space<semaphore_mem>> -> memref<!tpu.dma_semaphore, #tpu.memory_space<semaphore_mem>>
    tpu.wait_indirect_dma semaphore(%dma_wait3A_284 : memref<!tpu.dma_semaphore, #tpu.memory_space<semaphore_mem>>) src(%dma_wait3A_282 : memref<50176x16xf32, #tpu.memory_space<hbm>>) dst(%dma_wait3A_276 : memref<112x16xf32, #tpu.memory_space<vmem>>)
    %dma_wait3A_285 = arith.constant 13 : i32
    %dma_wait3A_286 = arith.constant 1 : i32
    %dma_wait3A_287 = arith.constant 1456 : i32
    %dma_wait3A_288 = arith.constant 0 : i32
    %dma_wait3A_289 = tpu.memref_slice %arg20[%dma_wait3A_287, %dma_wait3A_288] : memref<1568x16xf32, #tpu.memory_space<vmem>> -> memref<112x16xf32, #tpu.memory_space<vmem>>
    %dma_wait3A_290 = arith.constant 0 : i32
    %dma_wait3A_291 = tpu.memref_slice %arg16[%dma_wait3A_285, %dma_wait3A_290] : memref<14x112xi32, #tpu.memory_space<vmem>> -> memref<1x112xi32, #tpu.memory_space<vmem>>
    %dma_wait3A_292 = tpu.memref_squeeze %dma_wait3A_291 : memref<1x112xi32, #tpu.memory_space<vmem>> -> memref<112xi32, #tpu.memory_space<vmem>>
    %dma_wait3A_293 = arith.constant 0 : i32
    %dma_wait3A_294 = arith.constant 0 : i32
    %dma_wait3A_295 = tpu.memref_slice %arg2[%dma_wait3A_293, %dma_wait3A_294] : memref<50176x16xf32, #tpu.memory_space<hbm>> -> memref<50176x16xf32, #tpu.memory_space<hbm>>
    %dma_wait3A_296 = tpu.memref_slice %arg29[%dma_wait3A_286] : memref<2x!tpu.dma_semaphore, #tpu.memory_space<semaphore_mem>> -> memref<1x!tpu.dma_semaphore, #tpu.memory_space<semaphore_mem>>
    %dma_wait3A_297 = tpu.memref_squeeze %dma_wait3A_296 : memref<1x!tpu.dma_semaphore, #tpu.memory_space<semaphore_mem>> -> memref<!tpu.dma_semaphore, #tpu.memory_space<semaphore_mem>>
    tpu.wait_indirect_dma semaphore(%dma_wait3A_297 : memref<!tpu.dma_semaphore, #tpu.memory_space<semaphore_mem>>) src(%dma_wait3A_295 : memref<50176x16xf32, #tpu.memory_space<hbm>>) dst(%dma_wait3A_289 : memref<112x16xf32, #tpu.memory_space<vmem>>)
    %dma_wait3A_298 = arith.constant 0 : i32
    %dma_wait3A_299 = tpu.memref_slice %arg2[%mul3A_2, %dma_wait3A_298] : memref<50176x16xf32, #tpu.memory_space<hbm>> -> memref<1568x16xf32, #tpu.memory_space<hbm>>
    %dma_wait3A_300 = arith.constant 0 : i32
    %dma_wait3A_301 = tpu.memref_slice %arg2[%mul3A_2, %dma_wait3A_300] : memref<50176x16xf32, #tpu.memory_space<hbm>> -> memref<1568x16xf32, #tpu.memory_space<hbm>>
    tpu.wait_dma2 semaphore(%arg23 : memref<!tpu.dma_semaphore, #tpu.memory_space<semaphore_mem>>) src(%dma_wait3A_301 : memref<1568x16xf32, #tpu.memory_space<hbm>>) dst(%arg21 : memref<1568x16xf32, #tpu.memory_space<vmem>>)
    %iota3A = tpu.iota {dimensions = array<i32: 0>} : vector<16xi32>
    %scan3A_302 = arith.constant 0 : i32
    %scan3A_303 = arith.constant 0 : i32
    %scan3A_304 = arith.constant 98 : i32
    %scan3A_305 = arith.addi %scan3A_303, %scan3A_304 : i32
    %scan3A_306 = arith.constant 1 : i32
    %scan3A_307 = scf.for %scan3A_309 = %scan3A_303 to %scan3A_305 step %scan3A_306 iter_args(%scan3A_310 = %scan3A_302) -> (i32)  : i32 {
      %mul3A_311 = arith.constant 16 : i32
      %mul3A_312 = arith.muli %scan3A_309, %mul3A_311 : i32
      %get3A_313 = arith.index_cast %mul3A_312 : i32 to index
      %get3A_314 = tpu.vector_load %arg10[%get3A_313] {strides = array<i32>} : memref<1568xi32, #tpu.memory_space<vmem>>, vector<16xi32>,
      %ge3A = arith.constant 0 : i32
      %ge3A_315 = vector.broadcast %ge3A : i32 to vector<16xi32>
      %ge3A_316 = arith.cmpi sge, %get3A_314, %ge3A_315 : vector<16xi32>
      %get3A_317 = arith.index_cast %mul3A_312 : i32 to index
      %get3A_318 = tpu.vector_load %arg11[%get3A_317] {strides = array<i32>} : memref<1568xi32, #tpu.memory_space<vmem>>, vector<16xi32>,
      %ge3A_319 = arith.constant 0 : i32
      %ge3A_320 = vector.broadcast %ge3A_319 : i32 to vector<16xi32>
      %ge3A_321 = arith.cmpi sge, %get3A_318, %ge3A_320 : vector<16xi32>
      %get3A_322 = arith.index_cast %mul3A_312 : i32 to index
      %get3A_323 = tpu.vector_load %arg17[%get3A_322] {strides = array<i32>} : memref<1568xf32, #tpu.memory_space<vmem>>, vector<16xf32>,
      %neg3A = arith.constant 0.000000e+00 : f32
      %neg3A_324 = vector.broadcast %neg3A : f32 to vector<16xf32>
      %neg3A_325 = arith.subf %neg3A_324, %get3A_323 : vector<16xf32>
      %exp3A = math.exp %neg3A_325 : vector<16xf32>
      %get3A_326 = arith.index_cast %mul3A_312 : i32 to index
      %get3A_327 = tpu.vector_load %arg18[%get3A_326] {strides = array<i32>} : memref<1568xf32, #tpu.memory_space<vmem>>, vector<16xf32>,
      %neg3A_328 = arith.constant 0.000000e+00 : f32
      %neg3A_329 = vector.broadcast %neg3A_328 : f32 to vector<16xf32>
      %neg3A_330 = arith.subf %neg3A_329, %get3A_327 : vector<16xf32>
      %exp3A_331 = math.exp %neg3A_330 : vector<16xf32>
      %mul3A_332 = arith.constant 16 : i32
      %mul3A_333 = arith.muli %scan3A_309, %mul3A_332 : i32
      %add3A_334 = vector.broadcast %mul3A_333 : i32 to vector<16xi32>
      %add3A_335 = arith.addi %add3A_334, %iota3A : vector<16xi32>
      %broadcast_in_dim3A = arith.constant 0 : i32
      %broadcast_in_dim3A_336 = vector.broadcast %broadcast_in_dim3A : i32 to vector<16xi32>
      %gather3A = tpu.vector_load_idx %arg21[%add3A_335, %broadcast_in_dim3A_336] : memref<1568x16xf32, #tpu.memory_space<vmem>>[vector<16xi32>, vector<16xi32>], vector<16xf32>,
      %gather3A_337 = tpu.vector_load_idx %arg19[%add3A_335, %broadcast_in_dim3A_336] : memref<1568x16xf32, #tpu.memory_space<vmem>>[vector<16xi32>, vector<16xi32>], vector<16xf32>,
      %gather3A_338 = tpu.vector_load_idx %arg20[%add3A_335, %broadcast_in_dim3A_336] : memref<1568x16xf32, #tpu.memory_space<vmem>>[vector<16xi32>, vector<16xi32>], vector<16xf32>,
      %neg3A_339 = arith.constant 0.000000e+00 : f32
      %neg3A_340 = vector.broadcast %neg3A_339 : f32 to vector<16xf32>
      %neg3A_341 = arith.subf %neg3A_340, %gather3A : vector<16xf32>
      %exp3A_342 = math.exp %neg3A_341 : vector<16xf32>
      %exp3A_343 = math.exp %gather3A : vector<16xf32>
      %add3A_344 = arith.addf %exp3A_342, %exp3A : vector<16xf32>
      %exp3A_345 = math.exp %gather3A_337 : vector<16xf32>
      %add3A_346 = arith.addf %add3A_344, %exp3A_345 : vector<16xf32>
      %slice3A = vector.extract_strided_slice %get3A_6 {offsets = [0], sizes = [1], strides = [1]} : vector<16xf32> to vector<1xf32>
      %squeeze3A = vector.extract %slice3A[0] : f32 from vector<1xf32>
      %mul3A_347 = vector.broadcast %squeeze3A : f32 to vector<16xf32>
      %mul3A_348 = arith.mulf %mul3A_347, %exp3A_342 : vector<16xf32>
      %div3A = arith.divf %mul3A_348, %add3A_346 : vector<16xf32>
      %neg3A_349 = arith.constant 0.000000e+00 : f32
      %neg3A_350 = vector.broadcast %neg3A_349 : f32 to vector<16xf32>
      %neg3A_351 = arith.subf %neg3A_350, %div3A : vector<16xf32>
      %jit3A = arith.constant 0.000000e+00 : f32
      %broadcast_in_dim3A_352 = vector.broadcast %jit3A : f32 to vector<16xf32>
      %select_n3A = arith.select %ge3A_316, %neg3A_351, %broadcast_in_dim3A_352 : vector<16xi1>, vector<16xf32>
      %neg3A_353 = arith.constant 0.000000e+00 : f32
      %neg3A_354 = vector.broadcast %neg3A_353 : f32 to vector<16xf32>
      %neg3A_355 = arith.subf %neg3A_354, %gather3A_338 : vector<16xf32>
      %exp3A_356 = math.exp %neg3A_355 : vector<16xf32>
      %add3A_357 = arith.addf %exp3A_356, %exp3A_331 : vector<16xf32>
      %add3A_358 = arith.addf %add3A_357, %exp3A_343 : vector<16xf32>
      %slice3A_359 = vector.extract_strided_slice %get3A_6 {offsets = [0], sizes = [1], strides = [1]} : vector<16xf32> to vector<1xf32>
      %squeeze3A_360 = vector.extract %slice3A_359[0] : f32 from vector<1xf32>
      %mul3A_361 = vector.broadcast %squeeze3A_360 : f32 to vector<16xf32>
      %mul3A_362 = arith.mulf %mul3A_361, %exp3A_343 : vector<16xf32>
      %div3A_363 = arith.divf %mul3A_362, %add3A_358 : vector<16xf32>
      %jit3A_364 = arith.constant 0.000000e+00 : f32
      %broadcast_in_dim3A_365 = vector.broadcast %jit3A_364 : f32 to vector<16xf32>
      %select_n3A_366 = arith.select %ge3A_321, %div3A_363, %broadcast_in_dim3A_365 : vector<16xi1>, vector<16xf32>
      %add3A_367 = arith.addf %gather3A, %select_n3A : vector<16xf32>
      %add3A_368 = arith.addf %add3A_367, %select_n3A_366 : vector<16xf32>
      tpu.vector_store_idx %arg21[%add3A_335, %broadcast_in_dim3A_336], %add3A_368 : memref<1568x16xf32, #tpu.memory_space<vmem>>[vector<16xi32>, vector<16xi32>], vector<16xf32>,
      %broadcast_in_dim3A_369 = arith.constant 1 : i32
      %broadcast_in_dim3A_370 = vector.broadcast %broadcast_in_dim3A_369 : i32 to vector<16xi32>
      %gather3A_371 = tpu.vector_load_idx %arg21[%add3A_335, %broadcast_in_dim3A_370] : memref<1568x16xf32, #tpu.memory_space<vmem>>[vector<16xi32>, vector<16xi32>], vector<16xf32>,
      %gather3A_372 = tpu.vector_load_idx %arg19[%add3A_335, %broadcast_in_dim3A_370] : memref<1568x16xf32, #tpu.memory_space<vmem>>[vector<16xi32>, vector<16xi32>], vector<16xf32>,
      %gather3A_373 = tpu.vector_load_idx %arg20[%add3A_335, %broadcast_in_dim3A_370] : memref<1568x16xf32, #tpu.memory_space<vmem>>[vector<16xi32>, vector<16xi32>], vector<16xf32>,
      %neg3A_374 = arith.constant 0.000000e+00 : f32
      %neg3A_375 = vector.broadcast %neg3A_374 : f32 to vector<16xf32>
      %neg3A_376 = arith.subf %neg3A_375, %gather3A_371 : vector<16xf32>
      %exp3A_377 = math.exp %neg3A_376 : vector<16xf32>
      %exp3A_378 = math.exp %gather3A_371 : vector<16xf32>
      %add3A_379 = arith.addf %exp3A_377, %exp3A : vector<16xf32>
      %exp3A_380 = math.exp %gather3A_372 : vector<16xf32>
      %add3A_381 = arith.addf %add3A_379, %exp3A_380 : vector<16xf32>
      %slice3A_382 = vector.extract_strided_slice %get3A_6 {offsets = [1], sizes = [1], strides = [1]} : vector<16xf32> to vector<1xf32>
      %squeeze3A_383 = vector.extract %slice3A_382[0] : f32 from vector<1xf32>
      %mul3A_384 = vector.broadcast %squeeze3A_383 : f32 to vector<16xf32>
      %mul3A_385 = arith.mulf %mul3A_384, %exp3A_377 : vector<16xf32>
      %div3A_386 = arith.divf %mul3A_385, %add3A_381 : vector<16xf32>
      %neg3A_387 = arith.constant 0.000000e+00 : f32
      %neg3A_388 = vector.broadcast %neg3A_387 : f32 to vector<16xf32>
      %neg3A_389 = arith.subf %neg3A_388, %div3A_386 : vector<16xf32>
      %jit3A_390 = arith.constant 0.000000e+00 : f32
      %broadcast_in_dim3A_391 = vector.broadcast %jit3A_390 : f32 to vector<16xf32>
      %select_n3A_392 = arith.select %ge3A_316, %neg3A_389, %broadcast_in_dim3A_391 : vector<16xi1>, vector<16xf32>
      %neg3A_393 = arith.constant 0.000000e+00 : f32
      %neg3A_394 = vector.broadcast %neg3A_393 : f32 to vector<16xf32>
      %neg3A_395 = arith.subf %neg3A_394, %gather3A_373 : vector<16xf32>
      %exp3A_396 = math.exp %neg3A_395 : vector<16xf32>
      %add3A_397 = arith.addf %exp3A_396, %exp3A_331 : vector<16xf32>
      %add3A_398 = arith.addf %add3A_397, %exp3A_378 : vector<16xf32>
      %slice3A_399 = vector.extract_strided_slice %get3A_6 {offsets = [1], sizes = [1], strides = [1]} : vector<16xf32> to vector<1xf32>
      %squeeze3A_400 = vector.extract %slice3A_399[0] : f32 from vector<1xf32>
      %mul3A_401 = vector.broadcast %squeeze3A_400 : f32 to vector<16xf32>
      %mul3A_402 = arith.mulf %mul3A_401, %exp3A_378 : vector<16xf32>
      %div3A_403 = arith.divf %mul3A_402, %add3A_398 : vector<16xf32>
      %jit3A_404 = arith.constant 0.000000e+00 : f32
      %broadcast_in_dim3A_405 = vector.broadcast %jit3A_404 : f32 to vector<16xf32>
      %select_n3A_406 = arith.select %ge3A_321, %div3A_403, %broadcast_in_dim3A_405 : vector<16xi1>, vector<16xf32>
      %add3A_407 = arith.addf %gather3A_371, %select_n3A_392 : vector<16xf32>
      %add3A_408 = arith.addf %add3A_407, %select_n3A_406 : vector<16xf32>
      tpu.vector_store_idx %arg21[%add3A_335, %broadcast_in_dim3A_370], %add3A_408 : memref<1568x16xf32, #tpu.memory_space<vmem>>[vector<16xi32>, vector<16xi32>], vector<16xf32>,
      %broadcast_in_dim3A_409 = arith.constant 2 : i32
      %broadcast_in_dim3A_410 = vector.broadcast %broadcast_in_dim3A_409 : i32 to vector<16xi32>
      %gather3A_411 = tpu.vector_load_idx %arg21[%add3A_335, %broadcast_in_dim3A_410] : memref<1568x16xf32, #tpu.memory_space<vmem>>[vector<16xi32>, vector<16xi32>], vector<16xf32>,
      %gather3A_412 = tpu.vector_load_idx %arg19[%add3A_335, %broadcast_in_dim3A_410] : memref<1568x16xf32, #tpu.memory_space<vmem>>[vector<16xi32>, vector<16xi32>], vector<16xf32>,
      %gather3A_413 = tpu.vector_load_idx %arg20[%add3A_335, %broadcast_in_dim3A_410] : memref<1568x16xf32, #tpu.memory_space<vmem>>[vector<16xi32>, vector<16xi32>], vector<16xf32>,
      %neg3A_414 = arith.constant 0.000000e+00 : f32
      %neg3A_415 = vector.broadcast %neg3A_414 : f32 to vector<16xf32>
      %neg3A_416 = arith.subf %neg3A_415, %gather3A_411 : vector<16xf32>
      %exp3A_417 = math.exp %neg3A_416 : vector<16xf32>
      %exp3A_418 = math.exp %gather3A_411 : vector<16xf32>
      %add3A_419 = arith.addf %exp3A_417, %exp3A : vector<16xf32>
      %exp3A_420 = math.exp %gather3A_412 : vector<16xf32>
      %add3A_421 = arith.addf %add3A_419, %exp3A_420 : vector<16xf32>
      %slice3A_422 = vector.extract_strided_slice %get3A_6 {offsets = [2], sizes = [1], strides = [1]} : vector<16xf32> to vector<1xf32>
      %squeeze3A_423 = vector.extract %slice3A_422[0] : f32 from vector<1xf32>
      %mul3A_424 = vector.broadcast %squeeze3A_423 : f32 to vector<16xf32>
      %mul3A_425 = arith.mulf %mul3A_424, %exp3A_417 : vector<16xf32>
      %div3A_426 = arith.divf %mul3A_425, %add3A_421 : vector<16xf32>
      %neg3A_427 = arith.constant 0.000000e+00 : f32
      %neg3A_428 = vector.broadcast %neg3A_427 : f32 to vector<16xf32>
      %neg3A_429 = arith.subf %neg3A_428, %div3A_426 : vector<16xf32>
      %jit3A_430 = arith.constant 0.000000e+00 : f32
      %broadcast_in_dim3A_431 = vector.broadcast %jit3A_430 : f32 to vector<16xf32>
      %select_n3A_432 = arith.select %ge3A_316, %neg3A_429, %broadcast_in_dim3A_431 : vector<16xi1>, vector<16xf32>
      %neg3A_433 = arith.constant 0.000000e+00 : f32
      %neg3A_434 = vector.broadcast %neg3A_433 : f32 to vector<16xf32>
      %neg3A_435 = arith.subf %neg3A_434, %gather3A_413 : vector<16xf32>
      %exp3A_436 = math.exp %neg3A_435 : vector<16xf32>
      %add3A_437 = arith.addf %exp3A_436, %exp3A_331 : vector<16xf32>
      %add3A_438 = arith.addf %add3A_437, %exp3A_418 : vector<16xf32>
      %slice3A_439 = vector.extract_strided_slice %get3A_6 {offsets = [2], sizes = [1], strides = [1]} : vector<16xf32> to vector<1xf32>
      %squeeze3A_440 = vector.extract %slice3A_439[0] : f32 from vector<1xf32>
      %mul3A_441 = vector.broadcast %squeeze3A_440 : f32 to vector<16xf32>
      %mul3A_442 = arith.mulf %mul3A_441, %exp3A_418 : vector<16xf32>
      %div3A_443 = arith.divf %mul3A_442, %add3A_438 : vector<16xf32>
      %jit3A_444 = arith.constant 0.000000e+00 : f32
      %broadcast_in_dim3A_445 = vector.broadcast %jit3A_444 : f32 to vector<16xf32>
      %select_n3A_446 = arith.select %ge3A_321, %div3A_443, %broadcast_in_dim3A_445 : vector<16xi1>, vector<16xf32>
      %add3A_447 = arith.addf %gather3A_411, %select_n3A_432 : vector<16xf32>
      %add3A_448 = arith.addf %add3A_447, %select_n3A_446 : vector<16xf32>
      tpu.vector_store_idx %arg21[%add3A_335, %broadcast_in_dim3A_410], %add3A_448 : memref<1568x16xf32, #tpu.memory_space<vmem>>[vector<16xi32>, vector<16xi32>], vector<16xf32>,
      %broadcast_in_dim3A_449 = arith.constant 3 : i32
      %broadcast_in_dim3A_450 = vector.broadcast %broadcast_in_dim3A_449 : i32 to vector<16xi32>
      %gather3A_451 = tpu.vector_load_idx %arg21[%add3A_335, %broadcast_in_dim3A_450] : memref<1568x16xf32, #tpu.memory_space<vmem>>[vector<16xi32>, vector<16xi32>], vector<16xf32>,
      %gather3A_452 = tpu.vector_load_idx %arg19[%add3A_335, %broadcast_in_dim3A_450] : memref<1568x16xf32, #tpu.memory_space<vmem>>[vector<16xi32>, vector<16xi32>], vector<16xf32>,
      %gather3A_453 = tpu.vector_load_idx %arg20[%add3A_335, %broadcast_in_dim3A_450] : memref<1568x16xf32, #tpu.memory_space<vmem>>[vector<16xi32>, vector<16xi32>], vector<16xf32>,
      %neg3A_454 = arith.constant 0.000000e+00 : f32
      %neg3A_455 = vector.broadcast %neg3A_454 : f32 to vector<16xf32>
      %neg3A_456 = arith.subf %neg3A_455, %gather3A_451 : vector<16xf32>
      %exp3A_457 = math.exp %neg3A_456 : vector<16xf32>
      %exp3A_458 = math.exp %gather3A_451 : vector<16xf32>
      %add3A_459 = arith.addf %exp3A_457, %exp3A : vector<16xf32>
      %exp3A_460 = math.exp %gather3A_452 : vector<16xf32>
      %add3A_461 = arith.addf %add3A_459, %exp3A_460 : vector<16xf32>
      %slice3A_462 = vector.extract_strided_slice %get3A_6 {offsets = [3], sizes = [1], strides = [1]} : vector<16xf32> to vector<1xf32>
      %squeeze3A_463 = vector.extract %slice3A_462[0] : f32 from vector<1xf32>
      %mul3A_464 = vector.broadcast %squeeze3A_463 : f32 to vector<16xf32>
      %mul3A_465 = arith.mulf %mul3A_464, %exp3A_457 : vector<16xf32>
      %div3A_466 = arith.divf %mul3A_465, %add3A_461 : vector<16xf32>
      %neg3A_467 = arith.constant 0.000000e+00 : f32
      %neg3A_468 = vector.broadcast %neg3A_467 : f32 to vector<16xf32>
      %neg3A_469 = arith.subf %neg3A_468, %div3A_466 : vector<16xf32>
      %jit3A_470 = arith.constant 0.000000e+00 : f32
      %broadcast_in_dim3A_471 = vector.broadcast %jit3A_470 : f32 to vector<16xf32>
      %select_n3A_472 = arith.select %ge3A_316, %neg3A_469, %broadcast_in_dim3A_471 : vector<16xi1>, vector<16xf32>
      %neg3A_473 = arith.constant 0.000000e+00 : f32
      %neg3A_474 = vector.broadcast %neg3A_473 : f32 to vector<16xf32>
      %neg3A_475 = arith.subf %neg3A_474, %gather3A_453 : vector<16xf32>
      %exp3A_476 = math.exp %neg3A_475 : vector<16xf32>
      %add3A_477 = arith.addf %exp3A_476, %exp3A_331 : vector<16xf32>
      %add3A_478 = arith.addf %add3A_477, %exp3A_458 : vector<16xf32>
      %slice3A_479 = vector.extract_strided_slice %get3A_6 {offsets = [3], sizes = [1], strides = [1]} : vector<16xf32> to vector<1xf32>
      %squeeze3A_480 = vector.extract %slice3A_479[0] : f32 from vector<1xf32>
      %mul3A_481 = vector.broadcast %squeeze3A_480 : f32 to vector<16xf32>
      %mul3A_482 = arith.mulf %mul3A_481, %exp3A_458 : vector<16xf32>
      %div3A_483 = arith.divf %mul3A_482, %add3A_478 : vector<16xf32>
      %jit3A_484 = arith.constant 0.000000e+00 : f32
      %broadcast_in_dim3A_485 = vector.broadcast %jit3A_484 : f32 to vector<16xf32>
      %select_n3A_486 = arith.select %ge3A_321, %div3A_483, %broadcast_in_dim3A_485 : vector<16xi1>, vector<16xf32>
      %add3A_487 = arith.addf %gather3A_451, %select_n3A_472 : vector<16xf32>
      %add3A_488 = arith.addf %add3A_487, %select_n3A_486 : vector<16xf32>
      tpu.vector_store_idx %arg21[%add3A_335, %broadcast_in_dim3A_450], %add3A_488 : memref<1568x16xf32, #tpu.memory_space<vmem>>[vector<16xi32>, vector<16xi32>], vector<16xf32>,
      %broadcast_in_dim3A_489 = arith.constant 4 : i32
      %broadcast_in_dim3A_490 = vector.broadcast %broadcast_in_dim3A_489 : i32 to vector<16xi32>
      %gather3A_491 = tpu.vector_load_idx %arg21[%add3A_335, %broadcast_in_dim3A_490] : memref<1568x16xf32, #tpu.memory_space<vmem>>[vector<16xi32>, vector<16xi32>], vector<16xf32>,
      %gather3A_492 = tpu.vector_load_idx %arg19[%add3A_335, %broadcast_in_dim3A_490] : memref<1568x16xf32, #tpu.memory_space<vmem>>[vector<16xi32>, vector<16xi32>], vector<16xf32>,
      %gather3A_493 = tpu.vector_load_idx %arg20[%add3A_335, %broadcast_in_dim3A_490] : memref<1568x16xf32, #tpu.memory_space<vmem>>[vector<16xi32>, vector<16xi32>], vector<16xf32>,
      %neg3A_494 = arith.constant 0.000000e+00 : f32
      %neg3A_495 = vector.broadcast %neg3A_494 : f32 to vector<16xf32>
      %neg3A_496 = arith.subf %neg3A_495, %gather3A_491 : vector<16xf32>
      %exp3A_497 = math.exp %neg3A_496 : vector<16xf32>
      %exp3A_498 = math.exp %gather3A_491 : vector<16xf32>
      %add3A_499 = arith.addf %exp3A_497, %exp3A : vector<16xf32>
      %exp3A_500 = math.exp %gather3A_492 : vector<16xf32>
      %add3A_501 = arith.addf %add3A_499, %exp3A_500 : vector<16xf32>
      %slice3A_502 = vector.extract_strided_slice %get3A_6 {offsets = [4], sizes = [1], strides = [1]} : vector<16xf32> to vector<1xf32>
      %squeeze3A_503 = vector.extract %slice3A_502[0] : f32 from vector<1xf32>
      %mul3A_504 = vector.broadcast %squeeze3A_503 : f32 to vector<16xf32>
      %mul3A_505 = arith.mulf %mul3A_504, %exp3A_497 : vector<16xf32>
      %div3A_506 = arith.divf %mul3A_505, %add3A_501 : vector<16xf32>
      %neg3A_507 = arith.constant 0.000000e+00 : f32
      %neg3A_508 = vector.broadcast %neg3A_507 : f32 to vector<16xf32>
      %neg3A_509 = arith.subf %neg3A_508, %div3A_506 : vector<16xf32>
      %jit3A_510 = arith.constant 0.000000e+00 : f32
      %broadcast_in_dim3A_511 = vector.broadcast %jit3A_510 : f32 to vector<16xf32>
      %select_n3A_512 = arith.select %ge3A_316, %neg3A_509, %broadcast_in_dim3A_511 : vector<16xi1>, vector<16xf32>
      %neg3A_513 = arith.constant 0.000000e+00 : f32
      %neg3A_514 = vector.broadcast %neg3A_513 : f32 to vector<16xf32>
      %neg3A_515 = arith.subf %neg3A_514, %gather3A_493 : vector<16xf32>
      %exp3A_516 = math.exp %neg3A_515 : vector<16xf32>
      %add3A_517 = arith.addf %exp3A_516, %exp3A_331 : vector<16xf32>
      %add3A_518 = arith.addf %add3A_517, %exp3A_498 : vector<16xf32>
      %slice3A_519 = vector.extract_strided_slice %get3A_6 {offsets = [4], sizes = [1], strides = [1]} : vector<16xf32> to vector<1xf32>
      %squeeze3A_520 = vector.extract %slice3A_519[0] : f32 from vector<1xf32>
      %mul3A_521 = vector.broadcast %squeeze3A_520 : f32 to vector<16xf32>
      %mul3A_522 = arith.mulf %mul3A_521, %exp3A_498 : vector<16xf32>
      %div3A_523 = arith.divf %mul3A_522, %add3A_518 : vector<16xf32>
      %jit3A_524 = arith.constant 0.000000e+00 : f32
      %broadcast_in_dim3A_525 = vector.broadcast %jit3A_524 : f32 to vector<16xf32>
      %select_n3A_526 = arith.select %ge3A_321, %div3A_523, %broadcast_in_dim3A_525 : vector<16xi1>, vector<16xf32>
      %add3A_527 = arith.addf %gather3A_491, %select_n3A_512 : vector<16xf32>
      %add3A_528 = arith.addf %add3A_527, %select_n3A_526 : vector<16xf32>
      tpu.vector_store_idx %arg21[%add3A_335, %broadcast_in_dim3A_490], %add3A_528 : memref<1568x16xf32, #tpu.memory_space<vmem>>[vector<16xi32>, vector<16xi32>], vector<16xf32>,
      %broadcast_in_dim3A_529 = arith.constant 5 : i32
      %broadcast_in_dim3A_530 = vector.broadcast %broadcast_in_dim3A_529 : i32 to vector<16xi32>
      %gather3A_531 = tpu.vector_load_idx %arg21[%add3A_335, %broadcast_in_dim3A_530] : memref<1568x16xf32, #tpu.memory_space<vmem>>[vector<16xi32>, vector<16xi32>], vector<16xf32>,
      %gather3A_532 = tpu.vector_load_idx %arg19[%add3A_335, %broadcast_in_dim3A_530] : memref<1568x16xf32, #tpu.memory_space<vmem>>[vector<16xi32>, vector<16xi32>], vector<16xf32>,
      %gather3A_533 = tpu.vector_load_idx %arg20[%add3A_335, %broadcast_in_dim3A_530] : memref<1568x16xf32, #tpu.memory_space<vmem>>[vector<16xi32>, vector<16xi32>], vector<16xf32>,
      %neg3A_534 = arith.constant 0.000000e+00 : f32
      %neg3A_535 = vector.broadcast %neg3A_534 : f32 to vector<16xf32>
      %neg3A_536 = arith.subf %neg3A_535, %gather3A_531 : vector<16xf32>
      %exp3A_537 = math.exp %neg3A_536 : vector<16xf32>
      %exp3A_538 = math.exp %gather3A_531 : vector<16xf32>
      %add3A_539 = arith.addf %exp3A_537, %exp3A : vector<16xf32>
      %exp3A_540 = math.exp %gather3A_532 : vector<16xf32>
      %add3A_541 = arith.addf %add3A_539, %exp3A_540 : vector<16xf32>
      %slice3A_542 = vector.extract_strided_slice %get3A_6 {offsets = [5], sizes = [1], strides = [1]} : vector<16xf32> to vector<1xf32>
      %squeeze3A_543 = vector.extract %slice3A_542[0] : f32 from vector<1xf32>
      %mul3A_544 = vector.broadcast %squeeze3A_543 : f32 to vector<16xf32>
      %mul3A_545 = arith.mulf %mul3A_544, %exp3A_537 : vector<16xf32>
      %div3A_546 = arith.divf %mul3A_545, %add3A_541 : vector<16xf32>
      %neg3A_547 = arith.constant 0.000000e+00 : f32
      %neg3A_548 = vector.broadcast %neg3A_547 : f32 to vector<16xf32>
      %neg3A_549 = arith.subf %neg3A_548, %div3A_546 : vector<16xf32>
      %jit3A_550 = arith.constant 0.000000e+00 : f32
      %broadcast_in_dim3A_551 = vector.broadcast %jit3A_550 : f32 to vector<16xf32>
      %select_n3A_552 = arith.select %ge3A_316, %neg3A_549, %broadcast_in_dim3A_551 : vector<16xi1>, vector<16xf32>
      %neg3A_553 = arith.constant 0.000000e+00 : f32
      %neg3A_554 = vector.broadcast %neg3A_553 : f32 to vector<16xf32>
      %neg3A_555 = arith.subf %neg3A_554, %gather3A_533 : vector<16xf32>
      %exp3A_556 = math.exp %neg3A_555 : vector<16xf32>
      %add3A_557 = arith.addf %exp3A_556, %exp3A_331 : vector<16xf32>
      %add3A_558 = arith.addf %add3A_557, %exp3A_538 : vector<16xf32>
      %slice3A_559 = vector.extract_strided_slice %get3A_6 {offsets = [5], sizes = [1], strides = [1]} : vector<16xf32> to vector<1xf32>
      %squeeze3A_560 = vector.extract %slice3A_559[0] : f32 from vector<1xf32>
      %mul3A_561 = vector.broadcast %squeeze3A_560 : f32 to vector<16xf32>
      %mul3A_562 = arith.mulf %mul3A_561, %exp3A_538 : vector<16xf32>
      %div3A_563 = arith.divf %mul3A_562, %add3A_558 : vector<16xf32>
      %jit3A_564 = arith.constant 0.000000e+00 : f32
      %broadcast_in_dim3A_565 = vector.broadcast %jit3A_564 : f32 to vector<16xf32>
      %select_n3A_566 = arith.select %ge3A_321, %div3A_563, %broadcast_in_dim3A_565 : vector<16xi1>, vector<16xf32>
      %add3A_567 = arith.addf %gather3A_531, %select_n3A_552 : vector<16xf32>
      %add3A_568 = arith.addf %add3A_567, %select_n3A_566 : vector<16xf32>
      tpu.vector_store_idx %arg21[%add3A_335, %broadcast_in_dim3A_530], %add3A_568 : memref<1568x16xf32, #tpu.memory_space<vmem>>[vector<16xi32>, vector<16xi32>], vector<16xf32>,
      %broadcast_in_dim3A_569 = arith.constant 6 : i32
      %broadcast_in_dim3A_570 = vector.broadcast %broadcast_in_dim3A_569 : i32 to vector<16xi32>
      %gather3A_571 = tpu.vector_load_idx %arg21[%add3A_335, %broadcast_in_dim3A_570] : memref<1568x16xf32, #tpu.memory_space<vmem>>[vector<16xi32>, vector<16xi32>], vector<16xf32>,
      %gather3A_572 = tpu.vector_load_idx %arg19[%add3A_335, %broadcast_in_dim3A_570] : memref<1568x16xf32, #tpu.memory_space<vmem>>[vector<16xi32>, vector<16xi32>], vector<16xf32>,
      %gather3A_573 = tpu.vector_load_idx %arg20[%add3A_335, %broadcast_in_dim3A_570] : memref<1568x16xf32, #tpu.memory_space<vmem>>[vector<16xi32>, vector<16xi32>], vector<16xf32>,
      %neg3A_574 = arith.constant 0.000000e+00 : f32
      %neg3A_575 = vector.broadcast %neg3A_574 : f32 to vector<16xf32>
      %neg3A_576 = arith.subf %neg3A_575, %gather3A_571 : vector<16xf32>
      %exp3A_577 = math.exp %neg3A_576 : vector<16xf32>
      %exp3A_578 = math.exp %gather3A_571 : vector<16xf32>
      %add3A_579 = arith.addf %exp3A_577, %exp3A : vector<16xf32>
      %exp3A_580 = math.exp %gather3A_572 : vector<16xf32>
      %add3A_581 = arith.addf %add3A_579, %exp3A_580 : vector<16xf32>
      %slice3A_582 = vector.extract_strided_slice %get3A_6 {offsets = [6], sizes = [1], strides = [1]} : vector<16xf32> to vector<1xf32>
      %squeeze3A_583 = vector.extract %slice3A_582[0] : f32 from vector<1xf32>
      %mul3A_584 = vector.broadcast %squeeze3A_583 : f32 to vector<16xf32>
      %mul3A_585 = arith.mulf %mul3A_584, %exp3A_577 : vector<16xf32>
      %div3A_586 = arith.divf %mul3A_585, %add3A_581 : vector<16xf32>
      %neg3A_587 = arith.constant 0.000000e+00 : f32
      %neg3A_588 = vector.broadcast %neg3A_587 : f32 to vector<16xf32>
      %neg3A_589 = arith.subf %neg3A_588, %div3A_586 : vector<16xf32>
      %jit3A_590 = arith.constant 0.000000e+00 : f32
      %broadcast_in_dim3A_591 = vector.broadcast %jit3A_590 : f32 to vector<16xf32>
      %select_n3A_592 = arith.select %ge3A_316, %neg3A_589, %broadcast_in_dim3A_591 : vector<16xi1>, vector<16xf32>
      %neg3A_593 = arith.constant 0.000000e+00 : f32
      %neg3A_594 = vector.broadcast %neg3A_593 : f32 to vector<16xf32>
      %neg3A_595 = arith.subf %neg3A_594, %gather3A_573 : vector<16xf32>
      %exp3A_596 = math.exp %neg3A_595 : vector<16xf32>
      %add3A_597 = arith.addf %exp3A_596, %exp3A_331 : vector<16xf32>
      %add3A_598 = arith.addf %add3A_597, %exp3A_578 : vector<16xf32>
      %slice3A_599 = vector.extract_strided_slice %get3A_6 {offsets = [6], sizes = [1], strides = [1]} : vector<16xf32> to vector<1xf32>
      %squeeze3A_600 = vector.extract %slice3A_599[0] : f32 from vector<1xf32>
      %mul3A_601 = vector.broadcast %squeeze3A_600 : f32 to vector<16xf32>
      %mul3A_602 = arith.mulf %mul3A_601, %exp3A_578 : vector<16xf32>
      %div3A_603 = arith.divf %mul3A_602, %add3A_598 : vector<16xf32>
      %jit3A_604 = arith.constant 0.000000e+00 : f32
      %broadcast_in_dim3A_605 = vector.broadcast %jit3A_604 : f32 to vector<16xf32>
      %select_n3A_606 = arith.select %ge3A_321, %div3A_603, %broadcast_in_dim3A_605 : vector<16xi1>, vector<16xf32>
      %add3A_607 = arith.addf %gather3A_571, %select_n3A_592 : vector<16xf32>
      %add3A_608 = arith.addf %add3A_607, %select_n3A_606 : vector<16xf32>
      tpu.vector_store_idx %arg21[%add3A_335, %broadcast_in_dim3A_570], %add3A_608 : memref<1568x16xf32, #tpu.memory_space<vmem>>[vector<16xi32>, vector<16xi32>], vector<16xf32>,
      %broadcast_in_dim3A_609 = arith.constant 7 : i32
      %broadcast_in_dim3A_610 = vector.broadcast %broadcast_in_dim3A_609 : i32 to vector<16xi32>
      %gather3A_611 = tpu.vector_load_idx %arg21[%add3A_335, %broadcast_in_dim3A_610] : memref<1568x16xf32, #tpu.memory_space<vmem>>[vector<16xi32>, vector<16xi32>], vector<16xf32>,
      %gather3A_612 = tpu.vector_load_idx %arg19[%add3A_335, %broadcast_in_dim3A_610] : memref<1568x16xf32, #tpu.memory_space<vmem>>[vector<16xi32>, vector<16xi32>], vector<16xf32>,
      %gather3A_613 = tpu.vector_load_idx %arg20[%add3A_335, %broadcast_in_dim3A_610] : memref<1568x16xf32, #tpu.memory_space<vmem>>[vector<16xi32>, vector<16xi32>], vector<16xf32>,
      %neg3A_614 = arith.constant 0.000000e+00 : f32
      %neg3A_615 = vector.broadcast %neg3A_614 : f32 to vector<16xf32>
      %neg3A_616 = arith.subf %neg3A_615, %gather3A_611 : vector<16xf32>
      %exp3A_617 = math.exp %neg3A_616 : vector<16xf32>
      %exp3A_618 = math.exp %gather3A_611 : vector<16xf32>
      %add3A_619 = arith.addf %exp3A_617, %exp3A : vector<16xf32>
      %exp3A_620 = math.exp %gather3A_612 : vector<16xf32>
      %add3A_621 = arith.addf %add3A_619, %exp3A_620 : vector<16xf32>
      %slice3A_622 = vector.extract_strided_slice %get3A_6 {offsets = [7], sizes = [1], strides = [1]} : vector<16xf32> to vector<1xf32>
      %squeeze3A_623 = vector.extract %slice3A_622[0] : f32 from vector<1xf32>
      %mul3A_624 = vector.broadcast %squeeze3A_623 : f32 to vector<16xf32>
      %mul3A_625 = arith.mulf %mul3A_624, %exp3A_617 : vector<16xf32>
      %div3A_626 = arith.divf %mul3A_625, %add3A_621 : vector<16xf32>
      %neg3A_627 = arith.constant 0.000000e+00 : f32
      %neg3A_628 = vector.broadcast %neg3A_627 : f32 to vector<16xf32>
      %neg3A_629 = arith.subf %neg3A_628, %div3A_626 : vector<16xf32>
      %jit3A_630 = arith.constant 0.000000e+00 : f32
      %broadcast_in_dim3A_631 = vector.broadcast %jit3A_630 : f32 to vector<16xf32>
      %select_n3A_632 = arith.select %ge3A_316, %neg3A_629, %broadcast_in_dim3A_631 : vector<16xi1>, vector<16xf32>
      %neg3A_633 = arith.constant 0.000000e+00 : f32
      %neg3A_634 = vector.broadcast %neg3A_633 : f32 to vector<16xf32>
      %neg3A_635 = arith.subf %neg3A_634, %gather3A_613 : vector<16xf32>
      %exp3A_636 = math.exp %neg3A_635 : vector<16xf32>
      %add3A_637 = arith.addf %exp3A_636, %exp3A_331 : vector<16xf32>
      %add3A_638 = arith.addf %add3A_637, %exp3A_618 : vector<16xf32>
      %slice3A_639 = vector.extract_strided_slice %get3A_6 {offsets = [7], sizes = [1], strides = [1]} : vector<16xf32> to vector<1xf32>
      %squeeze3A_640 = vector.extract %slice3A_639[0] : f32 from vector<1xf32>
      %mul3A_641 = vector.broadcast %squeeze3A_640 : f32 to vector<16xf32>
      %mul3A_642 = arith.mulf %mul3A_641, %exp3A_618 : vector<16xf32>
      %div3A_643 = arith.divf %mul3A_642, %add3A_638 : vector<16xf32>
      %jit3A_644 = arith.constant 0.000000e+00 : f32
      %broadcast_in_dim3A_645 = vector.broadcast %jit3A_644 : f32 to vector<16xf32>
      %select_n3A_646 = arith.select %ge3A_321, %div3A_643, %broadcast_in_dim3A_645 : vector<16xi1>, vector<16xf32>
      %add3A_647 = arith.addf %gather3A_611, %select_n3A_632 : vector<16xf32>
      %add3A_648 = arith.addf %add3A_647, %select_n3A_646 : vector<16xf32>
      tpu.vector_store_idx %arg21[%add3A_335, %broadcast_in_dim3A_610], %add3A_648 : memref<1568x16xf32, #tpu.memory_space<vmem>>[vector<16xi32>, vector<16xi32>], vector<16xf32>,
      %broadcast_in_dim3A_649 = arith.constant 8 : i32
      %broadcast_in_dim3A_650 = vector.broadcast %broadcast_in_dim3A_649 : i32 to vector<16xi32>
      %gather3A_651 = tpu.vector_load_idx %arg21[%add3A_335, %broadcast_in_dim3A_650] : memref<1568x16xf32, #tpu.memory_space<vmem>>[vector<16xi32>, vector<16xi32>], vector<16xf32>,
      %gather3A_652 = tpu.vector_load_idx %arg19[%add3A_335, %broadcast_in_dim3A_650] : memref<1568x16xf32, #tpu.memory_space<vmem>>[vector<16xi32>, vector<16xi32>], vector<16xf32>,
      %gather3A_653 = tpu.vector_load_idx %arg20[%add3A_335, %broadcast_in_dim3A_650] : memref<1568x16xf32, #tpu.memory_space<vmem>>[vector<16xi32>, vector<16xi32>], vector<16xf32>,
      %neg3A_654 = arith.constant 0.000000e+00 : f32
      %neg3A_655 = vector.broadcast %neg3A_654 : f32 to vector<16xf32>
      %neg3A_656 = arith.subf %neg3A_655, %gather3A_651 : vector<16xf32>
      %exp3A_657 = math.exp %neg3A_656 : vector<16xf32>
      %exp3A_658 = math.exp %gather3A_651 : vector<16xf32>
      %add3A_659 = arith.addf %exp3A_657, %exp3A : vector<16xf32>
      %exp3A_660 = math.exp %gather3A_652 : vector<16xf32>
      %add3A_661 = arith.addf %add3A_659, %exp3A_660 : vector<16xf32>
      %slice3A_662 = vector.extract_strided_slice %get3A_6 {offsets = [8], sizes = [1], strides = [1]} : vector<16xf32> to vector<1xf32>
      %squeeze3A_663 = vector.extract %slice3A_662[0] : f32 from vector<1xf32>
      %mul3A_664 = vector.broadcast %squeeze3A_663 : f32 to vector<16xf32>
      %mul3A_665 = arith.mulf %mul3A_664, %exp3A_657 : vector<16xf32>
      %div3A_666 = arith.divf %mul3A_665, %add3A_661 : vector<16xf32>
      %neg3A_667 = arith.constant 0.000000e+00 : f32
      %neg3A_668 = vector.broadcast %neg3A_667 : f32 to vector<16xf32>
      %neg3A_669 = arith.subf %neg3A_668, %div3A_666 : vector<16xf32>
      %jit3A_670 = arith.constant 0.000000e+00 : f32
      %broadcast_in_dim3A_671 = vector.broadcast %jit3A_670 : f32 to vector<16xf32>
      %select_n3A_672 = arith.select %ge3A_316, %neg3A_669, %broadcast_in_dim3A_671 : vector<16xi1>, vector<16xf32>
      %neg3A_673 = arith.constant 0.000000e+00 : f32
      %neg3A_674 = vector.broadcast %neg3A_673 : f32 to vector<16xf32>
      %neg3A_675 = arith.subf %neg3A_674, %gather3A_653 : vector<16xf32>
      %exp3A_676 = math.exp %neg3A_675 : vector<16xf32>
      %add3A_677 = arith.addf %exp3A_676, %exp3A_331 : vector<16xf32>
      %add3A_678 = arith.addf %add3A_677, %exp3A_658 : vector<16xf32>
      %slice3A_679 = vector.extract_strided_slice %get3A_6 {offsets = [8], sizes = [1], strides = [1]} : vector<16xf32> to vector<1xf32>
      %squeeze3A_680 = vector.extract %slice3A_679[0] : f32 from vector<1xf32>
      %mul3A_681 = vector.broadcast %squeeze3A_680 : f32 to vector<16xf32>
      %mul3A_682 = arith.mulf %mul3A_681, %exp3A_658 : vector<16xf32>
      %div3A_683 = arith.divf %mul3A_682, %add3A_678 : vector<16xf32>
      %jit3A_684 = arith.constant 0.000000e+00 : f32
      %broadcast_in_dim3A_685 = vector.broadcast %jit3A_684 : f32 to vector<16xf32>
      %select_n3A_686 = arith.select %ge3A_321, %div3A_683, %broadcast_in_dim3A_685 : vector<16xi1>, vector<16xf32>
      %add3A_687 = arith.addf %gather3A_651, %select_n3A_672 : vector<16xf32>
      %add3A_688 = arith.addf %add3A_687, %select_n3A_686 : vector<16xf32>
      tpu.vector_store_idx %arg21[%add3A_335, %broadcast_in_dim3A_650], %add3A_688 : memref<1568x16xf32, #tpu.memory_space<vmem>>[vector<16xi32>, vector<16xi32>], vector<16xf32>,
      %broadcast_in_dim3A_689 = arith.constant 9 : i32
      %broadcast_in_dim3A_690 = vector.broadcast %broadcast_in_dim3A_689 : i32 to vector<16xi32>
      %gather3A_691 = tpu.vector_load_idx %arg21[%add3A_335, %broadcast_in_dim3A_690] : memref<1568x16xf32, #tpu.memory_space<vmem>>[vector<16xi32>, vector<16xi32>], vector<16xf32>,
      %gather3A_692 = tpu.vector_load_idx %arg19[%add3A_335, %broadcast_in_dim3A_690] : memref<1568x16xf32, #tpu.memory_space<vmem>>[vector<16xi32>, vector<16xi32>], vector<16xf32>,
      %gather3A_693 = tpu.vector_load_idx %arg20[%add3A_335, %broadcast_in_dim3A_690] : memref<1568x16xf32, #tpu.memory_space<vmem>>[vector<16xi32>, vector<16xi32>], vector<16xf32>,
      %neg3A_694 = arith.constant 0.000000e+00 : f32
      %neg3A_695 = vector.broadcast %neg3A_694 : f32 to vector<16xf32>
      %neg3A_696 = arith.subf %neg3A_695, %gather3A_691 : vector<16xf32>
      %exp3A_697 = math.exp %neg3A_696 : vector<16xf32>
      %exp3A_698 = math.exp %gather3A_691 : vector<16xf32>
      %add3A_699 = arith.addf %exp3A_697, %exp3A : vector<16xf32>
      %exp3A_700 = math.exp %gather3A_692 : vector<16xf32>
      %add3A_701 = arith.addf %add3A_699, %exp3A_700 : vector<16xf32>
      %slice3A_702 = vector.extract_strided_slice %get3A_6 {offsets = [9], sizes = [1], strides = [1]} : vector<16xf32> to vector<1xf32>
      %squeeze3A_703 = vector.extract %slice3A_702[0] : f32 from vector<1xf32>
      %mul3A_704 = vector.broadcast %squeeze3A_703 : f32 to vector<16xf32>
      %mul3A_705 = arith.mulf %mul3A_704, %exp3A_697 : vector<16xf32>
      %div3A_706 = arith.divf %mul3A_705, %add3A_701 : vector<16xf32>
      %neg3A_707 = arith.constant 0.000000e+00 : f32
      %neg3A_708 = vector.broadcast %neg3A_707 : f32 to vector<16xf32>
      %neg3A_709 = arith.subf %neg3A_708, %div3A_706 : vector<16xf32>
      %jit3A_710 = arith.constant 0.000000e+00 : f32
      %broadcast_in_dim3A_711 = vector.broadcast %jit3A_710 : f32 to vector<16xf32>
      %select_n3A_712 = arith.select %ge3A_316, %neg3A_709, %broadcast_in_dim3A_711 : vector<16xi1>, vector<16xf32>
      %neg3A_713 = arith.constant 0.000000e+00 : f32
      %neg3A_714 = vector.broadcast %neg3A_713 : f32 to vector<16xf32>
      %neg3A_715 = arith.subf %neg3A_714, %gather3A_693 : vector<16xf32>
      %exp3A_716 = math.exp %neg3A_715 : vector<16xf32>
      %add3A_717 = arith.addf %exp3A_716, %exp3A_331 : vector<16xf32>
      %add3A_718 = arith.addf %add3A_717, %exp3A_698 : vector<16xf32>
      %slice3A_719 = vector.extract_strided_slice %get3A_6 {offsets = [9], sizes = [1], strides = [1]} : vector<16xf32> to vector<1xf32>
      %squeeze3A_720 = vector.extract %slice3A_719[0] : f32 from vector<1xf32>
      %mul3A_721 = vector.broadcast %squeeze3A_720 : f32 to vector<16xf32>
      %mul3A_722 = arith.mulf %mul3A_721, %exp3A_698 : vector<16xf32>
      %div3A_723 = arith.divf %mul3A_722, %add3A_718 : vector<16xf32>
      %jit3A_724 = arith.constant 0.000000e+00 : f32
      %broadcast_in_dim3A_725 = vector.broadcast %jit3A_724 : f32 to vector<16xf32>
      %select_n3A_726 = arith.select %ge3A_321, %div3A_723, %broadcast_in_dim3A_725 : vector<16xi1>, vector<16xf32>
      %add3A_727 = arith.addf %gather3A_691, %select_n3A_712 : vector<16xf32>
      %add3A_728 = arith.addf %add3A_727, %select_n3A_726 : vector<16xf32>
      tpu.vector_store_idx %arg21[%add3A_335, %broadcast_in_dim3A_690], %add3A_728 : memref<1568x16xf32, #tpu.memory_space<vmem>>[vector<16xi32>, vector<16xi32>], vector<16xf32>,
      %broadcast_in_dim3A_729 = arith.constant 10 : i32
      %broadcast_in_dim3A_730 = vector.broadcast %broadcast_in_dim3A_729 : i32 to vector<16xi32>
      %gather3A_731 = tpu.vector_load_idx %arg21[%add3A_335, %broadcast_in_dim3A_730] : memref<1568x16xf32, #tpu.memory_space<vmem>>[vector<16xi32>, vector<16xi32>], vector<16xf32>,
      %gather3A_732 = tpu.vector_load_idx %arg19[%add3A_335, %broadcast_in_dim3A_730] : memref<1568x16xf32, #tpu.memory_space<vmem>>[vector<16xi32>, vector<16xi32>], vector<16xf32>,
      %gather3A_733 = tpu.vector_load_idx %arg20[%add3A_335, %broadcast_in_dim3A_730] : memref<1568x16xf32, #tpu.memory_space<vmem>>[vector<16xi32>, vector<16xi32>], vector<16xf32>,
      %neg3A_734 = arith.constant 0.000000e+00 : f32
      %neg3A_735 = vector.broadcast %neg3A_734 : f32 to vector<16xf32>
      %neg3A_736 = arith.subf %neg3A_735, %gather3A_731 : vector<16xf32>
      %exp3A_737 = math.exp %neg3A_736 : vector<16xf32>
      %exp3A_738 = math.exp %gather3A_731 : vector<16xf32>
      %add3A_739 = arith.addf %exp3A_737, %exp3A : vector<16xf32>
      %exp3A_740 = math.exp %gather3A_732 : vector<16xf32>
      %add3A_741 = arith.addf %add3A_739, %exp3A_740 : vector<16xf32>
      %slice3A_742 = vector.extract_strided_slice %get3A_6 {offsets = [10], sizes = [1], strides = [1]} : vector<16xf32> to vector<1xf32>
      %squeeze3A_743 = vector.extract %slice3A_742[0] : f32 from vector<1xf32>
      %mul3A_744 = vector.broadcast %squeeze3A_743 : f32 to vector<16xf32>
      %mul3A_745 = arith.mulf %mul3A_744, %exp3A_737 : vector<16xf32>
      %div3A_746 = arith.divf %mul3A_745, %add3A_741 : vector<16xf32>
      %neg3A_747 = arith.constant 0.000000e+00 : f32
      %neg3A_748 = vector.broadcast %neg3A_747 : f32 to vector<16xf32>
      %neg3A_749 = arith.subf %neg3A_748, %div3A_746 : vector<16xf32>
      %jit3A_750 = arith.constant 0.000000e+00 : f32
      %broadcast_in_dim3A_751 = vector.broadcast %jit3A_750 : f32 to vector<16xf32>
      %select_n3A_752 = arith.select %ge3A_316, %neg3A_749, %broadcast_in_dim3A_751 : vector<16xi1>, vector<16xf32>
      %neg3A_753 = arith.constant 0.000000e+00 : f32
      %neg3A_754 = vector.broadcast %neg3A_753 : f32 to vector<16xf32>
      %neg3A_755 = arith.subf %neg3A_754, %gather3A_733 : vector<16xf32>
      %exp3A_756 = math.exp %neg3A_755 : vector<16xf32>
      %add3A_757 = arith.addf %exp3A_756, %exp3A_331 : vector<16xf32>
      %add3A_758 = arith.addf %add3A_757, %exp3A_738 : vector<16xf32>
      %slice3A_759 = vector.extract_strided_slice %get3A_6 {offsets = [10], sizes = [1], strides = [1]} : vector<16xf32> to vector<1xf32>
      %squeeze3A_760 = vector.extract %slice3A_759[0] : f32 from vector<1xf32>
      %mul3A_761 = vector.broadcast %squeeze3A_760 : f32 to vector<16xf32>
      %mul3A_762 = arith.mulf %mul3A_761, %exp3A_738 : vector<16xf32>
      %div3A_763 = arith.divf %mul3A_762, %add3A_758 : vector<16xf32>
      %jit3A_764 = arith.constant 0.000000e+00 : f32
      %broadcast_in_dim3A_765 = vector.broadcast %jit3A_764 : f32 to vector<16xf32>
      %select_n3A_766 = arith.select %ge3A_321, %div3A_763, %broadcast_in_dim3A_765 : vector<16xi1>, vector<16xf32>
      %add3A_767 = arith.addf %gather3A_731, %select_n3A_752 : vector<16xf32>
      %add3A_768 = arith.addf %add3A_767, %select_n3A_766 : vector<16xf32>
      tpu.vector_store_idx %arg21[%add3A_335, %broadcast_in_dim3A_730], %add3A_768 : memref<1568x16xf32, #tpu.memory_space<vmem>>[vector<16xi32>, vector<16xi32>], vector<16xf32>,
      %broadcast_in_dim3A_769 = arith.constant 11 : i32
      %broadcast_in_dim3A_770 = vector.broadcast %broadcast_in_dim3A_769 : i32 to vector<16xi32>
      %gather3A_771 = tpu.vector_load_idx %arg21[%add3A_335, %broadcast_in_dim3A_770] : memref<1568x16xf32, #tpu.memory_space<vmem>>[vector<16xi32>, vector<16xi32>], vector<16xf32>,
      %gather3A_772 = tpu.vector_load_idx %arg19[%add3A_335, %broadcast_in_dim3A_770] : memref<1568x16xf32, #tpu.memory_space<vmem>>[vector<16xi32>, vector<16xi32>], vector<16xf32>,
      %gather3A_773 = tpu.vector_load_idx %arg20[%add3A_335, %broadcast_in_dim3A_770] : memref<1568x16xf32, #tpu.memory_space<vmem>>[vector<16xi32>, vector<16xi32>], vector<16xf32>,
      %neg3A_774 = arith.constant 0.000000e+00 : f32
      %neg3A_775 = vector.broadcast %neg3A_774 : f32 to vector<16xf32>
      %neg3A_776 = arith.subf %neg3A_775, %gather3A_771 : vector<16xf32>
      %exp3A_777 = math.exp %neg3A_776 : vector<16xf32>
      %exp3A_778 = math.exp %gather3A_771 : vector<16xf32>
      %add3A_779 = arith.addf %exp3A_777, %exp3A : vector<16xf32>
      %exp3A_780 = math.exp %gather3A_772 : vector<16xf32>
      %add3A_781 = arith.addf %add3A_779, %exp3A_780 : vector<16xf32>
      %slice3A_782 = vector.extract_strided_slice %get3A_6 {offsets = [11], sizes = [1], strides = [1]} : vector<16xf32> to vector<1xf32>
      %squeeze3A_783 = vector.extract %slice3A_782[0] : f32 from vector<1xf32>
      %mul3A_784 = vector.broadcast %squeeze3A_783 : f32 to vector<16xf32>
      %mul3A_785 = arith.mulf %mul3A_784, %exp3A_777 : vector<16xf32>
      %div3A_786 = arith.divf %mul3A_785, %add3A_781 : vector<16xf32>
      %neg3A_787 = arith.constant 0.000000e+00 : f32
      %neg3A_788 = vector.broadcast %neg3A_787 : f32 to vector<16xf32>
      %neg3A_789 = arith.subf %neg3A_788, %div3A_786 : vector<16xf32>
      %jit3A_790 = arith.constant 0.000000e+00 : f32
      %broadcast_in_dim3A_791 = vector.broadcast %jit3A_790 : f32 to vector<16xf32>
      %select_n3A_792 = arith.select %ge3A_316, %neg3A_789, %broadcast_in_dim3A_791 : vector<16xi1>, vector<16xf32>
      %neg3A_793 = arith.constant 0.000000e+00 : f32
      %neg3A_794 = vector.broadcast %neg3A_793 : f32 to vector<16xf32>
      %neg3A_795 = arith.subf %neg3A_794, %gather3A_773 : vector<16xf32>
      %exp3A_796 = math.exp %neg3A_795 : vector<16xf32>
      %add3A_797 = arith.addf %exp3A_796, %exp3A_331 : vector<16xf32>
      %add3A_798 = arith.addf %add3A_797, %exp3A_778 : vector<16xf32>
      %slice3A_799 = vector.extract_strided_slice %get3A_6 {offsets = [11], sizes = [1], strides = [1]} : vector<16xf32> to vector<1xf32>
      %squeeze3A_800 = vector.extract %slice3A_799[0] : f32 from vector<1xf32>
      %mul3A_801 = vector.broadcast %squeeze3A_800 : f32 to vector<16xf32>
      %mul3A_802 = arith.mulf %mul3A_801, %exp3A_778 : vector<16xf32>
      %div3A_803 = arith.divf %mul3A_802, %add3A_798 : vector<16xf32>
      %jit3A_804 = arith.constant 0.000000e+00 : f32
      %broadcast_in_dim3A_805 = vector.broadcast %jit3A_804 : f32 to vector<16xf32>
      %select_n3A_806 = arith.select %ge3A_321, %div3A_803, %broadcast_in_dim3A_805 : vector<16xi1>, vector<16xf32>
      %add3A_807 = arith.addf %gather3A_771, %select_n3A_792 : vector<16xf32>
      %add3A_808 = arith.addf %add3A_807, %select_n3A_806 : vector<16xf32>
      tpu.vector_store_idx %arg21[%add3A_335, %broadcast_in_dim3A_770], %add3A_808 : memref<1568x16xf32, #tpu.memory_space<vmem>>[vector<16xi32>, vector<16xi32>], vector<16xf32>,
      %broadcast_in_dim3A_809 = arith.constant 12 : i32
      %broadcast_in_dim3A_810 = vector.broadcast %broadcast_in_dim3A_809 : i32 to vector<16xi32>
      %gather3A_811 = tpu.vector_load_idx %arg21[%add3A_335, %broadcast_in_dim3A_810] : memref<1568x16xf32, #tpu.memory_space<vmem>>[vector<16xi32>, vector<16xi32>], vector<16xf32>,
      %gather3A_812 = tpu.vector_load_idx %arg19[%add3A_335, %broadcast_in_dim3A_810] : memref<1568x16xf32, #tpu.memory_space<vmem>>[vector<16xi32>, vector<16xi32>], vector<16xf32>,
      %gather3A_813 = tpu.vector_load_idx %arg20[%add3A_335, %broadcast_in_dim3A_810] : memref<1568x16xf32, #tpu.memory_space<vmem>>[vector<16xi32>, vector<16xi32>], vector<16xf32>,
      %neg3A_814 = arith.constant 0.000000e+00 : f32
      %neg3A_815 = vector.broadcast %neg3A_814 : f32 to vector<16xf32>
      %neg3A_816 = arith.subf %neg3A_815, %gather3A_811 : vector<16xf32>
      %exp3A_817 = math.exp %neg3A_816 : vector<16xf32>
      %exp3A_818 = math.exp %gather3A_811 : vector<16xf32>
      %add3A_819 = arith.addf %exp3A_817, %exp3A : vector<16xf32>
      %exp3A_820 = math.exp %gather3A_812 : vector<16xf32>
      %add3A_821 = arith.addf %add3A_819, %exp3A_820 : vector<16xf32>
      %slice3A_822 = vector.extract_strided_slice %get3A_6 {offsets = [12], sizes = [1], strides = [1]} : vector<16xf32> to vector<1xf32>
      %squeeze3A_823 = vector.extract %slice3A_822[0] : f32 from vector<1xf32>
      %mul3A_824 = vector.broadcast %squeeze3A_823 : f32 to vector<16xf32>
      %mul3A_825 = arith.mulf %mul3A_824, %exp3A_817 : vector<16xf32>
      %div3A_826 = arith.divf %mul3A_825, %add3A_821 : vector<16xf32>
      %neg3A_827 = arith.constant 0.000000e+00 : f32
      %neg3A_828 = vector.broadcast %neg3A_827 : f32 to vector<16xf32>
      %neg3A_829 = arith.subf %neg3A_828, %div3A_826 : vector<16xf32>
      %jit3A_830 = arith.constant 0.000000e+00 : f32
      %broadcast_in_dim3A_831 = vector.broadcast %jit3A_830 : f32 to vector<16xf32>
      %select_n3A_832 = arith.select %ge3A_316, %neg3A_829, %broadcast_in_dim3A_831 : vector<16xi1>, vector<16xf32>
      %neg3A_833 = arith.constant 0.000000e+00 : f32
      %neg3A_834 = vector.broadcast %neg3A_833 : f32 to vector<16xf32>
      %neg3A_835 = arith.subf %neg3A_834, %gather3A_813 : vector<16xf32>
      %exp3A_836 = math.exp %neg3A_835 : vector<16xf32>
      %add3A_837 = arith.addf %exp3A_836, %exp3A_331 : vector<16xf32>
      %add3A_838 = arith.addf %add3A_837, %exp3A_818 : vector<16xf32>
      %slice3A_839 = vector.extract_strided_slice %get3A_6 {offsets = [12], sizes = [1], strides = [1]} : vector<16xf32> to vector<1xf32>
      %squeeze3A_840 = vector.extract %slice3A_839[0] : f32 from vector<1xf32>
      %mul3A_841 = vector.broadcast %squeeze3A_840 : f32 to vector<16xf32>
      %mul3A_842 = arith.mulf %mul3A_841, %exp3A_818 : vector<16xf32>
      %div3A_843 = arith.divf %mul3A_842, %add3A_838 : vector<16xf32>
      %jit3A_844 = arith.constant 0.000000e+00 : f32
      %broadcast_in_dim3A_845 = vector.broadcast %jit3A_844 : f32 to vector<16xf32>
      %select_n3A_846 = arith.select %ge3A_321, %div3A_843, %broadcast_in_dim3A_845 : vector<16xi1>, vector<16xf32>
      %add3A_847 = arith.addf %gather3A_811, %select_n3A_832 : vector<16xf32>
      %add3A_848 = arith.addf %add3A_847, %select_n3A_846 : vector<16xf32>
      tpu.vector_store_idx %arg21[%add3A_335, %broadcast_in_dim3A_810], %add3A_848 : memref<1568x16xf32, #tpu.memory_space<vmem>>[vector<16xi32>, vector<16xi32>], vector<16xf32>,
      %broadcast_in_dim3A_849 = arith.constant 13 : i32
      %broadcast_in_dim3A_850 = vector.broadcast %broadcast_in_dim3A_849 : i32 to vector<16xi32>
      %gather3A_851 = tpu.vector_load_idx %arg21[%add3A_335, %broadcast_in_dim3A_850] : memref<1568x16xf32, #tpu.memory_space<vmem>>[vector<16xi32>, vector<16xi32>], vector<16xf32>,
      %gather3A_852 = tpu.vector_load_idx %arg19[%add3A_335, %broadcast_in_dim3A_850] : memref<1568x16xf32, #tpu.memory_space<vmem>>[vector<16xi32>, vector<16xi32>], vector<16xf32>,
      %gather3A_853 = tpu.vector_load_idx %arg20[%add3A_335, %broadcast_in_dim3A_850] : memref<1568x16xf32, #tpu.memory_space<vmem>>[vector<16xi32>, vector<16xi32>], vector<16xf32>,
      %neg3A_854 = arith.constant 0.000000e+00 : f32
      %neg3A_855 = vector.broadcast %neg3A_854 : f32 to vector<16xf32>
      %neg3A_856 = arith.subf %neg3A_855, %gather3A_851 : vector<16xf32>
      %exp3A_857 = math.exp %neg3A_856 : vector<16xf32>
      %exp3A_858 = math.exp %gather3A_851 : vector<16xf32>
      %add3A_859 = arith.addf %exp3A_857, %exp3A : vector<16xf32>
      %exp3A_860 = math.exp %gather3A_852 : vector<16xf32>
      %add3A_861 = arith.addf %add3A_859, %exp3A_860 : vector<16xf32>
      %slice3A_862 = vector.extract_strided_slice %get3A_6 {offsets = [13], sizes = [1], strides = [1]} : vector<16xf32> to vector<1xf32>
      %squeeze3A_863 = vector.extract %slice3A_862[0] : f32 from vector<1xf32>
      %mul3A_864 = vector.broadcast %squeeze3A_863 : f32 to vector<16xf32>
      %mul3A_865 = arith.mulf %mul3A_864, %exp3A_857 : vector<16xf32>
      %div3A_866 = arith.divf %mul3A_865, %add3A_861 : vector<16xf32>
      %neg3A_867 = arith.constant 0.000000e+00 : f32
      %neg3A_868 = vector.broadcast %neg3A_867 : f32 to vector<16xf32>
      %neg3A_869 = arith.subf %neg3A_868, %div3A_866 : vector<16xf32>
      %jit3A_870 = arith.constant 0.000000e+00 : f32
      %broadcast_in_dim3A_871 = vector.broadcast %jit3A_870 : f32 to vector<16xf32>
      %select_n3A_872 = arith.select %ge3A_316, %neg3A_869, %broadcast_in_dim3A_871 : vector<16xi1>, vector<16xf32>
      %neg3A_873 = arith.constant 0.000000e+00 : f32
      %neg3A_874 = vector.broadcast %neg3A_873 : f32 to vector<16xf32>
      %neg3A_875 = arith.subf %neg3A_874, %gather3A_853 : vector<16xf32>
      %exp3A_876 = math.exp %neg3A_875 : vector<16xf32>
      %add3A_877 = arith.addf %exp3A_876, %exp3A_331 : vector<16xf32>
      %add3A_878 = arith.addf %add3A_877, %exp3A_858 : vector<16xf32>
      %slice3A_879 = vector.extract_strided_slice %get3A_6 {offsets = [13], sizes = [1], strides = [1]} : vector<16xf32> to vector<1xf32>
      %squeeze3A_880 = vector.extract %slice3A_879[0] : f32 from vector<1xf32>
      %mul3A_881 = vector.broadcast %squeeze3A_880 : f32 to vector<16xf32>
      %mul3A_882 = arith.mulf %mul3A_881, %exp3A_858 : vector<16xf32>
      %div3A_883 = arith.divf %mul3A_882, %add3A_878 : vector<16xf32>
      %jit3A_884 = arith.constant 0.000000e+00 : f32
      %broadcast_in_dim3A_885 = vector.broadcast %jit3A_884 : f32 to vector<16xf32>
      %select_n3A_886 = arith.select %ge3A_321, %div3A_883, %broadcast_in_dim3A_885 : vector<16xi1>, vector<16xf32>
      %add3A_887 = arith.addf %gather3A_851, %select_n3A_872 : vector<16xf32>
      %add3A_888 = arith.addf %add3A_887, %select_n3A_886 : vector<16xf32>
      tpu.vector_store_idx %arg21[%add3A_335, %broadcast_in_dim3A_850], %add3A_888 : memref<1568x16xf32, #tpu.memory_space<vmem>>[vector<16xi32>, vector<16xi32>], vector<16xf32>,
      %broadcast_in_dim3A_889 = arith.constant 14 : i32
      %broadcast_in_dim3A_890 = vector.broadcast %broadcast_in_dim3A_889 : i32 to vector<16xi32>
      %gather3A_891 = tpu.vector_load_idx %arg21[%add3A_335, %broadcast_in_dim3A_890] : memref<1568x16xf32, #tpu.memory_space<vmem>>[vector<16xi32>, vector<16xi32>], vector<16xf32>,
      %gather3A_892 = tpu.vector_load_idx %arg19[%add3A_335, %broadcast_in_dim3A_890] : memref<1568x16xf32, #tpu.memory_space<vmem>>[vector<16xi32>, vector<16xi32>], vector<16xf32>,
      %gather3A_893 = tpu.vector_load_idx %arg20[%add3A_335, %broadcast_in_dim3A_890] : memref<1568x16xf32, #tpu.memory_space<vmem>>[vector<16xi32>, vector<16xi32>], vector<16xf32>,
      %neg3A_894 = arith.constant 0.000000e+00 : f32
      %neg3A_895 = vector.broadcast %neg3A_894 : f32 to vector<16xf32>
      %neg3A_896 = arith.subf %neg3A_895, %gather3A_891 : vector<16xf32>
      %exp3A_897 = math.exp %neg3A_896 : vector<16xf32>
      %exp3A_898 = math.exp %gather3A_891 : vector<16xf32>
      %add3A_899 = arith.addf %exp3A_897, %exp3A : vector<16xf32>
      %exp3A_900 = math.exp %gather3A_892 : vector<16xf32>
      %add3A_901 = arith.addf %add3A_899, %exp3A_900 : vector<16xf32>
      %slice3A_902 = vector.extract_strided_slice %get3A_6 {offsets = [14], sizes = [1], strides = [1]} : vector<16xf32> to vector<1xf32>
      %squeeze3A_903 = vector.extract %slice3A_902[0] : f32 from vector<1xf32>
      %mul3A_904 = vector.broadcast %squeeze3A_903 : f32 to vector<16xf32>
      %mul3A_905 = arith.mulf %mul3A_904, %exp3A_897 : vector<16xf32>
      %div3A_906 = arith.divf %mul3A_905, %add3A_901 : vector<16xf32>
      %neg3A_907 = arith.constant 0.000000e+00 : f32
      %neg3A_908 = vector.broadcast %neg3A_907 : f32 to vector<16xf32>
      %neg3A_909 = arith.subf %neg3A_908, %div3A_906 : vector<16xf32>
      %jit3A_910 = arith.constant 0.000000e+00 : f32
      %broadcast_in_dim3A_911 = vector.broadcast %jit3A_910 : f32 to vector<16xf32>
      %select_n3A_912 = arith.select %ge3A_316, %neg3A_909, %broadcast_in_dim3A_911 : vector<16xi1>, vector<16xf32>
      %neg3A_913 = arith.constant 0.000000e+00 : f32
      %neg3A_914 = vector.broadcast %neg3A_913 : f32 to vector<16xf32>
      %neg3A_915 = arith.subf %neg3A_914, %gather3A_893 : vector<16xf32>
      %exp3A_916 = math.exp %neg3A_915 : vector<16xf32>
      %add3A_917 = arith.addf %exp3A_916, %exp3A_331 : vector<16xf32>
      %add3A_918 = arith.addf %add3A_917, %exp3A_898 : vector<16xf32>
      %slice3A_919 = vector.extract_strided_slice %get3A_6 {offsets = [14], sizes = [1], strides = [1]} : vector<16xf32> to vector<1xf32>
      %squeeze3A_920 = vector.extract %slice3A_919[0] : f32 from vector<1xf32>
      %mul3A_921 = vector.broadcast %squeeze3A_920 : f32 to vector<16xf32>
      %mul3A_922 = arith.mulf %mul3A_921, %exp3A_898 : vector<16xf32>
      %div3A_923 = arith.divf %mul3A_922, %add3A_918 : vector<16xf32>
      %jit3A_924 = arith.constant 0.000000e+00 : f32
      %broadcast_in_dim3A_925 = vector.broadcast %jit3A_924 : f32 to vector<16xf32>
      %select_n3A_926 = arith.select %ge3A_321, %div3A_923, %broadcast_in_dim3A_925 : vector<16xi1>, vector<16xf32>
      %add3A_927 = arith.addf %gather3A_891, %select_n3A_912 : vector<16xf32>
      %add3A_928 = arith.addf %add3A_927, %select_n3A_926 : vector<16xf32>
      tpu.vector_store_idx %arg21[%add3A_335, %broadcast_in_dim3A_890], %add3A_928 : memref<1568x16xf32, #tpu.memory_space<vmem>>[vector<16xi32>, vector<16xi32>], vector<16xf32>,
      %broadcast_in_dim3A_929 = arith.constant 15 : i32
      %broadcast_in_dim3A_930 = vector.broadcast %broadcast_in_dim3A_929 : i32 to vector<16xi32>
      %gather3A_931 = tpu.vector_load_idx %arg21[%add3A_335, %broadcast_in_dim3A_930] : memref<1568x16xf32, #tpu.memory_space<vmem>>[vector<16xi32>, vector<16xi32>], vector<16xf32>,
      %gather3A_932 = tpu.vector_load_idx %arg19[%add3A_335, %broadcast_in_dim3A_930] : memref<1568x16xf32, #tpu.memory_space<vmem>>[vector<16xi32>, vector<16xi32>], vector<16xf32>,
      %gather3A_933 = tpu.vector_load_idx %arg20[%add3A_335, %broadcast_in_dim3A_930] : memref<1568x16xf32, #tpu.memory_space<vmem>>[vector<16xi32>, vector<16xi32>], vector<16xf32>,
      %neg3A_934 = arith.constant 0.000000e+00 : f32
      %neg3A_935 = vector.broadcast %neg3A_934 : f32 to vector<16xf32>
      %neg3A_936 = arith.subf %neg3A_935, %gather3A_931 : vector<16xf32>
      %exp3A_937 = math.exp %neg3A_936 : vector<16xf32>
      %exp3A_938 = math.exp %gather3A_931 : vector<16xf32>
      %add3A_939 = arith.addf %exp3A_937, %exp3A : vector<16xf32>
      %exp3A_940 = math.exp %gather3A_932 : vector<16xf32>
      %add3A_941 = arith.addf %add3A_939, %exp3A_940 : vector<16xf32>
      %slice3A_942 = vector.extract_strided_slice %get3A_6 {offsets = [15], sizes = [1], strides = [1]} : vector<16xf32> to vector<1xf32>
      %squeeze3A_943 = vector.extract %slice3A_942[0] : f32 from vector<1xf32>
      %mul3A_944 = vector.broadcast %squeeze3A_943 : f32 to vector<16xf32>
      %mul3A_945 = arith.mulf %mul3A_944, %exp3A_937 : vector<16xf32>
      %div3A_946 = arith.divf %mul3A_945, %add3A_941 : vector<16xf32>
      %neg3A_947 = arith.constant 0.000000e+00 : f32
      %neg3A_948 = vector.broadcast %neg3A_947 : f32 to vector<16xf32>
      %neg3A_949 = arith.subf %neg3A_948, %div3A_946 : vector<16xf32>
      %jit3A_950 = arith.constant 0.000000e+00 : f32
      %broadcast_in_dim3A_951 = vector.broadcast %jit3A_950 : f32 to vector<16xf32>
      %select_n3A_952 = arith.select %ge3A_316, %neg3A_949, %broadcast_in_dim3A_951 : vector<16xi1>, vector<16xf32>
      %neg3A_953 = arith.constant 0.000000e+00 : f32
      %neg3A_954 = vector.broadcast %neg3A_953 : f32 to vector<16xf32>
      %neg3A_955 = arith.subf %neg3A_954, %gather3A_933 : vector<16xf32>
      %exp3A_956 = math.exp %neg3A_955 : vector<16xf32>
      %add3A_957 = arith.addf %exp3A_956, %exp3A_331 : vector<16xf32>
      %add3A_958 = arith.addf %add3A_957, %exp3A_938 : vector<16xf32>
      %slice3A_959 = vector.extract_strided_slice %get3A_6 {offsets = [15], sizes = [1], strides = [1]} : vector<16xf32> to vector<1xf32>
      %squeeze3A_960 = vector.extract %slice3A_959[0] : f32 from vector<1xf32>
      %mul3A_961 = vector.broadcast %squeeze3A_960 : f32 to vector<16xf32>
      %mul3A_962 = arith.mulf %mul3A_961, %exp3A_938 : vector<16xf32>
      %div3A_963 = arith.divf %mul3A_962, %add3A_958 : vector<16xf32>
      %jit3A_964 = arith.constant 0.000000e+00 : f32
      %broadcast_in_dim3A_965 = vector.broadcast %jit3A_964 : f32 to vector<16xf32>
      %select_n3A_966 = arith.select %ge3A_321, %div3A_963, %broadcast_in_dim3A_965 : vector<16xi1>, vector<16xf32>
      %add3A_967 = arith.addf %gather3A_931, %select_n3A_952 : vector<16xf32>
      %add3A_968 = arith.addf %add3A_967, %select_n3A_966 : vector<16xf32>
      tpu.vector_store_idx %arg21[%add3A_335, %broadcast_in_dim3A_930], %add3A_968 : memref<1568x16xf32, #tpu.memory_space<vmem>>[vector<16xi32>, vector<16xi32>], vector<16xf32>,
      %scan3A_969 = arith.constant 0 : i32
      scf.yield %scan3A_969 : i32
    }
    %scan3A_308 = arith.constant 98 : i32
    "tpu.region"() ({
      %run_scoped3A = tpu.sem_alloc : memref<!tpu.dma_semaphore, #tpu.memory_space<semaphore_mem>>
      %dma_start3A_309 = arith.constant 0 : i32
      %dma_start3A_310 = tpu.memref_slice %arg9[%mul3A_2, %dma_start3A_309] : memref<50176x16xf32, #tpu.memory_space<hbm>> -> memref<1568x16xf32, #tpu.memory_space<hbm>>
      %dma_start3A_311 = arith.constant 0 : i32
      %dma_start3A_312 = tpu.memref_slice %arg9[%mul3A_2, %dma_start3A_311] : memref<50176x16xf32, #tpu.memory_space<hbm>> -> memref<1568x16xf32, #tpu.memory_space<hbm>>
      tpu.enqueue_dma source(%arg21 : memref<1568x16xf32, #tpu.memory_space<vmem>>) target(%dma_start3A_312 : memref<1568x16xf32, #tpu.memory_space<hbm>>) target_semaphore(%run_scoped3A : memref<!tpu.dma_semaphore, #tpu.memory_space<semaphore_mem>>)
      %dma_wait3A_313 = arith.constant 0 : i32
      %dma_wait3A_314 = tpu.memref_slice %arg9[%mul3A_2, %dma_wait3A_313] : memref<50176x16xf32, #tpu.memory_space<hbm>> -> memref<1568x16xf32, #tpu.memory_space<hbm>>
      %dma_wait3A_315 = arith.constant 0 : i32
      %dma_wait3A_316 = tpu.memref_slice %arg9[%mul3A_2, %dma_wait3A_315] : memref<50176x16xf32, #tpu.memory_space<hbm>> -> memref<1568x16xf32, #tpu.memory_space<hbm>>
      tpu.wait_dma2 semaphore(%run_scoped3A : memref<!tpu.dma_semaphore, #tpu.memory_space<semaphore_mem>>) src(%arg21 : memref<1568x16xf32, #tpu.memory_space<vmem>>) dst(%dma_wait3A_316 : memref<1568x16xf32, #tpu.memory_space<hbm>>)
      tpu.yield
    }) : () -> ()
    return
  }
}

#map = affine_map<(d0, d1) -> (0, 0)>
#map1 = affine_map<(d0, d1) -> (0)>
module attributes {stable_mosaic.version = 14 : i64} {
  func.func @_k1(%arg0: i32, %arg1: i32, %arg2: memref<50000x16xf32, #tpu.memory_space<hbm>>, %arg3: memref<4xf32, #tpu.memory_space<hbm>>, %arg4: memref<50176x16xf32, #tpu.memory_space<hbm>>, %arg5: memref<2x112x16xf32, #tpu.memory_space<vmem>>, %arg6: memref<2x112x16xf32, #tpu.memory_space<vmem>>, %arg7: memref<16xf32, #tpu.memory_space<vmem>>, %arg8: memref<2x!tpu.dma_semaphore, #tpu.memory_space<semaphore_mem>>, %arg9: memref<2x!tpu.dma_semaphore, #tpu.memory_space<semaphore_mem>>) attributes {dimension_semantics = [#tpu.dimension_semantics<core_parallel>, #tpu.dimension_semantics<subcore_parallel>], iteration_bounds = array<i64: 2, 16>, scalar_prefetch = 0 : i64, scratch_operands = 5 : i64, tpu.core_type = #tpu.core_type<sc_vector_subcore>, window_params = [{transform_indices = #map}, {transform_indices = #map1}, {transform_indices = #map}]} {
    %mul3A = arith.constant 2 : i32
    %mul3A_0 = arith.muli %arg1, %mul3A : i32
    %add3A = arith.addi %mul3A_0, %arg0 : i32
    %iota3A = tpu.iota {dimensions = array<i32: 0>} : vector<16xi32>
    %broadcast_in_dim3A = arith.constant 0.000000e+00 : f32
    %broadcast_in_dim3A_1 = vector.broadcast %broadcast_in_dim3A : f32 to vector<16xf32>
    %swap3A = arith.constant 0 : index
    %swap3A_2 = tpu.vector_load %arg7[%swap3A] {strides = array<i32>} : memref<16xf32, #tpu.memory_space<vmem>>, vector<16xf32>,
    tpu.vector_store %arg7[%swap3A], %broadcast_in_dim3A_1 {strides = array<i32>} : memref<16xf32, #tpu.memory_space<vmem>>, vector<16xf32>,
    "tpu.region"() ({
      %run_scoped3A = tpu.sem_alloc : memref<!tpu.dma_semaphore, #tpu.memory_space<semaphore_mem>>
      %dma_start3A_116 = arith.constant 0 : i32
      %dma_start3A_117 = tpu.memref_slice %arg7[%dma_start3A_116] : memref<16xf32, #tpu.memory_space<vmem>> -> memref<4xf32, #tpu.memory_space<vmem>>
      %dma_start3A_118 = arith.constant 0 : i32
      %dma_start3A_119 = tpu.memref_slice %arg7[%dma_start3A_118] : memref<16xf32, #tpu.memory_space<vmem>> -> memref<4xf32, #tpu.memory_space<vmem>>
      tpu.enqueue_dma source(%arg3 : memref<4xf32, #tpu.memory_space<hbm>>) target(%dma_start3A_119 : memref<4xf32, #tpu.memory_space<vmem>>) target_semaphore(%run_scoped3A : memref<!tpu.dma_semaphore, #tpu.memory_space<semaphore_mem>>)
      %dma_wait3A_120 = arith.constant 0 : i32
      %dma_wait3A_121 = tpu.memref_slice %arg7[%dma_wait3A_120] : memref<16xf32, #tpu.memory_space<vmem>> -> memref<4xf32, #tpu.memory_space<vmem>>
      %dma_wait3A_122 = arith.constant 0 : i32
      %dma_wait3A_123 = tpu.memref_slice %arg7[%dma_wait3A_122] : memref<16xf32, #tpu.memory_space<vmem>> -> memref<4xf32, #tpu.memory_space<vmem>>
      tpu.wait_dma2 semaphore(%run_scoped3A : memref<!tpu.dma_semaphore, #tpu.memory_space<semaphore_mem>>) src(%arg3 : memref<4xf32, #tpu.memory_space<hbm>>) dst(%dma_wait3A_123 : memref<4xf32, #tpu.memory_space<vmem>>)
      tpu.yield
    }) : () -> ()
    %get3A = arith.constant 0 : index
    %get3A_3 = tpu.vector_load %arg7[%get3A] {strides = array<i32>} : memref<16xf32, #tpu.memory_space<vmem>>, vector<16xf32>,
    %shift_right_arithmetic3A = arith.constant 1 : i32
    %shift_right_arithmetic3A_4 = vector.broadcast %shift_right_arithmetic3A : i32 to vector<16xi32>
    %shift_right_arithmetic3A_5 = arith.shrsi %iota3A, %shift_right_arithmetic3A_4 : vector<16xi32>
    %lt3A = arith.constant 0 : i32
    %lt3A_6 = vector.broadcast %lt3A : i32 to vector<16xi32>
    %lt3A_7 = arith.cmpi slt, %shift_right_arithmetic3A_5, %lt3A_6 : vector<16xi32>
    %add3A_8 = arith.constant 16 : i32
    %add3A_9 = vector.broadcast %add3A_8 : i32 to vector<16xi32>
    %add3A_10 = arith.addi %shift_right_arithmetic3A_5, %add3A_9 : vector<16xi32>
    %select_n3A = arith.select %lt3A_7, %add3A_10, %shift_right_arithmetic3A_5 : vector<16xi1>, vector<16xi32>
    %broadcast_in_dim3A_11 = vector.shape_cast %select_n3A : vector<16xi32> to vector<16x1xi32>
    %gather3A = vector.shape_cast %broadcast_in_dim3A_11 : vector<16x1xi32> to vector<16xi32>
    %gather3A_12 = tpu.dynamic_gather %get3A_3[%gather3A] in [0] : vector<16xf32>, vector<16xi32> -> vector<16xf32>
    %and3A = arith.constant 1 : i32
    %and3A_13 = vector.broadcast %and3A : i32 to vector<16xi32>
    %and3A_14 = arith.andi %iota3A, %and3A_13 : vector<16xi32>
    %eq3A = arith.constant 0 : i32
    %eq3A_15 = vector.broadcast %eq3A : i32 to vector<16xi32>
    %eq3A_16 = arith.cmpi eq, %and3A_14, %eq3A_15 : vector<16xi32>
    %lt3A_17 = arith.constant 8 : i32
    %lt3A_18 = vector.broadcast %lt3A_17 : i32 to vector<16xi32>
    %lt3A_19 = arith.cmpi slt, %iota3A, %lt3A_18 : vector<16xi32>
    %and3A_20 = arith.andi %lt3A_19, %eq3A_16 : vector<16xi1>
    %jit3A = arith.constant 1.000000e+00 : f32
    %jit3A_21 = arith.constant 0.000000e+00 : f32
    %broadcast_in_dim3A_22 = vector.broadcast %jit3A : f32 to vector<16xf32>
    %broadcast_in_dim3A_23 = vector.broadcast %jit3A_21 : f32 to vector<16xf32>
    %select_n3A_24 = arith.select %lt3A_19, %broadcast_in_dim3A_22, %broadcast_in_dim3A_23 : vector<16xi1>, vector<16xf32>
    %jit3A_25 = arith.constant -1.000000e+00 : f32
    %broadcast_in_dim3A_26 = vector.broadcast %jit3A_25 : f32 to vector<16xf32>
    %select_n3A_27 = arith.select %and3A_20, %broadcast_in_dim3A_26, %select_n3A_24 : vector<16xi1>, vector<16xf32>
    %xor3A = arith.constant 1 : i32
    %xor3A_28 = vector.broadcast %xor3A : i32 to vector<16xi32>
    %xor3A_29 = arith.xori %iota3A, %xor3A_28 : vector<16xi32>
    %select_n3A_30 = arith.select %lt3A_19, %xor3A_29, %iota3A : vector<16xi1>, vector<16xi32>
    %mul3A_31 = arith.constant 1568 : i32
    %mul3A_32 = arith.muli %add3A, %mul3A_31 : i32
    %add3A_33 = arith.constant 0 : i32
    %add3A_34 = arith.addi %mul3A_32, %add3A_33 : i32
    %min3A = arith.constant 49888 : i32
    %min3A_35 = arith.minsi %add3A_34, %min3A : i32
    %dma_start3A = arith.constant 0 : i32
    %dma_start3A_36 = arith.constant 0 : i32
    %dma_start3A_37 = arith.constant 0 : i32
    %dma_start3A_38 = arith.constant 0 : i32
    %dma_start3A_39 = tpu.memref_slice %arg5[%dma_start3A, %dma_start3A_37, %dma_start3A_38] : memref<2x112x16xf32, #tpu.memory_space<vmem>> -> memref<1x112x16xf32, #tpu.memory_space<vmem>>
    %dma_start3A_40 = tpu.memref_squeeze %dma_start3A_39 : memref<1x112x16xf32, #tpu.memory_space<vmem>> -> memref<112x16xf32, #tpu.memory_space<vmem>>
    %dma_start3A_41 = arith.constant 0 : i32
    %dma_start3A_42 = tpu.memref_slice %arg2[%min3A_35, %dma_start3A_41] : memref<50000x16xf32, #tpu.memory_space<hbm>> -> memref<112x16xf32, #tpu.memory_space<hbm>>
    %dma_start3A_43 = tpu.memref_slice %arg8[%dma_start3A_36] : memref<2x!tpu.dma_semaphore, #tpu.memory_space<semaphore_mem>> -> memref<1x!tpu.dma_semaphore, #tpu.memory_space<semaphore_mem>>
    %dma_start3A_44 = tpu.memref_squeeze %dma_start3A_43 : memref<1x!tpu.dma_semaphore, #tpu.memory_space<semaphore_mem>> -> memref<!tpu.dma_semaphore, #tpu.memory_space<semaphore_mem>>
    %dma_start3A_45 = arith.constant 0 : i32
    %dma_start3A_46 = arith.constant 0 : i32
    %dma_start3A_47 = tpu.memref_slice %arg5[%dma_start3A, %dma_start3A_45, %dma_start3A_46] : memref<2x112x16xf32, #tpu.memory_space<vmem>> -> memref<1x112x16xf32, #tpu.memory_space<vmem>>
    %dma_start3A_48 = tpu.memref_squeeze %dma_start3A_47 : memref<1x112x16xf32, #tpu.memory_space<vmem>> -> memref<112x16xf32, #tpu.memory_space<vmem>>
    %dma_start3A_49 = arith.constant 0 : i32
    %dma_start3A_50 = tpu.memref_slice %arg2[%min3A_35, %dma_start3A_49] : memref<50000x16xf32, #tpu.memory_space<hbm>> -> memref<112x16xf32, #tpu.memory_space<hbm>>
    tpu.enqueue_dma source(%dma_start3A_50 : memref<112x16xf32, #tpu.memory_space<hbm>>) target(%dma_start3A_48 : memref<112x16xf32, #tpu.memory_space<vmem>>) target_semaphore(%dma_start3A_44 : memref<!tpu.dma_semaphore, #tpu.memory_space<semaphore_mem>>)
    %add3A_51 = arith.constant 112 : i32
    %add3A_52 = arith.addi %mul3A_32, %add3A_51 : i32
    %min3A_53 = arith.constant 49888 : i32
    %min3A_54 = arith.minsi %add3A_52, %min3A_53 : i32
    %dma_start3A_55 = arith.constant 1 : i32
    %dma_start3A_56 = arith.constant 1 : i32
    %dma_start3A_57 = arith.constant 0 : i32
    %dma_start3A_58 = arith.constant 0 : i32
    %dma_start3A_59 = tpu.memref_slice %arg5[%dma_start3A_55, %dma_start3A_57, %dma_start3A_58] : memref<2x112x16xf32, #tpu.memory_space<vmem>> -> memref<1x112x16xf32, #tpu.memory_space<vmem>>
    %dma_start3A_60 = tpu.memref_squeeze %dma_start3A_59 : memref<1x112x16xf32, #tpu.memory_space<vmem>> -> memref<112x16xf32, #tpu.memory_space<vmem>>
    %dma_start3A_61 = arith.constant 0 : i32
    %dma_start3A_62 = tpu.memref_slice %arg2[%min3A_54, %dma_start3A_61] : memref<50000x16xf32, #tpu.memory_space<hbm>> -> memref<112x16xf32, #tpu.memory_space<hbm>>
    %dma_start3A_63 = tpu.memref_slice %arg8[%dma_start3A_56] : memref<2x!tpu.dma_semaphore, #tpu.memory_space<semaphore_mem>> -> memref<1x!tpu.dma_semaphore, #tpu.memory_space<semaphore_mem>>
    %dma_start3A_64 = tpu.memref_squeeze %dma_start3A_63 : memref<1x!tpu.dma_semaphore, #tpu.memory_space<semaphore_mem>> -> memref<!tpu.dma_semaphore, #tpu.memory_space<semaphore_mem>>
    %dma_start3A_65 = arith.constant 0 : i32
    %dma_start3A_66 = arith.constant 0 : i32
    %dma_start3A_67 = tpu.memref_slice %arg5[%dma_start3A_55, %dma_start3A_65, %dma_start3A_66] : memref<2x112x16xf32, #tpu.memory_space<vmem>> -> memref<1x112x16xf32, #tpu.memory_space<vmem>>
    %dma_start3A_68 = tpu.memref_squeeze %dma_start3A_67 : memref<1x112x16xf32, #tpu.memory_space<vmem>> -> memref<112x16xf32, #tpu.memory_space<vmem>>
    %dma_start3A_69 = arith.constant 0 : i32
    %dma_start3A_70 = tpu.memref_slice %arg2[%min3A_54, %dma_start3A_69] : memref<50000x16xf32, #tpu.memory_space<hbm>> -> memref<112x16xf32, #tpu.memory_space<hbm>>
    tpu.enqueue_dma source(%dma_start3A_70 : memref<112x16xf32, #tpu.memory_space<hbm>>) target(%dma_start3A_68 : memref<112x16xf32, #tpu.memory_space<vmem>>) target_semaphore(%dma_start3A_64 : memref<!tpu.dma_semaphore, #tpu.memory_space<semaphore_mem>>)
    %scan3A = arith.constant 0 : i32
    %scan3A_71 = arith.constant 0 : i32
    %scan3A_72 = arith.constant 14 : i32
    %scan3A_73 = arith.addi %scan3A_71, %scan3A_72 : i32
    %scan3A_74 = arith.constant 1 : i32
    %scan3A_75 = scf.for %scan3A_116 = %scan3A_71 to %scan3A_73 step %scan3A_74 iter_args(%scan3A_117 = %scan3A) -> (i32)  : i32 {
      %rem3A = arith.constant 2 : i32
      %rem3A_118 = arith.remsi %scan3A_116, %rem3A : i32
      %mul3A_119 = arith.constant 112 : i32
      %mul3A_120 = arith.muli %scan3A_116, %mul3A_119 : i32
      %add3A_121 = arith.addi %mul3A_32, %mul3A_120 : i32
      %min3A_122 = arith.constant 49888 : i32
      %min3A_123 = arith.minsi %add3A_121, %min3A_122 : i32
      %dma_wait3A_124 = arith.constant 0 : i32
      %dma_wait3A_125 = arith.constant 0 : i32
      %dma_wait3A_126 = tpu.memref_slice %arg5[%rem3A_118, %dma_wait3A_124, %dma_wait3A_125] : memref<2x112x16xf32, #tpu.memory_space<vmem>> -> memref<1x112x16xf32, #tpu.memory_space<vmem>>
      %dma_wait3A_127 = tpu.memref_squeeze %dma_wait3A_126 : memref<1x112x16xf32, #tpu.memory_space<vmem>> -> memref<112x16xf32, #tpu.memory_space<vmem>>
      %dma_wait3A_128 = arith.constant 0 : i32
      %dma_wait3A_129 = tpu.memref_slice %arg2[%min3A_123, %dma_wait3A_128] : memref<50000x16xf32, #tpu.memory_space<hbm>> -> memref<112x16xf32, #tpu.memory_space<hbm>>
      %dma_wait3A_130 = tpu.memref_slice %arg8[%rem3A_118] : memref<2x!tpu.dma_semaphore, #tpu.memory_space<semaphore_mem>> -> memref<1x!tpu.dma_semaphore, #tpu.memory_space<semaphore_mem>>
      %dma_wait3A_131 = tpu.memref_squeeze %dma_wait3A_130 : memref<1x!tpu.dma_semaphore, #tpu.memory_space<semaphore_mem>> -> memref<!tpu.dma_semaphore, #tpu.memory_space<semaphore_mem>>
      %dma_wait3A_132 = arith.constant 0 : i32
      %dma_wait3A_133 = arith.constant 0 : i32
      %dma_wait3A_134 = tpu.memref_slice %arg5[%rem3A_118, %dma_wait3A_132, %dma_wait3A_133] : memref<2x112x16xf32, #tpu.memory_space<vmem>> -> memref<1x112x16xf32, #tpu.memory_space<vmem>>
      %dma_wait3A_135 = tpu.memref_squeeze %dma_wait3A_134 : memref<1x112x16xf32, #tpu.memory_space<vmem>> -> memref<112x16xf32, #tpu.memory_space<vmem>>
      %dma_wait3A_136 = arith.constant 0 : i32
      %dma_wait3A_137 = tpu.memref_slice %arg2[%min3A_123, %dma_wait3A_136] : memref<50000x16xf32, #tpu.memory_space<hbm>> -> memref<112x16xf32, #tpu.memory_space<hbm>>
      tpu.wait_dma2 semaphore(%dma_wait3A_131 : memref<!tpu.dma_semaphore, #tpu.memory_space<semaphore_mem>>) src(%dma_wait3A_137 : memref<112x16xf32, #tpu.memory_space<hbm>>) dst(%dma_wait3A_135 : memref<112x16xf32, #tpu.memory_space<vmem>>)
      %ge3A = arith.constant 2 : i32
      %ge3A_138 = arith.cmpi sge, %scan3A_116, %ge3A : i32
      %convert_element_type3A = arith.extui %ge3A_138 : i1 to i32
      %cond3A = arith.constant 0 : i32
      %cond3A_139 = arith.cmpi ne, %convert_element_type3A, %cond3A : i32
      scf.if %cond3A_139 {
        %sub3A = arith.constant 2 : i32
        %sub3A_174 = arith.subi %scan3A_116, %sub3A : i32
        %mul3A_175 = arith.constant 112 : i32
        %mul3A_176 = arith.muli %sub3A_174, %mul3A_175 : i32
        %add3A_177 = arith.addi %mul3A_32, %mul3A_176 : i32
        %min3A_178 = arith.constant 49888 : i32
        %min3A_179 = arith.minsi %add3A_177, %min3A_178 : i32
        %dma_wait3A_180 = arith.constant 0 : i32
        %dma_wait3A_181 = arith.constant 0 : i32
        %dma_wait3A_182 = tpu.memref_slice %arg6[%rem3A_118, %dma_wait3A_180, %dma_wait3A_181] : memref<2x112x16xf32, #tpu.memory_space<vmem>> -> memref<1x112x16xf32, #tpu.memory_space<vmem>>
        %dma_wait3A_183 = tpu.memref_squeeze %dma_wait3A_182 : memref<1x112x16xf32, #tpu.memory_space<vmem>> -> memref<112x16xf32, #tpu.memory_space<vmem>>
        %dma_wait3A_184 = arith.constant 0 : i32
        %dma_wait3A_185 = tpu.memref_slice %arg4[%min3A_179, %dma_wait3A_184] : memref<50176x16xf32, #tpu.memory_space<hbm>> -> memref<112x16xf32, #tpu.memory_space<hbm>>
        %dma_wait3A_186 = tpu.memref_slice %arg9[%rem3A_118] : memref<2x!tpu.dma_semaphore, #tpu.memory_space<semaphore_mem>> -> memref<1x!tpu.dma_semaphore, #tpu.memory_space<semaphore_mem>>
        %dma_wait3A_187 = tpu.memref_squeeze %dma_wait3A_186 : memref<1x!tpu.dma_semaphore, #tpu.memory_space<semaphore_mem>> -> memref<!tpu.dma_semaphore, #tpu.memory_space<semaphore_mem>>
        %dma_wait3A_188 = arith.constant 0 : i32
        %dma_wait3A_189 = tpu.memref_slice %arg4[%min3A_179, %dma_wait3A_188] : memref<50176x16xf32, #tpu.memory_space<hbm>> -> memref<112x16xf32, #tpu.memory_space<hbm>>
        %dma_wait3A_190 = arith.constant 0 : i32
        %dma_wait3A_191 = arith.constant 0 : i32
        %dma_wait3A_192 = tpu.memref_slice %arg6[%rem3A_118, %dma_wait3A_190, %dma_wait3A_191] : memref<2x112x16xf32, #tpu.memory_space<vmem>> -> memref<1x112x16xf32, #tpu.memory_space<vmem>>
        %dma_wait3A_193 = tpu.memref_squeeze %dma_wait3A_192 : memref<1x112x16xf32, #tpu.memory_space<vmem>> -> memref<112x16xf32, #tpu.memory_space<vmem>>
        tpu.wait_dma2 semaphore(%dma_wait3A_187 : memref<!tpu.dma_semaphore, #tpu.memory_space<semaphore_mem>>) src(%dma_wait3A_193 : memref<112x16xf32, #tpu.memory_space<vmem>>) dst(%dma_wait3A_189 : memref<112x16xf32, #tpu.memory_space<hbm>>)
      } else {
      }
      %scan3A_140 = arith.constant 0 : i32
      %scan3A_141 = arith.constant 0 : i32
      %scan3A_142 = arith.constant 112 : i32
      %scan3A_143 = arith.addi %scan3A_141, %scan3A_142 : i32
      %scan3A_144 = arith.constant 1 : i32
      %scan3A_145 = scf.for %scan3A_174 = %scan3A_141 to %scan3A_143 step %scan3A_144 iter_args(%scan3A_175 = %scan3A_140) -> (i32)  : i32 {
        %get3A_176 = arith.index_cast %rem3A_118 : i32 to index
        %get3A_177 = arith.index_cast %scan3A_174 : i32 to index
        %get3A_178 = arith.constant 0 : index
        %get3A_179 = tpu.vector_load %arg5[%get3A_176, %get3A_177, %get3A_178] {strides = array<i32>} : memref<2x112x16xf32, #tpu.memory_space<vmem>>, vector<16xf32>,
        %mul3A_180 = arith.mulf %select_n3A_27, %get3A_179 : vector<16xf32>
        %exp3A = math.exp %mul3A_180 : vector<16xf32>
        %lt3A_181 = arith.constant 0 : i32
        %lt3A_182 = vector.broadcast %lt3A_181 : i32 to vector<16xi32>
        %lt3A_183 = arith.cmpi slt, %select_n3A_30, %lt3A_182 : vector<16xi32>
        %add3A_184 = arith.constant 16 : i32
        %add3A_185 = vector.broadcast %add3A_184 : i32 to vector<16xi32>
        %add3A_186 = arith.addi %select_n3A_30, %add3A_185 : vector<16xi32>
        %select_n3A_187 = arith.select %lt3A_183, %add3A_186, %select_n3A_30 : vector<16xi1>, vector<16xi32>
        %broadcast_in_dim3A_188 = vector.shape_cast %select_n3A_187 : vector<16xi32> to vector<16x1xi32>
        %gather3A_189 = vector.shape_cast %broadcast_in_dim3A_188 : vector<16x1xi32> to vector<16xi32>
        %gather3A_190 = tpu.dynamic_gather %exp3A[%gather3A_189] in [0] : vector<16xf32>, vector<16xi32> -> vector<16xf32>
        %mul3A_191 = arith.mulf %select_n3A_27, %gather3A_12 : vector<16xf32>
        %mul3A_192 = arith.mulf %mul3A_191, %exp3A : vector<16xf32>
        %add3A_193 = arith.addf %exp3A, %gather3A_190 : vector<16xf32>
        %div3A = arith.divf %mul3A_192, %add3A_193 : vector<16xf32>
        %add3A_194 = arith.addf %get3A_179, %div3A : vector<16xf32>
        %swap3A_195 = arith.index_cast %rem3A_118 : i32 to index
        %swap3A_196 = arith.index_cast %scan3A_174 : i32 to index
        %swap3A_197 = arith.constant 0 : index
        %swap3A_198 = tpu.vector_load %arg6[%swap3A_195, %swap3A_196, %swap3A_197] {strides = array<i32>} : memref<2x112x16xf32, #tpu.memory_space<vmem>>, vector<16xf32>,
        tpu.vector_store %arg6[%swap3A_195, %swap3A_196, %swap3A_197], %add3A_194 {strides = array<i32>} : memref<2x112x16xf32, #tpu.memory_space<vmem>>, vector<16xf32>,
        %scan3A_199 = arith.constant 0 : i32
        scf.yield %scan3A_199 : i32
      }
      %scan3A_146 = arith.constant 112 : i32
      %mul3A_147 = arith.constant 112 : i32
      %mul3A_148 = arith.muli %scan3A_116, %mul3A_147 : i32
      %add3A_149 = arith.addi %mul3A_32, %mul3A_148 : i32
      %min3A_150 = arith.constant 49888 : i32
      %min3A_151 = arith.minsi %add3A_149, %min3A_150 : i32
      %dma_start3A_152 = arith.constant 0 : i32
      %dma_start3A_153 = arith.constant 0 : i32
      %dma_start3A_154 = tpu.memref_slice %arg6[%rem3A_118, %dma_start3A_152, %dma_start3A_153] : memref<2x112x16xf32, #tpu.memory_space<vmem>> -> memref<1x112x16xf32, #tpu.memory_space<vmem>>
      %dma_start3A_155 = tpu.memref_squeeze %dma_start3A_154 : memref<1x112x16xf32, #tpu.memory_space<vmem>> -> memref<112x16xf32, #tpu.memory_space<vmem>>
      %dma_start3A_156 = arith.constant 0 : i32
      %dma_start3A_157 = tpu.memref_slice %arg4[%min3A_151, %dma_start3A_156] : memref<50176x16xf32, #tpu.memory_space<hbm>> -> memref<112x16xf32, #tpu.memory_space<hbm>>
      %dma_start3A_158 = tpu.memref_slice %arg9[%rem3A_118] : memref<2x!tpu.dma_semaphore, #tpu.memory_space<semaphore_mem>> -> memref<1x!tpu.dma_semaphore, #tpu.memory_space<semaphore_mem>>
      %dma_start3A_159 = tpu.memref_squeeze %dma_start3A_158 : memref<1x!tpu.dma_semaphore, #tpu.memory_space<semaphore_mem>> -> memref<!tpu.dma_semaphore, #tpu.memory_space<semaphore_mem>>
      %dma_start3A_160 = arith.constant 0 : i32
      %dma_start3A_161 = tpu.memref_slice %arg4[%min3A_151, %dma_start3A_160] : memref<50176x16xf32, #tpu.memory_space<hbm>> -> memref<112x16xf32, #tpu.memory_space<hbm>>
      %dma_start3A_162 = arith.constant 0 : i32
      %dma_start3A_163 = arith.constant 0 : i32
      %dma_start3A_164 = tpu.memref_slice %arg6[%rem3A_118, %dma_start3A_162, %dma_start3A_163] : memref<2x112x16xf32, #tpu.memory_space<vmem>> -> memref<1x112x16xf32, #tpu.memory_space<vmem>>
      %dma_start3A_165 = tpu.memref_squeeze %dma_start3A_164 : memref<1x112x16xf32, #tpu.memory_space<vmem>> -> memref<112x16xf32, #tpu.memory_space<vmem>>
      tpu.enqueue_dma source(%dma_start3A_165 : memref<112x16xf32, #tpu.memory_space<vmem>>) target(%dma_start3A_161 : memref<112x16xf32, #tpu.memory_space<hbm>>) target_semaphore(%dma_start3A_159 : memref<!tpu.dma_semaphore, #tpu.memory_space<semaphore_mem>>)
      %add3A_166 = arith.constant 2 : i32
      %add3A_167 = arith.addi %scan3A_116, %add3A_166 : i32
      %lt3A_168 = arith.constant 14 : i32
      %lt3A_169 = arith.cmpi slt, %add3A_167, %lt3A_168 : i32
      %convert_element_type3A_170 = arith.extui %lt3A_169 : i1 to i32
      %cond3A_171 = arith.constant 0 : i32
      %cond3A_172 = arith.cmpi ne, %convert_element_type3A_170, %cond3A_171 : i32
      scf.if %cond3A_172 {
        %add3A_174 = arith.constant 2 : i32
        %add3A_175 = arith.addi %scan3A_116, %add3A_174 : i32
        %mul3A_176 = arith.constant 112 : i32
        %mul3A_177 = arith.muli %add3A_175, %mul3A_176 : i32
        %add3A_178 = arith.addi %mul3A_32, %mul3A_177 : i32
        %min3A_179 = arith.constant 49888 : i32
        %min3A_180 = arith.minsi %add3A_178, %min3A_179 : i32
        %dma_start3A_181 = arith.constant 0 : i32
        %dma_start3A_182 = arith.constant 0 : i32
        %dma_start3A_183 = tpu.memref_slice %arg5[%rem3A_118, %dma_start3A_181, %dma_start3A_182] : memref<2x112x16xf32, #tpu.memory_space<vmem>> -> memref<1x112x16xf32, #tpu.memory_space<vmem>>
        %dma_start3A_184 = tpu.memref_squeeze %dma_start3A_183 : memref<1x112x16xf32, #tpu.memory_space<vmem>> -> memref<112x16xf32, #tpu.memory_space<vmem>>
        %dma_start3A_185 = arith.constant 0 : i32
        %dma_start3A_186 = tpu.memref_slice %arg2[%min3A_180, %dma_start3A_185] : memref<50000x16xf32, #tpu.memory_space<hbm>> -> memref<112x16xf32, #tpu.memory_space<hbm>>
        %dma_start3A_187 = tpu.memref_slice %arg8[%rem3A_118] : memref<2x!tpu.dma_semaphore, #tpu.memory_space<semaphore_mem>> -> memref<1x!tpu.dma_semaphore, #tpu.memory_space<semaphore_mem>>
        %dma_start3A_188 = tpu.memref_squeeze %dma_start3A_187 : memref<1x!tpu.dma_semaphore, #tpu.memory_space<semaphore_mem>> -> memref<!tpu.dma_semaphore, #tpu.memory_space<semaphore_mem>>
        %dma_start3A_189 = arith.constant 0 : i32
        %dma_start3A_190 = arith.constant 0 : i32
        %dma_start3A_191 = tpu.memref_slice %arg5[%rem3A_118, %dma_start3A_189, %dma_start3A_190] : memref<2x112x16xf32, #tpu.memory_space<vmem>> -> memref<1x112x16xf32, #tpu.memory_space<vmem>>
        %dma_start3A_192 = tpu.memref_squeeze %dma_start3A_191 : memref<1x112x16xf32, #tpu.memory_space<vmem>> -> memref<112x16xf32, #tpu.memory_space<vmem>>
        %dma_start3A_193 = arith.constant 0 : i32
        %dma_start3A_194 = tpu.memref_slice %arg2[%min3A_180, %dma_start3A_193] : memref<50000x16xf32, #tpu.memory_space<hbm>> -> memref<112x16xf32, #tpu.memory_space<hbm>>
        tpu.enqueue_dma source(%dma_start3A_194 : memref<112x16xf32, #tpu.memory_space<hbm>>) target(%dma_start3A_192 : memref<112x16xf32, #tpu.memory_space<vmem>>) target_semaphore(%dma_start3A_188 : memref<!tpu.dma_semaphore, #tpu.memory_space<semaphore_mem>>)
      } else {
      }
      %scan3A_173 = arith.constant 0 : i32
      scf.yield %scan3A_173 : i32
    }
    %scan3A_76 = arith.constant 14 : i32
    %add3A_77 = arith.constant 1344 : i32
    %add3A_78 = arith.addi %mul3A_32, %add3A_77 : i32
    %min3A_79 = arith.constant 49888 : i32
    %min3A_80 = arith.minsi %add3A_78, %min3A_79 : i32
    %dma_wait3A = arith.constant 0 : i32
    %dma_wait3A_81 = arith.constant 0 : i32
    %dma_wait3A_82 = arith.constant 0 : i32
    %dma_wait3A_83 = arith.constant 0 : i32
    %dma_wait3A_84 = tpu.memref_slice %arg6[%dma_wait3A, %dma_wait3A_82, %dma_wait3A_83] : memref<2x112x16xf32, #tpu.memory_space<vmem>> -> memref<1x112x16xf32, #tpu.memory_space<vmem>>
    %dma_wait3A_85 = tpu.memref_squeeze %dma_wait3A_84 : memref<1x112x16xf32, #tpu.memory_space<vmem>> -> memref<112x16xf32, #tpu.memory_space<vmem>>
    %dma_wait3A_86 = arith.constant 0 : i32
    %dma_wait3A_87 = tpu.memref_slice %arg4[%min3A_80, %dma_wait3A_86] : memref<50176x16xf32, #tpu.memory_space<hbm>> -> memref<112x16xf32, #tpu.memory_space<hbm>>
    %dma_wait3A_88 = tpu.memref_slice %arg9[%dma_wait3A_81] : memref<2x!tpu.dma_semaphore, #tpu.memory_space<semaphore_mem>> -> memref<1x!tpu.dma_semaphore, #tpu.memory_space<semaphore_mem>>
    %dma_wait3A_89 = tpu.memref_squeeze %dma_wait3A_88 : memref<1x!tpu.dma_semaphore, #tpu.memory_space<semaphore_mem>> -> memref<!tpu.dma_semaphore, #tpu.memory_space<semaphore_mem>>
    %dma_wait3A_90 = arith.constant 0 : i32
    %dma_wait3A_91 = tpu.memref_slice %arg4[%min3A_80, %dma_wait3A_90] : memref<50176x16xf32, #tpu.memory_space<hbm>> -> memref<112x16xf32, #tpu.memory_space<hbm>>
    %dma_wait3A_92 = arith.constant 0 : i32
    %dma_wait3A_93 = arith.constant 0 : i32
    %dma_wait3A_94 = tpu.memref_slice %arg6[%dma_wait3A, %dma_wait3A_92, %dma_wait3A_93] : memref<2x112x16xf32, #tpu.memory_space<vmem>> -> memref<1x112x16xf32, #tpu.memory_space<vmem>>
    %dma_wait3A_95 = tpu.memref_squeeze %dma_wait3A_94 : memref<1x112x16xf32, #tpu.memory_space<vmem>> -> memref<112x16xf32, #tpu.memory_space<vmem>>
    tpu.wait_dma2 semaphore(%dma_wait3A_89 : memref<!tpu.dma_semaphore, #tpu.memory_space<semaphore_mem>>) src(%dma_wait3A_95 : memref<112x16xf32, #tpu.memory_space<vmem>>) dst(%dma_wait3A_91 : memref<112x16xf32, #tpu.memory_space<hbm>>)
    %add3A_96 = arith.constant 1456 : i32
    %add3A_97 = arith.addi %mul3A_32, %add3A_96 : i32
    %min3A_98 = arith.constant 49888 : i32
    %min3A_99 = arith.minsi %add3A_97, %min3A_98 : i32
    %dma_wait3A_100 = arith.constant 1 : i32
    %dma_wait3A_101 = arith.constant 1 : i32
    %dma_wait3A_102 = arith.constant 0 : i32
    %dma_wait3A_103 = arith.constant 0 : i32
    %dma_wait3A_104 = tpu.memref_slice %arg6[%dma_wait3A_100, %dma_wait3A_102, %dma_wait3A_103] : memref<2x112x16xf32, #tpu.memory_space<vmem>> -> memref<1x112x16xf32, #tpu.memory_space<vmem>>
    %dma_wait3A_105 = tpu.memref_squeeze %dma_wait3A_104 : memref<1x112x16xf32, #tpu.memory_space<vmem>> -> memref<112x16xf32, #tpu.memory_space<vmem>>
    %dma_wait3A_106 = arith.constant 0 : i32
    %dma_wait3A_107 = tpu.memref_slice %arg4[%min3A_99, %dma_wait3A_106] : memref<50176x16xf32, #tpu.memory_space<hbm>> -> memref<112x16xf32, #tpu.memory_space<hbm>>
    %dma_wait3A_108 = tpu.memref_slice %arg9[%dma_wait3A_101] : memref<2x!tpu.dma_semaphore, #tpu.memory_space<semaphore_mem>> -> memref<1x!tpu.dma_semaphore, #tpu.memory_space<semaphore_mem>>
    %dma_wait3A_109 = tpu.memref_squeeze %dma_wait3A_108 : memref<1x!tpu.dma_semaphore, #tpu.memory_space<semaphore_mem>> -> memref<!tpu.dma_semaphore, #tpu.memory_space<semaphore_mem>>
    %dma_wait3A_110 = arith.constant 0 : i32
    %dma_wait3A_111 = tpu.memref_slice %arg4[%min3A_99, %dma_wait3A_110] : memref<50176x16xf32, #tpu.memory_space<hbm>> -> memref<112x16xf32, #tpu.memory_space<hbm>>
    %dma_wait3A_112 = arith.constant 0 : i32
    %dma_wait3A_113 = arith.constant 0 : i32
    %dma_wait3A_114 = tpu.memref_slice %arg6[%dma_wait3A_100, %dma_wait3A_112, %dma_wait3A_113] : memref<2x112x16xf32, #tpu.memory_space<vmem>> -> memref<1x112x16xf32, #tpu.memory_space<vmem>>
    %dma_wait3A_115 = tpu.memref_squeeze %dma_wait3A_114 : memref<1x112x16xf32, #tpu.memory_space<vmem>> -> memref<112x16xf32, #tpu.memory_space<vmem>>
    tpu.wait_dma2 semaphore(%dma_wait3A_109 : memref<!tpu.dma_semaphore, #tpu.memory_space<semaphore_mem>>) src(%dma_wait3A_115 : memref<112x16xf32, #tpu.memory_space<vmem>>) dst(%dma_wait3A_111 : memref<112x16xf32, #tpu.memory_space<hbm>>)
    return
  }
}

#map = affine_map<(d0, d1) -> (0, 0)>
#map1 = affine_map<(d0, d1) -> (0)>
module attributes {stable_mosaic.version = 14 : i64} {
  func.func @_k2(%arg0: i32, %arg1: i32, %arg2: memref<50176x16xf32, #tpu.memory_space<hbm>>, %arg3: memref<800000xf32, #tpu.memory_space<hbm>>, %arg4: memref<800000xi32, #tpu.memory_space<hbm>>, %arg5: memref<800000xi32, #tpu.memory_space<hbm>>, %arg6: memref<16xf32, #tpu.memory_space<hbm>>, %arg7: memref<800000xf32, #tpu.memory_space<hbm>>, %arg8: memref<32x50176xi32, #tpu.memory_space<hbm>>, %arg9: memref<32x50176xi32, #tpu.memory_space<hbm>>, %arg10: memref<50176xi32, #tpu.memory_space<vmem>>, %arg11: memref<50176xi32, #tpu.memory_space<vmem>>, %arg12: memref<2x128xi32, #tpu.memory_space<vmem>>, %arg13: memref<2x128xi32, #tpu.memory_space<vmem>>, %arg14: memref<2x128xf32, #tpu.memory_space<vmem>>, %arg15: memref<2x128xf32, #tpu.memory_space<vmem>>, %arg16: memref<2x128x16xf32, #tpu.memory_space<vmem>>, %arg17: memref<2x128x16xf32, #tpu.memory_space<vmem>>, %arg18: memref<16xf32, #tpu.memory_space<vmem>>, %arg19: memref<2x!tpu.dma_semaphore, #tpu.memory_space<semaphore_mem>>, %arg20: memref<2x!tpu.dma_semaphore, #tpu.memory_space<semaphore_mem>>, %arg21: memref<2x!tpu.dma_semaphore, #tpu.memory_space<semaphore_mem>>) attributes {dimension_semantics = [#tpu.dimension_semantics<core_parallel>, #tpu.dimension_semantics<subcore_parallel>], iteration_bounds = array<i64: 2, 16>, scalar_prefetch = 0 : i64, scratch_operands = 12 : i64, tpu.core_type = #tpu.core_type<sc_vector_subcore>, window_params = [{transform_indices = #map}, {transform_indices = #map1}, {transform_indices = #map1}, {transform_indices = #map1}, {transform_indices = #map1}, {transform_indices = #map1}, {transform_indices = #map}, {transform_indices = #map}]} {
    %mul3A = arith.constant 2 : i32
    %mul3A_0 = arith.muli %arg1, %mul3A : i32
    %add3A = arith.addi %mul3A_0, %arg0 : i32
    %iota3A = tpu.iota {dimensions = array<i32: 0>} : vector<16xi32>
    "tpu.region"() ({
      %run_scoped3A_203 = tpu.sem_alloc : memref<!tpu.dma_semaphore, #tpu.memory_space<semaphore_mem>>
      tpu.enqueue_dma source(%arg6 : memref<16xf32, #tpu.memory_space<hbm>>) target(%arg18 : memref<16xf32, #tpu.memory_space<vmem>>) target_semaphore(%run_scoped3A_203 : memref<!tpu.dma_semaphore, #tpu.memory_space<semaphore_mem>>)
      tpu.wait_dma2 semaphore(%run_scoped3A_203 : memref<!tpu.dma_semaphore, #tpu.memory_space<semaphore_mem>>) src(%arg6 : memref<16xf32, #tpu.memory_space<hbm>>) dst(%arg18 : memref<16xf32, #tpu.memory_space<vmem>>)
      tpu.yield
    }) : () -> ()
    %get3A = arith.constant 0 : index
    %get3A_1 = tpu.vector_load %arg18[%get3A] {strides = array<i32>} : memref<16xf32, #tpu.memory_space<vmem>>, vector<16xf32>,
    %mul3A_2 = arith.constant 25000 : i32
    %mul3A_3 = arith.muli %add3A, %mul3A_2 : i32
    %add3A_4 = arith.constant 0 : i32
    %add3A_5 = arith.addi %mul3A_3, %add3A_4 : i32
    %add3A_6 = arith.constant 128 : i32
    %add3A_7 = arith.addi %mul3A_3, %add3A_6 : i32
    %dma_start3A = arith.constant 0 : i32
    %dma_start3A_8 = arith.constant 0 : i32
    %dma_start3A_9 = arith.constant 0 : i32
    %dma_start3A_10 = tpu.memref_slice %arg12[%dma_start3A, %dma_start3A_9] : memref<2x128xi32, #tpu.memory_space<vmem>> -> memref<1x128xi32, #tpu.memory_space<vmem>>
    %dma_start3A_11 = tpu.memref_squeeze %dma_start3A_10 : memref<1x128xi32, #tpu.memory_space<vmem>> -> memref<128xi32, #tpu.memory_space<vmem>>
    %dma_start3A_12 = tpu.memref_slice %arg4[%add3A_5] : memref<800000xi32, #tpu.memory_space<hbm>> -> memref<128xi32, #tpu.memory_space<hbm>>
    %dma_start3A_13 = tpu.memref_slice %arg19[%dma_start3A_8] : memref<2x!tpu.dma_semaphore, #tpu.memory_space<semaphore_mem>> -> memref<1x!tpu.dma_semaphore, #tpu.memory_space<semaphore_mem>>
    %dma_start3A_14 = tpu.memref_squeeze %dma_start3A_13 : memref<1x!tpu.dma_semaphore, #tpu.memory_space<semaphore_mem>> -> memref<!tpu.dma_semaphore, #tpu.memory_space<semaphore_mem>>
    %dma_start3A_15 = arith.constant 0 : i32
    %dma_start3A_16 = tpu.memref_slice %arg12[%dma_start3A, %dma_start3A_15] : memref<2x128xi32, #tpu.memory_space<vmem>> -> memref<1x128xi32, #tpu.memory_space<vmem>>
    %dma_start3A_17 = tpu.memref_squeeze %dma_start3A_16 : memref<1x128xi32, #tpu.memory_space<vmem>> -> memref<128xi32, #tpu.memory_space<vmem>>
    %dma_start3A_18 = tpu.memref_slice %arg4[%add3A_5] : memref<800000xi32, #tpu.memory_space<hbm>> -> memref<128xi32, #tpu.memory_space<hbm>>
    tpu.enqueue_dma source(%dma_start3A_18 : memref<128xi32, #tpu.memory_space<hbm>>) target(%dma_start3A_17 : memref<128xi32, #tpu.memory_space<vmem>>) target_semaphore(%dma_start3A_14 : memref<!tpu.dma_semaphore, #tpu.memory_space<semaphore_mem>>)
    %dma_start3A_19 = arith.constant 0 : i32
    %dma_start3A_20 = arith.constant 0 : i32
    %dma_start3A_21 = arith.constant 0 : i32
    %dma_start3A_22 = tpu.memref_slice %arg13[%dma_start3A_19, %dma_start3A_21] : memref<2x128xi32, #tpu.memory_space<vmem>> -> memref<1x128xi32, #tpu.memory_space<vmem>>
    %dma_start3A_23 = tpu.memref_squeeze %dma_start3A_22 : memref<1x128xi32, #tpu.memory_space<vmem>> -> memref<128xi32, #tpu.memory_space<vmem>>
    %dma_start3A_24 = tpu.memref_slice %arg5[%add3A_5] : memref<800000xi32, #tpu.memory_space<hbm>> -> memref<128xi32, #tpu.memory_space<hbm>>
    %dma_start3A_25 = tpu.memref_slice %arg19[%dma_start3A_20] : memref<2x!tpu.dma_semaphore, #tpu.memory_space<semaphore_mem>> -> memref<1x!tpu.dma_semaphore, #tpu.memory_space<semaphore_mem>>
    %dma_start3A_26 = tpu.memref_squeeze %dma_start3A_25 : memref<1x!tpu.dma_semaphore, #tpu.memory_space<semaphore_mem>> -> memref<!tpu.dma_semaphore, #tpu.memory_space<semaphore_mem>>
    %dma_start3A_27 = arith.constant 0 : i32
    %dma_start3A_28 = tpu.memref_slice %arg13[%dma_start3A_19, %dma_start3A_27] : memref<2x128xi32, #tpu.memory_space<vmem>> -> memref<1x128xi32, #tpu.memory_space<vmem>>
    %dma_start3A_29 = tpu.memref_squeeze %dma_start3A_28 : memref<1x128xi32, #tpu.memory_space<vmem>> -> memref<128xi32, #tpu.memory_space<vmem>>
    %dma_start3A_30 = tpu.memref_slice %arg5[%add3A_5] : memref<800000xi32, #tpu.memory_space<hbm>> -> memref<128xi32, #tpu.memory_space<hbm>>
    tpu.enqueue_dma source(%dma_start3A_30 : memref<128xi32, #tpu.memory_space<hbm>>) target(%dma_start3A_29 : memref<128xi32, #tpu.memory_space<vmem>>) target_semaphore(%dma_start3A_26 : memref<!tpu.dma_semaphore, #tpu.memory_space<semaphore_mem>>)
    %dma_start3A_31 = arith.constant 0 : i32
    %dma_start3A_32 = arith.constant 0 : i32
    %dma_start3A_33 = arith.constant 0 : i32
    %dma_start3A_34 = tpu.memref_slice %arg14[%dma_start3A_31, %dma_start3A_33] : memref<2x128xf32, #tpu.memory_space<vmem>> -> memref<1x128xf32, #tpu.memory_space<vmem>>
    %dma_start3A_35 = tpu.memref_squeeze %dma_start3A_34 : memref<1x128xf32, #tpu.memory_space<vmem>> -> memref<128xf32, #tpu.memory_space<vmem>>
    %dma_start3A_36 = tpu.memref_slice %arg3[%add3A_5] : memref<800000xf32, #tpu.memory_space<hbm>> -> memref<128xf32, #tpu.memory_space<hbm>>
    %dma_start3A_37 = tpu.memref_slice %arg19[%dma_start3A_32] : memref<2x!tpu.dma_semaphore, #tpu.memory_space<semaphore_mem>> -> memref<1x!tpu.dma_semaphore, #tpu.memory_space<semaphore_mem>>
    %dma_start3A_38 = tpu.memref_squeeze %dma_start3A_37 : memref<1x!tpu.dma_semaphore, #tpu.memory_space<semaphore_mem>> -> memref<!tpu.dma_semaphore, #tpu.memory_space<semaphore_mem>>
    %dma_start3A_39 = arith.constant 0 : i32
    %dma_start3A_40 = tpu.memref_slice %arg14[%dma_start3A_31, %dma_start3A_39] : memref<2x128xf32, #tpu.memory_space<vmem>> -> memref<1x128xf32, #tpu.memory_space<vmem>>
    %dma_start3A_41 = tpu.memref_squeeze %dma_start3A_40 : memref<1x128xf32, #tpu.memory_space<vmem>> -> memref<128xf32, #tpu.memory_space<vmem>>
    %dma_start3A_42 = tpu.memref_slice %arg3[%add3A_5] : memref<800000xf32, #tpu.memory_space<hbm>> -> memref<128xf32, #tpu.memory_space<hbm>>
    tpu.enqueue_dma source(%dma_start3A_42 : memref<128xf32, #tpu.memory_space<hbm>>) target(%dma_start3A_41 : memref<128xf32, #tpu.memory_space<vmem>>) target_semaphore(%dma_start3A_38 : memref<!tpu.dma_semaphore, #tpu.memory_space<semaphore_mem>>)
    %dma_start3A_43 = arith.constant 1 : i32
    %dma_start3A_44 = arith.constant 1 : i32
    %dma_start3A_45 = arith.constant 0 : i32
    %dma_start3A_46 = tpu.memref_slice %arg12[%dma_start3A_43, %dma_start3A_45] : memref<2x128xi32, #tpu.memory_space<vmem>> -> memref<1x128xi32, #tpu.memory_space<vmem>>
    %dma_start3A_47 = tpu.memref_squeeze %dma_start3A_46 : memref<1x128xi32, #tpu.memory_space<vmem>> -> memref<128xi32, #tpu.memory_space<vmem>>
    %dma_start3A_48 = tpu.memref_slice %arg4[%add3A_7] : memref<800000xi32, #tpu.memory_space<hbm>> -> memref<128xi32, #tpu.memory_space<hbm>>
    %dma_start3A_49 = tpu.memref_slice %arg19[%dma_start3A_44] : memref<2x!tpu.dma_semaphore, #tpu.memory_space<semaphore_mem>> -> memref<1x!tpu.dma_semaphore, #tpu.memory_space<semaphore_mem>>
    %dma_start3A_50 = tpu.memref_squeeze %dma_start3A_49 : memref<1x!tpu.dma_semaphore, #tpu.memory_space<semaphore_mem>> -> memref<!tpu.dma_semaphore, #tpu.memory_space<semaphore_mem>>
    %dma_start3A_51 = arith.constant 0 : i32
    %dma_start3A_52 = tpu.memref_slice %arg12[%dma_start3A_43, %dma_start3A_51] : memref<2x128xi32, #tpu.memory_space<vmem>> -> memref<1x128xi32, #tpu.memory_space<vmem>>
    %dma_start3A_53 = tpu.memref_squeeze %dma_start3A_52 : memref<1x128xi32, #tpu.memory_space<vmem>> -> memref<128xi32, #tpu.memory_space<vmem>>
    %dma_start3A_54 = tpu.memref_slice %arg4[%add3A_7] : memref<800000xi32, #tpu.memory_space<hbm>> -> memref<128xi32, #tpu.memory_space<hbm>>
    tpu.enqueue_dma source(%dma_start3A_54 : memref<128xi32, #tpu.memory_space<hbm>>) target(%dma_start3A_53 : memref<128xi32, #tpu.memory_space<vmem>>) target_semaphore(%dma_start3A_50 : memref<!tpu.dma_semaphore, #tpu.memory_space<semaphore_mem>>)
    %dma_start3A_55 = arith.constant 1 : i32
    %dma_start3A_56 = arith.constant 1 : i32
    %dma_start3A_57 = arith.constant 0 : i32
    %dma_start3A_58 = tpu.memref_slice %arg13[%dma_start3A_55, %dma_start3A_57] : memref<2x128xi32, #tpu.memory_space<vmem>> -> memref<1x128xi32, #tpu.memory_space<vmem>>
    %dma_start3A_59 = tpu.memref_squeeze %dma_start3A_58 : memref<1x128xi32, #tpu.memory_space<vmem>> -> memref<128xi32, #tpu.memory_space<vmem>>
    %dma_start3A_60 = tpu.memref_slice %arg5[%add3A_7] : memref<800000xi32, #tpu.memory_space<hbm>> -> memref<128xi32, #tpu.memory_space<hbm>>
    %dma_start3A_61 = tpu.memref_slice %arg19[%dma_start3A_56] : memref<2x!tpu.dma_semaphore, #tpu.memory_space<semaphore_mem>> -> memref<1x!tpu.dma_semaphore, #tpu.memory_space<semaphore_mem>>
    %dma_start3A_62 = tpu.memref_squeeze %dma_start3A_61 : memref<1x!tpu.dma_semaphore, #tpu.memory_space<semaphore_mem>> -> memref<!tpu.dma_semaphore, #tpu.memory_space<semaphore_mem>>
    %dma_start3A_63 = arith.constant 0 : i32
    %dma_start3A_64 = tpu.memref_slice %arg13[%dma_start3A_55, %dma_start3A_63] : memref<2x128xi32, #tpu.memory_space<vmem>> -> memref<1x128xi32, #tpu.memory_space<vmem>>
    %dma_start3A_65 = tpu.memref_squeeze %dma_start3A_64 : memref<1x128xi32, #tpu.memory_space<vmem>> -> memref<128xi32, #tpu.memory_space<vmem>>
    %dma_start3A_66 = tpu.memref_slice %arg5[%add3A_7] : memref<800000xi32, #tpu.memory_space<hbm>> -> memref<128xi32, #tpu.memory_space<hbm>>
    tpu.enqueue_dma source(%dma_start3A_66 : memref<128xi32, #tpu.memory_space<hbm>>) target(%dma_start3A_65 : memref<128xi32, #tpu.memory_space<vmem>>) target_semaphore(%dma_start3A_62 : memref<!tpu.dma_semaphore, #tpu.memory_space<semaphore_mem>>)
    %dma_start3A_67 = arith.constant 1 : i32
    %dma_start3A_68 = arith.constant 1 : i32
    %dma_start3A_69 = arith.constant 0 : i32
    %dma_start3A_70 = tpu.memref_slice %arg14[%dma_start3A_67, %dma_start3A_69] : memref<2x128xf32, #tpu.memory_space<vmem>> -> memref<1x128xf32, #tpu.memory_space<vmem>>
    %dma_start3A_71 = tpu.memref_squeeze %dma_start3A_70 : memref<1x128xf32, #tpu.memory_space<vmem>> -> memref<128xf32, #tpu.memory_space<vmem>>
    %dma_start3A_72 = tpu.memref_slice %arg3[%add3A_7] : memref<800000xf32, #tpu.memory_space<hbm>> -> memref<128xf32, #tpu.memory_space<hbm>>
    %dma_start3A_73 = tpu.memref_slice %arg19[%dma_start3A_68] : memref<2x!tpu.dma_semaphore, #tpu.memory_space<semaphore_mem>> -> memref<1x!tpu.dma_semaphore, #tpu.memory_space<semaphore_mem>>
    %dma_start3A_74 = tpu.memref_squeeze %dma_start3A_73 : memref<1x!tpu.dma_semaphore, #tpu.memory_space<semaphore_mem>> -> memref<!tpu.dma_semaphore, #tpu.memory_space<semaphore_mem>>
    %dma_start3A_75 = arith.constant 0 : i32
    %dma_start3A_76 = tpu.memref_slice %arg14[%dma_start3A_67, %dma_start3A_75] : memref<2x128xf32, #tpu.memory_space<vmem>> -> memref<1x128xf32, #tpu.memory_space<vmem>>
    %dma_start3A_77 = tpu.memref_squeeze %dma_start3A_76 : memref<1x128xf32, #tpu.memory_space<vmem>> -> memref<128xf32, #tpu.memory_space<vmem>>
    %dma_start3A_78 = tpu.memref_slice %arg3[%add3A_7] : memref<800000xf32, #tpu.memory_space<hbm>> -> memref<128xf32, #tpu.memory_space<hbm>>
    tpu.enqueue_dma source(%dma_start3A_78 : memref<128xf32, #tpu.memory_space<hbm>>) target(%dma_start3A_77 : memref<128xf32, #tpu.memory_space<vmem>>) target_semaphore(%dma_start3A_74 : memref<!tpu.dma_semaphore, #tpu.memory_space<semaphore_mem>>)
    %scan3A = arith.constant 0 : i32
    %scan3A_79 = arith.constant 0 : i32
    %scan3A_80 = arith.constant 3136 : i32
    %scan3A_81 = arith.addi %scan3A_79, %scan3A_80 : i32
    %scan3A_82 = arith.constant 1 : i32
    %scan3A_83 = scf.for %scan3A_203 = %scan3A_79 to %scan3A_81 step %scan3A_82 iter_args(%scan3A_204 = %scan3A) -> (i32)  : i32 {
      %broadcast_in_dim3A = arith.constant -1 : i32
      %broadcast_in_dim3A_205 = vector.broadcast %broadcast_in_dim3A : i32 to vector<16xi32>
      %mul3A_206 = arith.constant 16 : i32
      %mul3A_207 = arith.muli %scan3A_203, %mul3A_206 : i32
      %swap3A = arith.index_cast %mul3A_207 : i32 to index
      %swap3A_208 = tpu.vector_load %arg10[%swap3A] {strides = array<i32>} : memref<50176xi32, #tpu.memory_space<vmem>>, vector<16xi32>,
      tpu.vector_store %arg10[%swap3A], %broadcast_in_dim3A_205 {strides = array<i32>} : memref<50176xi32, #tpu.memory_space<vmem>>, vector<16xi32>,
      %mul3A_209 = arith.constant 16 : i32
      %mul3A_210 = arith.muli %scan3A_203, %mul3A_209 : i32
      %swap3A_211 = arith.index_cast %mul3A_210 : i32 to index
      %swap3A_212 = tpu.vector_load %arg11[%swap3A_211] {strides = array<i32>} : memref<50176xi32, #tpu.memory_space<vmem>>, vector<16xi32>,
      tpu.vector_store %arg11[%swap3A_211], %broadcast_in_dim3A_205 {strides = array<i32>} : memref<50176xi32, #tpu.memory_space<vmem>>, vector<16xi32>,
      %scan3A_213 = arith.constant 0 : i32
      scf.yield %scan3A_213 : i32
    }
    %scan3A_84 = arith.constant 3136 : i32
    %add3A_85 = arith.constant 0 : i32
    %add3A_86 = arith.addi %mul3A_3, %add3A_85 : i32
    %dma_wait3A = arith.constant 0 : i32
    %dma_wait3A_87 = arith.constant 0 : i32
    %dma_wait3A_88 = arith.constant 0 : i32
    %dma_wait3A_89 = tpu.memref_slice %arg12[%dma_wait3A, %dma_wait3A_88] : memref<2x128xi32, #tpu.memory_space<vmem>> -> memref<1x128xi32, #tpu.memory_space<vmem>>
    %dma_wait3A_90 = tpu.memref_squeeze %dma_wait3A_89 : memref<1x128xi32, #tpu.memory_space<vmem>> -> memref<128xi32, #tpu.memory_space<vmem>>
    %dma_wait3A_91 = tpu.memref_slice %arg4[%add3A_86] : memref<800000xi32, #tpu.memory_space<hbm>> -> memref<128xi32, #tpu.memory_space<hbm>>
    %dma_wait3A_92 = tpu.memref_slice %arg19[%dma_wait3A_87] : memref<2x!tpu.dma_semaphore, #tpu.memory_space<semaphore_mem>> -> memref<1x!tpu.dma_semaphore, #tpu.memory_space<semaphore_mem>>
    %dma_wait3A_93 = tpu.memref_squeeze %dma_wait3A_92 : memref<1x!tpu.dma_semaphore, #tpu.memory_space<semaphore_mem>> -> memref<!tpu.dma_semaphore, #tpu.memory_space<semaphore_mem>>
    %dma_wait3A_94 = arith.constant 0 : i32
    %dma_wait3A_95 = tpu.memref_slice %arg12[%dma_wait3A, %dma_wait3A_94] : memref<2x128xi32, #tpu.memory_space<vmem>> -> memref<1x128xi32, #tpu.memory_space<vmem>>
    %dma_wait3A_96 = tpu.memref_squeeze %dma_wait3A_95 : memref<1x128xi32, #tpu.memory_space<vmem>> -> memref<128xi32, #tpu.memory_space<vmem>>
    %dma_wait3A_97 = tpu.memref_slice %arg4[%add3A_86] : memref<800000xi32, #tpu.memory_space<hbm>> -> memref<128xi32, #tpu.memory_space<hbm>>
    tpu.wait_dma2 semaphore(%dma_wait3A_93 : memref<!tpu.dma_semaphore, #tpu.memory_space<semaphore_mem>>) src(%dma_wait3A_97 : memref<128xi32, #tpu.memory_space<hbm>>) dst(%dma_wait3A_96 : memref<128xi32, #tpu.memory_space<vmem>>)
    %dma_wait3A_98 = arith.constant 0 : i32
    %dma_wait3A_99 = arith.constant 0 : i32
    %dma_wait3A_100 = arith.constant 0 : i32
    %dma_wait3A_101 = tpu.memref_slice %arg13[%dma_wait3A_98, %dma_wait3A_100] : memref<2x128xi32, #tpu.memory_space<vmem>> -> memref<1x128xi32, #tpu.memory_space<vmem>>
    %dma_wait3A_102 = tpu.memref_squeeze %dma_wait3A_101 : memref<1x128xi32, #tpu.memory_space<vmem>> -> memref<128xi32, #tpu.memory_space<vmem>>
    %dma_wait3A_103 = tpu.memref_slice %arg5[%add3A_86] : memref<800000xi32, #tpu.memory_space<hbm>> -> memref<128xi32, #tpu.memory_space<hbm>>
    %dma_wait3A_104 = tpu.memref_slice %arg19[%dma_wait3A_99] : memref<2x!tpu.dma_semaphore, #tpu.memory_space<semaphore_mem>> -> memref<1x!tpu.dma_semaphore, #tpu.memory_space<semaphore_mem>>
    %dma_wait3A_105 = tpu.memref_squeeze %dma_wait3A_104 : memref<1x!tpu.dma_semaphore, #tpu.memory_space<semaphore_mem>> -> memref<!tpu.dma_semaphore, #tpu.memory_space<semaphore_mem>>
    %dma_wait3A_106 = arith.constant 0 : i32
    %dma_wait3A_107 = tpu.memref_slice %arg13[%dma_wait3A_98, %dma_wait3A_106] : memref<2x128xi32, #tpu.memory_space<vmem>> -> memref<1x128xi32, #tpu.memory_space<vmem>>
    %dma_wait3A_108 = tpu.memref_squeeze %dma_wait3A_107 : memref<1x128xi32, #tpu.memory_space<vmem>> -> memref<128xi32, #tpu.memory_space<vmem>>
    %dma_wait3A_109 = tpu.memref_slice %arg5[%add3A_86] : memref<800000xi32, #tpu.memory_space<hbm>> -> memref<128xi32, #tpu.memory_space<hbm>>
    tpu.wait_dma2 semaphore(%dma_wait3A_105 : memref<!tpu.dma_semaphore, #tpu.memory_space<semaphore_mem>>) src(%dma_wait3A_109 : memref<128xi32, #tpu.memory_space<hbm>>) dst(%dma_wait3A_108 : memref<128xi32, #tpu.memory_space<vmem>>)
    %dma_wait3A_110 = arith.constant 0 : i32
    %dma_wait3A_111 = arith.constant 0 : i32
    %dma_wait3A_112 = arith.constant 0 : i32
    %dma_wait3A_113 = tpu.memref_slice %arg14[%dma_wait3A_110, %dma_wait3A_112] : memref<2x128xf32, #tpu.memory_space<vmem>> -> memref<1x128xf32, #tpu.memory_space<vmem>>
    %dma_wait3A_114 = tpu.memref_squeeze %dma_wait3A_113 : memref<1x128xf32, #tpu.memory_space<vmem>> -> memref<128xf32, #tpu.memory_space<vmem>>
    %dma_wait3A_115 = tpu.memref_slice %arg3[%add3A_86] : memref<800000xf32, #tpu.memory_space<hbm>> -> memref<128xf32, #tpu.memory_space<hbm>>
    %dma_wait3A_116 = tpu.memref_slice %arg19[%dma_wait3A_111] : memref<2x!tpu.dma_semaphore, #tpu.memory_space<semaphore_mem>> -> memref<1x!tpu.dma_semaphore, #tpu.memory_space<semaphore_mem>>
    %dma_wait3A_117 = tpu.memref_squeeze %dma_wait3A_116 : memref<1x!tpu.dma_semaphore, #tpu.memory_space<semaphore_mem>> -> memref<!tpu.dma_semaphore, #tpu.memory_space<semaphore_mem>>
    %dma_wait3A_118 = arith.constant 0 : i32
    %dma_wait3A_119 = tpu.memref_slice %arg14[%dma_wait3A_110, %dma_wait3A_118] : memref<2x128xf32, #tpu.memory_space<vmem>> -> memref<1x128xf32, #tpu.memory_space<vmem>>
    %dma_wait3A_120 = tpu.memref_squeeze %dma_wait3A_119 : memref<1x128xf32, #tpu.memory_space<vmem>> -> memref<128xf32, #tpu.memory_space<vmem>>
    %dma_wait3A_121 = tpu.memref_slice %arg3[%add3A_86] : memref<800000xf32, #tpu.memory_space<hbm>> -> memref<128xf32, #tpu.memory_space<hbm>>
    tpu.wait_dma2 semaphore(%dma_wait3A_117 : memref<!tpu.dma_semaphore, #tpu.memory_space<semaphore_mem>>) src(%dma_wait3A_121 : memref<128xf32, #tpu.memory_space<hbm>>) dst(%dma_wait3A_120 : memref<128xf32, #tpu.memory_space<vmem>>)
    %dma_start3A_122 = arith.constant 0 : i32
    %dma_start3A_123 = arith.constant 0 : i32
    %dma_start3A_124 = arith.constant 0 : i32
    %dma_start3A_125 = arith.constant 0 : i32
    %dma_start3A_126 = arith.constant 0 : i32
    %dma_start3A_127 = tpu.memref_slice %arg16[%dma_start3A_123, %dma_start3A_125, %dma_start3A_126] : memref<2x128x16xf32, #tpu.memory_space<vmem>> -> memref<1x128x16xf32, #tpu.memory_space<vmem>>
    %dma_start3A_128 = tpu.memref_squeeze %dma_start3A_127 : memref<1x128x16xf32, #tpu.memory_space<vmem>> -> memref<128x16xf32, #tpu.memory_space<vmem>>
    %dma_start3A_129 = arith.constant 0 : i32
    %dma_start3A_130 = tpu.memref_slice %arg12[%dma_start3A_122, %dma_start3A_129] : memref<2x128xi32, #tpu.memory_space<vmem>> -> memref<1x128xi32, #tpu.memory_space<vmem>>
    %dma_start3A_131 = tpu.memref_squeeze %dma_start3A_130 : memref<1x128xi32, #tpu.memory_space<vmem>> -> memref<128xi32, #tpu.memory_space<vmem>>
    %dma_start3A_132 = arith.constant 0 : i32
    %dma_start3A_133 = arith.constant 0 : i32
    %dma_start3A_134 = tpu.memref_slice %arg2[%dma_start3A_132, %dma_start3A_133] : memref<50176x16xf32, #tpu.memory_space<hbm>> -> memref<50176x16xf32, #tpu.memory_space<hbm>>
    %dma_start3A_135 = tpu.memref_slice %arg20[%dma_start3A_124] : memref<2x!tpu.dma_semaphore, #tpu.memory_space<semaphore_mem>> -> memref<1x!tpu.dma_semaphore, #tpu.memory_space<semaphore_mem>>
    %dma_start3A_136 = tpu.memref_squeeze %dma_start3A_135 : memref<1x!tpu.dma_semaphore, #tpu.memory_space<semaphore_mem>> -> memref<!tpu.dma_semaphore, #tpu.memory_space<semaphore_mem>>
    tpu.enqueue_indirect_dma source(%dma_start3A_134 : memref<50176x16xf32, #tpu.memory_space<hbm>>) target(%dma_start3A_128 : memref<128x16xf32, #tpu.memory_space<vmem>>) offsets(%dma_start3A_131 : memref<128xi32, #tpu.memory_space<vmem>>) semaphore(%dma_start3A_136 : memref<!tpu.dma_semaphore, #tpu.memory_space<semaphore_mem>>)
    %dma_start3A_137 = arith.constant 0 : i32
    %dma_start3A_138 = arith.constant 0 : i32
    %dma_start3A_139 = arith.constant 0 : i32
    %dma_start3A_140 = arith.constant 0 : i32
    %dma_start3A_141 = arith.constant 0 : i32
    %dma_start3A_142 = tpu.memref_slice %arg17[%dma_start3A_138, %dma_start3A_140, %dma_start3A_141] : memref<2x128x16xf32, #tpu.memory_space<vmem>> -> memref<1x128x16xf32, #tpu.memory_space<vmem>>
    %dma_start3A_143 = tpu.memref_squeeze %dma_start3A_142 : memref<1x128x16xf32, #tpu.memory_space<vmem>> -> memref<128x16xf32, #tpu.memory_space<vmem>>
    %dma_start3A_144 = arith.constant 0 : i32
    %dma_start3A_145 = tpu.memref_slice %arg13[%dma_start3A_137, %dma_start3A_144] : memref<2x128xi32, #tpu.memory_space<vmem>> -> memref<1x128xi32, #tpu.memory_space<vmem>>
    %dma_start3A_146 = tpu.memref_squeeze %dma_start3A_145 : memref<1x128xi32, #tpu.memory_space<vmem>> -> memref<128xi32, #tpu.memory_space<vmem>>
    %dma_start3A_147 = arith.constant 0 : i32
    %dma_start3A_148 = arith.constant 0 : i32
    %dma_start3A_149 = tpu.memref_slice %arg2[%dma_start3A_147, %dma_start3A_148] : memref<50176x16xf32, #tpu.memory_space<hbm>> -> memref<50176x16xf32, #tpu.memory_space<hbm>>
    %dma_start3A_150 = tpu.memref_slice %arg20[%dma_start3A_139] : memref<2x!tpu.dma_semaphore, #tpu.memory_space<semaphore_mem>> -> memref<1x!tpu.dma_semaphore, #tpu.memory_space<semaphore_mem>>
    %dma_start3A_151 = tpu.memref_squeeze %dma_start3A_150 : memref<1x!tpu.dma_semaphore, #tpu.memory_space<semaphore_mem>> -> memref<!tpu.dma_semaphore, #tpu.memory_space<semaphore_mem>>
    tpu.enqueue_indirect_dma source(%dma_start3A_149 : memref<50176x16xf32, #tpu.memory_space<hbm>>) target(%dma_start3A_143 : memref<128x16xf32, #tpu.memory_space<vmem>>) offsets(%dma_start3A_146 : memref<128xi32, #tpu.memory_space<vmem>>) semaphore(%dma_start3A_151 : memref<!tpu.dma_semaphore, #tpu.memory_space<semaphore_mem>>)
    %scan3A_152 = arith.constant 0 : i32
    %scan3A_153 = arith.constant 0 : i32
    %scan3A_154 = arith.constant 195 : i32
    %scan3A_155 = arith.addi %scan3A_153, %scan3A_154 : i32
    %scan3A_156 = arith.constant 1 : i32
    %scan3A_157 = scf.for %scan3A_203 = %scan3A_153 to %scan3A_155 step %scan3A_156 iter_args(%scan3A_204 = %scan3A_152) -> (i32)  : i32 {
      %rem3A = arith.constant 2 : i32
      %rem3A_205 = arith.remsi %scan3A_203, %rem3A : i32
      %sub3A = arith.constant 1 : i32
      %sub3A_206 = arith.subi %sub3A, %rem3A_205 : i32
      %dma_wait3A_207 = arith.constant 0 : i32
      %dma_wait3A_208 = arith.constant 0 : i32
      %dma_wait3A_209 = tpu.memref_slice %arg16[%rem3A_205, %dma_wait3A_207, %dma_wait3A_208] : memref<2x128x16xf32, #tpu.memory_space<vmem>> -> memref<1x128x16xf32, #tpu.memory_space<vmem>>
      %dma_wait3A_210 = tpu.memref_squeeze %dma_wait3A_209 : memref<1x128x16xf32, #tpu.memory_space<vmem>> -> memref<128x16xf32, #tpu.memory_space<vmem>>
      %dma_wait3A_211 = arith.constant 0 : i32
      %dma_wait3A_212 = tpu.memref_slice %arg12[%rem3A_205, %dma_wait3A_211] : memref<2x128xi32, #tpu.memory_space<vmem>> -> memref<1x128xi32, #tpu.memory_space<vmem>>
      %dma_wait3A_213 = tpu.memref_squeeze %dma_wait3A_212 : memref<1x128xi32, #tpu.memory_space<vmem>> -> memref<128xi32, #tpu.memory_space<vmem>>
      %dma_wait3A_214 = arith.constant 0 : i32
      %dma_wait3A_215 = arith.constant 0 : i32
      %dma_wait3A_216 = tpu.memref_slice %arg2[%dma_wait3A_214, %dma_wait3A_215] : memref<50176x16xf32, #tpu.memory_space<hbm>> -> memref<50176x16xf32, #tpu.memory_space<hbm>>
      %dma_wait3A_217 = tpu.memref_slice %arg20[%rem3A_205] : memref<2x!tpu.dma_semaphore, #tpu.memory_space<semaphore_mem>> -> memref<1x!tpu.dma_semaphore, #tpu.memory_space<semaphore_mem>>
      %dma_wait3A_218 = tpu.memref_squeeze %dma_wait3A_217 : memref<1x!tpu.dma_semaphore, #tpu.memory_space<semaphore_mem>> -> memref<!tpu.dma_semaphore, #tpu.memory_space<semaphore_mem>>
      tpu.wait_indirect_dma semaphore(%dma_wait3A_218 : memref<!tpu.dma_semaphore, #tpu.memory_space<semaphore_mem>>) src(%dma_wait3A_216 : memref<50176x16xf32, #tpu.memory_space<hbm>>) dst(%dma_wait3A_210 : memref<128x16xf32, #tpu.memory_space<vmem>>)
      %dma_wait3A_219 = arith.constant 0 : i32
      %dma_wait3A_220 = arith.constant 0 : i32
      %dma_wait3A_221 = tpu.memref_slice %arg17[%rem3A_205, %dma_wait3A_219, %dma_wait3A_220] : memref<2x128x16xf32, #tpu.memory_space<vmem>> -> memref<1x128x16xf32, #tpu.memory_space<vmem>>
      %dma_wait3A_222 = tpu.memref_squeeze %dma_wait3A_221 : memref<1x128x16xf32, #tpu.memory_space<vmem>> -> memref<128x16xf32, #tpu.memory_space<vmem>>
      %dma_wait3A_223 = arith.constant 0 : i32
      %dma_wait3A_224 = tpu.memref_slice %arg13[%rem3A_205, %dma_wait3A_223] : memref<2x128xi32, #tpu.memory_space<vmem>> -> memref<1x128xi32, #tpu.memory_space<vmem>>
      %dma_wait3A_225 = tpu.memref_squeeze %dma_wait3A_224 : memref<1x128xi32, #tpu.memory_space<vmem>> -> memref<128xi32, #tpu.memory_space<vmem>>
      %dma_wait3A_226 = arith.constant 0 : i32
      %dma_wait3A_227 = arith.constant 0 : i32
      %dma_wait3A_228 = tpu.memref_slice %arg2[%dma_wait3A_226, %dma_wait3A_227] : memref<50176x16xf32, #tpu.memory_space<hbm>> -> memref<50176x16xf32, #tpu.memory_space<hbm>>
      %dma_wait3A_229 = tpu.memref_slice %arg20[%rem3A_205] : memref<2x!tpu.dma_semaphore, #tpu.memory_space<semaphore_mem>> -> memref<1x!tpu.dma_semaphore, #tpu.memory_space<semaphore_mem>>
      %dma_wait3A_230 = tpu.memref_squeeze %dma_wait3A_229 : memref<1x!tpu.dma_semaphore, #tpu.memory_space<semaphore_mem>> -> memref<!tpu.dma_semaphore, #tpu.memory_space<semaphore_mem>>
      tpu.wait_indirect_dma semaphore(%dma_wait3A_230 : memref<!tpu.dma_semaphore, #tpu.memory_space<semaphore_mem>>) src(%dma_wait3A_228 : memref<50176x16xf32, #tpu.memory_space<hbm>>) dst(%dma_wait3A_222 : memref<128x16xf32, #tpu.memory_space<vmem>>)
      %add3A_231 = arith.constant 1 : i32
      %add3A_232 = arith.addi %scan3A_203, %add3A_231 : i32
      %lt3A = arith.constant 195 : i32
      %lt3A_233 = arith.cmpi slt, %add3A_232, %lt3A : i32
      %convert_element_type3A = arith.extui %lt3A_233 : i1 to i32
      %cond3A = arith.constant 0 : i32
      %cond3A_234 = arith.cmpi ne, %convert_element_type3A, %cond3A : i32
      scf.if %cond3A_234 {
        %add3A_270 = arith.constant 1 : i32
        %add3A_271 = arith.addi %scan3A_203, %add3A_270 : i32
        %mul3A_272 = arith.constant 128 : i32
        %mul3A_273 = arith.muli %add3A_271, %mul3A_272 : i32
        %add3A_274 = arith.addi %mul3A_3, %mul3A_273 : i32
        %dma_wait3A_275 = arith.constant 0 : i32
        %dma_wait3A_276 = tpu.memref_slice %arg12[%sub3A_206, %dma_wait3A_275] : memref<2x128xi32, #tpu.memory_space<vmem>> -> memref<1x128xi32, #tpu.memory_space<vmem>>
        %dma_wait3A_277 = tpu.memref_squeeze %dma_wait3A_276 : memref<1x128xi32, #tpu.memory_space<vmem>> -> memref<128xi32, #tpu.memory_space<vmem>>
        %dma_wait3A_278 = tpu.memref_slice %arg4[%add3A_274] : memref<800000xi32, #tpu.memory_space<hbm>> -> memref<128xi32, #tpu.memory_space<hbm>>
        %dma_wait3A_279 = tpu.memref_slice %arg19[%sub3A_206] : memref<2x!tpu.dma_semaphore, #tpu.memory_space<semaphore_mem>> -> memref<1x!tpu.dma_semaphore, #tpu.memory_space<semaphore_mem>>
        %dma_wait3A_280 = tpu.memref_squeeze %dma_wait3A_279 : memref<1x!tpu.dma_semaphore, #tpu.memory_space<semaphore_mem>> -> memref<!tpu.dma_semaphore, #tpu.memory_space<semaphore_mem>>
        %dma_wait3A_281 = arith.constant 0 : i32
        %dma_wait3A_282 = tpu.memref_slice %arg12[%sub3A_206, %dma_wait3A_281] : memref<2x128xi32, #tpu.memory_space<vmem>> -> memref<1x128xi32, #tpu.memory_space<vmem>>
        %dma_wait3A_283 = tpu.memref_squeeze %dma_wait3A_282 : memref<1x128xi32, #tpu.memory_space<vmem>> -> memref<128xi32, #tpu.memory_space<vmem>>
        %dma_wait3A_284 = tpu.memref_slice %arg4[%add3A_274] : memref<800000xi32, #tpu.memory_space<hbm>> -> memref<128xi32, #tpu.memory_space<hbm>>
        tpu.wait_dma2 semaphore(%dma_wait3A_280 : memref<!tpu.dma_semaphore, #tpu.memory_space<semaphore_mem>>) src(%dma_wait3A_284 : memref<128xi32, #tpu.memory_space<hbm>>) dst(%dma_wait3A_283 : memref<128xi32, #tpu.memory_space<vmem>>)
        %dma_wait3A_285 = arith.constant 0 : i32
        %dma_wait3A_286 = tpu.memref_slice %arg13[%sub3A_206, %dma_wait3A_285] : memref<2x128xi32, #tpu.memory_space<vmem>> -> memref<1x128xi32, #tpu.memory_space<vmem>>
        %dma_wait3A_287 = tpu.memref_squeeze %dma_wait3A_286 : memref<1x128xi32, #tpu.memory_space<vmem>> -> memref<128xi32, #tpu.memory_space<vmem>>
        %dma_wait3A_288 = tpu.memref_slice %arg5[%add3A_274] : memref<800000xi32, #tpu.memory_space<hbm>> -> memref<128xi32, #tpu.memory_space<hbm>>
        %dma_wait3A_289 = tpu.memref_slice %arg19[%sub3A_206] : memref<2x!tpu.dma_semaphore, #tpu.memory_space<semaphore_mem>> -> memref<1x!tpu.dma_semaphore, #tpu.memory_space<semaphore_mem>>
        %dma_wait3A_290 = tpu.memref_squeeze %dma_wait3A_289 : memref<1x!tpu.dma_semaphore, #tpu.memory_space<semaphore_mem>> -> memref<!tpu.dma_semaphore, #tpu.memory_space<semaphore_mem>>
        %dma_wait3A_291 = arith.constant 0 : i32
        %dma_wait3A_292 = tpu.memref_slice %arg13[%sub3A_206, %dma_wait3A_291] : memref<2x128xi32, #tpu.memory_space<vmem>> -> memref<1x128xi32, #tpu.memory_space<vmem>>
        %dma_wait3A_293 = tpu.memref_squeeze %dma_wait3A_292 : memref<1x128xi32, #tpu.memory_space<vmem>> -> memref<128xi32, #tpu.memory_space<vmem>>
        %dma_wait3A_294 = tpu.memref_slice %arg5[%add3A_274] : memref<800000xi32, #tpu.memory_space<hbm>> -> memref<128xi32, #tpu.memory_space<hbm>>
        tpu.wait_dma2 semaphore(%dma_wait3A_290 : memref<!tpu.dma_semaphore, #tpu.memory_space<semaphore_mem>>) src(%dma_wait3A_294 : memref<128xi32, #tpu.memory_space<hbm>>) dst(%dma_wait3A_293 : memref<128xi32, #tpu.memory_space<vmem>>)
        %dma_wait3A_295 = arith.constant 0 : i32
        %dma_wait3A_296 = tpu.memref_slice %arg14[%sub3A_206, %dma_wait3A_295] : memref<2x128xf32, #tpu.memory_space<vmem>> -> memref<1x128xf32, #tpu.memory_space<vmem>>
        %dma_wait3A_297 = tpu.memref_squeeze %dma_wait3A_296 : memref<1x128xf32, #tpu.memory_space<vmem>> -> memref<128xf32, #tpu.memory_space<vmem>>
        %dma_wait3A_298 = tpu.memref_slice %arg3[%add3A_274] : memref<800000xf32, #tpu.memory_space<hbm>> -> memref<128xf32, #tpu.memory_space<hbm>>
        %dma_wait3A_299 = tpu.memref_slice %arg19[%sub3A_206] : memref<2x!tpu.dma_semaphore, #tpu.memory_space<semaphore_mem>> -> memref<1x!tpu.dma_semaphore, #tpu.memory_space<semaphore_mem>>
        %dma_wait3A_300 = tpu.memref_squeeze %dma_wait3A_299 : memref<1x!tpu.dma_semaphore, #tpu.memory_space<semaphore_mem>> -> memref<!tpu.dma_semaphore, #tpu.memory_space<semaphore_mem>>
        %dma_wait3A_301 = arith.constant 0 : i32
        %dma_wait3A_302 = tpu.memref_slice %arg14[%sub3A_206, %dma_wait3A_301] : memref<2x128xf32, #tpu.memory_space<vmem>> -> memref<1x128xf32, #tpu.memory_space<vmem>>
        %dma_wait3A_303 = tpu.memref_squeeze %dma_wait3A_302 : memref<1x128xf32, #tpu.memory_space<vmem>> -> memref<128xf32, #tpu.memory_space<vmem>>
        %dma_wait3A_304 = tpu.memref_slice %arg3[%add3A_274] : memref<800000xf32, #tpu.memory_space<hbm>> -> memref<128xf32, #tpu.memory_space<hbm>>
        tpu.wait_dma2 semaphore(%dma_wait3A_300 : memref<!tpu.dma_semaphore, #tpu.memory_space<semaphore_mem>>) src(%dma_wait3A_304 : memref<128xf32, #tpu.memory_space<hbm>>) dst(%dma_wait3A_303 : memref<128xf32, #tpu.memory_space<vmem>>)
        %dma_start3A_305 = arith.constant 0 : i32
        %dma_start3A_306 = arith.constant 0 : i32
        %dma_start3A_307 = tpu.memref_slice %arg16[%sub3A_206, %dma_start3A_305, %dma_start3A_306] : memref<2x128x16xf32, #tpu.memory_space<vmem>> -> memref<1x128x16xf32, #tpu.memory_space<vmem>>
        %dma_start3A_308 = tpu.memref_squeeze %dma_start3A_307 : memref<1x128x16xf32, #tpu.memory_space<vmem>> -> memref<128x16xf32, #tpu.memory_space<vmem>>
        %dma_start3A_309 = arith.constant 0 : i32
        %dma_start3A_310 = tpu.memref_slice %arg12[%sub3A_206, %dma_start3A_309] : memref<2x128xi32, #tpu.memory_space<vmem>> -> memref<1x128xi32, #tpu.memory_space<vmem>>
        %dma_start3A_311 = tpu.memref_squeeze %dma_start3A_310 : memref<1x128xi32, #tpu.memory_space<vmem>> -> memref<128xi32, #tpu.memory_space<vmem>>
        %dma_start3A_312 = arith.constant 0 : i32
        %dma_start3A_313 = arith.constant 0 : i32
        %dma_start3A_314 = tpu.memref_slice %arg2[%dma_start3A_312, %dma_start3A_313] : memref<50176x16xf32, #tpu.memory_space<hbm>> -> memref<50176x16xf32, #tpu.memory_space<hbm>>
        %dma_start3A_315 = tpu.memref_slice %arg20[%sub3A_206] : memref<2x!tpu.dma_semaphore, #tpu.memory_space<semaphore_mem>> -> memref<1x!tpu.dma_semaphore, #tpu.memory_space<semaphore_mem>>
        %dma_start3A_316 = tpu.memref_squeeze %dma_start3A_315 : memref<1x!tpu.dma_semaphore, #tpu.memory_space<semaphore_mem>> -> memref<!tpu.dma_semaphore, #tpu.memory_space<semaphore_mem>>
        tpu.enqueue_indirect_dma source(%dma_start3A_314 : memref<50176x16xf32, #tpu.memory_space<hbm>>) target(%dma_start3A_308 : memref<128x16xf32, #tpu.memory_space<vmem>>) offsets(%dma_start3A_311 : memref<128xi32, #tpu.memory_space<vmem>>) semaphore(%dma_start3A_316 : memref<!tpu.dma_semaphore, #tpu.memory_space<semaphore_mem>>)
        %dma_start3A_317 = arith.constant 0 : i32
        %dma_start3A_318 = arith.constant 0 : i32
        %dma_start3A_319 = tpu.memref_slice %arg17[%sub3A_206, %dma_start3A_317, %dma_start3A_318] : memref<2x128x16xf32, #tpu.memory_space<vmem>> -> memref<1x128x16xf32, #tpu.memory_space<vmem>>
        %dma_start3A_320 = tpu.memref_squeeze %dma_start3A_319 : memref<1x128x16xf32, #tpu.memory_space<vmem>> -> memref<128x16xf32, #tpu.memory_space<vmem>>
        %dma_start3A_321 = arith.constant 0 : i32
        %dma_start3A_322 = tpu.memref_slice %arg13[%sub3A_206, %dma_start3A_321] : memref<2x128xi32, #tpu.memory_space<vmem>> -> memref<1x128xi32, #tpu.memory_space<vmem>>
        %dma_start3A_323 = tpu.memref_squeeze %dma_start3A_322 : memref<1x128xi32, #tpu.memory_space<vmem>> -> memref<128xi32, #tpu.memory_space<vmem>>
        %dma_start3A_324 = arith.constant 0 : i32
        %dma_start3A_325 = arith.constant 0 : i32
        %dma_start3A_326 = tpu.memref_slice %arg2[%dma_start3A_324, %dma_start3A_325] : memref<50176x16xf32, #tpu.memory_space<hbm>> -> memref<50176x16xf32, #tpu.memory_space<hbm>>
        %dma_start3A_327 = tpu.memref_slice %arg20[%sub3A_206] : memref<2x!tpu.dma_semaphore, #tpu.memory_space<semaphore_mem>> -> memref<1x!tpu.dma_semaphore, #tpu.memory_space<semaphore_mem>>
        %dma_start3A_328 = tpu.memref_squeeze %dma_start3A_327 : memref<1x!tpu.dma_semaphore, #tpu.memory_space<semaphore_mem>> -> memref<!tpu.dma_semaphore, #tpu.memory_space<semaphore_mem>>
        tpu.enqueue_indirect_dma source(%dma_start3A_326 : memref<50176x16xf32, #tpu.memory_space<hbm>>) target(%dma_start3A_320 : memref<128x16xf32, #tpu.memory_space<vmem>>) offsets(%dma_start3A_323 : memref<128xi32, #tpu.memory_space<vmem>>) semaphore(%dma_start3A_328 : memref<!tpu.dma_semaphore, #tpu.memory_space<semaphore_mem>>)
      } else {
      }
      %ge3A = arith.constant 2 : i32
      %ge3A_235 = arith.cmpi sge, %scan3A_203, %ge3A : i32
      %convert_element_type3A_236 = arith.extui %ge3A_235 : i1 to i32
      %cond3A_237 = arith.constant 0 : i32
      %cond3A_238 = arith.cmpi ne, %convert_element_type3A_236, %cond3A_237 : i32
      scf.if %cond3A_238 {
        %sub3A_270 = arith.constant 2 : i32
        %sub3A_271 = arith.subi %scan3A_203, %sub3A_270 : i32
        %mul3A_272 = arith.constant 128 : i32
        %mul3A_273 = arith.muli %sub3A_271, %mul3A_272 : i32
        %add3A_274 = arith.addi %mul3A_3, %mul3A_273 : i32
        %dma_wait3A_275 = arith.constant 0 : i32
        %dma_wait3A_276 = tpu.memref_slice %arg15[%rem3A_205, %dma_wait3A_275] : memref<2x128xf32, #tpu.memory_space<vmem>> -> memref<1x128xf32, #tpu.memory_space<vmem>>
        %dma_wait3A_277 = tpu.memref_squeeze %dma_wait3A_276 : memref<1x128xf32, #tpu.memory_space<vmem>> -> memref<128xf32, #tpu.memory_space<vmem>>
        %dma_wait3A_278 = tpu.memref_slice %arg7[%add3A_274] : memref<800000xf32, #tpu.memory_space<hbm>> -> memref<128xf32, #tpu.memory_space<hbm>>
        %dma_wait3A_279 = tpu.memref_slice %arg21[%rem3A_205] : memref<2x!tpu.dma_semaphore, #tpu.memory_space<semaphore_mem>> -> memref<1x!tpu.dma_semaphore, #tpu.memory_space<semaphore_mem>>
        %dma_wait3A_280 = tpu.memref_squeeze %dma_wait3A_279 : memref<1x!tpu.dma_semaphore, #tpu.memory_space<semaphore_mem>> -> memref<!tpu.dma_semaphore, #tpu.memory_space<semaphore_mem>>
        %dma_wait3A_281 = tpu.memref_slice %arg7[%add3A_274] : memref<800000xf32, #tpu.memory_space<hbm>> -> memref<128xf32, #tpu.memory_space<hbm>>
        %dma_wait3A_282 = arith.constant 0 : i32
        %dma_wait3A_283 = tpu.memref_slice %arg15[%rem3A_205, %dma_wait3A_282] : memref<2x128xf32, #tpu.memory_space<vmem>> -> memref<1x128xf32, #tpu.memory_space<vmem>>
        %dma_wait3A_284 = tpu.memref_squeeze %dma_wait3A_283 : memref<1x128xf32, #tpu.memory_space<vmem>> -> memref<128xf32, #tpu.memory_space<vmem>>
        tpu.wait_dma2 semaphore(%dma_wait3A_280 : memref<!tpu.dma_semaphore, #tpu.memory_space<semaphore_mem>>) src(%dma_wait3A_284 : memref<128xf32, #tpu.memory_space<vmem>>) dst(%dma_wait3A_281 : memref<128xf32, #tpu.memory_space<hbm>>)
      } else {
      }
      %mul3A_239 = arith.constant 128 : i32
      %mul3A_240 = arith.muli %scan3A_203, %mul3A_239 : i32
      %add3A_241 = arith.addi %mul3A_3, %mul3A_240 : i32
      %scan3A_242 = arith.constant 0 : i32
      %scan3A_243 = arith.constant 0 : i32
      %scan3A_244 = arith.constant 8 : i32
      %scan3A_245 = arith.addi %scan3A_243, %scan3A_244 : i32
      %scan3A_246 = arith.constant 1 : i32
      %scan3A_247 = scf.for %scan3A_270 = %scan3A_243 to %scan3A_245 step %scan3A_246 iter_args(%scan3A_271 = %scan3A_242) -> (i32)  : i32 {
        %mul3A_272 = arith.constant 16 : i32
        %mul3A_273 = arith.muli %scan3A_270, %mul3A_272 : i32
        %get3A_274 = arith.index_cast %rem3A_205 : i32 to index
        %get3A_275 = arith.index_cast %mul3A_273 : i32 to index
        %get3A_276 = tpu.vector_load %arg14[%get3A_274, %get3A_275] {strides = array<i32>} : memref<2x128xf32, #tpu.memory_space<vmem>>, vector<16xf32>,
        %neg3A = arith.constant 0.000000e+00 : f32
        %neg3A_277 = vector.broadcast %neg3A : f32 to vector<16xf32>
        %neg3A_278 = arith.subf %neg3A_277, %get3A_276 : vector<16xf32>
        %exp3A = math.exp %neg3A_278 : vector<16xf32>
        %mul3A_279 = arith.constant 16 : i32
        %mul3A_280 = arith.muli %scan3A_270, %mul3A_279 : i32
        %add3A_281 = vector.broadcast %mul3A_280 : i32 to vector<16xi32>
        %add3A_282 = arith.addi %add3A_281, %iota3A : vector<16xi32>
        %broadcast_in_dim3A = arith.constant 0.000000e+00 : f32
        %broadcast_in_dim3A_283 = vector.broadcast %broadcast_in_dim3A : f32 to vector<16xf32>
        %broadcast_in_dim3A_284 = arith.constant 0 : i32
        %broadcast_in_dim3A_285 = vector.broadcast %broadcast_in_dim3A_284 : i32 to vector<16xi32>
        %gather3A = arith.constant 0 : i32
        %gather3A_286 = arith.constant 0 : i32
        %gather3A_287 = tpu.memref_slice %arg16[%rem3A_205, %gather3A, %gather3A_286] : memref<2x128x16xf32, #tpu.memory_space<vmem>> -> memref<1x128x16xf32, #tpu.memory_space<vmem>>
        %gather3A_288 = tpu.memref_squeeze %gather3A_287 : memref<1x128x16xf32, #tpu.memory_space<vmem>> -> memref<128x16xf32, #tpu.memory_space<vmem>>
        %gather3A_289 = tpu.vector_load_idx %gather3A_288[%add3A_282, %broadcast_in_dim3A_285] : memref<128x16xf32, #tpu.memory_space<vmem>>[vector<16xi32>, vector<16xi32>], vector<16xf32>,
        %gather3A_290 = arith.constant 0 : i32
        %gather3A_291 = arith.constant 0 : i32
        %gather3A_292 = tpu.memref_slice %arg17[%rem3A_205, %gather3A_290, %gather3A_291] : memref<2x128x16xf32, #tpu.memory_space<vmem>> -> memref<1x128x16xf32, #tpu.memory_space<vmem>>
        %gather3A_293 = tpu.memref_squeeze %gather3A_292 : memref<1x128x16xf32, #tpu.memory_space<vmem>> -> memref<128x16xf32, #tpu.memory_space<vmem>>
        %gather3A_294 = tpu.vector_load_idx %gather3A_293[%add3A_282, %broadcast_in_dim3A_285] : memref<128x16xf32, #tpu.memory_space<vmem>>[vector<16xi32>, vector<16xi32>], vector<16xf32>,
        %neg3A_295 = arith.constant 0.000000e+00 : f32
        %neg3A_296 = vector.broadcast %neg3A_295 : f32 to vector<16xf32>
        %neg3A_297 = arith.subf %neg3A_296, %gather3A_289 : vector<16xf32>
        %exp3A_298 = math.exp %neg3A_297 : vector<16xf32>
        %add3A_299 = arith.addf %exp3A_298, %exp3A : vector<16xf32>
        %exp3A_300 = math.exp %gather3A_294 : vector<16xf32>
        %add3A_301 = arith.addf %add3A_299, %exp3A_300 : vector<16xf32>
        %slice3A = vector.extract_strided_slice %get3A_1 {offsets = [0], sizes = [1], strides = [1]} : vector<16xf32> to vector<1xf32>
        %squeeze3A = vector.extract %slice3A[0] : f32 from vector<1xf32>
        %div3A = vector.broadcast %squeeze3A : f32 to vector<16xf32>
        %div3A_302 = arith.divf %div3A, %add3A_301 : vector<16xf32>
        %add3A_303 = arith.addf %broadcast_in_dim3A_283, %div3A_302 : vector<16xf32>
        %broadcast_in_dim3A_304 = arith.constant 1 : i32
        %broadcast_in_dim3A_305 = vector.broadcast %broadcast_in_dim3A_304 : i32 to vector<16xi32>
        %gather3A_306 = arith.constant 0 : i32
        %gather3A_307 = arith.constant 0 : i32
        %gather3A_308 = tpu.memref_slice %arg16[%rem3A_205, %gather3A_306, %gather3A_307] : memref<2x128x16xf32, #tpu.memory_space<vmem>> -> memref<1x128x16xf32, #tpu.memory_space<vmem>>
        %gather3A_309 = tpu.memref_squeeze %gather3A_308 : memref<1x128x16xf32, #tpu.memory_space<vmem>> -> memref<128x16xf32, #tpu.memory_space<vmem>>
        %gather3A_310 = tpu.vector_load_idx %gather3A_309[%add3A_282, %broadcast_in_dim3A_305] : memref<128x16xf32, #tpu.memory_space<vmem>>[vector<16xi32>, vector<16xi32>], vector<16xf32>,
        %gather3A_311 = arith.constant 0 : i32
        %gather3A_312 = arith.constant 0 : i32
        %gather3A_313 = tpu.memref_slice %arg17[%rem3A_205, %gather3A_311, %gather3A_312] : memref<2x128x16xf32, #tpu.memory_space<vmem>> -> memref<1x128x16xf32, #tpu.memory_space<vmem>>
        %gather3A_314 = tpu.memref_squeeze %gather3A_313 : memref<1x128x16xf32, #tpu.memory_space<vmem>> -> memref<128x16xf32, #tpu.memory_space<vmem>>
        %gather3A_315 = tpu.vector_load_idx %gather3A_314[%add3A_282, %broadcast_in_dim3A_305] : memref<128x16xf32, #tpu.memory_space<vmem>>[vector<16xi32>, vector<16xi32>], vector<16xf32>,
        %neg3A_316 = arith.constant 0.000000e+00 : f32
        %neg3A_317 = vector.broadcast %neg3A_316 : f32 to vector<16xf32>
        %neg3A_318 = arith.subf %neg3A_317, %gather3A_310 : vector<16xf32>
        %exp3A_319 = math.exp %neg3A_318 : vector<16xf32>
        %add3A_320 = arith.addf %exp3A_319, %exp3A : vector<16xf32>
        %exp3A_321 = math.exp %gather3A_315 : vector<16xf32>
        %add3A_322 = arith.addf %add3A_320, %exp3A_321 : vector<16xf32>
        %slice3A_323 = vector.extract_strided_slice %get3A_1 {offsets = [1], sizes = [1], strides = [1]} : vector<16xf32> to vector<1xf32>
        %squeeze3A_324 = vector.extract %slice3A_323[0] : f32 from vector<1xf32>
        %div3A_325 = vector.broadcast %squeeze3A_324 : f32 to vector<16xf32>
        %div3A_326 = arith.divf %div3A_325, %add3A_322 : vector<16xf32>
        %add3A_327 = arith.addf %add3A_303, %div3A_326 : vector<16xf32>
        %broadcast_in_dim3A_328 = arith.constant 2 : i32
        %broadcast_in_dim3A_329 = vector.broadcast %broadcast_in_dim3A_328 : i32 to vector<16xi32>
        %gather3A_330 = arith.constant 0 : i32
        %gather3A_331 = arith.constant 0 : i32
        %gather3A_332 = tpu.memref_slice %arg16[%rem3A_205, %gather3A_330, %gather3A_331] : memref<2x128x16xf32, #tpu.memory_space<vmem>> -> memref<1x128x16xf32, #tpu.memory_space<vmem>>
        %gather3A_333 = tpu.memref_squeeze %gather3A_332 : memref<1x128x16xf32, #tpu.memory_space<vmem>> -> memref<128x16xf32, #tpu.memory_space<vmem>>
        %gather3A_334 = tpu.vector_load_idx %gather3A_333[%add3A_282, %broadcast_in_dim3A_329] : memref<128x16xf32, #tpu.memory_space<vmem>>[vector<16xi32>, vector<16xi32>], vector<16xf32>,
        %gather3A_335 = arith.constant 0 : i32
        %gather3A_336 = arith.constant 0 : i32
        %gather3A_337 = tpu.memref_slice %arg17[%rem3A_205, %gather3A_335, %gather3A_336] : memref<2x128x16xf32, #tpu.memory_space<vmem>> -> memref<1x128x16xf32, #tpu.memory_space<vmem>>
        %gather3A_338 = tpu.memref_squeeze %gather3A_337 : memref<1x128x16xf32, #tpu.memory_space<vmem>> -> memref<128x16xf32, #tpu.memory_space<vmem>>
        %gather3A_339 = tpu.vector_load_idx %gather3A_338[%add3A_282, %broadcast_in_dim3A_329] : memref<128x16xf32, #tpu.memory_space<vmem>>[vector<16xi32>, vector<16xi32>], vector<16xf32>,
        %neg3A_340 = arith.constant 0.000000e+00 : f32
        %neg3A_341 = vector.broadcast %neg3A_340 : f32 to vector<16xf32>
        %neg3A_342 = arith.subf %neg3A_341, %gather3A_334 : vector<16xf32>
        %exp3A_343 = math.exp %neg3A_342 : vector<16xf32>
        %add3A_344 = arith.addf %exp3A_343, %exp3A : vector<16xf32>
        %exp3A_345 = math.exp %gather3A_339 : vector<16xf32>
        %add3A_346 = arith.addf %add3A_344, %exp3A_345 : vector<16xf32>
        %slice3A_347 = vector.extract_strided_slice %get3A_1 {offsets = [2], sizes = [1], strides = [1]} : vector<16xf32> to vector<1xf32>
        %squeeze3A_348 = vector.extract %slice3A_347[0] : f32 from vector<1xf32>
        %div3A_349 = vector.broadcast %squeeze3A_348 : f32 to vector<16xf32>
        %div3A_350 = arith.divf %div3A_349, %add3A_346 : vector<16xf32>
        %add3A_351 = arith.addf %add3A_327, %div3A_350 : vector<16xf32>
        %broadcast_in_dim3A_352 = arith.constant 3 : i32
        %broadcast_in_dim3A_353 = vector.broadcast %broadcast_in_dim3A_352 : i32 to vector<16xi32>
        %gather3A_354 = arith.constant 0 : i32
        %gather3A_355 = arith.constant 0 : i32
        %gather3A_356 = tpu.memref_slice %arg16[%rem3A_205, %gather3A_354, %gather3A_355] : memref<2x128x16xf32, #tpu.memory_space<vmem>> -> memref<1x128x16xf32, #tpu.memory_space<vmem>>
        %gather3A_357 = tpu.memref_squeeze %gather3A_356 : memref<1x128x16xf32, #tpu.memory_space<vmem>> -> memref<128x16xf32, #tpu.memory_space<vmem>>
        %gather3A_358 = tpu.vector_load_idx %gather3A_357[%add3A_282, %broadcast_in_dim3A_353] : memref<128x16xf32, #tpu.memory_space<vmem>>[vector<16xi32>, vector<16xi32>], vector<16xf32>,
        %gather3A_359 = arith.constant 0 : i32
        %gather3A_360 = arith.constant 0 : i32
        %gather3A_361 = tpu.memref_slice %arg17[%rem3A_205, %gather3A_359, %gather3A_360] : memref<2x128x16xf32, #tpu.memory_space<vmem>> -> memref<1x128x16xf32, #tpu.memory_space<vmem>>
        %gather3A_362 = tpu.memref_squeeze %gather3A_361 : memref<1x128x16xf32, #tpu.memory_space<vmem>> -> memref<128x16xf32, #tpu.memory_space<vmem>>
        %gather3A_363 = tpu.vector_load_idx %gather3A_362[%add3A_282, %broadcast_in_dim3A_353] : memref<128x16xf32, #tpu.memory_space<vmem>>[vector<16xi32>, vector<16xi32>], vector<16xf32>,
        %neg3A_364 = arith.constant 0.000000e+00 : f32
        %neg3A_365 = vector.broadcast %neg3A_364 : f32 to vector<16xf32>
        %neg3A_366 = arith.subf %neg3A_365, %gather3A_358 : vector<16xf32>
        %exp3A_367 = math.exp %neg3A_366 : vector<16xf32>
        %add3A_368 = arith.addf %exp3A_367, %exp3A : vector<16xf32>
        %exp3A_369 = math.exp %gather3A_363 : vector<16xf32>
        %add3A_370 = arith.addf %add3A_368, %exp3A_369 : vector<16xf32>
        %slice3A_371 = vector.extract_strided_slice %get3A_1 {offsets = [3], sizes = [1], strides = [1]} : vector<16xf32> to vector<1xf32>
        %squeeze3A_372 = vector.extract %slice3A_371[0] : f32 from vector<1xf32>
        %div3A_373 = vector.broadcast %squeeze3A_372 : f32 to vector<16xf32>
        %div3A_374 = arith.divf %div3A_373, %add3A_370 : vector<16xf32>
        %add3A_375 = arith.addf %add3A_351, %div3A_374 : vector<16xf32>
        %broadcast_in_dim3A_376 = arith.constant 4 : i32
        %broadcast_in_dim3A_377 = vector.broadcast %broadcast_in_dim3A_376 : i32 to vector<16xi32>
        %gather3A_378 = arith.constant 0 : i32
        %gather3A_379 = arith.constant 0 : i32
        %gather3A_380 = tpu.memref_slice %arg16[%rem3A_205, %gather3A_378, %gather3A_379] : memref<2x128x16xf32, #tpu.memory_space<vmem>> -> memref<1x128x16xf32, #tpu.memory_space<vmem>>
        %gather3A_381 = tpu.memref_squeeze %gather3A_380 : memref<1x128x16xf32, #tpu.memory_space<vmem>> -> memref<128x16xf32, #tpu.memory_space<vmem>>
        %gather3A_382 = tpu.vector_load_idx %gather3A_381[%add3A_282, %broadcast_in_dim3A_377] : memref<128x16xf32, #tpu.memory_space<vmem>>[vector<16xi32>, vector<16xi32>], vector<16xf32>,
        %gather3A_383 = arith.constant 0 : i32
        %gather3A_384 = arith.constant 0 : i32
        %gather3A_385 = tpu.memref_slice %arg17[%rem3A_205, %gather3A_383, %gather3A_384] : memref<2x128x16xf32, #tpu.memory_space<vmem>> -> memref<1x128x16xf32, #tpu.memory_space<vmem>>
        %gather3A_386 = tpu.memref_squeeze %gather3A_385 : memref<1x128x16xf32, #tpu.memory_space<vmem>> -> memref<128x16xf32, #tpu.memory_space<vmem>>
        %gather3A_387 = tpu.vector_load_idx %gather3A_386[%add3A_282, %broadcast_in_dim3A_377] : memref<128x16xf32, #tpu.memory_space<vmem>>[vector<16xi32>, vector<16xi32>], vector<16xf32>,
        %neg3A_388 = arith.constant 0.000000e+00 : f32
        %neg3A_389 = vector.broadcast %neg3A_388 : f32 to vector<16xf32>
        %neg3A_390 = arith.subf %neg3A_389, %gather3A_382 : vector<16xf32>
        %exp3A_391 = math.exp %neg3A_390 : vector<16xf32>
        %add3A_392 = arith.addf %exp3A_391, %exp3A : vector<16xf32>
        %exp3A_393 = math.exp %gather3A_387 : vector<16xf32>
        %add3A_394 = arith.addf %add3A_392, %exp3A_393 : vector<16xf32>
        %slice3A_395 = vector.extract_strided_slice %get3A_1 {offsets = [4], sizes = [1], strides = [1]} : vector<16xf32> to vector<1xf32>
        %squeeze3A_396 = vector.extract %slice3A_395[0] : f32 from vector<1xf32>
        %div3A_397 = vector.broadcast %squeeze3A_396 : f32 to vector<16xf32>
        %div3A_398 = arith.divf %div3A_397, %add3A_394 : vector<16xf32>
        %add3A_399 = arith.addf %add3A_375, %div3A_398 : vector<16xf32>
        %broadcast_in_dim3A_400 = arith.constant 5 : i32
        %broadcast_in_dim3A_401 = vector.broadcast %broadcast_in_dim3A_400 : i32 to vector<16xi32>
        %gather3A_402 = arith.constant 0 : i32
        %gather3A_403 = arith.constant 0 : i32
        %gather3A_404 = tpu.memref_slice %arg16[%rem3A_205, %gather3A_402, %gather3A_403] : memref<2x128x16xf32, #tpu.memory_space<vmem>> -> memref<1x128x16xf32, #tpu.memory_space<vmem>>
        %gather3A_405 = tpu.memref_squeeze %gather3A_404 : memref<1x128x16xf32, #tpu.memory_space<vmem>> -> memref<128x16xf32, #tpu.memory_space<vmem>>
        %gather3A_406 = tpu.vector_load_idx %gather3A_405[%add3A_282, %broadcast_in_dim3A_401] : memref<128x16xf32, #tpu.memory_space<vmem>>[vector<16xi32>, vector<16xi32>], vector<16xf32>,
        %gather3A_407 = arith.constant 0 : i32
        %gather3A_408 = arith.constant 0 : i32
        %gather3A_409 = tpu.memref_slice %arg17[%rem3A_205, %gather3A_407, %gather3A_408] : memref<2x128x16xf32, #tpu.memory_space<vmem>> -> memref<1x128x16xf32, #tpu.memory_space<vmem>>
        %gather3A_410 = tpu.memref_squeeze %gather3A_409 : memref<1x128x16xf32, #tpu.memory_space<vmem>> -> memref<128x16xf32, #tpu.memory_space<vmem>>
        %gather3A_411 = tpu.vector_load_idx %gather3A_410[%add3A_282, %broadcast_in_dim3A_401] : memref<128x16xf32, #tpu.memory_space<vmem>>[vector<16xi32>, vector<16xi32>], vector<16xf32>,
        %neg3A_412 = arith.constant 0.000000e+00 : f32
        %neg3A_413 = vector.broadcast %neg3A_412 : f32 to vector<16xf32>
        %neg3A_414 = arith.subf %neg3A_413, %gather3A_406 : vector<16xf32>
        %exp3A_415 = math.exp %neg3A_414 : vector<16xf32>
        %add3A_416 = arith.addf %exp3A_415, %exp3A : vector<16xf32>
        %exp3A_417 = math.exp %gather3A_411 : vector<16xf32>
        %add3A_418 = arith.addf %add3A_416, %exp3A_417 : vector<16xf32>
        %slice3A_419 = vector.extract_strided_slice %get3A_1 {offsets = [5], sizes = [1], strides = [1]} : vector<16xf32> to vector<1xf32>
        %squeeze3A_420 = vector.extract %slice3A_419[0] : f32 from vector<1xf32>
        %div3A_421 = vector.broadcast %squeeze3A_420 : f32 to vector<16xf32>
        %div3A_422 = arith.divf %div3A_421, %add3A_418 : vector<16xf32>
        %add3A_423 = arith.addf %add3A_399, %div3A_422 : vector<16xf32>
        %broadcast_in_dim3A_424 = arith.constant 6 : i32
        %broadcast_in_dim3A_425 = vector.broadcast %broadcast_in_dim3A_424 : i32 to vector<16xi32>
        %gather3A_426 = arith.constant 0 : i32
        %gather3A_427 = arith.constant 0 : i32
        %gather3A_428 = tpu.memref_slice %arg16[%rem3A_205, %gather3A_426, %gather3A_427] : memref<2x128x16xf32, #tpu.memory_space<vmem>> -> memref<1x128x16xf32, #tpu.memory_space<vmem>>
        %gather3A_429 = tpu.memref_squeeze %gather3A_428 : memref<1x128x16xf32, #tpu.memory_space<vmem>> -> memref<128x16xf32, #tpu.memory_space<vmem>>
        %gather3A_430 = tpu.vector_load_idx %gather3A_429[%add3A_282, %broadcast_in_dim3A_425] : memref<128x16xf32, #tpu.memory_space<vmem>>[vector<16xi32>, vector<16xi32>], vector<16xf32>,
        %gather3A_431 = arith.constant 0 : i32
        %gather3A_432 = arith.constant 0 : i32
        %gather3A_433 = tpu.memref_slice %arg17[%rem3A_205, %gather3A_431, %gather3A_432] : memref<2x128x16xf32, #tpu.memory_space<vmem>> -> memref<1x128x16xf32, #tpu.memory_space<vmem>>
        %gather3A_434 = tpu.memref_squeeze %gather3A_433 : memref<1x128x16xf32, #tpu.memory_space<vmem>> -> memref<128x16xf32, #tpu.memory_space<vmem>>
        %gather3A_435 = tpu.vector_load_idx %gather3A_434[%add3A_282, %broadcast_in_dim3A_425] : memref<128x16xf32, #tpu.memory_space<vmem>>[vector<16xi32>, vector<16xi32>], vector<16xf32>,
        %neg3A_436 = arith.constant 0.000000e+00 : f32
        %neg3A_437 = vector.broadcast %neg3A_436 : f32 to vector<16xf32>
        %neg3A_438 = arith.subf %neg3A_437, %gather3A_430 : vector<16xf32>
        %exp3A_439 = math.exp %neg3A_438 : vector<16xf32>
        %add3A_440 = arith.addf %exp3A_439, %exp3A : vector<16xf32>
        %exp3A_441 = math.exp %gather3A_435 : vector<16xf32>
        %add3A_442 = arith.addf %add3A_440, %exp3A_441 : vector<16xf32>
        %slice3A_443 = vector.extract_strided_slice %get3A_1 {offsets = [6], sizes = [1], strides = [1]} : vector<16xf32> to vector<1xf32>
        %squeeze3A_444 = vector.extract %slice3A_443[0] : f32 from vector<1xf32>
        %div3A_445 = vector.broadcast %squeeze3A_444 : f32 to vector<16xf32>
        %div3A_446 = arith.divf %div3A_445, %add3A_442 : vector<16xf32>
        %add3A_447 = arith.addf %add3A_423, %div3A_446 : vector<16xf32>
        %broadcast_in_dim3A_448 = arith.constant 7 : i32
        %broadcast_in_dim3A_449 = vector.broadcast %broadcast_in_dim3A_448 : i32 to vector<16xi32>
        %gather3A_450 = arith.constant 0 : i32
        %gather3A_451 = arith.constant 0 : i32
        %gather3A_452 = tpu.memref_slice %arg16[%rem3A_205, %gather3A_450, %gather3A_451] : memref<2x128x16xf32, #tpu.memory_space<vmem>> -> memref<1x128x16xf32, #tpu.memory_space<vmem>>
        %gather3A_453 = tpu.memref_squeeze %gather3A_452 : memref<1x128x16xf32, #tpu.memory_space<vmem>> -> memref<128x16xf32, #tpu.memory_space<vmem>>
        %gather3A_454 = tpu.vector_load_idx %gather3A_453[%add3A_282, %broadcast_in_dim3A_449] : memref<128x16xf32, #tpu.memory_space<vmem>>[vector<16xi32>, vector<16xi32>], vector<16xf32>,
        %gather3A_455 = arith.constant 0 : i32
        %gather3A_456 = arith.constant 0 : i32
        %gather3A_457 = tpu.memref_slice %arg17[%rem3A_205, %gather3A_455, %gather3A_456] : memref<2x128x16xf32, #tpu.memory_space<vmem>> -> memref<1x128x16xf32, #tpu.memory_space<vmem>>
        %gather3A_458 = tpu.memref_squeeze %gather3A_457 : memref<1x128x16xf32, #tpu.memory_space<vmem>> -> memref<128x16xf32, #tpu.memory_space<vmem>>
        %gather3A_459 = tpu.vector_load_idx %gather3A_458[%add3A_282, %broadcast_in_dim3A_449] : memref<128x16xf32, #tpu.memory_space<vmem>>[vector<16xi32>, vector<16xi32>], vector<16xf32>,
        %neg3A_460 = arith.constant 0.000000e+00 : f32
        %neg3A_461 = vector.broadcast %neg3A_460 : f32 to vector<16xf32>
        %neg3A_462 = arith.subf %neg3A_461, %gather3A_454 : vector<16xf32>
        %exp3A_463 = math.exp %neg3A_462 : vector<16xf32>
        %add3A_464 = arith.addf %exp3A_463, %exp3A : vector<16xf32>
        %exp3A_465 = math.exp %gather3A_459 : vector<16xf32>
        %add3A_466 = arith.addf %add3A_464, %exp3A_465 : vector<16xf32>
        %slice3A_467 = vector.extract_strided_slice %get3A_1 {offsets = [7], sizes = [1], strides = [1]} : vector<16xf32> to vector<1xf32>
        %squeeze3A_468 = vector.extract %slice3A_467[0] : f32 from vector<1xf32>
        %div3A_469 = vector.broadcast %squeeze3A_468 : f32 to vector<16xf32>
        %div3A_470 = arith.divf %div3A_469, %add3A_466 : vector<16xf32>
        %add3A_471 = arith.addf %add3A_447, %div3A_470 : vector<16xf32>
        %broadcast_in_dim3A_472 = arith.constant 8 : i32
        %broadcast_in_dim3A_473 = vector.broadcast %broadcast_in_dim3A_472 : i32 to vector<16xi32>
        %gather3A_474 = arith.constant 0 : i32
        %gather3A_475 = arith.constant 0 : i32
        %gather3A_476 = tpu.memref_slice %arg16[%rem3A_205, %gather3A_474, %gather3A_475] : memref<2x128x16xf32, #tpu.memory_space<vmem>> -> memref<1x128x16xf32, #tpu.memory_space<vmem>>
        %gather3A_477 = tpu.memref_squeeze %gather3A_476 : memref<1x128x16xf32, #tpu.memory_space<vmem>> -> memref<128x16xf32, #tpu.memory_space<vmem>>
        %gather3A_478 = tpu.vector_load_idx %gather3A_477[%add3A_282, %broadcast_in_dim3A_473] : memref<128x16xf32, #tpu.memory_space<vmem>>[vector<16xi32>, vector<16xi32>], vector<16xf32>,
        %gather3A_479 = arith.constant 0 : i32
        %gather3A_480 = arith.constant 0 : i32
        %gather3A_481 = tpu.memref_slice %arg17[%rem3A_205, %gather3A_479, %gather3A_480] : memref<2x128x16xf32, #tpu.memory_space<vmem>> -> memref<1x128x16xf32, #tpu.memory_space<vmem>>
        %gather3A_482 = tpu.memref_squeeze %gather3A_481 : memref<1x128x16xf32, #tpu.memory_space<vmem>> -> memref<128x16xf32, #tpu.memory_space<vmem>>
        %gather3A_483 = tpu.vector_load_idx %gather3A_482[%add3A_282, %broadcast_in_dim3A_473] : memref<128x16xf32, #tpu.memory_space<vmem>>[vector<16xi32>, vector<16xi32>], vector<16xf32>,
        %neg3A_484 = arith.constant 0.000000e+00 : f32
        %neg3A_485 = vector.broadcast %neg3A_484 : f32 to vector<16xf32>
        %neg3A_486 = arith.subf %neg3A_485, %gather3A_478 : vector<16xf32>
        %exp3A_487 = math.exp %neg3A_486 : vector<16xf32>
        %add3A_488 = arith.addf %exp3A_487, %exp3A : vector<16xf32>
        %exp3A_489 = math.exp %gather3A_483 : vector<16xf32>
        %add3A_490 = arith.addf %add3A_488, %exp3A_489 : vector<16xf32>
        %slice3A_491 = vector.extract_strided_slice %get3A_1 {offsets = [8], sizes = [1], strides = [1]} : vector<16xf32> to vector<1xf32>
        %squeeze3A_492 = vector.extract %slice3A_491[0] : f32 from vector<1xf32>
        %div3A_493 = vector.broadcast %squeeze3A_492 : f32 to vector<16xf32>
        %div3A_494 = arith.divf %div3A_493, %add3A_490 : vector<16xf32>
        %add3A_495 = arith.addf %add3A_471, %div3A_494 : vector<16xf32>
        %broadcast_in_dim3A_496 = arith.constant 9 : i32
        %broadcast_in_dim3A_497 = vector.broadcast %broadcast_in_dim3A_496 : i32 to vector<16xi32>
        %gather3A_498 = arith.constant 0 : i32
        %gather3A_499 = arith.constant 0 : i32
        %gather3A_500 = tpu.memref_slice %arg16[%rem3A_205, %gather3A_498, %gather3A_499] : memref<2x128x16xf32, #tpu.memory_space<vmem>> -> memref<1x128x16xf32, #tpu.memory_space<vmem>>
        %gather3A_501 = tpu.memref_squeeze %gather3A_500 : memref<1x128x16xf32, #tpu.memory_space<vmem>> -> memref<128x16xf32, #tpu.memory_space<vmem>>
        %gather3A_502 = tpu.vector_load_idx %gather3A_501[%add3A_282, %broadcast_in_dim3A_497] : memref<128x16xf32, #tpu.memory_space<vmem>>[vector<16xi32>, vector<16xi32>], vector<16xf32>,
        %gather3A_503 = arith.constant 0 : i32
        %gather3A_504 = arith.constant 0 : i32
        %gather3A_505 = tpu.memref_slice %arg17[%rem3A_205, %gather3A_503, %gather3A_504] : memref<2x128x16xf32, #tpu.memory_space<vmem>> -> memref<1x128x16xf32, #tpu.memory_space<vmem>>
        %gather3A_506 = tpu.memref_squeeze %gather3A_505 : memref<1x128x16xf32, #tpu.memory_space<vmem>> -> memref<128x16xf32, #tpu.memory_space<vmem>>
        %gather3A_507 = tpu.vector_load_idx %gather3A_506[%add3A_282, %broadcast_in_dim3A_497] : memref<128x16xf32, #tpu.memory_space<vmem>>[vector<16xi32>, vector<16xi32>], vector<16xf32>,
        %neg3A_508 = arith.constant 0.000000e+00 : f32
        %neg3A_509 = vector.broadcast %neg3A_508 : f32 to vector<16xf32>
        %neg3A_510 = arith.subf %neg3A_509, %gather3A_502 : vector<16xf32>
        %exp3A_511 = math.exp %neg3A_510 : vector<16xf32>
        %add3A_512 = arith.addf %exp3A_511, %exp3A : vector<16xf32>
        %exp3A_513 = math.exp %gather3A_507 : vector<16xf32>
        %add3A_514 = arith.addf %add3A_512, %exp3A_513 : vector<16xf32>
        %slice3A_515 = vector.extract_strided_slice %get3A_1 {offsets = [9], sizes = [1], strides = [1]} : vector<16xf32> to vector<1xf32>
        %squeeze3A_516 = vector.extract %slice3A_515[0] : f32 from vector<1xf32>
        %div3A_517 = vector.broadcast %squeeze3A_516 : f32 to vector<16xf32>
        %div3A_518 = arith.divf %div3A_517, %add3A_514 : vector<16xf32>
        %add3A_519 = arith.addf %add3A_495, %div3A_518 : vector<16xf32>
        %broadcast_in_dim3A_520 = arith.constant 10 : i32
        %broadcast_in_dim3A_521 = vector.broadcast %broadcast_in_dim3A_520 : i32 to vector<16xi32>
        %gather3A_522 = arith.constant 0 : i32
        %gather3A_523 = arith.constant 0 : i32
        %gather3A_524 = tpu.memref_slice %arg16[%rem3A_205, %gather3A_522, %gather3A_523] : memref<2x128x16xf32, #tpu.memory_space<vmem>> -> memref<1x128x16xf32, #tpu.memory_space<vmem>>
        %gather3A_525 = tpu.memref_squeeze %gather3A_524 : memref<1x128x16xf32, #tpu.memory_space<vmem>> -> memref<128x16xf32, #tpu.memory_space<vmem>>
        %gather3A_526 = tpu.vector_load_idx %gather3A_525[%add3A_282, %broadcast_in_dim3A_521] : memref<128x16xf32, #tpu.memory_space<vmem>>[vector<16xi32>, vector<16xi32>], vector<16xf32>,
        %gather3A_527 = arith.constant 0 : i32
        %gather3A_528 = arith.constant 0 : i32
        %gather3A_529 = tpu.memref_slice %arg17[%rem3A_205, %gather3A_527, %gather3A_528] : memref<2x128x16xf32, #tpu.memory_space<vmem>> -> memref<1x128x16xf32, #tpu.memory_space<vmem>>
        %gather3A_530 = tpu.memref_squeeze %gather3A_529 : memref<1x128x16xf32, #tpu.memory_space<vmem>> -> memref<128x16xf32, #tpu.memory_space<vmem>>
        %gather3A_531 = tpu.vector_load_idx %gather3A_530[%add3A_282, %broadcast_in_dim3A_521] : memref<128x16xf32, #tpu.memory_space<vmem>>[vector<16xi32>, vector<16xi32>], vector<16xf32>,
        %neg3A_532 = arith.constant 0.000000e+00 : f32
        %neg3A_533 = vector.broadcast %neg3A_532 : f32 to vector<16xf32>
        %neg3A_534 = arith.subf %neg3A_533, %gather3A_526 : vector<16xf32>
        %exp3A_535 = math.exp %neg3A_534 : vector<16xf32>
        %add3A_536 = arith.addf %exp3A_535, %exp3A : vector<16xf32>
        %exp3A_537 = math.exp %gather3A_531 : vector<16xf32>
        %add3A_538 = arith.addf %add3A_536, %exp3A_537 : vector<16xf32>
        %slice3A_539 = vector.extract_strided_slice %get3A_1 {offsets = [10], sizes = [1], strides = [1]} : vector<16xf32> to vector<1xf32>
        %squeeze3A_540 = vector.extract %slice3A_539[0] : f32 from vector<1xf32>
        %div3A_541 = vector.broadcast %squeeze3A_540 : f32 to vector<16xf32>
        %div3A_542 = arith.divf %div3A_541, %add3A_538 : vector<16xf32>
        %add3A_543 = arith.addf %add3A_519, %div3A_542 : vector<16xf32>
        %broadcast_in_dim3A_544 = arith.constant 11 : i32
        %broadcast_in_dim3A_545 = vector.broadcast %broadcast_in_dim3A_544 : i32 to vector<16xi32>
        %gather3A_546 = arith.constant 0 : i32
        %gather3A_547 = arith.constant 0 : i32
        %gather3A_548 = tpu.memref_slice %arg16[%rem3A_205, %gather3A_546, %gather3A_547] : memref<2x128x16xf32, #tpu.memory_space<vmem>> -> memref<1x128x16xf32, #tpu.memory_space<vmem>>
        %gather3A_549 = tpu.memref_squeeze %gather3A_548 : memref<1x128x16xf32, #tpu.memory_space<vmem>> -> memref<128x16xf32, #tpu.memory_space<vmem>>
        %gather3A_550 = tpu.vector_load_idx %gather3A_549[%add3A_282, %broadcast_in_dim3A_545] : memref<128x16xf32, #tpu.memory_space<vmem>>[vector<16xi32>, vector<16xi32>], vector<16xf32>,
        %gather3A_551 = arith.constant 0 : i32
        %gather3A_552 = arith.constant 0 : i32
        %gather3A_553 = tpu.memref_slice %arg17[%rem3A_205, %gather3A_551, %gather3A_552] : memref<2x128x16xf32, #tpu.memory_space<vmem>> -> memref<1x128x16xf32, #tpu.memory_space<vmem>>
        %gather3A_554 = tpu.memref_squeeze %gather3A_553 : memref<1x128x16xf32, #tpu.memory_space<vmem>> -> memref<128x16xf32, #tpu.memory_space<vmem>>
        %gather3A_555 = tpu.vector_load_idx %gather3A_554[%add3A_282, %broadcast_in_dim3A_545] : memref<128x16xf32, #tpu.memory_space<vmem>>[vector<16xi32>, vector<16xi32>], vector<16xf32>,
        %neg3A_556 = arith.constant 0.000000e+00 : f32
        %neg3A_557 = vector.broadcast %neg3A_556 : f32 to vector<16xf32>
        %neg3A_558 = arith.subf %neg3A_557, %gather3A_550 : vector<16xf32>
        %exp3A_559 = math.exp %neg3A_558 : vector<16xf32>
        %add3A_560 = arith.addf %exp3A_559, %exp3A : vector<16xf32>
        %exp3A_561 = math.exp %gather3A_555 : vector<16xf32>
        %add3A_562 = arith.addf %add3A_560, %exp3A_561 : vector<16xf32>
        %slice3A_563 = vector.extract_strided_slice %get3A_1 {offsets = [11], sizes = [1], strides = [1]} : vector<16xf32> to vector<1xf32>
        %squeeze3A_564 = vector.extract %slice3A_563[0] : f32 from vector<1xf32>
        %div3A_565 = vector.broadcast %squeeze3A_564 : f32 to vector<16xf32>
        %div3A_566 = arith.divf %div3A_565, %add3A_562 : vector<16xf32>
        %add3A_567 = arith.addf %add3A_543, %div3A_566 : vector<16xf32>
        %broadcast_in_dim3A_568 = arith.constant 12 : i32
        %broadcast_in_dim3A_569 = vector.broadcast %broadcast_in_dim3A_568 : i32 to vector<16xi32>
        %gather3A_570 = arith.constant 0 : i32
        %gather3A_571 = arith.constant 0 : i32
        %gather3A_572 = tpu.memref_slice %arg16[%rem3A_205, %gather3A_570, %gather3A_571] : memref<2x128x16xf32, #tpu.memory_space<vmem>> -> memref<1x128x16xf32, #tpu.memory_space<vmem>>
        %gather3A_573 = tpu.memref_squeeze %gather3A_572 : memref<1x128x16xf32, #tpu.memory_space<vmem>> -> memref<128x16xf32, #tpu.memory_space<vmem>>
        %gather3A_574 = tpu.vector_load_idx %gather3A_573[%add3A_282, %broadcast_in_dim3A_569] : memref<128x16xf32, #tpu.memory_space<vmem>>[vector<16xi32>, vector<16xi32>], vector<16xf32>,
        %gather3A_575 = arith.constant 0 : i32
        %gather3A_576 = arith.constant 0 : i32
        %gather3A_577 = tpu.memref_slice %arg17[%rem3A_205, %gather3A_575, %gather3A_576] : memref<2x128x16xf32, #tpu.memory_space<vmem>> -> memref<1x128x16xf32, #tpu.memory_space<vmem>>
        %gather3A_578 = tpu.memref_squeeze %gather3A_577 : memref<1x128x16xf32, #tpu.memory_space<vmem>> -> memref<128x16xf32, #tpu.memory_space<vmem>>
        %gather3A_579 = tpu.vector_load_idx %gather3A_578[%add3A_282, %broadcast_in_dim3A_569] : memref<128x16xf32, #tpu.memory_space<vmem>>[vector<16xi32>, vector<16xi32>], vector<16xf32>,
        %neg3A_580 = arith.constant 0.000000e+00 : f32
        %neg3A_581 = vector.broadcast %neg3A_580 : f32 to vector<16xf32>
        %neg3A_582 = arith.subf %neg3A_581, %gather3A_574 : vector<16xf32>
        %exp3A_583 = math.exp %neg3A_582 : vector<16xf32>
        %add3A_584 = arith.addf %exp3A_583, %exp3A : vector<16xf32>
        %exp3A_585 = math.exp %gather3A_579 : vector<16xf32>
        %add3A_586 = arith.addf %add3A_584, %exp3A_585 : vector<16xf32>
        %slice3A_587 = vector.extract_strided_slice %get3A_1 {offsets = [12], sizes = [1], strides = [1]} : vector<16xf32> to vector<1xf32>
        %squeeze3A_588 = vector.extract %slice3A_587[0] : f32 from vector<1xf32>
        %div3A_589 = vector.broadcast %squeeze3A_588 : f32 to vector<16xf32>
        %div3A_590 = arith.divf %div3A_589, %add3A_586 : vector<16xf32>
        %add3A_591 = arith.addf %add3A_567, %div3A_590 : vector<16xf32>
        %broadcast_in_dim3A_592 = arith.constant 13 : i32
        %broadcast_in_dim3A_593 = vector.broadcast %broadcast_in_dim3A_592 : i32 to vector<16xi32>
        %gather3A_594 = arith.constant 0 : i32
        %gather3A_595 = arith.constant 0 : i32
        %gather3A_596 = tpu.memref_slice %arg16[%rem3A_205, %gather3A_594, %gather3A_595] : memref<2x128x16xf32, #tpu.memory_space<vmem>> -> memref<1x128x16xf32, #tpu.memory_space<vmem>>
        %gather3A_597 = tpu.memref_squeeze %gather3A_596 : memref<1x128x16xf32, #tpu.memory_space<vmem>> -> memref<128x16xf32, #tpu.memory_space<vmem>>
        %gather3A_598 = tpu.vector_load_idx %gather3A_597[%add3A_282, %broadcast_in_dim3A_593] : memref<128x16xf32, #tpu.memory_space<vmem>>[vector<16xi32>, vector<16xi32>], vector<16xf32>,
        %gather3A_599 = arith.constant 0 : i32
        %gather3A_600 = arith.constant 0 : i32
        %gather3A_601 = tpu.memref_slice %arg17[%rem3A_205, %gather3A_599, %gather3A_600] : memref<2x128x16xf32, #tpu.memory_space<vmem>> -> memref<1x128x16xf32, #tpu.memory_space<vmem>>
        %gather3A_602 = tpu.memref_squeeze %gather3A_601 : memref<1x128x16xf32, #tpu.memory_space<vmem>> -> memref<128x16xf32, #tpu.memory_space<vmem>>
        %gather3A_603 = tpu.vector_load_idx %gather3A_602[%add3A_282, %broadcast_in_dim3A_593] : memref<128x16xf32, #tpu.memory_space<vmem>>[vector<16xi32>, vector<16xi32>], vector<16xf32>,
        %neg3A_604 = arith.constant 0.000000e+00 : f32
        %neg3A_605 = vector.broadcast %neg3A_604 : f32 to vector<16xf32>
        %neg3A_606 = arith.subf %neg3A_605, %gather3A_598 : vector<16xf32>
        %exp3A_607 = math.exp %neg3A_606 : vector<16xf32>
        %add3A_608 = arith.addf %exp3A_607, %exp3A : vector<16xf32>
        %exp3A_609 = math.exp %gather3A_603 : vector<16xf32>
        %add3A_610 = arith.addf %add3A_608, %exp3A_609 : vector<16xf32>
        %slice3A_611 = vector.extract_strided_slice %get3A_1 {offsets = [13], sizes = [1], strides = [1]} : vector<16xf32> to vector<1xf32>
        %squeeze3A_612 = vector.extract %slice3A_611[0] : f32 from vector<1xf32>
        %div3A_613 = vector.broadcast %squeeze3A_612 : f32 to vector<16xf32>
        %div3A_614 = arith.divf %div3A_613, %add3A_610 : vector<16xf32>
        %add3A_615 = arith.addf %add3A_591, %div3A_614 : vector<16xf32>
        %broadcast_in_dim3A_616 = arith.constant 14 : i32
        %broadcast_in_dim3A_617 = vector.broadcast %broadcast_in_dim3A_616 : i32 to vector<16xi32>
        %gather3A_618 = arith.constant 0 : i32
        %gather3A_619 = arith.constant 0 : i32
        %gather3A_620 = tpu.memref_slice %arg16[%rem3A_205, %gather3A_618, %gather3A_619] : memref<2x128x16xf32, #tpu.memory_space<vmem>> -> memref<1x128x16xf32, #tpu.memory_space<vmem>>
        %gather3A_621 = tpu.memref_squeeze %gather3A_620 : memref<1x128x16xf32, #tpu.memory_space<vmem>> -> memref<128x16xf32, #tpu.memory_space<vmem>>
        %gather3A_622 = tpu.vector_load_idx %gather3A_621[%add3A_282, %broadcast_in_dim3A_617] : memref<128x16xf32, #tpu.memory_space<vmem>>[vector<16xi32>, vector<16xi32>], vector<16xf32>,
        %gather3A_623 = arith.constant 0 : i32
        %gather3A_624 = arith.constant 0 : i32
        %gather3A_625 = tpu.memref_slice %arg17[%rem3A_205, %gather3A_623, %gather3A_624] : memref<2x128x16xf32, #tpu.memory_space<vmem>> -> memref<1x128x16xf32, #tpu.memory_space<vmem>>
        %gather3A_626 = tpu.memref_squeeze %gather3A_625 : memref<1x128x16xf32, #tpu.memory_space<vmem>> -> memref<128x16xf32, #tpu.memory_space<vmem>>
        %gather3A_627 = tpu.vector_load_idx %gather3A_626[%add3A_282, %broadcast_in_dim3A_617] : memref<128x16xf32, #tpu.memory_space<vmem>>[vector<16xi32>, vector<16xi32>], vector<16xf32>,
        %neg3A_628 = arith.constant 0.000000e+00 : f32
        %neg3A_629 = vector.broadcast %neg3A_628 : f32 to vector<16xf32>
        %neg3A_630 = arith.subf %neg3A_629, %gather3A_622 : vector<16xf32>
        %exp3A_631 = math.exp %neg3A_630 : vector<16xf32>
        %add3A_632 = arith.addf %exp3A_631, %exp3A : vector<16xf32>
        %exp3A_633 = math.exp %gather3A_627 : vector<16xf32>
        %add3A_634 = arith.addf %add3A_632, %exp3A_633 : vector<16xf32>
        %slice3A_635 = vector.extract_strided_slice %get3A_1 {offsets = [14], sizes = [1], strides = [1]} : vector<16xf32> to vector<1xf32>
        %squeeze3A_636 = vector.extract %slice3A_635[0] : f32 from vector<1xf32>
        %div3A_637 = vector.broadcast %squeeze3A_636 : f32 to vector<16xf32>
        %div3A_638 = arith.divf %div3A_637, %add3A_634 : vector<16xf32>
        %add3A_639 = arith.addf %add3A_615, %div3A_638 : vector<16xf32>
        %broadcast_in_dim3A_640 = arith.constant 15 : i32
        %broadcast_in_dim3A_641 = vector.broadcast %broadcast_in_dim3A_640 : i32 to vector<16xi32>
        %gather3A_642 = arith.constant 0 : i32
        %gather3A_643 = arith.constant 0 : i32
        %gather3A_644 = tpu.memref_slice %arg16[%rem3A_205, %gather3A_642, %gather3A_643] : memref<2x128x16xf32, #tpu.memory_space<vmem>> -> memref<1x128x16xf32, #tpu.memory_space<vmem>>
        %gather3A_645 = tpu.memref_squeeze %gather3A_644 : memref<1x128x16xf32, #tpu.memory_space<vmem>> -> memref<128x16xf32, #tpu.memory_space<vmem>>
        %gather3A_646 = tpu.vector_load_idx %gather3A_645[%add3A_282, %broadcast_in_dim3A_641] : memref<128x16xf32, #tpu.memory_space<vmem>>[vector<16xi32>, vector<16xi32>], vector<16xf32>,
        %gather3A_647 = arith.constant 0 : i32
        %gather3A_648 = arith.constant 0 : i32
        %gather3A_649 = tpu.memref_slice %arg17[%rem3A_205, %gather3A_647, %gather3A_648] : memref<2x128x16xf32, #tpu.memory_space<vmem>> -> memref<1x128x16xf32, #tpu.memory_space<vmem>>
        %gather3A_650 = tpu.memref_squeeze %gather3A_649 : memref<1x128x16xf32, #tpu.memory_space<vmem>> -> memref<128x16xf32, #tpu.memory_space<vmem>>
        %gather3A_651 = tpu.vector_load_idx %gather3A_650[%add3A_282, %broadcast_in_dim3A_641] : memref<128x16xf32, #tpu.memory_space<vmem>>[vector<16xi32>, vector<16xi32>], vector<16xf32>,
        %neg3A_652 = arith.constant 0.000000e+00 : f32
        %neg3A_653 = vector.broadcast %neg3A_652 : f32 to vector<16xf32>
        %neg3A_654 = arith.subf %neg3A_653, %gather3A_646 : vector<16xf32>
        %exp3A_655 = math.exp %neg3A_654 : vector<16xf32>
        %add3A_656 = arith.addf %exp3A_655, %exp3A : vector<16xf32>
        %exp3A_657 = math.exp %gather3A_651 : vector<16xf32>
        %add3A_658 = arith.addf %add3A_656, %exp3A_657 : vector<16xf32>
        %slice3A_659 = vector.extract_strided_slice %get3A_1 {offsets = [15], sizes = [1], strides = [1]} : vector<16xf32> to vector<1xf32>
        %squeeze3A_660 = vector.extract %slice3A_659[0] : f32 from vector<1xf32>
        %div3A_661 = vector.broadcast %squeeze3A_660 : f32 to vector<16xf32>
        %div3A_662 = arith.divf %div3A_661, %add3A_658 : vector<16xf32>
        %add3A_663 = arith.addf %add3A_639, %div3A_662 : vector<16xf32>
        %mul3A_664 = arith.mulf %exp3A, %add3A_663 : vector<16xf32>
        %sub3A_665 = arith.subf %get3A_276, %mul3A_664 : vector<16xf32>
        %mul3A_666 = arith.constant 16 : i32
        %mul3A_667 = arith.muli %scan3A_270, %mul3A_666 : i32
        %swap3A = arith.index_cast %rem3A_205 : i32 to index
        %swap3A_668 = arith.index_cast %mul3A_667 : i32 to index
        %swap3A_669 = tpu.vector_load %arg15[%swap3A, %swap3A_668] {strides = array<i32>} : memref<2x128xf32, #tpu.memory_space<vmem>>, vector<16xf32>,
        tpu.vector_store %arg15[%swap3A, %swap3A_668], %sub3A_665 {strides = array<i32>} : memref<2x128xf32, #tpu.memory_space<vmem>>, vector<16xf32>,
        %mul3A_670 = arith.constant 16 : i32
        %mul3A_671 = arith.muli %scan3A_270, %mul3A_670 : i32
        %add3A_672 = arith.addi %add3A_241, %mul3A_671 : i32
        %add3A_673 = vector.broadcast %add3A_672 : i32 to vector<16xi32>
        %add3A_674 = arith.addi %add3A_673, %iota3A : vector<16xi32>
        %mul3A_675 = arith.constant 16 : i32
        %mul3A_676 = arith.muli %scan3A_270, %mul3A_675 : i32
        %get3A_677 = arith.index_cast %rem3A_205 : i32 to index
        %get3A_678 = arith.index_cast %mul3A_676 : i32 to index
        %get3A_679 = tpu.vector_load %arg12[%get3A_677, %get3A_678] {strides = array<i32>} : memref<2x128xi32, #tpu.memory_space<vmem>>, vector<16xi32>,
        %mul3A_680 = arith.constant 16 : i32
        %mul3A_681 = vector.broadcast %mul3A_680 : i32 to vector<16xi32>
        %mul3A_682 = arith.muli %get3A_679, %mul3A_681 : vector<16xi32>
        %add3A_683 = arith.addi %mul3A_682, %iota3A : vector<16xi32>
        %masked_sort3A = arith.constant dense<true> : vector<16xi1>
        %masked_sort3A_684 = arith.constant -2147483648 : i32
        %masked_sort3A_685 = vector.broadcast %masked_sort3A_684 : i32 to vector<16xi32>
        %masked_sort3A_686 = arith.xori %add3A_683, %masked_sort3A_685 : vector<16xi32>
        %masked_sort3A_687, %masked_sort3A_688, %masked_sort3A_689 = tpu.sort %masked_sort3A_686, %add3A_674 masked %masked_sort3A : (vector<16xi32>, vector<16xi32>, vector<16xi1>) -> (vector<16xi1>, vector<16xi32>, vector<16xi32>)
        %masked_sort3A_690 = arith.xori %masked_sort3A_688, %masked_sort3A_685 : vector<16xi32>
        %add3A_691 = arith.constant 1 : i32
        %add3A_692 = vector.broadcast %add3A_691 : i32 to vector<16xi32>
        %add3A_693 = arith.addi %iota3A, %add3A_692 : vector<16xi32>
        %min3A = arith.constant 15 : i32
        %min3A_694 = vector.broadcast %min3A : i32 to vector<16xi32>
        %min3A_695 = arith.minsi %add3A_693, %min3A_694 : vector<16xi32>
        %lt3A_696 = arith.constant 0 : i32
        %lt3A_697 = vector.broadcast %lt3A_696 : i32 to vector<16xi32>
        %lt3A_698 = arith.cmpi slt, %min3A_695, %lt3A_697 : vector<16xi32>
        %add3A_699 = arith.constant 16 : i32
        %add3A_700 = vector.broadcast %add3A_699 : i32 to vector<16xi32>
        %add3A_701 = arith.addi %min3A_695, %add3A_700 : vector<16xi32>
        %select_n3A = arith.select %lt3A_698, %add3A_701, %min3A_695 : vector<16xi1>, vector<16xi32>
        %broadcast_in_dim3A_702 = vector.shape_cast %select_n3A : vector<16xi32> to vector<16x1xi32>
        %gather3A_703 = vector.shape_cast %broadcast_in_dim3A_702 : vector<16x1xi32> to vector<16xi32>
        %gather3A_704 = tpu.dynamic_gather %masked_sort3A_690[%gather3A_703] in [0] : vector<16xi32>, vector<16xi32> -> vector<16xi32>
        %shift_right_arithmetic3A = arith.constant 4 : i32
        %shift_right_arithmetic3A_705 = vector.broadcast %shift_right_arithmetic3A : i32 to vector<16xi32>
        %shift_right_arithmetic3A_706 = arith.shrsi %masked_sort3A_690, %shift_right_arithmetic3A_705 : vector<16xi32>
        %shift_right_arithmetic3A_707 = arith.constant 4 : i32
        %shift_right_arithmetic3A_708 = vector.broadcast %shift_right_arithmetic3A_707 : i32 to vector<16xi32>
        %shift_right_arithmetic3A_709 = arith.shrsi %gather3A_704, %shift_right_arithmetic3A_708 : vector<16xi32>
        %ne3A = arith.cmpi ne, %shift_right_arithmetic3A_706, %shift_right_arithmetic3A_709 : vector<16xi32>
        %eq3A = arith.constant 15 : i32
        %eq3A_710 = vector.broadcast %eq3A : i32 to vector<16xi32>
        %eq3A_711 = arith.cmpi eq, %iota3A, %eq3A_710 : vector<16xi32>
        %or3A = arith.ori %ne3A, %eq3A_711 : vector<16xi1>
        %and3A = arith.constant 15 : i32
        %and3A_712 = vector.broadcast %and3A : i32 to vector<16xi32>
        %and3A_713 = arith.andi %masked_sort3A_690, %and3A_712 : vector<16xi32>
        %mul3A_714 = arith.constant 16 : i32
        %mul3A_715 = arith.muli %scan3A_270, %mul3A_714 : i32
        %sub3A_716 = arith.constant 128 : i32
        %sub3A_717 = arith.subi %sub3A_716, %mul3A_715 : i32
        %lt3A_718 = vector.broadcast %sub3A_717 : i32 to vector<16xi32>
        %lt3A_719 = arith.cmpi slt, %and3A_713, %lt3A_718 : vector<16xi32>
        %shift_right_arithmetic3A_720 = arith.constant 4 : i32
        %shift_right_arithmetic3A_721 = vector.broadcast %shift_right_arithmetic3A_720 : i32 to vector<16xi32>
        %shift_right_arithmetic3A_722 = arith.shrsi %masked_sort3A_690, %shift_right_arithmetic3A_721 : vector<16xi32>
        %and3A_723 = arith.andi %or3A, %lt3A_719 : vector<16xi1>
        tpu.vector_store_idx %arg10[%shift_right_arithmetic3A_722], %masked_sort3A_689 masked %and3A_723 : memref<50176xi32, #tpu.memory_space<vmem>>[vector<16xi32>], vector<16xi32>, vector<16xi1>
        %mul3A_724 = arith.constant 16 : i32
        %mul3A_725 = arith.muli %scan3A_270, %mul3A_724 : i32
        %get3A_726 = arith.index_cast %rem3A_205 : i32 to index
        %get3A_727 = arith.index_cast %mul3A_725 : i32 to index
        %get3A_728 = tpu.vector_load %arg13[%get3A_726, %get3A_727] {strides = array<i32>} : memref<2x128xi32, #tpu.memory_space<vmem>>, vector<16xi32>,
        %mul3A_729 = arith.constant 16 : i32
        %mul3A_730 = vector.broadcast %mul3A_729 : i32 to vector<16xi32>
        %mul3A_731 = arith.muli %get3A_728, %mul3A_730 : vector<16xi32>
        %add3A_732 = arith.addi %mul3A_731, %iota3A : vector<16xi32>
        %masked_sort3A_733 = arith.constant dense<true> : vector<16xi1>
        %masked_sort3A_734 = arith.constant -2147483648 : i32
        %masked_sort3A_735 = vector.broadcast %masked_sort3A_734 : i32 to vector<16xi32>
        %masked_sort3A_736 = arith.xori %add3A_732, %masked_sort3A_735 : vector<16xi32>
        %masked_sort3A_737, %masked_sort3A_738, %masked_sort3A_739 = tpu.sort %masked_sort3A_736, %add3A_674 masked %masked_sort3A_733 : (vector<16xi32>, vector<16xi32>, vector<16xi1>) -> (vector<16xi1>, vector<16xi32>, vector<16xi32>)
        %masked_sort3A_740 = arith.xori %masked_sort3A_738, %masked_sort3A_735 : vector<16xi32>
        %add3A_741 = arith.constant 1 : i32
        %add3A_742 = vector.broadcast %add3A_741 : i32 to vector<16xi32>
        %add3A_743 = arith.addi %iota3A, %add3A_742 : vector<16xi32>
        %min3A_744 = arith.constant 15 : i32
        %min3A_745 = vector.broadcast %min3A_744 : i32 to vector<16xi32>
        %min3A_746 = arith.minsi %add3A_743, %min3A_745 : vector<16xi32>
        %lt3A_747 = arith.constant 0 : i32
        %lt3A_748 = vector.broadcast %lt3A_747 : i32 to vector<16xi32>
        %lt3A_749 = arith.cmpi slt, %min3A_746, %lt3A_748 : vector<16xi32>
        %add3A_750 = arith.constant 16 : i32
        %add3A_751 = vector.broadcast %add3A_750 : i32 to vector<16xi32>
        %add3A_752 = arith.addi %min3A_746, %add3A_751 : vector<16xi32>
        %select_n3A_753 = arith.select %lt3A_749, %add3A_752, %min3A_746 : vector<16xi1>, vector<16xi32>
        %broadcast_in_dim3A_754 = vector.shape_cast %select_n3A_753 : vector<16xi32> to vector<16x1xi32>
        %gather3A_755 = vector.shape_cast %broadcast_in_dim3A_754 : vector<16x1xi32> to vector<16xi32>
        %gather3A_756 = tpu.dynamic_gather %masked_sort3A_740[%gather3A_755] in [0] : vector<16xi32>, vector<16xi32> -> vector<16xi32>
        %shift_right_arithmetic3A_757 = arith.constant 4 : i32
        %shift_right_arithmetic3A_758 = vector.broadcast %shift_right_arithmetic3A_757 : i32 to vector<16xi32>
        %shift_right_arithmetic3A_759 = arith.shrsi %masked_sort3A_740, %shift_right_arithmetic3A_758 : vector<16xi32>
        %shift_right_arithmetic3A_760 = arith.constant 4 : i32
        %shift_right_arithmetic3A_761 = vector.broadcast %shift_right_arithmetic3A_760 : i32 to vector<16xi32>
        %shift_right_arithmetic3A_762 = arith.shrsi %gather3A_756, %shift_right_arithmetic3A_761 : vector<16xi32>
        %ne3A_763 = arith.cmpi ne, %shift_right_arithmetic3A_759, %shift_right_arithmetic3A_762 : vector<16xi32>
        %eq3A_764 = arith.constant 15 : i32
        %eq3A_765 = vector.broadcast %eq3A_764 : i32 to vector<16xi32>
        %eq3A_766 = arith.cmpi eq, %iota3A, %eq3A_765 : vector<16xi32>
        %or3A_767 = arith.ori %ne3A_763, %eq3A_766 : vector<16xi1>
        %and3A_768 = arith.constant 15 : i32
        %and3A_769 = vector.broadcast %and3A_768 : i32 to vector<16xi32>
        %and3A_770 = arith.andi %masked_sort3A_740, %and3A_769 : vector<16xi32>
        %mul3A_771 = arith.constant 16 : i32
        %mul3A_772 = arith.muli %scan3A_270, %mul3A_771 : i32
        %sub3A_773 = arith.constant 128 : i32
        %sub3A_774 = arith.subi %sub3A_773, %mul3A_772 : i32
        %lt3A_775 = vector.broadcast %sub3A_774 : i32 to vector<16xi32>
        %lt3A_776 = arith.cmpi slt, %and3A_770, %lt3A_775 : vector<16xi32>
        %shift_right_arithmetic3A_777 = arith.constant 4 : i32
        %shift_right_arithmetic3A_778 = vector.broadcast %shift_right_arithmetic3A_777 : i32 to vector<16xi32>
        %shift_right_arithmetic3A_779 = arith.shrsi %masked_sort3A_740, %shift_right_arithmetic3A_778 : vector<16xi32>
        %and3A_780 = arith.andi %or3A_767, %lt3A_776 : vector<16xi1>
        tpu.vector_store_idx %arg11[%shift_right_arithmetic3A_779], %masked_sort3A_739 masked %and3A_780 : memref<50176xi32, #tpu.memory_space<vmem>>[vector<16xi32>], vector<16xi32>, vector<16xi1>
        %scan3A_781 = arith.constant 0 : i32
        scf.yield %scan3A_781 : i32
      }
      %scan3A_248 = arith.constant 8 : i32
      %mul3A_249 = arith.constant 128 : i32
      %mul3A_250 = arith.muli %scan3A_203, %mul3A_249 : i32
      %add3A_251 = arith.addi %mul3A_3, %mul3A_250 : i32
      %dma_start3A_252 = arith.constant 0 : i32
      %dma_start3A_253 = tpu.memref_slice %arg15[%rem3A_205, %dma_start3A_252] : memref<2x128xf32, #tpu.memory_space<vmem>> -> memref<1x128xf32, #tpu.memory_space<vmem>>
      %dma_start3A_254 = tpu.memref_squeeze %dma_start3A_253 : memref<1x128xf32, #tpu.memory_space<vmem>> -> memref<128xf32, #tpu.memory_space<vmem>>
      %dma_start3A_255 = tpu.memref_slice %arg7[%add3A_251] : memref<800000xf32, #tpu.memory_space<hbm>> -> memref<128xf32, #tpu.memory_space<hbm>>
      %dma_start3A_256 = tpu.memref_slice %arg21[%rem3A_205] : memref<2x!tpu.dma_semaphore, #tpu.memory_space<semaphore_mem>> -> memref<1x!tpu.dma_semaphore, #tpu.memory_space<semaphore_mem>>
      %dma_start3A_257 = tpu.memref_squeeze %dma_start3A_256 : memref<1x!tpu.dma_semaphore, #tpu.memory_space<semaphore_mem>> -> memref<!tpu.dma_semaphore, #tpu.memory_space<semaphore_mem>>
      %dma_start3A_258 = tpu.memref_slice %arg7[%add3A_251] : memref<800000xf32, #tpu.memory_space<hbm>> -> memref<128xf32, #tpu.memory_space<hbm>>
      %dma_start3A_259 = arith.constant 0 : i32
      %dma_start3A_260 = tpu.memref_slice %arg15[%rem3A_205, %dma_start3A_259] : memref<2x128xf32, #tpu.memory_space<vmem>> -> memref<1x128xf32, #tpu.memory_space<vmem>>
      %dma_start3A_261 = tpu.memref_squeeze %dma_start3A_260 : memref<1x128xf32, #tpu.memory_space<vmem>> -> memref<128xf32, #tpu.memory_space<vmem>>
      tpu.enqueue_dma source(%dma_start3A_261 : memref<128xf32, #tpu.memory_space<vmem>>) target(%dma_start3A_258 : memref<128xf32, #tpu.memory_space<hbm>>) target_semaphore(%dma_start3A_257 : memref<!tpu.dma_semaphore, #tpu.memory_space<semaphore_mem>>)
      %add3A_262 = arith.constant 2 : i32
      %add3A_263 = arith.addi %scan3A_203, %add3A_262 : i32
      %lt3A_264 = arith.constant 195 : i32
      %lt3A_265 = arith.cmpi slt, %add3A_263, %lt3A_264 : i32
      %convert_element_type3A_266 = arith.extui %lt3A_265 : i1 to i32
      %cond3A_267 = arith.constant 0 : i32
      %cond3A_268 = arith.cmpi ne, %convert_element_type3A_266, %cond3A_267 : i32
      scf.if %cond3A_268 {
        %add3A_270 = arith.constant 2 : i32
        %add3A_271 = arith.addi %scan3A_203, %add3A_270 : i32
        %mul3A_272 = arith.constant 128 : i32
        %mul3A_273 = arith.muli %add3A_271, %mul3A_272 : i32
        %add3A_274 = arith.addi %mul3A_3, %mul3A_273 : i32
        %dma_start3A_275 = arith.constant 0 : i32
        %dma_start3A_276 = tpu.memref_slice %arg12[%rem3A_205, %dma_start3A_275] : memref<2x128xi32, #tpu.memory_space<vmem>> -> memref<1x128xi32, #tpu.memory_space<vmem>>
        %dma_start3A_277 = tpu.memref_squeeze %dma_start3A_276 : memref<1x128xi32, #tpu.memory_space<vmem>> -> memref<128xi32, #tpu.memory_space<vmem>>
        %dma_start3A_278 = tpu.memref_slice %arg4[%add3A_274] : memref<800000xi32, #tpu.memory_space<hbm>> -> memref<128xi32, #tpu.memory_space<hbm>>
        %dma_start3A_279 = tpu.memref_slice %arg19[%rem3A_205] : memref<2x!tpu.dma_semaphore, #tpu.memory_space<semaphore_mem>> -> memref<1x!tpu.dma_semaphore, #tpu.memory_space<semaphore_mem>>
        %dma_start3A_280 = tpu.memref_squeeze %dma_start3A_279 : memref<1x!tpu.dma_semaphore, #tpu.memory_space<semaphore_mem>> -> memref<!tpu.dma_semaphore, #tpu.memory_space<semaphore_mem>>
        %dma_start3A_281 = arith.constant 0 : i32
        %dma_start3A_282 = tpu.memref_slice %arg12[%rem3A_205, %dma_start3A_281] : memref<2x128xi32, #tpu.memory_space<vmem>> -> memref<1x128xi32, #tpu.memory_space<vmem>>
        %dma_start3A_283 = tpu.memref_squeeze %dma_start3A_282 : memref<1x128xi32, #tpu.memory_space<vmem>> -> memref<128xi32, #tpu.memory_space<vmem>>
        %dma_start3A_284 = tpu.memref_slice %arg4[%add3A_274] : memref<800000xi32, #tpu.memory_space<hbm>> -> memref<128xi32, #tpu.memory_space<hbm>>
        tpu.enqueue_dma source(%dma_start3A_284 : memref<128xi32, #tpu.memory_space<hbm>>) target(%dma_start3A_283 : memref<128xi32, #tpu.memory_space<vmem>>) target_semaphore(%dma_start3A_280 : memref<!tpu.dma_semaphore, #tpu.memory_space<semaphore_mem>>)
        %dma_start3A_285 = arith.constant 0 : i32
        %dma_start3A_286 = tpu.memref_slice %arg13[%rem3A_205, %dma_start3A_285] : memref<2x128xi32, #tpu.memory_space<vmem>> -> memref<1x128xi32, #tpu.memory_space<vmem>>
        %dma_start3A_287 = tpu.memref_squeeze %dma_start3A_286 : memref<1x128xi32, #tpu.memory_space<vmem>> -> memref<128xi32, #tpu.memory_space<vmem>>
        %dma_start3A_288 = tpu.memref_slice %arg5[%add3A_274] : memref<800000xi32, #tpu.memory_space<hbm>> -> memref<128xi32, #tpu.memory_space<hbm>>
        %dma_start3A_289 = tpu.memref_slice %arg19[%rem3A_205] : memref<2x!tpu.dma_semaphore, #tpu.memory_space<semaphore_mem>> -> memref<1x!tpu.dma_semaphore, #tpu.memory_space<semaphore_mem>>
        %dma_start3A_290 = tpu.memref_squeeze %dma_start3A_289 : memref<1x!tpu.dma_semaphore, #tpu.memory_space<semaphore_mem>> -> memref<!tpu.dma_semaphore, #tpu.memory_space<semaphore_mem>>
        %dma_start3A_291 = arith.constant 0 : i32
        %dma_start3A_292 = tpu.memref_slice %arg13[%rem3A_205, %dma_start3A_291] : memref<2x128xi32, #tpu.memory_space<vmem>> -> memref<1x128xi32, #tpu.memory_space<vmem>>
        %dma_start3A_293 = tpu.memref_squeeze %dma_start3A_292 : memref<1x128xi32, #tpu.memory_space<vmem>> -> memref<128xi32, #tpu.memory_space<vmem>>
        %dma_start3A_294 = tpu.memref_slice %arg5[%add3A_274] : memref<800000xi32, #tpu.memory_space<hbm>> -> memref<128xi32, #tpu.memory_space<hbm>>
        tpu.enqueue_dma source(%dma_start3A_294 : memref<128xi32, #tpu.memory_space<hbm>>) target(%dma_start3A_293 : memref<128xi32, #tpu.memory_space<vmem>>) target_semaphore(%dma_start3A_290 : memref<!tpu.dma_semaphore, #tpu.memory_space<semaphore_mem>>)
        %dma_start3A_295 = arith.constant 0 : i32
        %dma_start3A_296 = tpu.memref_slice %arg14[%rem3A_205, %dma_start3A_295] : memref<2x128xf32, #tpu.memory_space<vmem>> -> memref<1x128xf32, #tpu.memory_space<vmem>>
        %dma_start3A_297 = tpu.memref_squeeze %dma_start3A_296 : memref<1x128xf32, #tpu.memory_space<vmem>> -> memref<128xf32, #tpu.memory_space<vmem>>
        %dma_start3A_298 = tpu.memref_slice %arg3[%add3A_274] : memref<800000xf32, #tpu.memory_space<hbm>> -> memref<128xf32, #tpu.memory_space<hbm>>
        %dma_start3A_299 = tpu.memref_slice %arg19[%rem3A_205] : memref<2x!tpu.dma_semaphore, #tpu.memory_space<semaphore_mem>> -> memref<1x!tpu.dma_semaphore, #tpu.memory_space<semaphore_mem>>
        %dma_start3A_300 = tpu.memref_squeeze %dma_start3A_299 : memref<1x!tpu.dma_semaphore, #tpu.memory_space<semaphore_mem>> -> memref<!tpu.dma_semaphore, #tpu.memory_space<semaphore_mem>>
        %dma_start3A_301 = arith.constant 0 : i32
        %dma_start3A_302 = tpu.memref_slice %arg14[%rem3A_205, %dma_start3A_301] : memref<2x128xf32, #tpu.memory_space<vmem>> -> memref<1x128xf32, #tpu.memory_space<vmem>>
        %dma_start3A_303 = tpu.memref_squeeze %dma_start3A_302 : memref<1x128xf32, #tpu.memory_space<vmem>> -> memref<128xf32, #tpu.memory_space<vmem>>
        %dma_start3A_304 = tpu.memref_slice %arg3[%add3A_274] : memref<800000xf32, #tpu.memory_space<hbm>> -> memref<128xf32, #tpu.memory_space<hbm>>
        tpu.enqueue_dma source(%dma_start3A_304 : memref<128xf32, #tpu.memory_space<hbm>>) target(%dma_start3A_303 : memref<128xf32, #tpu.memory_space<vmem>>) target_semaphore(%dma_start3A_300 : memref<!tpu.dma_semaphore, #tpu.memory_space<semaphore_mem>>)
      } else {
      }
      %scan3A_269 = arith.constant 0 : i32
      scf.yield %scan3A_269 : i32
    }
    %scan3A_158 = arith.constant 195 : i32
    %add3A_159 = arith.constant 24704 : i32
    %add3A_160 = arith.addi %mul3A_3, %add3A_159 : i32
    %dma_wait3A_161 = arith.constant 1 : i32
    %dma_wait3A_162 = arith.constant 1 : i32
    %dma_wait3A_163 = arith.constant 0 : i32
    %dma_wait3A_164 = tpu.memref_slice %arg15[%dma_wait3A_161, %dma_wait3A_163] : memref<2x128xf32, #tpu.memory_space<vmem>> -> memref<1x128xf32, #tpu.memory_space<vmem>>
    %dma_wait3A_165 = tpu.memref_squeeze %dma_wait3A_164 : memref<1x128xf32, #tpu.memory_space<vmem>> -> memref<128xf32, #tpu.memory_space<vmem>>
    %dma_wait3A_166 = tpu.memref_slice %arg7[%add3A_160] : memref<800000xf32, #tpu.memory_space<hbm>> -> memref<128xf32, #tpu.memory_space<hbm>>
    %dma_wait3A_167 = tpu.memref_slice %arg21[%dma_wait3A_162] : memref<2x!tpu.dma_semaphore, #tpu.memory_space<semaphore_mem>> -> memref<1x!tpu.dma_semaphore, #tpu.memory_space<semaphore_mem>>
    %dma_wait3A_168 = tpu.memref_squeeze %dma_wait3A_167 : memref<1x!tpu.dma_semaphore, #tpu.memory_space<semaphore_mem>> -> memref<!tpu.dma_semaphore, #tpu.memory_space<semaphore_mem>>
    %dma_wait3A_169 = tpu.memref_slice %arg7[%add3A_160] : memref<800000xf32, #tpu.memory_space<hbm>> -> memref<128xf32, #tpu.memory_space<hbm>>
    %dma_wait3A_170 = arith.constant 0 : i32
    %dma_wait3A_171 = tpu.memref_slice %arg15[%dma_wait3A_161, %dma_wait3A_170] : memref<2x128xf32, #tpu.memory_space<vmem>> -> memref<1x128xf32, #tpu.memory_space<vmem>>
    %dma_wait3A_172 = tpu.memref_squeeze %dma_wait3A_171 : memref<1x128xf32, #tpu.memory_space<vmem>> -> memref<128xf32, #tpu.memory_space<vmem>>
    tpu.wait_dma2 semaphore(%dma_wait3A_168 : memref<!tpu.dma_semaphore, #tpu.memory_space<semaphore_mem>>) src(%dma_wait3A_172 : memref<128xf32, #tpu.memory_space<vmem>>) dst(%dma_wait3A_169 : memref<128xf32, #tpu.memory_space<hbm>>)
    %add3A_173 = arith.constant 24832 : i32
    %add3A_174 = arith.addi %mul3A_3, %add3A_173 : i32
    %dma_wait3A_175 = arith.constant 0 : i32
    %dma_wait3A_176 = arith.constant 0 : i32
    %dma_wait3A_177 = arith.constant 0 : i32
    %dma_wait3A_178 = tpu.memref_slice %arg15[%dma_wait3A_175, %dma_wait3A_177] : memref<2x128xf32, #tpu.memory_space<vmem>> -> memref<1x128xf32, #tpu.memory_space<vmem>>
    %dma_wait3A_179 = tpu.memref_squeeze %dma_wait3A_178 : memref<1x128xf32, #tpu.memory_space<vmem>> -> memref<128xf32, #tpu.memory_space<vmem>>
    %dma_wait3A_180 = tpu.memref_slice %arg7[%add3A_174] : memref<800000xf32, #tpu.memory_space<hbm>> -> memref<128xf32, #tpu.memory_space<hbm>>
    %dma_wait3A_181 = tpu.memref_slice %arg21[%dma_wait3A_176] : memref<2x!tpu.dma_semaphore, #tpu.memory_space<semaphore_mem>> -> memref<1x!tpu.dma_semaphore, #tpu.memory_space<semaphore_mem>>
    %dma_wait3A_182 = tpu.memref_squeeze %dma_wait3A_181 : memref<1x!tpu.dma_semaphore, #tpu.memory_space<semaphore_mem>> -> memref<!tpu.dma_semaphore, #tpu.memory_space<semaphore_mem>>
    %dma_wait3A_183 = tpu.memref_slice %arg7[%add3A_174] : memref<800000xf32, #tpu.memory_space<hbm>> -> memref<128xf32, #tpu.memory_space<hbm>>
    %dma_wait3A_184 = arith.constant 0 : i32
    %dma_wait3A_185 = tpu.memref_slice %arg15[%dma_wait3A_175, %dma_wait3A_184] : memref<2x128xf32, #tpu.memory_space<vmem>> -> memref<1x128xf32, #tpu.memory_space<vmem>>
    %dma_wait3A_186 = tpu.memref_squeeze %dma_wait3A_185 : memref<1x128xf32, #tpu.memory_space<vmem>> -> memref<128xf32, #tpu.memory_space<vmem>>
    tpu.wait_dma2 semaphore(%dma_wait3A_182 : memref<!tpu.dma_semaphore, #tpu.memory_space<semaphore_mem>>) src(%dma_wait3A_186 : memref<128xf32, #tpu.memory_space<vmem>>) dst(%dma_wait3A_183 : memref<128xf32, #tpu.memory_space<hbm>>)
    %add3A_187 = arith.constant 24960 : i32
    %add3A_188 = arith.addi %mul3A_3, %add3A_187 : i32
    %run_scoped3A = arith.constant 0 : i32
    "tpu.region"() ({
      %run_scoped3A_203 = tpu.sem_alloc : memref<!tpu.dma_semaphore, #tpu.memory_space<semaphore_mem>>
      %dma_start3A_204 = arith.constant 0 : i32
      %dma_start3A_205 = tpu.memref_slice %arg12[%run_scoped3A, %dma_start3A_204] : memref<2x128xi32, #tpu.memory_space<vmem>> -> memref<1x40xi32, #tpu.memory_space<vmem>>
      %dma_start3A_206 = tpu.memref_squeeze %dma_start3A_205 : memref<1x40xi32, #tpu.memory_space<vmem>> -> memref<40xi32, #tpu.memory_space<vmem>>
      %dma_start3A_207 = tpu.memref_slice %arg4[%add3A_188] : memref<800000xi32, #tpu.memory_space<hbm>> -> memref<40xi32, #tpu.memory_space<hbm>>
      %dma_start3A_208 = arith.constant 0 : i32
      %dma_start3A_209 = tpu.memref_slice %arg12[%run_scoped3A, %dma_start3A_208] : memref<2x128xi32, #tpu.memory_space<vmem>> -> memref<1x40xi32, #tpu.memory_space<vmem>>
      %dma_start3A_210 = tpu.memref_squeeze %dma_start3A_209 : memref<1x40xi32, #tpu.memory_space<vmem>> -> memref<40xi32, #tpu.memory_space<vmem>>
      %dma_start3A_211 = tpu.memref_slice %arg4[%add3A_188] : memref<800000xi32, #tpu.memory_space<hbm>> -> memref<40xi32, #tpu.memory_space<hbm>>
      tpu.enqueue_dma source(%dma_start3A_211 : memref<40xi32, #tpu.memory_space<hbm>>) target(%dma_start3A_210 : memref<40xi32, #tpu.memory_space<vmem>>) target_semaphore(%run_scoped3A_203 : memref<!tpu.dma_semaphore, #tpu.memory_space<semaphore_mem>>)
      %dma_wait3A_212 = arith.constant 0 : i32
      %dma_wait3A_213 = tpu.memref_slice %arg12[%run_scoped3A, %dma_wait3A_212] : memref<2x128xi32, #tpu.memory_space<vmem>> -> memref<1x40xi32, #tpu.memory_space<vmem>>
      %dma_wait3A_214 = tpu.memref_squeeze %dma_wait3A_213 : memref<1x40xi32, #tpu.memory_space<vmem>> -> memref<40xi32, #tpu.memory_space<vmem>>
      %dma_wait3A_215 = tpu.memref_slice %arg4[%add3A_188] : memref<800000xi32, #tpu.memory_space<hbm>> -> memref<40xi32, #tpu.memory_space<hbm>>
      %dma_wait3A_216 = arith.constant 0 : i32
      %dma_wait3A_217 = tpu.memref_slice %arg12[%run_scoped3A, %dma_wait3A_216] : memref<2x128xi32, #tpu.memory_space<vmem>> -> memref<1x40xi32, #tpu.memory_space<vmem>>
      %dma_wait3A_218 = tpu.memref_squeeze %dma_wait3A_217 : memref<1x40xi32, #tpu.memory_space<vmem>> -> memref<40xi32, #tpu.memory_space<vmem>>
      %dma_wait3A_219 = tpu.memref_slice %arg4[%add3A_188] : memref<800000xi32, #tpu.memory_space<hbm>> -> memref<40xi32, #tpu.memory_space<hbm>>
      tpu.wait_dma2 semaphore(%run_scoped3A_203 : memref<!tpu.dma_semaphore, #tpu.memory_space<semaphore_mem>>) src(%dma_wait3A_219 : memref<40xi32, #tpu.memory_space<hbm>>) dst(%dma_wait3A_218 : memref<40xi32, #tpu.memory_space<vmem>>)
      tpu.yield
    }) : () -> ()
    %run_scoped3A_189 = arith.constant 0 : i32
    "tpu.region"() ({
      %run_scoped3A_203 = tpu.sem_alloc : memref<!tpu.dma_semaphore, #tpu.memory_space<semaphore_mem>>
      %dma_start3A_204 = arith.constant 0 : i32
      %dma_start3A_205 = tpu.memref_slice %arg13[%run_scoped3A_189, %dma_start3A_204] : memref<2x128xi32, #tpu.memory_space<vmem>> -> memref<1x40xi32, #tpu.memory_space<vmem>>
      %dma_start3A_206 = tpu.memref_squeeze %dma_start3A_205 : memref<1x40xi32, #tpu.memory_space<vmem>> -> memref<40xi32, #tpu.memory_space<vmem>>
      %dma_start3A_207 = tpu.memref_slice %arg5[%add3A_188] : memref<800000xi32, #tpu.memory_space<hbm>> -> memref<40xi32, #tpu.memory_space<hbm>>
      %dma_start3A_208 = arith.constant 0 : i32
      %dma_start3A_209 = tpu.memref_slice %arg13[%run_scoped3A_189, %dma_start3A_208] : memref<2x128xi32, #tpu.memory_space<vmem>> -> memref<1x40xi32, #tpu.memory_space<vmem>>
      %dma_start3A_210 = tpu.memref_squeeze %dma_start3A_209 : memref<1x40xi32, #tpu.memory_space<vmem>> -> memref<40xi32, #tpu.memory_space<vmem>>
      %dma_start3A_211 = tpu.memref_slice %arg5[%add3A_188] : memref<800000xi32, #tpu.memory_space<hbm>> -> memref<40xi32, #tpu.memory_space<hbm>>
      tpu.enqueue_dma source(%dma_start3A_211 : memref<40xi32, #tpu.memory_space<hbm>>) target(%dma_start3A_210 : memref<40xi32, #tpu.memory_space<vmem>>) target_semaphore(%run_scoped3A_203 : memref<!tpu.dma_semaphore, #tpu.memory_space<semaphore_mem>>)
      %dma_wait3A_212 = arith.constant 0 : i32
      %dma_wait3A_213 = tpu.memref_slice %arg13[%run_scoped3A_189, %dma_wait3A_212] : memref<2x128xi32, #tpu.memory_space<vmem>> -> memref<1x40xi32, #tpu.memory_space<vmem>>
      %dma_wait3A_214 = tpu.memref_squeeze %dma_wait3A_213 : memref<1x40xi32, #tpu.memory_space<vmem>> -> memref<40xi32, #tpu.memory_space<vmem>>
      %dma_wait3A_215 = tpu.memref_slice %arg5[%add3A_188] : memref<800000xi32, #tpu.memory_space<hbm>> -> memref<40xi32, #tpu.memory_space<hbm>>
      %dma_wait3A_216 = arith.constant 0 : i32
      %dma_wait3A_217 = tpu.memref_slice %arg13[%run_scoped3A_189, %dma_wait3A_216] : memref<2x128xi32, #tpu.memory_space<vmem>> -> memref<1x40xi32, #tpu.memory_space<vmem>>
      %dma_wait3A_218 = tpu.memref_squeeze %dma_wait3A_217 : memref<1x40xi32, #tpu.memory_space<vmem>> -> memref<40xi32, #tpu.memory_space<vmem>>
      %dma_wait3A_219 = tpu.memref_slice %arg5[%add3A_188] : memref<800000xi32, #tpu.memory_space<hbm>> -> memref<40xi32, #tpu.memory_space<hbm>>
      tpu.wait_dma2 semaphore(%run_scoped3A_203 : memref<!tpu.dma_semaphore, #tpu.memory_space<semaphore_mem>>) src(%dma_wait3A_219 : memref<40xi32, #tpu.memory_space<hbm>>) dst(%dma_wait3A_218 : memref<40xi32, #tpu.memory_space<vmem>>)
      tpu.yield
    }) : () -> ()
    %run_scoped3A_190 = arith.constant 0 : i32
    "tpu.region"() ({
      %run_scoped3A_203 = tpu.sem_alloc : memref<!tpu.dma_semaphore, #tpu.memory_space<semaphore_mem>>
      %dma_start3A_204 = arith.constant 0 : i32
      %dma_start3A_205 = tpu.memref_slice %arg14[%run_scoped3A_190, %dma_start3A_204] : memref<2x128xf32, #tpu.memory_space<vmem>> -> memref<1x40xf32, #tpu.memory_space<vmem>>
      %dma_start3A_206 = tpu.memref_squeeze %dma_start3A_205 : memref<1x40xf32, #tpu.memory_space<vmem>> -> memref<40xf32, #tpu.memory_space<vmem>>
      %dma_start3A_207 = tpu.memref_slice %arg3[%add3A_188] : memref<800000xf32, #tpu.memory_space<hbm>> -> memref<40xf32, #tpu.memory_space<hbm>>
      %dma_start3A_208 = arith.constant 0 : i32
      %dma_start3A_209 = tpu.memref_slice %arg14[%run_scoped3A_190, %dma_start3A_208] : memref<2x128xf32, #tpu.memory_space<vmem>> -> memref<1x40xf32, #tpu.memory_space<vmem>>
      %dma_start3A_210 = tpu.memref_squeeze %dma_start3A_209 : memref<1x40xf32, #tpu.memory_space<vmem>> -> memref<40xf32, #tpu.memory_space<vmem>>
      %dma_start3A_211 = tpu.memref_slice %arg3[%add3A_188] : memref<800000xf32, #tpu.memory_space<hbm>> -> memref<40xf32, #tpu.memory_space<hbm>>
      tpu.enqueue_dma source(%dma_start3A_211 : memref<40xf32, #tpu.memory_space<hbm>>) target(%dma_start3A_210 : memref<40xf32, #tpu.memory_space<vmem>>) target_semaphore(%run_scoped3A_203 : memref<!tpu.dma_semaphore, #tpu.memory_space<semaphore_mem>>)
      %dma_wait3A_212 = arith.constant 0 : i32
      %dma_wait3A_213 = tpu.memref_slice %arg14[%run_scoped3A_190, %dma_wait3A_212] : memref<2x128xf32, #tpu.memory_space<vmem>> -> memref<1x40xf32, #tpu.memory_space<vmem>>
      %dma_wait3A_214 = tpu.memref_squeeze %dma_wait3A_213 : memref<1x40xf32, #tpu.memory_space<vmem>> -> memref<40xf32, #tpu.memory_space<vmem>>
      %dma_wait3A_215 = tpu.memref_slice %arg3[%add3A_188] : memref<800000xf32, #tpu.memory_space<hbm>> -> memref<40xf32, #tpu.memory_space<hbm>>
      %dma_wait3A_216 = arith.constant 0 : i32
      %dma_wait3A_217 = tpu.memref_slice %arg14[%run_scoped3A_190, %dma_wait3A_216] : memref<2x128xf32, #tpu.memory_space<vmem>> -> memref<1x40xf32, #tpu.memory_space<vmem>>
      %dma_wait3A_218 = tpu.memref_squeeze %dma_wait3A_217 : memref<1x40xf32, #tpu.memory_space<vmem>> -> memref<40xf32, #tpu.memory_space<vmem>>
      %dma_wait3A_219 = tpu.memref_slice %arg3[%add3A_188] : memref<800000xf32, #tpu.memory_space<hbm>> -> memref<40xf32, #tpu.memory_space<hbm>>
      tpu.wait_dma2 semaphore(%run_scoped3A_203 : memref<!tpu.dma_semaphore, #tpu.memory_space<semaphore_mem>>) src(%dma_wait3A_219 : memref<40xf32, #tpu.memory_space<hbm>>) dst(%dma_wait3A_218 : memref<40xf32, #tpu.memory_space<vmem>>)
      tpu.yield
    }) : () -> ()
    %run_scoped3A_191 = arith.constant 0 : i32
    %run_scoped3A_192 = arith.constant 0 : i32
    "tpu.region"() ({
      %run_scoped3A_203 = tpu.sem_alloc : memref<!tpu.dma_semaphore, #tpu.memory_space<semaphore_mem>>
      %dma_start3A_204 = arith.constant 0 : i32
      %dma_start3A_205 = arith.constant 0 : i32
      %dma_start3A_206 = tpu.memref_slice %arg16[%run_scoped3A_192, %dma_start3A_204, %dma_start3A_205] : memref<2x128x16xf32, #tpu.memory_space<vmem>> -> memref<1x128x16xf32, #tpu.memory_space<vmem>>
      %dma_start3A_207 = tpu.memref_squeeze %dma_start3A_206 : memref<1x128x16xf32, #tpu.memory_space<vmem>> -> memref<128x16xf32, #tpu.memory_space<vmem>>
      %dma_start3A_208 = arith.constant 0 : i32
      %dma_start3A_209 = tpu.memref_slice %arg12[%run_scoped3A_191, %dma_start3A_208] : memref<2x128xi32, #tpu.memory_space<vmem>> -> memref<1x128xi32, #tpu.memory_space<vmem>>
      %dma_start3A_210 = tpu.memref_squeeze %dma_start3A_209 : memref<1x128xi32, #tpu.memory_space<vmem>> -> memref<128xi32, #tpu.memory_space<vmem>>
      %dma_start3A_211 = arith.constant 0 : i32
      %dma_start3A_212 = arith.constant 0 : i32
      %dma_start3A_213 = tpu.memref_slice %arg2[%dma_start3A_211, %dma_start3A_212] : memref<50176x16xf32, #tpu.memory_space<hbm>> -> memref<50176x16xf32, #tpu.memory_space<hbm>>
      tpu.enqueue_indirect_dma source(%dma_start3A_213 : memref<50176x16xf32, #tpu.memory_space<hbm>>) target(%dma_start3A_207 : memref<128x16xf32, #tpu.memory_space<vmem>>) offsets(%dma_start3A_210 : memref<128xi32, #tpu.memory_space<vmem>>) semaphore(%run_scoped3A_203 : memref<!tpu.dma_semaphore, #tpu.memory_space<semaphore_mem>>)
      %dma_wait3A_214 = arith.constant 0 : i32
      %dma_wait3A_215 = arith.constant 0 : i32
      %dma_wait3A_216 = tpu.memref_slice %arg16[%run_scoped3A_192, %dma_wait3A_214, %dma_wait3A_215] : memref<2x128x16xf32, #tpu.memory_space<vmem>> -> memref<1x128x16xf32, #tpu.memory_space<vmem>>
      %dma_wait3A_217 = tpu.memref_squeeze %dma_wait3A_216 : memref<1x128x16xf32, #tpu.memory_space<vmem>> -> memref<128x16xf32, #tpu.memory_space<vmem>>
      %dma_wait3A_218 = arith.constant 0 : i32
      %dma_wait3A_219 = tpu.memref_slice %arg12[%run_scoped3A_191, %dma_wait3A_218] : memref<2x128xi32, #tpu.memory_space<vmem>> -> memref<1x128xi32, #tpu.memory_space<vmem>>
      %dma_wait3A_220 = tpu.memref_squeeze %dma_wait3A_219 : memref<1x128xi32, #tpu.memory_space<vmem>> -> memref<128xi32, #tpu.memory_space<vmem>>
      %dma_wait3A_221 = arith.constant 0 : i32
      %dma_wait3A_222 = arith.constant 0 : i32
      %dma_wait3A_223 = tpu.memref_slice %arg2[%dma_wait3A_221, %dma_wait3A_222] : memref<50176x16xf32, #tpu.memory_space<hbm>> -> memref<50176x16xf32, #tpu.memory_space<hbm>>
      tpu.wait_indirect_dma semaphore(%run_scoped3A_203 : memref<!tpu.dma_semaphore, #tpu.memory_space<semaphore_mem>>) src(%dma_wait3A_223 : memref<50176x16xf32, #tpu.memory_space<hbm>>) dst(%dma_wait3A_217 : memref<128x16xf32, #tpu.memory_space<vmem>>)
      tpu.yield
    }) : () -> ()
    %run_scoped3A_193 = arith.constant 0 : i32
    %run_scoped3A_194 = arith.constant 0 : i32
    "tpu.region"() ({
      %run_scoped3A_203 = tpu.sem_alloc : memref<!tpu.dma_semaphore, #tpu.memory_space<semaphore_mem>>
      %dma_start3A_204 = arith.constant 0 : i32
      %dma_start3A_205 = arith.constant 0 : i32
      %dma_start3A_206 = tpu.memref_slice %arg17[%run_scoped3A_194, %dma_start3A_204, %dma_start3A_205] : memref<2x128x16xf32, #tpu.memory_space<vmem>> -> memref<1x128x16xf32, #tpu.memory_space<vmem>>
      %dma_start3A_207 = tpu.memref_squeeze %dma_start3A_206 : memref<1x128x16xf32, #tpu.memory_space<vmem>> -> memref<128x16xf32, #tpu.memory_space<vmem>>
      %dma_start3A_208 = arith.constant 0 : i32
      %dma_start3A_209 = tpu.memref_slice %arg13[%run_scoped3A_193, %dma_start3A_208] : memref<2x128xi32, #tpu.memory_space<vmem>> -> memref<1x128xi32, #tpu.memory_space<vmem>>
      %dma_start3A_210 = tpu.memref_squeeze %dma_start3A_209 : memref<1x128xi32, #tpu.memory_space<vmem>> -> memref<128xi32, #tpu.memory_space<vmem>>
      %dma_start3A_211 = arith.constant 0 : i32
      %dma_start3A_212 = arith.constant 0 : i32
      %dma_start3A_213 = tpu.memref_slice %arg2[%dma_start3A_211, %dma_start3A_212] : memref<50176x16xf32, #tpu.memory_space<hbm>> -> memref<50176x16xf32, #tpu.memory_space<hbm>>
      tpu.enqueue_indirect_dma source(%dma_start3A_213 : memref<50176x16xf32, #tpu.memory_space<hbm>>) target(%dma_start3A_207 : memref<128x16xf32, #tpu.memory_space<vmem>>) offsets(%dma_start3A_210 : memref<128xi32, #tpu.memory_space<vmem>>) semaphore(%run_scoped3A_203 : memref<!tpu.dma_semaphore, #tpu.memory_space<semaphore_mem>>)
      %dma_wait3A_214 = arith.constant 0 : i32
      %dma_wait3A_215 = arith.constant 0 : i32
      %dma_wait3A_216 = tpu.memref_slice %arg17[%run_scoped3A_194, %dma_wait3A_214, %dma_wait3A_215] : memref<2x128x16xf32, #tpu.memory_space<vmem>> -> memref<1x128x16xf32, #tpu.memory_space<vmem>>
      %dma_wait3A_217 = tpu.memref_squeeze %dma_wait3A_216 : memref<1x128x16xf32, #tpu.memory_space<vmem>> -> memref<128x16xf32, #tpu.memory_space<vmem>>
      %dma_wait3A_218 = arith.constant 0 : i32
      %dma_wait3A_219 = tpu.memref_slice %arg13[%run_scoped3A_193, %dma_wait3A_218] : memref<2x128xi32, #tpu.memory_space<vmem>> -> memref<1x128xi32, #tpu.memory_space<vmem>>
      %dma_wait3A_220 = tpu.memref_squeeze %dma_wait3A_219 : memref<1x128xi32, #tpu.memory_space<vmem>> -> memref<128xi32, #tpu.memory_space<vmem>>
      %dma_wait3A_221 = arith.constant 0 : i32
      %dma_wait3A_222 = arith.constant 0 : i32
      %dma_wait3A_223 = tpu.memref_slice %arg2[%dma_wait3A_221, %dma_wait3A_222] : memref<50176x16xf32, #tpu.memory_space<hbm>> -> memref<50176x16xf32, #tpu.memory_space<hbm>>
      tpu.wait_indirect_dma semaphore(%run_scoped3A_203 : memref<!tpu.dma_semaphore, #tpu.memory_space<semaphore_mem>>) src(%dma_wait3A_223 : memref<50176x16xf32, #tpu.memory_space<hbm>>) dst(%dma_wait3A_217 : memref<128x16xf32, #tpu.memory_space<vmem>>)
      tpu.yield
    }) : () -> ()
    %scan3A_195 = arith.constant 0 : i32
    %scan3A_196 = arith.constant 0 : i32
    %scan3A_197 = arith.constant 3 : i32
    %scan3A_198 = arith.addi %scan3A_196, %scan3A_197 : i32
    %scan3A_199 = arith.constant 1 : i32
    %scan3A_200 = scf.for %scan3A_203 = %scan3A_196 to %scan3A_198 step %scan3A_199 iter_args(%scan3A_204 = %scan3A_195) -> (i32)  : i32 {
      %mul3A_205 = arith.constant 16 : i32
      %mul3A_206 = arith.muli %scan3A_203, %mul3A_205 : i32
      %get3A_207 = arith.constant 0 : i32
      %get3A_208 = arith.index_cast %get3A_207 : i32 to index
      %get3A_209 = arith.index_cast %mul3A_206 : i32 to index
      %get3A_210 = tpu.vector_load %arg14[%get3A_208, %get3A_209] {strides = array<i32>} : memref<2x128xf32, #tpu.memory_space<vmem>>, vector<16xf32>,
      %neg3A = arith.constant 0.000000e+00 : f32
      %neg3A_211 = vector.broadcast %neg3A : f32 to vector<16xf32>
      %neg3A_212 = arith.subf %neg3A_211, %get3A_210 : vector<16xf32>
      %exp3A = math.exp %neg3A_212 : vector<16xf32>
      %mul3A_213 = arith.constant 16 : i32
      %mul3A_214 = arith.muli %scan3A_203, %mul3A_213 : i32
      %add3A_215 = vector.broadcast %mul3A_214 : i32 to vector<16xi32>
      %add3A_216 = arith.addi %add3A_215, %iota3A : vector<16xi32>
      %broadcast_in_dim3A = arith.constant 0.000000e+00 : f32
      %broadcast_in_dim3A_217 = vector.broadcast %broadcast_in_dim3A : f32 to vector<16xf32>
      %broadcast_in_dim3A_218 = arith.constant 0 : i32
      %broadcast_in_dim3A_219 = vector.broadcast %broadcast_in_dim3A_218 : i32 to vector<16xi32>
      %gather3A = arith.constant 0 : i32
      %gather3A_220 = arith.constant 0 : i32
      %gather3A_221 = arith.constant 0 : i32
      %gather3A_222 = tpu.memref_slice %arg16[%gather3A, %gather3A_220, %gather3A_221] : memref<2x128x16xf32, #tpu.memory_space<vmem>> -> memref<1x128x16xf32, #tpu.memory_space<vmem>>
      %gather3A_223 = tpu.memref_squeeze %gather3A_222 : memref<1x128x16xf32, #tpu.memory_space<vmem>> -> memref<128x16xf32, #tpu.memory_space<vmem>>
      %gather3A_224 = tpu.vector_load_idx %gather3A_223[%add3A_216, %broadcast_in_dim3A_219] : memref<128x16xf32, #tpu.memory_space<vmem>>[vector<16xi32>, vector<16xi32>], vector<16xf32>,
      %gather3A_225 = arith.constant 0 : i32
      %gather3A_226 = arith.constant 0 : i32
      %gather3A_227 = arith.constant 0 : i32
      %gather3A_228 = tpu.memref_slice %arg17[%gather3A_225, %gather3A_226, %gather3A_227] : memref<2x128x16xf32, #tpu.memory_space<vmem>> -> memref<1x128x16xf32, #tpu.memory_space<vmem>>
      %gather3A_229 = tpu.memref_squeeze %gather3A_228 : memref<1x128x16xf32, #tpu.memory_space<vmem>> -> memref<128x16xf32, #tpu.memory_space<vmem>>
      %gather3A_230 = tpu.vector_load_idx %gather3A_229[%add3A_216, %broadcast_in_dim3A_219] : memref<128x16xf32, #tpu.memory_space<vmem>>[vector<16xi32>, vector<16xi32>], vector<16xf32>,
      %neg3A_231 = arith.constant 0.000000e+00 : f32
      %neg3A_232 = vector.broadcast %neg3A_231 : f32 to vector<16xf32>
      %neg3A_233 = arith.subf %neg3A_232, %gather3A_224 : vector<16xf32>
      %exp3A_234 = math.exp %neg3A_233 : vector<16xf32>
      %add3A_235 = arith.addf %exp3A_234, %exp3A : vector<16xf32>
      %exp3A_236 = math.exp %gather3A_230 : vector<16xf32>
      %add3A_237 = arith.addf %add3A_235, %exp3A_236 : vector<16xf32>
      %slice3A = vector.extract_strided_slice %get3A_1 {offsets = [0], sizes = [1], strides = [1]} : vector<16xf32> to vector<1xf32>
      %squeeze3A = vector.extract %slice3A[0] : f32 from vector<1xf32>
      %div3A = vector.broadcast %squeeze3A : f32 to vector<16xf32>
      %div3A_238 = arith.divf %div3A, %add3A_237 : vector<16xf32>
      %add3A_239 = arith.addf %broadcast_in_dim3A_217, %div3A_238 : vector<16xf32>
      %broadcast_in_dim3A_240 = arith.constant 1 : i32
      %broadcast_in_dim3A_241 = vector.broadcast %broadcast_in_dim3A_240 : i32 to vector<16xi32>
      %gather3A_242 = arith.constant 0 : i32
      %gather3A_243 = arith.constant 0 : i32
      %gather3A_244 = arith.constant 0 : i32
      %gather3A_245 = tpu.memref_slice %arg16[%gather3A_242, %gather3A_243, %gather3A_244] : memref<2x128x16xf32, #tpu.memory_space<vmem>> -> memref<1x128x16xf32, #tpu.memory_space<vmem>>
      %gather3A_246 = tpu.memref_squeeze %gather3A_245 : memref<1x128x16xf32, #tpu.memory_space<vmem>> -> memref<128x16xf32, #tpu.memory_space<vmem>>
      %gather3A_247 = tpu.vector_load_idx %gather3A_246[%add3A_216, %broadcast_in_dim3A_241] : memref<128x16xf32, #tpu.memory_space<vmem>>[vector<16xi32>, vector<16xi32>], vector<16xf32>,
      %gather3A_248 = arith.constant 0 : i32
      %gather3A_249 = arith.constant 0 : i32
      %gather3A_250 = arith.constant 0 : i32
      %gather3A_251 = tpu.memref_slice %arg17[%gather3A_248, %gather3A_249, %gather3A_250] : memref<2x128x16xf32, #tpu.memory_space<vmem>> -> memref<1x128x16xf32, #tpu.memory_space<vmem>>
      %gather3A_252 = tpu.memref_squeeze %gather3A_251 : memref<1x128x16xf32, #tpu.memory_space<vmem>> -> memref<128x16xf32, #tpu.memory_space<vmem>>
      %gather3A_253 = tpu.vector_load_idx %gather3A_252[%add3A_216, %broadcast_in_dim3A_241] : memref<128x16xf32, #tpu.memory_space<vmem>>[vector<16xi32>, vector<16xi32>], vector<16xf32>,
      %neg3A_254 = arith.constant 0.000000e+00 : f32
      %neg3A_255 = vector.broadcast %neg3A_254 : f32 to vector<16xf32>
      %neg3A_256 = arith.subf %neg3A_255, %gather3A_247 : vector<16xf32>
      %exp3A_257 = math.exp %neg3A_256 : vector<16xf32>
      %add3A_258 = arith.addf %exp3A_257, %exp3A : vector<16xf32>
      %exp3A_259 = math.exp %gather3A_253 : vector<16xf32>
      %add3A_260 = arith.addf %add3A_258, %exp3A_259 : vector<16xf32>
      %slice3A_261 = vector.extract_strided_slice %get3A_1 {offsets = [1], sizes = [1], strides = [1]} : vector<16xf32> to vector<1xf32>
      %squeeze3A_262 = vector.extract %slice3A_261[0] : f32 from vector<1xf32>
      %div3A_263 = vector.broadcast %squeeze3A_262 : f32 to vector<16xf32>
      %div3A_264 = arith.divf %div3A_263, %add3A_260 : vector<16xf32>
      %add3A_265 = arith.addf %add3A_239, %div3A_264 : vector<16xf32>
      %broadcast_in_dim3A_266 = arith.constant 2 : i32
      %broadcast_in_dim3A_267 = vector.broadcast %broadcast_in_dim3A_266 : i32 to vector<16xi32>
      %gather3A_268 = arith.constant 0 : i32
      %gather3A_269 = arith.constant 0 : i32
      %gather3A_270 = arith.constant 0 : i32
      %gather3A_271 = tpu.memref_slice %arg16[%gather3A_268, %gather3A_269, %gather3A_270] : memref<2x128x16xf32, #tpu.memory_space<vmem>> -> memref<1x128x16xf32, #tpu.memory_space<vmem>>
      %gather3A_272 = tpu.memref_squeeze %gather3A_271 : memref<1x128x16xf32, #tpu.memory_space<vmem>> -> memref<128x16xf32, #tpu.memory_space<vmem>>
      %gather3A_273 = tpu.vector_load_idx %gather3A_272[%add3A_216, %broadcast_in_dim3A_267] : memref<128x16xf32, #tpu.memory_space<vmem>>[vector<16xi32>, vector<16xi32>], vector<16xf32>,
      %gather3A_274 = arith.constant 0 : i32
      %gather3A_275 = arith.constant 0 : i32
      %gather3A_276 = arith.constant 0 : i32
      %gather3A_277 = tpu.memref_slice %arg17[%gather3A_274, %gather3A_275, %gather3A_276] : memref<2x128x16xf32, #tpu.memory_space<vmem>> -> memref<1x128x16xf32, #tpu.memory_space<vmem>>
      %gather3A_278 = tpu.memref_squeeze %gather3A_277 : memref<1x128x16xf32, #tpu.memory_space<vmem>> -> memref<128x16xf32, #tpu.memory_space<vmem>>
      %gather3A_279 = tpu.vector_load_idx %gather3A_278[%add3A_216, %broadcast_in_dim3A_267] : memref<128x16xf32, #tpu.memory_space<vmem>>[vector<16xi32>, vector<16xi32>], vector<16xf32>,
      %neg3A_280 = arith.constant 0.000000e+00 : f32
      %neg3A_281 = vector.broadcast %neg3A_280 : f32 to vector<16xf32>
      %neg3A_282 = arith.subf %neg3A_281, %gather3A_273 : vector<16xf32>
      %exp3A_283 = math.exp %neg3A_282 : vector<16xf32>
      %add3A_284 = arith.addf %exp3A_283, %exp3A : vector<16xf32>
      %exp3A_285 = math.exp %gather3A_279 : vector<16xf32>
      %add3A_286 = arith.addf %add3A_284, %exp3A_285 : vector<16xf32>
      %slice3A_287 = vector.extract_strided_slice %get3A_1 {offsets = [2], sizes = [1], strides = [1]} : vector<16xf32> to vector<1xf32>
      %squeeze3A_288 = vector.extract %slice3A_287[0] : f32 from vector<1xf32>
      %div3A_289 = vector.broadcast %squeeze3A_288 : f32 to vector<16xf32>
      %div3A_290 = arith.divf %div3A_289, %add3A_286 : vector<16xf32>
      %add3A_291 = arith.addf %add3A_265, %div3A_290 : vector<16xf32>
      %broadcast_in_dim3A_292 = arith.constant 3 : i32
      %broadcast_in_dim3A_293 = vector.broadcast %broadcast_in_dim3A_292 : i32 to vector<16xi32>
      %gather3A_294 = arith.constant 0 : i32
      %gather3A_295 = arith.constant 0 : i32
      %gather3A_296 = arith.constant 0 : i32
      %gather3A_297 = tpu.memref_slice %arg16[%gather3A_294, %gather3A_295, %gather3A_296] : memref<2x128x16xf32, #tpu.memory_space<vmem>> -> memref<1x128x16xf32, #tpu.memory_space<vmem>>
      %gather3A_298 = tpu.memref_squeeze %gather3A_297 : memref<1x128x16xf32, #tpu.memory_space<vmem>> -> memref<128x16xf32, #tpu.memory_space<vmem>>
      %gather3A_299 = tpu.vector_load_idx %gather3A_298[%add3A_216, %broadcast_in_dim3A_293] : memref<128x16xf32, #tpu.memory_space<vmem>>[vector<16xi32>, vector<16xi32>], vector<16xf32>,
      %gather3A_300 = arith.constant 0 : i32
      %gather3A_301 = arith.constant 0 : i32
      %gather3A_302 = arith.constant 0 : i32
      %gather3A_303 = tpu.memref_slice %arg17[%gather3A_300, %gather3A_301, %gather3A_302] : memref<2x128x16xf32, #tpu.memory_space<vmem>> -> memref<1x128x16xf32, #tpu.memory_space<vmem>>
      %gather3A_304 = tpu.memref_squeeze %gather3A_303 : memref<1x128x16xf32, #tpu.memory_space<vmem>> -> memref<128x16xf32, #tpu.memory_space<vmem>>
      %gather3A_305 = tpu.vector_load_idx %gather3A_304[%add3A_216, %broadcast_in_dim3A_293] : memref<128x16xf32, #tpu.memory_space<vmem>>[vector<16xi32>, vector<16xi32>], vector<16xf32>,
      %neg3A_306 = arith.constant 0.000000e+00 : f32
      %neg3A_307 = vector.broadcast %neg3A_306 : f32 to vector<16xf32>
      %neg3A_308 = arith.subf %neg3A_307, %gather3A_299 : vector<16xf32>
      %exp3A_309 = math.exp %neg3A_308 : vector<16xf32>
      %add3A_310 = arith.addf %exp3A_309, %exp3A : vector<16xf32>
      %exp3A_311 = math.exp %gather3A_305 : vector<16xf32>
      %add3A_312 = arith.addf %add3A_310, %exp3A_311 : vector<16xf32>
      %slice3A_313 = vector.extract_strided_slice %get3A_1 {offsets = [3], sizes = [1], strides = [1]} : vector<16xf32> to vector<1xf32>
      %squeeze3A_314 = vector.extract %slice3A_313[0] : f32 from vector<1xf32>
      %div3A_315 = vector.broadcast %squeeze3A_314 : f32 to vector<16xf32>
      %div3A_316 = arith.divf %div3A_315, %add3A_312 : vector<16xf32>
      %add3A_317 = arith.addf %add3A_291, %div3A_316 : vector<16xf32>
      %broadcast_in_dim3A_318 = arith.constant 4 : i32
      %broadcast_in_dim3A_319 = vector.broadcast %broadcast_in_dim3A_318 : i32 to vector<16xi32>
      %gather3A_320 = arith.constant 0 : i32
      %gather3A_321 = arith.constant 0 : i32
      %gather3A_322 = arith.constant 0 : i32
      %gather3A_323 = tpu.memref_slice %arg16[%gather3A_320, %gather3A_321, %gather3A_322] : memref<2x128x16xf32, #tpu.memory_space<vmem>> -> memref<1x128x16xf32, #tpu.memory_space<vmem>>
      %gather3A_324 = tpu.memref_squeeze %gather3A_323 : memref<1x128x16xf32, #tpu.memory_space<vmem>> -> memref<128x16xf32, #tpu.memory_space<vmem>>
      %gather3A_325 = tpu.vector_load_idx %gather3A_324[%add3A_216, %broadcast_in_dim3A_319] : memref<128x16xf32, #tpu.memory_space<vmem>>[vector<16xi32>, vector<16xi32>], vector<16xf32>,
      %gather3A_326 = arith.constant 0 : i32
      %gather3A_327 = arith.constant 0 : i32
      %gather3A_328 = arith.constant 0 : i32
      %gather3A_329 = tpu.memref_slice %arg17[%gather3A_326, %gather3A_327, %gather3A_328] : memref<2x128x16xf32, #tpu.memory_space<vmem>> -> memref<1x128x16xf32, #tpu.memory_space<vmem>>
      %gather3A_330 = tpu.memref_squeeze %gather3A_329 : memref<1x128x16xf32, #tpu.memory_space<vmem>> -> memref<128x16xf32, #tpu.memory_space<vmem>>
      %gather3A_331 = tpu.vector_load_idx %gather3A_330[%add3A_216, %broadcast_in_dim3A_319] : memref<128x16xf32, #tpu.memory_space<vmem>>[vector<16xi32>, vector<16xi32>], vector<16xf32>,
      %neg3A_332 = arith.constant 0.000000e+00 : f32
      %neg3A_333 = vector.broadcast %neg3A_332 : f32 to vector<16xf32>
      %neg3A_334 = arith.subf %neg3A_333, %gather3A_325 : vector<16xf32>
      %exp3A_335 = math.exp %neg3A_334 : vector<16xf32>
      %add3A_336 = arith.addf %exp3A_335, %exp3A : vector<16xf32>
      %exp3A_337 = math.exp %gather3A_331 : vector<16xf32>
      %add3A_338 = arith.addf %add3A_336, %exp3A_337 : vector<16xf32>
      %slice3A_339 = vector.extract_strided_slice %get3A_1 {offsets = [4], sizes = [1], strides = [1]} : vector<16xf32> to vector<1xf32>
      %squeeze3A_340 = vector.extract %slice3A_339[0] : f32 from vector<1xf32>
      %div3A_341 = vector.broadcast %squeeze3A_340 : f32 to vector<16xf32>
      %div3A_342 = arith.divf %div3A_341, %add3A_338 : vector<16xf32>
      %add3A_343 = arith.addf %add3A_317, %div3A_342 : vector<16xf32>
      %broadcast_in_dim3A_344 = arith.constant 5 : i32
      %broadcast_in_dim3A_345 = vector.broadcast %broadcast_in_dim3A_344 : i32 to vector<16xi32>
      %gather3A_346 = arith.constant 0 : i32
      %gather3A_347 = arith.constant 0 : i32
      %gather3A_348 = arith.constant 0 : i32
      %gather3A_349 = tpu.memref_slice %arg16[%gather3A_346, %gather3A_347, %gather3A_348] : memref<2x128x16xf32, #tpu.memory_space<vmem>> -> memref<1x128x16xf32, #tpu.memory_space<vmem>>
      %gather3A_350 = tpu.memref_squeeze %gather3A_349 : memref<1x128x16xf32, #tpu.memory_space<vmem>> -> memref<128x16xf32, #tpu.memory_space<vmem>>
      %gather3A_351 = tpu.vector_load_idx %gather3A_350[%add3A_216, %broadcast_in_dim3A_345] : memref<128x16xf32, #tpu.memory_space<vmem>>[vector<16xi32>, vector<16xi32>], vector<16xf32>,
      %gather3A_352 = arith.constant 0 : i32
      %gather3A_353 = arith.constant 0 : i32
      %gather3A_354 = arith.constant 0 : i32
      %gather3A_355 = tpu.memref_slice %arg17[%gather3A_352, %gather3A_353, %gather3A_354] : memref<2x128x16xf32, #tpu.memory_space<vmem>> -> memref<1x128x16xf32, #tpu.memory_space<vmem>>
      %gather3A_356 = tpu.memref_squeeze %gather3A_355 : memref<1x128x16xf32, #tpu.memory_space<vmem>> -> memref<128x16xf32, #tpu.memory_space<vmem>>
      %gather3A_357 = tpu.vector_load_idx %gather3A_356[%add3A_216, %broadcast_in_dim3A_345] : memref<128x16xf32, #tpu.memory_space<vmem>>[vector<16xi32>, vector<16xi32>], vector<16xf32>,
      %neg3A_358 = arith.constant 0.000000e+00 : f32
      %neg3A_359 = vector.broadcast %neg3A_358 : f32 to vector<16xf32>
      %neg3A_360 = arith.subf %neg3A_359, %gather3A_351 : vector<16xf32>
      %exp3A_361 = math.exp %neg3A_360 : vector<16xf32>
      %add3A_362 = arith.addf %exp3A_361, %exp3A : vector<16xf32>
      %exp3A_363 = math.exp %gather3A_357 : vector<16xf32>
      %add3A_364 = arith.addf %add3A_362, %exp3A_363 : vector<16xf32>
      %slice3A_365 = vector.extract_strided_slice %get3A_1 {offsets = [5], sizes = [1], strides = [1]} : vector<16xf32> to vector<1xf32>
      %squeeze3A_366 = vector.extract %slice3A_365[0] : f32 from vector<1xf32>
      %div3A_367 = vector.broadcast %squeeze3A_366 : f32 to vector<16xf32>
      %div3A_368 = arith.divf %div3A_367, %add3A_364 : vector<16xf32>
      %add3A_369 = arith.addf %add3A_343, %div3A_368 : vector<16xf32>
      %broadcast_in_dim3A_370 = arith.constant 6 : i32
      %broadcast_in_dim3A_371 = vector.broadcast %broadcast_in_dim3A_370 : i32 to vector<16xi32>
      %gather3A_372 = arith.constant 0 : i32
      %gather3A_373 = arith.constant 0 : i32
      %gather3A_374 = arith.constant 0 : i32
      %gather3A_375 = tpu.memref_slice %arg16[%gather3A_372, %gather3A_373, %gather3A_374] : memref<2x128x16xf32, #tpu.memory_space<vmem>> -> memref<1x128x16xf32, #tpu.memory_space<vmem>>
      %gather3A_376 = tpu.memref_squeeze %gather3A_375 : memref<1x128x16xf32, #tpu.memory_space<vmem>> -> memref<128x16xf32, #tpu.memory_space<vmem>>
      %gather3A_377 = tpu.vector_load_idx %gather3A_376[%add3A_216, %broadcast_in_dim3A_371] : memref<128x16xf32, #tpu.memory_space<vmem>>[vector<16xi32>, vector<16xi32>], vector<16xf32>,
      %gather3A_378 = arith.constant 0 : i32
      %gather3A_379 = arith.constant 0 : i32
      %gather3A_380 = arith.constant 0 : i32
      %gather3A_381 = tpu.memref_slice %arg17[%gather3A_378, %gather3A_379, %gather3A_380] : memref<2x128x16xf32, #tpu.memory_space<vmem>> -> memref<1x128x16xf32, #tpu.memory_space<vmem>>
      %gather3A_382 = tpu.memref_squeeze %gather3A_381 : memref<1x128x16xf32, #tpu.memory_space<vmem>> -> memref<128x16xf32, #tpu.memory_space<vmem>>
      %gather3A_383 = tpu.vector_load_idx %gather3A_382[%add3A_216, %broadcast_in_dim3A_371] : memref<128x16xf32, #tpu.memory_space<vmem>>[vector<16xi32>, vector<16xi32>], vector<16xf32>,
      %neg3A_384 = arith.constant 0.000000e+00 : f32
      %neg3A_385 = vector.broadcast %neg3A_384 : f32 to vector<16xf32>
      %neg3A_386 = arith.subf %neg3A_385, %gather3A_377 : vector<16xf32>
      %exp3A_387 = math.exp %neg3A_386 : vector<16xf32>
      %add3A_388 = arith.addf %exp3A_387, %exp3A : vector<16xf32>
      %exp3A_389 = math.exp %gather3A_383 : vector<16xf32>
      %add3A_390 = arith.addf %add3A_388, %exp3A_389 : vector<16xf32>
      %slice3A_391 = vector.extract_strided_slice %get3A_1 {offsets = [6], sizes = [1], strides = [1]} : vector<16xf32> to vector<1xf32>
      %squeeze3A_392 = vector.extract %slice3A_391[0] : f32 from vector<1xf32>
      %div3A_393 = vector.broadcast %squeeze3A_392 : f32 to vector<16xf32>
      %div3A_394 = arith.divf %div3A_393, %add3A_390 : vector<16xf32>
      %add3A_395 = arith.addf %add3A_369, %div3A_394 : vector<16xf32>
      %broadcast_in_dim3A_396 = arith.constant 7 : i32
      %broadcast_in_dim3A_397 = vector.broadcast %broadcast_in_dim3A_396 : i32 to vector<16xi32>
      %gather3A_398 = arith.constant 0 : i32
      %gather3A_399 = arith.constant 0 : i32
      %gather3A_400 = arith.constant 0 : i32
      %gather3A_401 = tpu.memref_slice %arg16[%gather3A_398, %gather3A_399, %gather3A_400] : memref<2x128x16xf32, #tpu.memory_space<vmem>> -> memref<1x128x16xf32, #tpu.memory_space<vmem>>
      %gather3A_402 = tpu.memref_squeeze %gather3A_401 : memref<1x128x16xf32, #tpu.memory_space<vmem>> -> memref<128x16xf32, #tpu.memory_space<vmem>>
      %gather3A_403 = tpu.vector_load_idx %gather3A_402[%add3A_216, %broadcast_in_dim3A_397] : memref<128x16xf32, #tpu.memory_space<vmem>>[vector<16xi32>, vector<16xi32>], vector<16xf32>,
      %gather3A_404 = arith.constant 0 : i32
      %gather3A_405 = arith.constant 0 : i32
      %gather3A_406 = arith.constant 0 : i32
      %gather3A_407 = tpu.memref_slice %arg17[%gather3A_404, %gather3A_405, %gather3A_406] : memref<2x128x16xf32, #tpu.memory_space<vmem>> -> memref<1x128x16xf32, #tpu.memory_space<vmem>>
      %gather3A_408 = tpu.memref_squeeze %gather3A_407 : memref<1x128x16xf32, #tpu.memory_space<vmem>> -> memref<128x16xf32, #tpu.memory_space<vmem>>
      %gather3A_409 = tpu.vector_load_idx %gather3A_408[%add3A_216, %broadcast_in_dim3A_397] : memref<128x16xf32, #tpu.memory_space<vmem>>[vector<16xi32>, vector<16xi32>], vector<16xf32>,
      %neg3A_410 = arith.constant 0.000000e+00 : f32
      %neg3A_411 = vector.broadcast %neg3A_410 : f32 to vector<16xf32>
      %neg3A_412 = arith.subf %neg3A_411, %gather3A_403 : vector<16xf32>
      %exp3A_413 = math.exp %neg3A_412 : vector<16xf32>
      %add3A_414 = arith.addf %exp3A_413, %exp3A : vector<16xf32>
      %exp3A_415 = math.exp %gather3A_409 : vector<16xf32>
      %add3A_416 = arith.addf %add3A_414, %exp3A_415 : vector<16xf32>
      %slice3A_417 = vector.extract_strided_slice %get3A_1 {offsets = [7], sizes = [1], strides = [1]} : vector<16xf32> to vector<1xf32>
      %squeeze3A_418 = vector.extract %slice3A_417[0] : f32 from vector<1xf32>
      %div3A_419 = vector.broadcast %squeeze3A_418 : f32 to vector<16xf32>
      %div3A_420 = arith.divf %div3A_419, %add3A_416 : vector<16xf32>
      %add3A_421 = arith.addf %add3A_395, %div3A_420 : vector<16xf32>
      %broadcast_in_dim3A_422 = arith.constant 8 : i32
      %broadcast_in_dim3A_423 = vector.broadcast %broadcast_in_dim3A_422 : i32 to vector<16xi32>
      %gather3A_424 = arith.constant 0 : i32
      %gather3A_425 = arith.constant 0 : i32
      %gather3A_426 = arith.constant 0 : i32
      %gather3A_427 = tpu.memref_slice %arg16[%gather3A_424, %gather3A_425, %gather3A_426] : memref<2x128x16xf32, #tpu.memory_space<vmem>> -> memref<1x128x16xf32, #tpu.memory_space<vmem>>
      %gather3A_428 = tpu.memref_squeeze %gather3A_427 : memref<1x128x16xf32, #tpu.memory_space<vmem>> -> memref<128x16xf32, #tpu.memory_space<vmem>>
      %gather3A_429 = tpu.vector_load_idx %gather3A_428[%add3A_216, %broadcast_in_dim3A_423] : memref<128x16xf32, #tpu.memory_space<vmem>>[vector<16xi32>, vector<16xi32>], vector<16xf32>,
      %gather3A_430 = arith.constant 0 : i32
      %gather3A_431 = arith.constant 0 : i32
      %gather3A_432 = arith.constant 0 : i32
      %gather3A_433 = tpu.memref_slice %arg17[%gather3A_430, %gather3A_431, %gather3A_432] : memref<2x128x16xf32, #tpu.memory_space<vmem>> -> memref<1x128x16xf32, #tpu.memory_space<vmem>>
      %gather3A_434 = tpu.memref_squeeze %gather3A_433 : memref<1x128x16xf32, #tpu.memory_space<vmem>> -> memref<128x16xf32, #tpu.memory_space<vmem>>
      %gather3A_435 = tpu.vector_load_idx %gather3A_434[%add3A_216, %broadcast_in_dim3A_423] : memref<128x16xf32, #tpu.memory_space<vmem>>[vector<16xi32>, vector<16xi32>], vector<16xf32>,
      %neg3A_436 = arith.constant 0.000000e+00 : f32
      %neg3A_437 = vector.broadcast %neg3A_436 : f32 to vector<16xf32>
      %neg3A_438 = arith.subf %neg3A_437, %gather3A_429 : vector<16xf32>
      %exp3A_439 = math.exp %neg3A_438 : vector<16xf32>
      %add3A_440 = arith.addf %exp3A_439, %exp3A : vector<16xf32>
      %exp3A_441 = math.exp %gather3A_435 : vector<16xf32>
      %add3A_442 = arith.addf %add3A_440, %exp3A_441 : vector<16xf32>
      %slice3A_443 = vector.extract_strided_slice %get3A_1 {offsets = [8], sizes = [1], strides = [1]} : vector<16xf32> to vector<1xf32>
      %squeeze3A_444 = vector.extract %slice3A_443[0] : f32 from vector<1xf32>
      %div3A_445 = vector.broadcast %squeeze3A_444 : f32 to vector<16xf32>
      %div3A_446 = arith.divf %div3A_445, %add3A_442 : vector<16xf32>
      %add3A_447 = arith.addf %add3A_421, %div3A_446 : vector<16xf32>
      %broadcast_in_dim3A_448 = arith.constant 9 : i32
      %broadcast_in_dim3A_449 = vector.broadcast %broadcast_in_dim3A_448 : i32 to vector<16xi32>
      %gather3A_450 = arith.constant 0 : i32
      %gather3A_451 = arith.constant 0 : i32
      %gather3A_452 = arith.constant 0 : i32
      %gather3A_453 = tpu.memref_slice %arg16[%gather3A_450, %gather3A_451, %gather3A_452] : memref<2x128x16xf32, #tpu.memory_space<vmem>> -> memref<1x128x16xf32, #tpu.memory_space<vmem>>
      %gather3A_454 = tpu.memref_squeeze %gather3A_453 : memref<1x128x16xf32, #tpu.memory_space<vmem>> -> memref<128x16xf32, #tpu.memory_space<vmem>>
      %gather3A_455 = tpu.vector_load_idx %gather3A_454[%add3A_216, %broadcast_in_dim3A_449] : memref<128x16xf32, #tpu.memory_space<vmem>>[vector<16xi32>, vector<16xi32>], vector<16xf32>,
      %gather3A_456 = arith.constant 0 : i32
      %gather3A_457 = arith.constant 0 : i32
      %gather3A_458 = arith.constant 0 : i32
      %gather3A_459 = tpu.memref_slice %arg17[%gather3A_456, %gather3A_457, %gather3A_458] : memref<2x128x16xf32, #tpu.memory_space<vmem>> -> memref<1x128x16xf32, #tpu.memory_space<vmem>>
      %gather3A_460 = tpu.memref_squeeze %gather3A_459 : memref<1x128x16xf32, #tpu.memory_space<vmem>> -> memref<128x16xf32, #tpu.memory_space<vmem>>
      %gather3A_461 = tpu.vector_load_idx %gather3A_460[%add3A_216, %broadcast_in_dim3A_449] : memref<128x16xf32, #tpu.memory_space<vmem>>[vector<16xi32>, vector<16xi32>], vector<16xf32>,
      %neg3A_462 = arith.constant 0.000000e+00 : f32
      %neg3A_463 = vector.broadcast %neg3A_462 : f32 to vector<16xf32>
      %neg3A_464 = arith.subf %neg3A_463, %gather3A_455 : vector<16xf32>
      %exp3A_465 = math.exp %neg3A_464 : vector<16xf32>
      %add3A_466 = arith.addf %exp3A_465, %exp3A : vector<16xf32>
      %exp3A_467 = math.exp %gather3A_461 : vector<16xf32>
      %add3A_468 = arith.addf %add3A_466, %exp3A_467 : vector<16xf32>
      %slice3A_469 = vector.extract_strided_slice %get3A_1 {offsets = [9], sizes = [1], strides = [1]} : vector<16xf32> to vector<1xf32>
      %squeeze3A_470 = vector.extract %slice3A_469[0] : f32 from vector<1xf32>
      %div3A_471 = vector.broadcast %squeeze3A_470 : f32 to vector<16xf32>
      %div3A_472 = arith.divf %div3A_471, %add3A_468 : vector<16xf32>
      %add3A_473 = arith.addf %add3A_447, %div3A_472 : vector<16xf32>
      %broadcast_in_dim3A_474 = arith.constant 10 : i32
      %broadcast_in_dim3A_475 = vector.broadcast %broadcast_in_dim3A_474 : i32 to vector<16xi32>
      %gather3A_476 = arith.constant 0 : i32
      %gather3A_477 = arith.constant 0 : i32
      %gather3A_478 = arith.constant 0 : i32
      %gather3A_479 = tpu.memref_slice %arg16[%gather3A_476, %gather3A_477, %gather3A_478] : memref<2x128x16xf32, #tpu.memory_space<vmem>> -> memref<1x128x16xf32, #tpu.memory_space<vmem>>
      %gather3A_480 = tpu.memref_squeeze %gather3A_479 : memref<1x128x16xf32, #tpu.memory_space<vmem>> -> memref<128x16xf32, #tpu.memory_space<vmem>>
      %gather3A_481 = tpu.vector_load_idx %gather3A_480[%add3A_216, %broadcast_in_dim3A_475] : memref<128x16xf32, #tpu.memory_space<vmem>>[vector<16xi32>, vector<16xi32>], vector<16xf32>,
      %gather3A_482 = arith.constant 0 : i32
      %gather3A_483 = arith.constant 0 : i32
      %gather3A_484 = arith.constant 0 : i32
      %gather3A_485 = tpu.memref_slice %arg17[%gather3A_482, %gather3A_483, %gather3A_484] : memref<2x128x16xf32, #tpu.memory_space<vmem>> -> memref<1x128x16xf32, #tpu.memory_space<vmem>>
      %gather3A_486 = tpu.memref_squeeze %gather3A_485 : memref<1x128x16xf32, #tpu.memory_space<vmem>> -> memref<128x16xf32, #tpu.memory_space<vmem>>
      %gather3A_487 = tpu.vector_load_idx %gather3A_486[%add3A_216, %broadcast_in_dim3A_475] : memref<128x16xf32, #tpu.memory_space<vmem>>[vector<16xi32>, vector<16xi32>], vector<16xf32>,
      %neg3A_488 = arith.constant 0.000000e+00 : f32
      %neg3A_489 = vector.broadcast %neg3A_488 : f32 to vector<16xf32>
      %neg3A_490 = arith.subf %neg3A_489, %gather3A_481 : vector<16xf32>
      %exp3A_491 = math.exp %neg3A_490 : vector<16xf32>
      %add3A_492 = arith.addf %exp3A_491, %exp3A : vector<16xf32>
      %exp3A_493 = math.exp %gather3A_487 : vector<16xf32>
      %add3A_494 = arith.addf %add3A_492, %exp3A_493 : vector<16xf32>
      %slice3A_495 = vector.extract_strided_slice %get3A_1 {offsets = [10], sizes = [1], strides = [1]} : vector<16xf32> to vector<1xf32>
      %squeeze3A_496 = vector.extract %slice3A_495[0] : f32 from vector<1xf32>
      %div3A_497 = vector.broadcast %squeeze3A_496 : f32 to vector<16xf32>
      %div3A_498 = arith.divf %div3A_497, %add3A_494 : vector<16xf32>
      %add3A_499 = arith.addf %add3A_473, %div3A_498 : vector<16xf32>
      %broadcast_in_dim3A_500 = arith.constant 11 : i32
      %broadcast_in_dim3A_501 = vector.broadcast %broadcast_in_dim3A_500 : i32 to vector<16xi32>
      %gather3A_502 = arith.constant 0 : i32
      %gather3A_503 = arith.constant 0 : i32
      %gather3A_504 = arith.constant 0 : i32
      %gather3A_505 = tpu.memref_slice %arg16[%gather3A_502, %gather3A_503, %gather3A_504] : memref<2x128x16xf32, #tpu.memory_space<vmem>> -> memref<1x128x16xf32, #tpu.memory_space<vmem>>
      %gather3A_506 = tpu.memref_squeeze %gather3A_505 : memref<1x128x16xf32, #tpu.memory_space<vmem>> -> memref<128x16xf32, #tpu.memory_space<vmem>>
      %gather3A_507 = tpu.vector_load_idx %gather3A_506[%add3A_216, %broadcast_in_dim3A_501] : memref<128x16xf32, #tpu.memory_space<vmem>>[vector<16xi32>, vector<16xi32>], vector<16xf32>,
      %gather3A_508 = arith.constant 0 : i32
      %gather3A_509 = arith.constant 0 : i32
      %gather3A_510 = arith.constant 0 : i32
      %gather3A_511 = tpu.memref_slice %arg17[%gather3A_508, %gather3A_509, %gather3A_510] : memref<2x128x16xf32, #tpu.memory_space<vmem>> -> memref<1x128x16xf32, #tpu.memory_space<vmem>>
      %gather3A_512 = tpu.memref_squeeze %gather3A_511 : memref<1x128x16xf32, #tpu.memory_space<vmem>> -> memref<128x16xf32, #tpu.memory_space<vmem>>
      %gather3A_513 = tpu.vector_load_idx %gather3A_512[%add3A_216, %broadcast_in_dim3A_501] : memref<128x16xf32, #tpu.memory_space<vmem>>[vector<16xi32>, vector<16xi32>], vector<16xf32>,
      %neg3A_514 = arith.constant 0.000000e+00 : f32
      %neg3A_515 = vector.broadcast %neg3A_514 : f32 to vector<16xf32>
      %neg3A_516 = arith.subf %neg3A_515, %gather3A_507 : vector<16xf32>
      %exp3A_517 = math.exp %neg3A_516 : vector<16xf32>
      %add3A_518 = arith.addf %exp3A_517, %exp3A : vector<16xf32>
      %exp3A_519 = math.exp %gather3A_513 : vector<16xf32>
      %add3A_520 = arith.addf %add3A_518, %exp3A_519 : vector<16xf32>
      %slice3A_521 = vector.extract_strided_slice %get3A_1 {offsets = [11], sizes = [1], strides = [1]} : vector<16xf32> to vector<1xf32>
      %squeeze3A_522 = vector.extract %slice3A_521[0] : f32 from vector<1xf32>
      %div3A_523 = vector.broadcast %squeeze3A_522 : f32 to vector<16xf32>
      %div3A_524 = arith.divf %div3A_523, %add3A_520 : vector<16xf32>
      %add3A_525 = arith.addf %add3A_499, %div3A_524 : vector<16xf32>
      %broadcast_in_dim3A_526 = arith.constant 12 : i32
      %broadcast_in_dim3A_527 = vector.broadcast %broadcast_in_dim3A_526 : i32 to vector<16xi32>
      %gather3A_528 = arith.constant 0 : i32
      %gather3A_529 = arith.constant 0 : i32
      %gather3A_530 = arith.constant 0 : i32
      %gather3A_531 = tpu.memref_slice %arg16[%gather3A_528, %gather3A_529, %gather3A_530] : memref<2x128x16xf32, #tpu.memory_space<vmem>> -> memref<1x128x16xf32, #tpu.memory_space<vmem>>
      %gather3A_532 = tpu.memref_squeeze %gather3A_531 : memref<1x128x16xf32, #tpu.memory_space<vmem>> -> memref<128x16xf32, #tpu.memory_space<vmem>>
      %gather3A_533 = tpu.vector_load_idx %gather3A_532[%add3A_216, %broadcast_in_dim3A_527] : memref<128x16xf32, #tpu.memory_space<vmem>>[vector<16xi32>, vector<16xi32>], vector<16xf32>,
      %gather3A_534 = arith.constant 0 : i32
      %gather3A_535 = arith.constant 0 : i32
      %gather3A_536 = arith.constant 0 : i32
      %gather3A_537 = tpu.memref_slice %arg17[%gather3A_534, %gather3A_535, %gather3A_536] : memref<2x128x16xf32, #tpu.memory_space<vmem>> -> memref<1x128x16xf32, #tpu.memory_space<vmem>>
      %gather3A_538 = tpu.memref_squeeze %gather3A_537 : memref<1x128x16xf32, #tpu.memory_space<vmem>> -> memref<128x16xf32, #tpu.memory_space<vmem>>
      %gather3A_539 = tpu.vector_load_idx %gather3A_538[%add3A_216, %broadcast_in_dim3A_527] : memref<128x16xf32, #tpu.memory_space<vmem>>[vector<16xi32>, vector<16xi32>], vector<16xf32>,
      %neg3A_540 = arith.constant 0.000000e+00 : f32
      %neg3A_541 = vector.broadcast %neg3A_540 : f32 to vector<16xf32>
      %neg3A_542 = arith.subf %neg3A_541, %gather3A_533 : vector<16xf32>
      %exp3A_543 = math.exp %neg3A_542 : vector<16xf32>
      %add3A_544 = arith.addf %exp3A_543, %exp3A : vector<16xf32>
      %exp3A_545 = math.exp %gather3A_539 : vector<16xf32>
      %add3A_546 = arith.addf %add3A_544, %exp3A_545 : vector<16xf32>
      %slice3A_547 = vector.extract_strided_slice %get3A_1 {offsets = [12], sizes = [1], strides = [1]} : vector<16xf32> to vector<1xf32>
      %squeeze3A_548 = vector.extract %slice3A_547[0] : f32 from vector<1xf32>
      %div3A_549 = vector.broadcast %squeeze3A_548 : f32 to vector<16xf32>
      %div3A_550 = arith.divf %div3A_549, %add3A_546 : vector<16xf32>
      %add3A_551 = arith.addf %add3A_525, %div3A_550 : vector<16xf32>
      %broadcast_in_dim3A_552 = arith.constant 13 : i32
      %broadcast_in_dim3A_553 = vector.broadcast %broadcast_in_dim3A_552 : i32 to vector<16xi32>
      %gather3A_554 = arith.constant 0 : i32
      %gather3A_555 = arith.constant 0 : i32
      %gather3A_556 = arith.constant 0 : i32
      %gather3A_557 = tpu.memref_slice %arg16[%gather3A_554, %gather3A_555, %gather3A_556] : memref<2x128x16xf32, #tpu.memory_space<vmem>> -> memref<1x128x16xf32, #tpu.memory_space<vmem>>
      %gather3A_558 = tpu.memref_squeeze %gather3A_557 : memref<1x128x16xf32, #tpu.memory_space<vmem>> -> memref<128x16xf32, #tpu.memory_space<vmem>>
      %gather3A_559 = tpu.vector_load_idx %gather3A_558[%add3A_216, %broadcast_in_dim3A_553] : memref<128x16xf32, #tpu.memory_space<vmem>>[vector<16xi32>, vector<16xi32>], vector<16xf32>,
      %gather3A_560 = arith.constant 0 : i32
      %gather3A_561 = arith.constant 0 : i32
      %gather3A_562 = arith.constant 0 : i32
      %gather3A_563 = tpu.memref_slice %arg17[%gather3A_560, %gather3A_561, %gather3A_562] : memref<2x128x16xf32, #tpu.memory_space<vmem>> -> memref<1x128x16xf32, #tpu.memory_space<vmem>>
      %gather3A_564 = tpu.memref_squeeze %gather3A_563 : memref<1x128x16xf32, #tpu.memory_space<vmem>> -> memref<128x16xf32, #tpu.memory_space<vmem>>
      %gather3A_565 = tpu.vector_load_idx %gather3A_564[%add3A_216, %broadcast_in_dim3A_553] : memref<128x16xf32, #tpu.memory_space<vmem>>[vector<16xi32>, vector<16xi32>], vector<16xf32>,
      %neg3A_566 = arith.constant 0.000000e+00 : f32
      %neg3A_567 = vector.broadcast %neg3A_566 : f32 to vector<16xf32>
      %neg3A_568 = arith.subf %neg3A_567, %gather3A_559 : vector<16xf32>
      %exp3A_569 = math.exp %neg3A_568 : vector<16xf32>
      %add3A_570 = arith.addf %exp3A_569, %exp3A : vector<16xf32>
      %exp3A_571 = math.exp %gather3A_565 : vector<16xf32>
      %add3A_572 = arith.addf %add3A_570, %exp3A_571 : vector<16xf32>
      %slice3A_573 = vector.extract_strided_slice %get3A_1 {offsets = [13], sizes = [1], strides = [1]} : vector<16xf32> to vector<1xf32>
      %squeeze3A_574 = vector.extract %slice3A_573[0] : f32 from vector<1xf32>
      %div3A_575 = vector.broadcast %squeeze3A_574 : f32 to vector<16xf32>
      %div3A_576 = arith.divf %div3A_575, %add3A_572 : vector<16xf32>
      %add3A_577 = arith.addf %add3A_551, %div3A_576 : vector<16xf32>
      %broadcast_in_dim3A_578 = arith.constant 14 : i32
      %broadcast_in_dim3A_579 = vector.broadcast %broadcast_in_dim3A_578 : i32 to vector<16xi32>
      %gather3A_580 = arith.constant 0 : i32
      %gather3A_581 = arith.constant 0 : i32
      %gather3A_582 = arith.constant 0 : i32
      %gather3A_583 = tpu.memref_slice %arg16[%gather3A_580, %gather3A_581, %gather3A_582] : memref<2x128x16xf32, #tpu.memory_space<vmem>> -> memref<1x128x16xf32, #tpu.memory_space<vmem>>
      %gather3A_584 = tpu.memref_squeeze %gather3A_583 : memref<1x128x16xf32, #tpu.memory_space<vmem>> -> memref<128x16xf32, #tpu.memory_space<vmem>>
      %gather3A_585 = tpu.vector_load_idx %gather3A_584[%add3A_216, %broadcast_in_dim3A_579] : memref<128x16xf32, #tpu.memory_space<vmem>>[vector<16xi32>, vector<16xi32>], vector<16xf32>,
      %gather3A_586 = arith.constant 0 : i32
      %gather3A_587 = arith.constant 0 : i32
      %gather3A_588 = arith.constant 0 : i32
      %gather3A_589 = tpu.memref_slice %arg17[%gather3A_586, %gather3A_587, %gather3A_588] : memref<2x128x16xf32, #tpu.memory_space<vmem>> -> memref<1x128x16xf32, #tpu.memory_space<vmem>>
      %gather3A_590 = tpu.memref_squeeze %gather3A_589 : memref<1x128x16xf32, #tpu.memory_space<vmem>> -> memref<128x16xf32, #tpu.memory_space<vmem>>
      %gather3A_591 = tpu.vector_load_idx %gather3A_590[%add3A_216, %broadcast_in_dim3A_579] : memref<128x16xf32, #tpu.memory_space<vmem>>[vector<16xi32>, vector<16xi32>], vector<16xf32>,
      %neg3A_592 = arith.constant 0.000000e+00 : f32
      %neg3A_593 = vector.broadcast %neg3A_592 : f32 to vector<16xf32>
      %neg3A_594 = arith.subf %neg3A_593, %gather3A_585 : vector<16xf32>
      %exp3A_595 = math.exp %neg3A_594 : vector<16xf32>
      %add3A_596 = arith.addf %exp3A_595, %exp3A : vector<16xf32>
      %exp3A_597 = math.exp %gather3A_591 : vector<16xf32>
      %add3A_598 = arith.addf %add3A_596, %exp3A_597 : vector<16xf32>
      %slice3A_599 = vector.extract_strided_slice %get3A_1 {offsets = [14], sizes = [1], strides = [1]} : vector<16xf32> to vector<1xf32>
      %squeeze3A_600 = vector.extract %slice3A_599[0] : f32 from vector<1xf32>
      %div3A_601 = vector.broadcast %squeeze3A_600 : f32 to vector<16xf32>
      %div3A_602 = arith.divf %div3A_601, %add3A_598 : vector<16xf32>
      %add3A_603 = arith.addf %add3A_577, %div3A_602 : vector<16xf32>
      %broadcast_in_dim3A_604 = arith.constant 15 : i32
      %broadcast_in_dim3A_605 = vector.broadcast %broadcast_in_dim3A_604 : i32 to vector<16xi32>
      %gather3A_606 = arith.constant 0 : i32
      %gather3A_607 = arith.constant 0 : i32
      %gather3A_608 = arith.constant 0 : i32
      %gather3A_609 = tpu.memref_slice %arg16[%gather3A_606, %gather3A_607, %gather3A_608] : memref<2x128x16xf32, #tpu.memory_space<vmem>> -> memref<1x128x16xf32, #tpu.memory_space<vmem>>
      %gather3A_610 = tpu.memref_squeeze %gather3A_609 : memref<1x128x16xf32, #tpu.memory_space<vmem>> -> memref<128x16xf32, #tpu.memory_space<vmem>>
      %gather3A_611 = tpu.vector_load_idx %gather3A_610[%add3A_216, %broadcast_in_dim3A_605] : memref<128x16xf32, #tpu.memory_space<vmem>>[vector<16xi32>, vector<16xi32>], vector<16xf32>,
      %gather3A_612 = arith.constant 0 : i32
      %gather3A_613 = arith.constant 0 : i32
      %gather3A_614 = arith.constant 0 : i32
      %gather3A_615 = tpu.memref_slice %arg17[%gather3A_612, %gather3A_613, %gather3A_614] : memref<2x128x16xf32, #tpu.memory_space<vmem>> -> memref<1x128x16xf32, #tpu.memory_space<vmem>>
      %gather3A_616 = tpu.memref_squeeze %gather3A_615 : memref<1x128x16xf32, #tpu.memory_space<vmem>> -> memref<128x16xf32, #tpu.memory_space<vmem>>
      %gather3A_617 = tpu.vector_load_idx %gather3A_616[%add3A_216, %broadcast_in_dim3A_605] : memref<128x16xf32, #tpu.memory_space<vmem>>[vector<16xi32>, vector<16xi32>], vector<16xf32>,
      %neg3A_618 = arith.constant 0.000000e+00 : f32
      %neg3A_619 = vector.broadcast %neg3A_618 : f32 to vector<16xf32>
      %neg3A_620 = arith.subf %neg3A_619, %gather3A_611 : vector<16xf32>
      %exp3A_621 = math.exp %neg3A_620 : vector<16xf32>
      %add3A_622 = arith.addf %exp3A_621, %exp3A : vector<16xf32>
      %exp3A_623 = math.exp %gather3A_617 : vector<16xf32>
      %add3A_624 = arith.addf %add3A_622, %exp3A_623 : vector<16xf32>
      %slice3A_625 = vector.extract_strided_slice %get3A_1 {offsets = [15], sizes = [1], strides = [1]} : vector<16xf32> to vector<1xf32>
      %squeeze3A_626 = vector.extract %slice3A_625[0] : f32 from vector<1xf32>
      %div3A_627 = vector.broadcast %squeeze3A_626 : f32 to vector<16xf32>
      %div3A_628 = arith.divf %div3A_627, %add3A_624 : vector<16xf32>
      %add3A_629 = arith.addf %add3A_603, %div3A_628 : vector<16xf32>
      %mul3A_630 = arith.mulf %exp3A, %add3A_629 : vector<16xf32>
      %sub3A = arith.subf %get3A_210, %mul3A_630 : vector<16xf32>
      %mul3A_631 = arith.constant 16 : i32
      %mul3A_632 = arith.muli %scan3A_203, %mul3A_631 : i32
      %swap3A = arith.constant 0 : i32
      %swap3A_633 = arith.index_cast %swap3A : i32 to index
      %swap3A_634 = arith.index_cast %mul3A_632 : i32 to index
      %swap3A_635 = tpu.vector_load %arg15[%swap3A_633, %swap3A_634] {strides = array<i32>} : memref<2x128xf32, #tpu.memory_space<vmem>>, vector<16xf32>,
      tpu.vector_store %arg15[%swap3A_633, %swap3A_634], %sub3A {strides = array<i32>} : memref<2x128xf32, #tpu.memory_space<vmem>>, vector<16xf32>,
      %mul3A_636 = arith.constant 16 : i32
      %mul3A_637 = arith.muli %scan3A_203, %mul3A_636 : i32
      %add3A_638 = arith.addi %add3A_188, %mul3A_637 : i32
      %add3A_639 = vector.broadcast %add3A_638 : i32 to vector<16xi32>
      %add3A_640 = arith.addi %add3A_639, %iota3A : vector<16xi32>
      %mul3A_641 = arith.constant 16 : i32
      %mul3A_642 = arith.muli %scan3A_203, %mul3A_641 : i32
      %get3A_643 = arith.constant 0 : i32
      %get3A_644 = arith.index_cast %get3A_643 : i32 to index
      %get3A_645 = arith.index_cast %mul3A_642 : i32 to index
      %get3A_646 = tpu.vector_load %arg12[%get3A_644, %get3A_645] {strides = array<i32>} : memref<2x128xi32, #tpu.memory_space<vmem>>, vector<16xi32>,
      %mul3A_647 = arith.constant 16 : i32
      %mul3A_648 = vector.broadcast %mul3A_647 : i32 to vector<16xi32>
      %mul3A_649 = arith.muli %get3A_646, %mul3A_648 : vector<16xi32>
      %add3A_650 = arith.addi %mul3A_649, %iota3A : vector<16xi32>
      %masked_sort3A = arith.constant dense<true> : vector<16xi1>
      %masked_sort3A_651 = arith.constant -2147483648 : i32
      %masked_sort3A_652 = vector.broadcast %masked_sort3A_651 : i32 to vector<16xi32>
      %masked_sort3A_653 = arith.xori %add3A_650, %masked_sort3A_652 : vector<16xi32>
      %masked_sort3A_654, %masked_sort3A_655, %masked_sort3A_656 = tpu.sort %masked_sort3A_653, %add3A_640 masked %masked_sort3A : (vector<16xi32>, vector<16xi32>, vector<16xi1>) -> (vector<16xi1>, vector<16xi32>, vector<16xi32>)
      %masked_sort3A_657 = arith.xori %masked_sort3A_655, %masked_sort3A_652 : vector<16xi32>
      %add3A_658 = arith.constant 1 : i32
      %add3A_659 = vector.broadcast %add3A_658 : i32 to vector<16xi32>
      %add3A_660 = arith.addi %iota3A, %add3A_659 : vector<16xi32>
      %min3A = arith.constant 15 : i32
      %min3A_661 = vector.broadcast %min3A : i32 to vector<16xi32>
      %min3A_662 = arith.minsi %add3A_660, %min3A_661 : vector<16xi32>
      %lt3A = arith.constant 0 : i32
      %lt3A_663 = vector.broadcast %lt3A : i32 to vector<16xi32>
      %lt3A_664 = arith.cmpi slt, %min3A_662, %lt3A_663 : vector<16xi32>
      %add3A_665 = arith.constant 16 : i32
      %add3A_666 = vector.broadcast %add3A_665 : i32 to vector<16xi32>
      %add3A_667 = arith.addi %min3A_662, %add3A_666 : vector<16xi32>
      %select_n3A = arith.select %lt3A_664, %add3A_667, %min3A_662 : vector<16xi1>, vector<16xi32>
      %broadcast_in_dim3A_668 = vector.shape_cast %select_n3A : vector<16xi32> to vector<16x1xi32>
      %gather3A_669 = vector.shape_cast %broadcast_in_dim3A_668 : vector<16x1xi32> to vector<16xi32>
      %gather3A_670 = tpu.dynamic_gather %masked_sort3A_657[%gather3A_669] in [0] : vector<16xi32>, vector<16xi32> -> vector<16xi32>
      %shift_right_arithmetic3A = arith.constant 4 : i32
      %shift_right_arithmetic3A_671 = vector.broadcast %shift_right_arithmetic3A : i32 to vector<16xi32>
      %shift_right_arithmetic3A_672 = arith.shrsi %masked_sort3A_657, %shift_right_arithmetic3A_671 : vector<16xi32>
      %shift_right_arithmetic3A_673 = arith.constant 4 : i32
      %shift_right_arithmetic3A_674 = vector.broadcast %shift_right_arithmetic3A_673 : i32 to vector<16xi32>
      %shift_right_arithmetic3A_675 = arith.shrsi %gather3A_670, %shift_right_arithmetic3A_674 : vector<16xi32>
      %ne3A = arith.cmpi ne, %shift_right_arithmetic3A_672, %shift_right_arithmetic3A_675 : vector<16xi32>
      %eq3A = arith.constant 15 : i32
      %eq3A_676 = vector.broadcast %eq3A : i32 to vector<16xi32>
      %eq3A_677 = arith.cmpi eq, %iota3A, %eq3A_676 : vector<16xi32>
      %or3A = arith.ori %ne3A, %eq3A_677 : vector<16xi1>
      %and3A = arith.constant 15 : i32
      %and3A_678 = vector.broadcast %and3A : i32 to vector<16xi32>
      %and3A_679 = arith.andi %masked_sort3A_657, %and3A_678 : vector<16xi32>
      %mul3A_680 = arith.constant 16 : i32
      %mul3A_681 = arith.muli %scan3A_203, %mul3A_680 : i32
      %sub3A_682 = arith.constant 40 : i32
      %sub3A_683 = arith.subi %sub3A_682, %mul3A_681 : i32
      %lt3A_684 = vector.broadcast %sub3A_683 : i32 to vector<16xi32>
      %lt3A_685 = arith.cmpi slt, %and3A_679, %lt3A_684 : vector<16xi32>
      %shift_right_arithmetic3A_686 = arith.constant 4 : i32
      %shift_right_arithmetic3A_687 = vector.broadcast %shift_right_arithmetic3A_686 : i32 to vector<16xi32>
      %shift_right_arithmetic3A_688 = arith.shrsi %masked_sort3A_657, %shift_right_arithmetic3A_687 : vector<16xi32>
      %and3A_689 = arith.andi %or3A, %lt3A_685 : vector<16xi1>
      tpu.vector_store_idx %arg10[%shift_right_arithmetic3A_688], %masked_sort3A_656 masked %and3A_689 : memref<50176xi32, #tpu.memory_space<vmem>>[vector<16xi32>], vector<16xi32>, vector<16xi1>
      %mul3A_690 = arith.constant 16 : i32
      %mul3A_691 = arith.muli %scan3A_203, %mul3A_690 : i32
      %get3A_692 = arith.constant 0 : i32
      %get3A_693 = arith.index_cast %get3A_692 : i32 to index
      %get3A_694 = arith.index_cast %mul3A_691 : i32 to index
      %get3A_695 = tpu.vector_load %arg13[%get3A_693, %get3A_694] {strides = array<i32>} : memref<2x128xi32, #tpu.memory_space<vmem>>, vector<16xi32>,
      %mul3A_696 = arith.constant 16 : i32
      %mul3A_697 = vector.broadcast %mul3A_696 : i32 to vector<16xi32>
      %mul3A_698 = arith.muli %get3A_695, %mul3A_697 : vector<16xi32>
      %add3A_699 = arith.addi %mul3A_698, %iota3A : vector<16xi32>
      %masked_sort3A_700 = arith.constant dense<true> : vector<16xi1>
      %masked_sort3A_701 = arith.constant -2147483648 : i32
      %masked_sort3A_702 = vector.broadcast %masked_sort3A_701 : i32 to vector<16xi32>
      %masked_sort3A_703 = arith.xori %add3A_699, %masked_sort3A_702 : vector<16xi32>
      %masked_sort3A_704, %masked_sort3A_705, %masked_sort3A_706 = tpu.sort %masked_sort3A_703, %add3A_640 masked %masked_sort3A_700 : (vector<16xi32>, vector<16xi32>, vector<16xi1>) -> (vector<16xi1>, vector<16xi32>, vector<16xi32>)
      %masked_sort3A_707 = arith.xori %masked_sort3A_705, %masked_sort3A_702 : vector<16xi32>
      %add3A_708 = arith.constant 1 : i32
      %add3A_709 = vector.broadcast %add3A_708 : i32 to vector<16xi32>
      %add3A_710 = arith.addi %iota3A, %add3A_709 : vector<16xi32>
      %min3A_711 = arith.constant 15 : i32
      %min3A_712 = vector.broadcast %min3A_711 : i32 to vector<16xi32>
      %min3A_713 = arith.minsi %add3A_710, %min3A_712 : vector<16xi32>
      %lt3A_714 = arith.constant 0 : i32
      %lt3A_715 = vector.broadcast %lt3A_714 : i32 to vector<16xi32>
      %lt3A_716 = arith.cmpi slt, %min3A_713, %lt3A_715 : vector<16xi32>
      %add3A_717 = arith.constant 16 : i32
      %add3A_718 = vector.broadcast %add3A_717 : i32 to vector<16xi32>
      %add3A_719 = arith.addi %min3A_713, %add3A_718 : vector<16xi32>
      %select_n3A_720 = arith.select %lt3A_716, %add3A_719, %min3A_713 : vector<16xi1>, vector<16xi32>
      %broadcast_in_dim3A_721 = vector.shape_cast %select_n3A_720 : vector<16xi32> to vector<16x1xi32>
      %gather3A_722 = vector.shape_cast %broadcast_in_dim3A_721 : vector<16x1xi32> to vector<16xi32>
      %gather3A_723 = tpu.dynamic_gather %masked_sort3A_707[%gather3A_722] in [0] : vector<16xi32>, vector<16xi32> -> vector<16xi32>
      %shift_right_arithmetic3A_724 = arith.constant 4 : i32
      %shift_right_arithmetic3A_725 = vector.broadcast %shift_right_arithmetic3A_724 : i32 to vector<16xi32>
      %shift_right_arithmetic3A_726 = arith.shrsi %masked_sort3A_707, %shift_right_arithmetic3A_725 : vector<16xi32>
      %shift_right_arithmetic3A_727 = arith.constant 4 : i32
      %shift_right_arithmetic3A_728 = vector.broadcast %shift_right_arithmetic3A_727 : i32 to vector<16xi32>
      %shift_right_arithmetic3A_729 = arith.shrsi %gather3A_723, %shift_right_arithmetic3A_728 : vector<16xi32>
      %ne3A_730 = arith.cmpi ne, %shift_right_arithmetic3A_726, %shift_right_arithmetic3A_729 : vector<16xi32>
      %eq3A_731 = arith.constant 15 : i32
      %eq3A_732 = vector.broadcast %eq3A_731 : i32 to vector<16xi32>
      %eq3A_733 = arith.cmpi eq, %iota3A, %eq3A_732 : vector<16xi32>
      %or3A_734 = arith.ori %ne3A_730, %eq3A_733 : vector<16xi1>
      %and3A_735 = arith.constant 15 : i32
      %and3A_736 = vector.broadcast %and3A_735 : i32 to vector<16xi32>
      %and3A_737 = arith.andi %masked_sort3A_707, %and3A_736 : vector<16xi32>
      %mul3A_738 = arith.constant 16 : i32
      %mul3A_739 = arith.muli %scan3A_203, %mul3A_738 : i32
      %sub3A_740 = arith.constant 40 : i32
      %sub3A_741 = arith.subi %sub3A_740, %mul3A_739 : i32
      %lt3A_742 = vector.broadcast %sub3A_741 : i32 to vector<16xi32>
      %lt3A_743 = arith.cmpi slt, %and3A_737, %lt3A_742 : vector<16xi32>
      %shift_right_arithmetic3A_744 = arith.constant 4 : i32
      %shift_right_arithmetic3A_745 = vector.broadcast %shift_right_arithmetic3A_744 : i32 to vector<16xi32>
      %shift_right_arithmetic3A_746 = arith.shrsi %masked_sort3A_707, %shift_right_arithmetic3A_745 : vector<16xi32>
      %and3A_747 = arith.andi %or3A_734, %lt3A_743 : vector<16xi1>
      tpu.vector_store_idx %arg11[%shift_right_arithmetic3A_746], %masked_sort3A_706 masked %and3A_747 : memref<50176xi32, #tpu.memory_space<vmem>>[vector<16xi32>], vector<16xi32>, vector<16xi1>
      %scan3A_748 = arith.constant 0 : i32
      scf.yield %scan3A_748 : i32
    }
    %scan3A_201 = arith.constant 3 : i32
    %run_scoped3A_202 = arith.constant 0 : i32
    "tpu.region"() ({
      %run_scoped3A_203 = tpu.sem_alloc : memref<!tpu.dma_semaphore, #tpu.memory_space<semaphore_mem>>
      %dma_start3A_204 = arith.constant 0 : i32
      %dma_start3A_205 = tpu.memref_slice %arg15[%run_scoped3A_202, %dma_start3A_204] : memref<2x128xf32, #tpu.memory_space<vmem>> -> memref<1x40xf32, #tpu.memory_space<vmem>>
      %dma_start3A_206 = tpu.memref_squeeze %dma_start3A_205 : memref<1x40xf32, #tpu.memory_space<vmem>> -> memref<40xf32, #tpu.memory_space<vmem>>
      %dma_start3A_207 = tpu.memref_slice %arg7[%add3A_188] : memref<800000xf32, #tpu.memory_space<hbm>> -> memref<40xf32, #tpu.memory_space<hbm>>
      %dma_start3A_208 = tpu.memref_slice %arg7[%add3A_188] : memref<800000xf32, #tpu.memory_space<hbm>> -> memref<40xf32, #tpu.memory_space<hbm>>
      %dma_start3A_209 = arith.constant 0 : i32
      %dma_start3A_210 = tpu.memref_slice %arg15[%run_scoped3A_202, %dma_start3A_209] : memref<2x128xf32, #tpu.memory_space<vmem>> -> memref<1x40xf32, #tpu.memory_space<vmem>>
      %dma_start3A_211 = tpu.memref_squeeze %dma_start3A_210 : memref<1x40xf32, #tpu.memory_space<vmem>> -> memref<40xf32, #tpu.memory_space<vmem>>
      tpu.enqueue_dma source(%dma_start3A_211 : memref<40xf32, #tpu.memory_space<vmem>>) target(%dma_start3A_208 : memref<40xf32, #tpu.memory_space<hbm>>) target_semaphore(%run_scoped3A_203 : memref<!tpu.dma_semaphore, #tpu.memory_space<semaphore_mem>>)
      %dma_wait3A_212 = arith.constant 0 : i32
      %dma_wait3A_213 = tpu.memref_slice %arg15[%run_scoped3A_202, %dma_wait3A_212] : memref<2x128xf32, #tpu.memory_space<vmem>> -> memref<1x40xf32, #tpu.memory_space<vmem>>
      %dma_wait3A_214 = tpu.memref_squeeze %dma_wait3A_213 : memref<1x40xf32, #tpu.memory_space<vmem>> -> memref<40xf32, #tpu.memory_space<vmem>>
      %dma_wait3A_215 = tpu.memref_slice %arg7[%add3A_188] : memref<800000xf32, #tpu.memory_space<hbm>> -> memref<40xf32, #tpu.memory_space<hbm>>
      %dma_wait3A_216 = tpu.memref_slice %arg7[%add3A_188] : memref<800000xf32, #tpu.memory_space<hbm>> -> memref<40xf32, #tpu.memory_space<hbm>>
      %dma_wait3A_217 = arith.constant 0 : i32
      %dma_wait3A_218 = tpu.memref_slice %arg15[%run_scoped3A_202, %dma_wait3A_217] : memref<2x128xf32, #tpu.memory_space<vmem>> -> memref<1x40xf32, #tpu.memory_space<vmem>>
      %dma_wait3A_219 = tpu.memref_squeeze %dma_wait3A_218 : memref<1x40xf32, #tpu.memory_space<vmem>> -> memref<40xf32, #tpu.memory_space<vmem>>
      tpu.wait_dma2 semaphore(%run_scoped3A_203 : memref<!tpu.dma_semaphore, #tpu.memory_space<semaphore_mem>>) src(%dma_wait3A_219 : memref<40xf32, #tpu.memory_space<vmem>>) dst(%dma_wait3A_216 : memref<40xf32, #tpu.memory_space<hbm>>)
      tpu.yield
    }) : () -> ()
    "tpu.region"() ({
      %run_scoped3A_203 = tpu.sem_alloc : memref<!tpu.dma_semaphore, #tpu.memory_space<semaphore_mem>>
      %dma_start3A_204 = arith.constant 0 : i32
      %dma_start3A_205 = tpu.memref_slice %arg8[%add3A, %dma_start3A_204] : memref<32x50176xi32, #tpu.memory_space<hbm>> -> memref<1x50176xi32, #tpu.memory_space<hbm>>
      %dma_start3A_206 = tpu.memref_squeeze %dma_start3A_205 : memref<1x50176xi32, #tpu.memory_space<hbm>> -> memref<50176xi32, #tpu.memory_space<hbm>>
      %dma_start3A_207 = arith.constant 0 : i32
      %dma_start3A_208 = tpu.memref_slice %arg8[%add3A, %dma_start3A_207] : memref<32x50176xi32, #tpu.memory_space<hbm>> -> memref<1x50176xi32, #tpu.memory_space<hbm>>
      %dma_start3A_209 = tpu.memref_squeeze %dma_start3A_208 : memref<1x50176xi32, #tpu.memory_space<hbm>> -> memref<50176xi32, #tpu.memory_space<hbm>>
      tpu.enqueue_dma source(%arg10 : memref<50176xi32, #tpu.memory_space<vmem>>) target(%dma_start3A_209 : memref<50176xi32, #tpu.memory_space<hbm>>) target_semaphore(%run_scoped3A_203 : memref<!tpu.dma_semaphore, #tpu.memory_space<semaphore_mem>>)
      %dma_wait3A_210 = arith.constant 0 : i32
      %dma_wait3A_211 = tpu.memref_slice %arg8[%add3A, %dma_wait3A_210] : memref<32x50176xi32, #tpu.memory_space<hbm>> -> memref<1x50176xi32, #tpu.memory_space<hbm>>
      %dma_wait3A_212 = tpu.memref_squeeze %dma_wait3A_211 : memref<1x50176xi32, #tpu.memory_space<hbm>> -> memref<50176xi32, #tpu.memory_space<hbm>>
      %dma_wait3A_213 = arith.constant 0 : i32
      %dma_wait3A_214 = tpu.memref_slice %arg8[%add3A, %dma_wait3A_213] : memref<32x50176xi32, #tpu.memory_space<hbm>> -> memref<1x50176xi32, #tpu.memory_space<hbm>>
      %dma_wait3A_215 = tpu.memref_squeeze %dma_wait3A_214 : memref<1x50176xi32, #tpu.memory_space<hbm>> -> memref<50176xi32, #tpu.memory_space<hbm>>
      tpu.wait_dma2 semaphore(%run_scoped3A_203 : memref<!tpu.dma_semaphore, #tpu.memory_space<semaphore_mem>>) src(%arg10 : memref<50176xi32, #tpu.memory_space<vmem>>) dst(%dma_wait3A_215 : memref<50176xi32, #tpu.memory_space<hbm>>)
      tpu.yield
    }) : () -> ()
    "tpu.region"() ({
      %run_scoped3A_203 = tpu.sem_alloc : memref<!tpu.dma_semaphore, #tpu.memory_space<semaphore_mem>>
      %dma_start3A_204 = arith.constant 0 : i32
      %dma_start3A_205 = tpu.memref_slice %arg9[%add3A, %dma_start3A_204] : memref<32x50176xi32, #tpu.memory_space<hbm>> -> memref<1x50176xi32, #tpu.memory_space<hbm>>
      %dma_start3A_206 = tpu.memref_squeeze %dma_start3A_205 : memref<1x50176xi32, #tpu.memory_space<hbm>> -> memref<50176xi32, #tpu.memory_space<hbm>>
      %dma_start3A_207 = arith.constant 0 : i32
      %dma_start3A_208 = tpu.memref_slice %arg9[%add3A, %dma_start3A_207] : memref<32x50176xi32, #tpu.memory_space<hbm>> -> memref<1x50176xi32, #tpu.memory_space<hbm>>
      %dma_start3A_209 = tpu.memref_squeeze %dma_start3A_208 : memref<1x50176xi32, #tpu.memory_space<hbm>> -> memref<50176xi32, #tpu.memory_space<hbm>>
      tpu.enqueue_dma source(%arg11 : memref<50176xi32, #tpu.memory_space<vmem>>) target(%dma_start3A_209 : memref<50176xi32, #tpu.memory_space<hbm>>) target_semaphore(%run_scoped3A_203 : memref<!tpu.dma_semaphore, #tpu.memory_space<semaphore_mem>>)
      %dma_wait3A_210 = arith.constant 0 : i32
      %dma_wait3A_211 = tpu.memref_slice %arg9[%add3A, %dma_wait3A_210] : memref<32x50176xi32, #tpu.memory_space<hbm>> -> memref<1x50176xi32, #tpu.memory_space<hbm>>
      %dma_wait3A_212 = tpu.memref_squeeze %dma_wait3A_211 : memref<1x50176xi32, #tpu.memory_space<hbm>> -> memref<50176xi32, #tpu.memory_space<hbm>>
      %dma_wait3A_213 = arith.constant 0 : i32
      %dma_wait3A_214 = tpu.memref_slice %arg9[%add3A, %dma_wait3A_213] : memref<32x50176xi32, #tpu.memory_space<hbm>> -> memref<1x50176xi32, #tpu.memory_space<hbm>>
      %dma_wait3A_215 = tpu.memref_squeeze %dma_wait3A_214 : memref<1x50176xi32, #tpu.memory_space<hbm>> -> memref<50176xi32, #tpu.memory_space<hbm>>
      tpu.wait_dma2 semaphore(%run_scoped3A_203 : memref<!tpu.dma_semaphore, #tpu.memory_space<semaphore_mem>>) src(%arg11 : memref<50176xi32, #tpu.memory_space<vmem>>) dst(%dma_wait3A_215 : memref<50176xi32, #tpu.memory_space<hbm>>)
      tpu.yield
    }) : () -> ()
    return
  }
}

</mosaic_0001>

<sc_bundles>
// kernel: kernel.11.cloned.1.call-start
scs
__scs_entry_jumppad:
0x0: {  	(pc) =	sbr.rel $0x88, $3  }
0x1: {  	(tag) =	ssettag $0x0;
	lr =	simm.s32 $0x1  }
0x2: {  	[smem:$0x3F9B] =	sst lr;
	_ =	strace $0xD0000000  }
0x3: {  	_ = 	snop  }
0x4: {  	_ = 	snop  }
0x5: {  	_ = 	snop  }
0x6: {  	_ = 	snop  }
0x7: {  	_ = 	snop  }
__scs_overlays_trampoline_lowered:
0x8: {  	[smem:$0x3FAA] =	sst s0  }
0x9: {  	[smem:$0x3FAB] =	sst s1  }
0xa: {  	[smem:$0x3FAC] =	sst s2  }
0xb: {  	[smem:$0x3FAD] =	sst s3  }
0xc: {  	[smem:$0x3FAE] =	sst s4  }
0xd: {  	[smem:$0x3FAF] =	sst s5  }
0xe: {  	[smem:$0x3FB0] =	sst s6  }
0xf: {  	[smem:$0x3FB1] =	sst s7  }
0x10: {  	[smem:$0x3FB2] =	sst s8  }
0x11: {  	[smem:$0x3FB3] =	sst s9;
	s0 =	simm.s32 @!p0 $0x0  }
0x12: {  	s1 =	sld [smem:$0x3F99];
	s0 =	simm.s32 @p0 $0x1  }
0x13: {  	[smem:$0x3FB4] =	sst s0;
	s0 =	simm.s32 @!p1 $0x0  }
0x14: {  	s2 =	sld [smem:$0x3F98];
	s0 =	simm.s32 @p1 $0x1  }
0x15: {  	[smem:$0x3FB5] =	sst s0;
	s0 =	simm.s32 @!p2 $0x0  }
0x16: {  	s3 =	sld [smem:$0x3FDB];
	s0 =	simm.s32 @p2 $0x1  }
0x17: {  	s4 =	simm.s32 $0x1BF5;
	[smem:$0x3FB7] =	sst s0  }
0x18: {  	s0 =	sld [smem:$0x3F9A];
	_ =	swait.ge [sflag:s4], $0x0  }
0x19: {  	s7 =	sld [smem:$0x3F9B]  }
0x1a: {  	s8 =	sadd.s32 $0xFFFFE003, lr  }
0x1b: {  	s9 =	sadd.s32 $0xFFFFFEF7, lr;
	s5 =	simm.s32 $0xFFFFFFFF;
	p2 =	slt.u32 s8, $0xFFFFF086  }
0x1c: {  	p1 =	slt.u32 s9, $0xF7A;
	s5 =	simm.s32 @!p2 $0x0  }
0x1d: {  	s5 =	simm.s32 @p1 $0x1;
	p0 =	seq.s32 s7, s2  }
0x1e: {  	s7 =	smul.u32 @!p0 $0xF7A, s2;
	p2 =	seq.s32 @!p0 s5, $0x0  }
0x1f: {  	s9 =	smul.u32 $0xF7A, s1;
	s8 =	simm.s32 @!p0 $0x1BF5;
	p2 =	por !p2, p0  }
0x20: {  	[sflag:s8] =	ssyncset.s32 @!p0 $0xFFFFF086;
	s6 =	sadd.s32 @!p0 s3, s7;
	s7 =	simm.s32 @!p0 $0x108  }
0x21: {  	s3 =	sadd.s32 s3, s9;
	s6 =	sadd.s32 @!p0 $0x88, s6;
	s7 =	simm.s32 @p2 $0x1082  }
0x22: {  	[simem:s7], [sflag:s8] =	dma.local @!p0 [hbm:s6], $0xF7A  }
0x23: {  	s9 =	sor.u32 $0xD0000000, s2;
	s6 =	simm.s32 $0x108;
	_ =	swait.ge @!p0 [sflag:s8], $0x0  }
0x24: {  	s3 =	sadd.s32 $0x88, s3;
	s6 =	simm.s32 @!p1 $0x1082;
	[sflag:s4] =	ssyncset.s32 $0xFFFFF086  }
0x25: {  	[simem:s6], [sflag:s4] =	dma.local [hbm:s3], $0xF7A  }
0x26: {  	[smem:$0x3F9B] =	sst s1;
	(tag) =	ssettag s2;
	_ =	strace s9  }
0x27: {  	s1 =	sld [smem:$0x3FAB]  }
0x28: {  	s2 =	sld [smem:$0x3FAC]  }
0x29: {  	s4 =	sld [smem:$0x3FAE]  }
0x2a: {  	p0 =	seq.s32 s5, $0x0;
	s5 =	sld [smem:$0x3FAF]  }
0x2b: {  	s6 =	sld [smem:$0x3FB0]  }
0x2c: {  	s7 =	sld [smem:$0x3FB1]  }
0x2d: {  	s3 =	simm.s32 $0x108;
	s8 =	sld [smem:$0x3FB2]  }
0x2e: {  	s3 =	simm.s32 @!p0 $0x1082;
	s9 =	sld [smem:$0x3FB3]  }
0x2f: {  	lr =	sadd.s32 s0, s3;
	s0 =	sld [smem:$0x3FAA]  }
0x30: {  	s3 =	sld [smem:$0x3FAD]  }
0x31: {  	[smem:$0x3FB6] =	sst s10  }
0x32: {  	s10 =	sld [smem:$0x3FB4];
	_ =	sdelay $0x3  }
0x33: {  	p0 =	seq.s32 s10, $0x1;
	s10 =	sld [smem:$0x3FB6];
	_ =	sdelay $0x3  }
0x34: {  	[smem:$0x3FB6] =	sst s10  }
0x35: {  	s10 =	sld [smem:$0x3FB5];
	_ =	sdelay $0x3  }
0x36: {  	p1 =	seq.s32 s10, $0x1;
	s10 =	sld [smem:$0x3FB6];
	_ =	sdelay $0x3  }
0x37: {  	[smem:$0x3FB6] =	sst s10  }
0x38: {  	s10 =	sld [smem:$0x3FB7]  }
0x39: {  	_ = 	snop;
	(pc) =	sbr.ind lr, $3  }
0x3a: {  	_ = 	snop  }
0x3b: {  	_ = 	snop  }
0x3c: {  	p2 =	seq.s32 s10, $0x1;
	s10 =	sld [smem:$0x3FB6]  }
0x3d: {  	_ =	shalt  }
0x3e: {  	_ =	shalt  }
0x3f: {  	_ =	shalt  }
0x40: {  	_ =	shalt  }
0x41: {  	_ =	shalt  }
0x42: {  	_ =	shalt  }
0x43: {  	_ =	shalt  }
0x44: {  	_ =	shalt  }
0x45: {  	_ =	shalt  }
0x46: {  	_ =	shalt  }
0x47: {  	_ =	shalt  }
0x48: {  	_ =	shalt  }
0x49: {  	_ =	shalt  }
0x4a: {  	_ =	shalt  }
0x4b: {  	_ =	shalt  }
0x4c: {  	_ =	shalt  }
0x4d: {  	_ =	shalt  }
0x4e: {  	_ =	shalt  }
0x4f: {  	_ =	shalt  }
0x50: {  	_ =	shalt  }
0x51: {  	_ =	shalt  }
0x52: {  	_ =	shalt  }
0x53: {  	_ =	shalt  }
0x54: {  	_ =	shalt  }
0x55: {  	_ =	shalt  }
0x56: {  	_ =	shalt  }
0x57: {  	_ =	shalt  }
0x58: {  	_ =	shalt  }
0x59: {  	_ =	shalt  }
0x5a: {  	_ =	shalt  }
0x5b: {  	_ =	shalt  }
0x5c: {  	_ =	shalt  }
0x5d: {  	_ =	shalt  }
0x5e: {  	_ =	shalt  }
0x5f: {  	_ =	shalt  }
0x60: {  	_ =	shalt  }
0x61: {  	_ =	shalt  }
0x62: {  	_ =	shalt  }
0x63: {  	_ =	shalt  }
0x64: {  	_ =	shalt  }
0x65: {  	_ =	shalt  }
0x66: {  	_ =	shalt  }
0x67: {  	_ =	shalt  }
0x68: {  	_ =	shalt  }
0x69: {  	_ =	shalt  }
0x6a: {  	_ =	shalt  }
0x6b: {  	_ =	shalt  }
0x6c: {  	_ =	shalt  }
0x6d: {  	_ =	shalt  }
0x6e: {  	_ =	shalt  }
0x6f: {  	_ =	shalt  }
0x70: {  	_ =	shalt  }
0x71: {  	_ =	shalt  }
0x72: {  	_ =	shalt  }
0x73: {  	_ =	shalt  }
0x74: {  	_ =	shalt  }
0x75: {  	_ =	shalt  }
0x76: {  	_ =	shalt  }
0x77: {  	_ =	shalt  }
0x78: {  	_ =	shalt  }
0x79: {  	_ =	shalt  }
0x7a: {  	_ =	shalt  }
0x7b: {  	_ =	shalt  }
0x7c: {  	_ =	shalt  }
0x7d: {  	_ =	shalt  }
0x7e: {  	_ =	shalt  }
0x7f: {  	_ =	shalt  }
0x80: {  	_ =	shalt  }
0x81: {  	_ =	shalt  }
0x82: {  	_ =	shalt  }
0x83: {  	_ =	shalt  }
0x84: {  	_ =	shalt  }
0x85: {  	_ =	shalt  }
0x86: {  	_ =	shalt  }
0x87: {  	_ =	shalt  }
.Lfunc_end0:
.L_simem_size_0:
called_computation.2_lowered:
.L_overlay_start_0:
0x88: {  	s2 =	sld [smem:$0x3FD9]  }
0x89: {  	s3 =	sld [smem:$0x3FFE];
	_ =	sdelay $0x1  }
0x8a: {  	s1 =	srdreg.scid  }
0x8b: {  	s0 =	sand.u32 $0x1, s1  }
0x8c: {  	s17 =	sshll.u32 s0, $0xA;
	s2 =	sadd.s32 s3, s2  }
0x8d: {  	s2 =	sadd.s32 s2, s17  }
0x8e: {  	[smem:$0x3FC2] =	sst s2  }
0x8f: {  	_ = 	snop  }
0x90: {  	s2 =	sld [smem:$0x3FC8]  }
0x91: {  	s18 =	sld [smem:$0x3FC7]  }
0x92: {  	s4 =	sld [smem:$0x3FC6]  }
0x93: {  	s5 =	sld [smem:$0x3FC4];
	(tm) =	ssettm $0x1  }
0x94: {  	s6 =	sld [smem:$0x3FFB];
	_ =	sdelay $0x3  }
0x95: {  	_ =	strace s6  }
0x96: {  	s6 =	sld [smem:$0x3FFC];
	_ =	sdelay $0x3  }
0x97: {  	_ =	strace s6  }
0x98: {  	s6 =	sld [smem:$0x3FFD];
	_ =	sdelay $0x3  }
0x99: {  	_ =	strace s6  }
0x9a: {  	_ =	strace $0x8FFFFFFF  }
0x9b: {  	s19 =	sld [smem:$0x3FDB];
	_ =	sdelay $0x1  }
0x9c: {  	s7 =	simm.s32 $_scs_section_size  }
0x9d: {  	s8 =	simm.s32 $_size__tile_overlayer_lowered;
	s9 =	simm.s32 $_tile_overlayer_lowered  }
0x9e: {  	s22 =	simm.s32 $0x1BFF;
	s21 =	sshll.u32 s9, $0x1;
	s6 =	sadd.s32 s7, s19  }
0x9f: {  	s10 =	simm.s32 $0x0;
	s20 =	sshll.u32 s8, $0x1;
	s8 =	sadd.s32 s21, s6  }
0xa0: {  	[timem:s10], [sflag:s22] =	dma.local [hbm:s8], s20  }
0xa1: {  	_ =	swait.ge [sflag:s22], s20  }
0xa2: {  	s7 =	ssub.s32 $0x0, s20;
	[sflag:s22] =	ssyncset.done $0x0  }
0xa3: {  	[sflag:s22] =	ssyncadd.s32 s7;
	_ =	sdelay $0x1  }
0xa4: {  	s23 =	simm.s32 $0x1B8B  }
0xa5: {  	_ =	swait.ge [sflag:s23], $0x1  }
0xa6: {  	[sflag:s23] =	ssyncset.done $0x0  }
0xa7: {  	s25 =	simm.s32 $0x1B8E;
	s24 =	sld [smem:$0x3FFE];
	[sflag:s23] =	ssyncadd.s32 $0xFFFFFFFF  }
0xa8: {  	s26 =	simm.s32 $execute0_lowered;
	[smem:$0x3FD2] =	sst s25  }
0xa9: {  	s8 =	sshll.u32 s26, $0x1;
	_ =	strace $0x8000004C;
	[dreg:$0x1] =	wrdreg $0xFFFFFFFF  }
0xaa: {  	s28 =	simm.s32 $_size_execute0_lowered;
	s6 =	sadd.s32 s6, s8;
	[dreg:$0x0] =	wrdreg $0x0  }
0xab: {  	s8 =	sshll.u32 s28, $0x1;
	[dreg:$0x2] =	wrdreg s6  }
0xac: {  	[dreg:$0x3] =	wrdreg s8  }
0xad: {  	[dreg:$0x4] =	wrdreg $0xC0  }
0xae: {  	_ =	task [dreg:s10], $0x5FFFF  }
0xaf: {  	[dreg:$0x1] =	wrdreg $0xFFFFFFFF  }
0xb0: {  	[dreg:$0x0] =	wrdreg $0x60  }
0xb1: {  	[dreg:$0x2] =	wrdreg s24  }
0xb2: {  	[dreg:$0x3] =	wrdreg s2  }
0xb3: {  	[dreg:$0x4] =	wrdreg s18  }
0xb4: {  	[dreg:$0x5] =	wrdreg s4  }
0xb5: {  	[dreg:$0x6] =	wrdreg s5  }
0xb6: {  	[dreg:$0x7] =	wrdreg $0x9  }
0xb7: {  	_ =	task.clear_ibuf [dreg:s10], $0x8FFFF;
	_ =	strace $0x9000004C  }
0xb8: {  	s29 =	simm.s32 $0x9;
	_ =	strace $0x8000004E  }
0xb9: {  	_ =	swait.ge [sflag:s29], $0x1  }
0xba: {  	[sflag:s29] =	ssyncadd.s32 $0xFFFFFFFF  }
0xbb: {  	_ =	strace $0x9000004E  }
0xbc: {  	_ =	sfence  }
0xbd: {  	s30 =	sld [smem:$0x0];
	_ =	sdelay $0x2  }
0xbe: {  	s31 =	sshll.u32 s1, $0xD;
	s1 =	sshrl.u32 s1, $0x2  }
0xbf: {  	s3 =	sand.u32 $0x4000, s31;
	s1 =	sadd.s32 s1, s30  }
0xc0: {  	s0 =	sor.u32 s3, s0;
	s1 =	sshll.u32 s1, $0x11  }
0xc1: {  	s0 =	sor.u32 s1, s0  }
0xc2: {  	s0 =	sadd.s32 $0x8F2B, s0  }
0xc3: {  	[sflag:s0] =	ssyncadd.remote.s32 $0x1  }
0xc4: {  	_ =	sfence.sel $0xFFFF  }
0xc5: {  	[dreg:$0x0] =	wrdreg $0xFFFFFFFF;
	(pc) =	sbr.abs _section_cstart, $3  }
0xc6: {  	[dreg:$0x1] =	wrdreg $0xFFFFFFFF  }
0xc7: {  	_ =	task.clear_ibuf [dreg:s10], $0x2FFFF;
	_ =	strace $0x9FFFFFFF  }
0xc8: {  	(tm) =	ssettm $0x7FFFFFFF  }
0xc9: {  	_ =	shalt  }
tec
execute0_lowered:
.L_overlay_start_1:
0x0: {  	(tag) =	ssettag $0x1  }
0x1: {  	s0 =	rddreg [dreg:$0x0]  }
0x2: {  	s1 =	rddreg [dreg:$0x1]  }
0x3: {  	s2 =	rddreg [dreg:$0x2]  }
0x4: {  	s4 =	rddreg [dreg:$0x3];
	s3 =	srdreg.scid  }
0x5: {  	s5 =	stileid.u32;
	s6 =	simm.s32 $0x0;
	s30 =	simm.s32 $0x1EA0  }
0x6: {  	s29 =	simm.s32 $0x2;
	s31 =	simm.s32 $0x70;
	s28 =	simm.s32 $0x1  }
0x7: {  	s3 =	sand.u32 $0x1, s3;
	s5 =	sshll.u32 s5, $0x1;
	[smem:$0x7FF] =	sst s6  }
0x8: {  	s7 =	sadd.s32 $0x1000, s0;
	s8 =	sadd.s32 $0x19800, s0;
	s5 =	sor.u32 s3, s5  }
0x9: {  	s10 =	sadd.s32 $0x4A800, s0;
	s3 =	ssub.s32 $0x2, s3;
	s11 =	smul.u32 $0xC40, s5  }
0xa: {  	_ =	strace $0x8000004D;
	s9 =	smul.u32 $0x620, s5;
	s16 =	sshrl.u32 s3, $0x1  }
0xb: {  	s3 =	ssub.s32 s3, s16;
	s0 =	sadd.s32 s11, s0;
	s17 =	sadd.s32 s7, s11  }
0xc: {  	s18 =	sshrl.u32 s9, $0x3;
	s26 =	smax.u32 s3, $0x1;
	[dreg:$0x6] =	wrdreg s17  }
0xd: {  	s3 =	simm.s32 $0xB;
	s19 =	sadd.s32 s8, s18;
	[dreg:$0x10] =	wrdreg s26  }
0xe: {  	s11 =	simm.s32 $0xC;
	s5 =	sadd.s32 s10, s18;
	[dreg:$0x7] =	wrdreg s19  }
0xf: {  	s20 =	sadd.s32 $0x1880, s18;
	s0 =	sadd.s32 $0x7B800, s0;
	[dreg:$0xb] =	wrdreg s5  }
0x10: {  	s12 =	sadd.s32 $0x3100, s18;
	s13 =	sadd.s32 s8, s20;
	[dreg:$0xf] =	wrdreg s0  }
0x11: {  	s22 =	sadd.s32 $0x4980, s18;
	s21 =	sadd.s32 s8, s12;
	[dreg:$0x8] =	wrdreg s13  }
0x12: {  	s26 =	simm.s32 $0xE;
	s14 =	sadd.s32 s8, s22;
	[dreg:$0x9] =	wrdreg s21  }
0x13: {  	s23 =	sadd.s32 s10, s20;
	s24 =	sadd.s32 s10, s12;
	[dreg:$0xa] =	wrdreg s14  }
0x14: {  	s25 =	sadd.s32 s10, s22;
	s22 =	simm.s32 $0x10D80;
	[dreg:$0xc] =	wrdreg s23  }
0x15: {  	s20 =	simm.s32 $0x1260;
	s12 =	simm.s32 $0x4980;
	[dreg:$0xd] =	wrdreg s24  }
0x16: {  	v0 =	vlaneseq.u32;
	s0 =	simm.s32 $0x0;
	[dreg:$0xe] =	wrdreg s25;
	s24 =	simm.s32 $0xF  }
0x17: {  	v0 =	vmul.u32 $0x10, v0;
	s21 =	simm.s32 $0x1880;
	s25 =	simm.s32 $0xD;
	s13 =	simm.s32 $0xAB80  }
.LBB2_1:
0x18: {  	s5 =	rddreg [dreg:$0x6]  }
0x19: {  	[tilespmem:s22], [sflag:$0x1] =	stream.linear.gather [hbm4b:s5+s6], $0x6200, $0x38;
	[tilespmem:$0x16F90] =	vst v63  }
0x1a: {  	s16 =	rddreg [dreg:$0x4];
	s14 =	simm.s32 $0x16F80  }
0x1b: {  	[tilespmem:s14], [sflag:$0xF] =	stream.linear.gather [hbm4b:s16+s6], $0x10, $0x38;
	[tilespmem:$0x16F90] =	vst v63  }
0x1c: {  	_ =	swait.ge [sflag:s24], $0x10  }
0x1d: {  	[sflag:s24] =	ssyncset.done $0x0  }
0x1e: {  	s17 =	rddreg [dreg:$0x7];
	[sflag:s24] =	ssyncadd.s32 $0xFFFFFFF0  }
0x1f: {  	v16 =	vld [tilespmem:$0x16F80];
	[tilespmem:s6], [sflag:$0x2] =	stream.linear.gather [hbm4b:s17+s6], $0x620, $0x38  }
0x20: {  	s18 =	rddreg [dreg:$0x8]  }
0x21: {  	[tilespmem:s20], [sflag:$0x4] =	stream.linear.gather [hbm4b:s18+s6], $0x620, $0x38;
	[tilespmem:$0x16F90] =	vst v63  }
0x22: {  	s19 =	rddreg [dreg:$0x9]  }
0x23: {  	[tilespmem:s21], [sflag:$0x5] =	stream.linear.gather [hbm4b:s19+s6], $0x620, $0x38;
	[tilespmem:$0x16F90] =	vst v63  }
0x24: {  	s23 =	rddreg [dreg:$0xa]  }
0x25: {  	[tilespmem:s30], [sflag:$0x6] =	stream.linear.gather [hbm4b:s23+s6], $0x620, $0x38;
	[tilespmem:$0x16F90] =	vst v63  }
0x26: {  	_ =	swait.ge [sflag:s29], $0x620  }
0x27: {  	[sflag:s29] =	ssyncset.done $0x0  }
0x28: {  	s15 =	simm.s32 $0x1;
	s14 =	simm.s32 $0x1;
	[sflag:s29] =	ssyncadd.s32 $0xFFFFF9E0  }
.LBB2_2:
0x29: {  	p0 =	sgt.u32 s15, $0x1C  }
0x2a: {  	s16 =	sadd.s32 @!p0 $0x3, s15  }
0x2b: {  	s17 =	smul.u32 @!p0 $0xC400, s16;
	s16 =	sand.u32 @!p0 $0x3, s16  }
0x2c: {  	s23 =	sand.u32 $0x3, s14;
	s18 =	smul.u32 @!p0 $0x1880, s16  }
0x2d: {  	s23 =	smul.u32 $0x1880, s23;
	s19 =	simm.s32 @!p0 $0x0;
	s17 =	sadd.s32 @!p0 s9, s17  }
0x2e: {  	s16 =	sadd.s32 @!p0 $0x3, s16;
	s18 =	sshrl.u32 @!p0 s18, $0x2;
	s17 =	sshrl.u32 @!p0 s17, $0x3  }
0x2f: {  	s23 =	sshrl.u32 s23, $0x2;
	s18 =	sadd.s32 @!p0 $0xC40, s18;
	s17 =	sadd.s32 @!p0 s8, s17  }
0x30: {  	[tilespmem:s18], [sflag:s16] =	stream.linear.gather @!p0 [hbm4b:s17+s19], $0x620, $0x38;
	[tilespmem:$0x16F90] =	vst v63  }
0x31: {  	s16 =	sadd.s32 $0xC40, s23  }
0x32: {  	s5 =	sand.u32 $0x3, s15;
	v1 =	vmov s16  }
0x33: {  	s5 =	sadd.s32 $0x3, s5  }
0x34: {  	_ =	swait.ge [sflag:s5], $0x620  }
0x35: {  	[sflag:s5] =	ssyncset.done $0x0  }
0x36: {  	s17 =	simm.s32 $0x40;
	s16 =	simm.s32 $0x0;
	[sflag:s5] =	ssyncadd.s32 $0xFFFFF9E0  }
.LBB2_3:
0x37: {  	p0 =	sne.s32 s17, $0x1840;
	v2 =	vld.idx.msk [tilespmem:v1+s16+$0x0 ss:$0x1], $0xffff  }
0x38: {  	v3 =	vld [tilespmem:s16+$0x0];
	_ =	sdelay $0x2  }
.Ltmp0:
0x39: {  	(pc) =	sbr.rel @p0 .LBB2_3-.Ltmp0, $4  }
0x3a: {  	_ = 	snop  }
0x3b: {  	vm0 =	vgt.s32 v3, v2  }
0x3c: {  	v2 =	vsel vm0, v3, v2  }
0x3d: {  	[tilespmem:s16+$0x0] =	vst v2;
	s16 =	sshra.s32 s17, $0x2;
	s17 =	sadd.s32 $0x40, s17  }
0x3e: {  	_ =	sdelay $0x3  }
0x3f: {  	v1 =	vld.idx.msk [tilespmem:v1+s16+$0x0 ss:$0x1], $0xffff  }
0x40: {  	v2 =	vld [tilespmem:s16+$0x0]  }
0x41: {  	s15 =	sadd.s32 $0x1, s15  }
0x42: {  	p0 =	sne.s32 s15, $0x20  }
.Ltmp1:
0x43: {  	_ = 	snop;
	(pc) =	sbr.rel @p0 .LBB2_2-.Ltmp1, $4  }
0x44: {  	_ = 	snop  }
0x45: {  	vm0 =	vgt.s32 v2, v1  }
0x46: {  	v1 =	vsel vm0, v2, v1  }
0x47: {  	s14 =	sadd.s32 $0x1, s14;
	[tilespmem:s16+$0x0] =	vst v1  }
0x48: {  	s15 =	simm.s32 $0x0  }
0x49: {  	v1 =	vld [tilespmem:s15+$0x60]  }
0x4a: {  	v2 =	vld [tilespmem:s15+$0x0]  }
0x4b: {  	v3 =	vld [tilespmem:s15+$0x10]  }
0x4c: {  	v6 =	vld [tilespmem:s15+$0x20]  }
0x4d: {  	v7 =	vld [tilespmem:s15+$0x30]  }
0x4e: {  	v8 =	vld [tilespmem:s15+$0x40];
	vm0 =	vgt.s32 v1, $0x0  }
0x4f: {  	s14 =	simm.s32 $0x70;
	v9 =	vld [tilespmem:s15+$0x50];
	v1 =	vnsel vm0, $0x0, v1;
	vm0 =	vgt.s32 v2, $0x0  }
0x50: {  	v10 =	vld [tilespmem:s14+$0x60];
	v1 =	vmin.u32 v1, $0xC34FF;
	v2 =	vnsel vm0, $0x0, v2;
	vm0 =	vgt.s32 v3, $0x0  }
0x51: {  	v5 =	vld [tilespmem:s14+$0x0];
	[tilespmem:s15+$0x2520] =	vst v1;
	v1 =	vmin.u32 v2, $0xC34FF;
	v2 =	vnsel vm0, $0x0, v3;
	vm0 =	vgt.s32 v6, $0x0  }
0x52: {  	v4 =	vld [tilespmem:s14+$0x10];
	[tilespmem:s15+$0x24C0] =	vst v1;
	v2 =	vmin.u32 v2, $0xC34FF;
	v3 =	vnsel vm0, $0x0, v6;
	vm0 =	vgt.s32 v7, $0x0  }
0x53: {  	v1 =	vld [tilespmem:s14+$0x20];
	[tilespmem:s15+$0x24D0] =	vst v2;
	v3 =	vmin.u32 v3, $0xC34FF;
	v6 =	vnsel vm0, $0x0, v7;
	vm0 =	vgt.s32 v8, $0x0  }
0x54: {  	v2 =	vld [tilespmem:s14+$0x30];
	[tilespmem:s15+$0x24E0] =	vst v3;
	v6 =	vmin.u32 v6, $0xC34FF;
	v7 =	vnsel vm0, $0x0, v8;
	vm0 =	vgt.s32 v9, $0x0  }
0x55: {  	vm1 =	vgt.s32 v10, $0x0;
	v3 =	vld [tilespmem:s14+$0x40];
	[tilespmem:s15+$0x24F0] =	vst v6;
	v8 =	vmin.u32 v7, $0xC34FF;
	v9 =	vnsel vm0, $0x0, v9  }
0x56: {  	s16 =	simm.s32 $0xE0;
	s17 =	simm.s32 $0x540;
	vm0 =	vgt.s32 v5, $0x0;
	v7 =	vnsel vm1, $0x0, v10;
	v6 =	vld [tilespmem:s14+$0x50];
	[tilespmem:s15+$0x2500] =	vst v8;
	v8 =	vmin.u32 v9, $0xC34FF  }
.LBB2_6:
0x57: {  	p0 =	sne.s32 s17, $0x16C0;
	v9 =	vld [tilespmem:s16+$0x60];
	v10 =	vnsel vm0, $0x0, v5;
	vm0 =	vgt.s32 v4, $0x0;
	v7 =	vmin.u32 v7, $0xC34FF;
	[tilespmem:s15+$0x2510] =	vst v8;
	s15 =	smov.u32 s14;
	s14 =	smov.u32 s16  }
0x58: {  	v5 =	vld [tilespmem:s14+$0x0];
	v8 =	vmin.u32 v10, $0xC34FF;
	v10 =	vnsel vm0, $0x0, v4;
	vm0 =	vgt.s32 v1, $0x0;
	[tilespmem:s15+$0x2520] =	vst v7  }
.Ltmp2:
0x59: {  	v4 =	vld [tilespmem:s14+$0x10];
	[tilespmem:s15+$0x24C0] =	vst v8;
	v7 =	vmin.u32 v10, $0xC34FF;
	v8 =	vnsel vm0, $0x0, v1;
	vm0 =	vgt.s32 v2, $0x0;
	(pc) =	sbr.rel @p0 .LBB2_6-.Ltmp2, $4  }
0x5a: {  	v1 =	vld [tilespmem:s14+$0x20];
	[tilespmem:s15+$0x24D0] =	vst v7;
	v7 =	vmin.u32 v8, $0xC34FF;
	v8 =	vnsel vm0, $0x0, v2;
	vm0 =	vgt.s32 v3, $0x0  }
0x5b: {  	v2 =	vld [tilespmem:s14+$0x30];
	[tilespmem:s15+$0x24E0] =	vst v7;
	v7 =	vmin.u32 v8, $0xC34FF;
	v8 =	vnsel vm0, $0x0, v3;
	vm0 =	vgt.s32 v6, $0x0  }
0x5c: {  	v3 =	vld [tilespmem:s14+$0x40];
	vm1 =	vgt.s32 v9, $0x0;
	[tilespmem:s15+$0x24F0] =	vst v7;
	v8 =	vmin.u32 v8, $0xC34FF;
	v10 =	vnsel vm0, $0x0, v6  }
0x5d: {  	s16 =	sshra.s32 s17, $0x2;
	s17 =	sadd.s32 $0x1C0, s17;
	vm0 =	vgt.s32 v5, $0x0;
	v6 =	vld [tilespmem:s14+$0x50];
	v7 =	vnsel vm1, $0x0, v9;
	[tilespmem:s15+$0x2500] =	vst v8;
	v8 =	vmin.u32 v10, $0xC34FF  }
0x5e: {  	v9 =	vld [tilespmem:s16+$0x60];
	[tilespmem:s15+$0x2510] =	vst v8;
	v7 =	vmin.u32 v7, $0xC34FF;
	v5 =	vnsel vm0, $0x0, v5;
	vm5 =	vgt.s32 v4, $0x0  }
0x5f: {  	v8 =	vld [tilespmem:s16+$0x0];
	[tilespmem:s14+$0x2520] =	vst v7;
	v5 =	vmin.u32 v5, $0xC34FF;
	v4 =	vnsel vm5, $0x0, v4;
	vm6 =	vgt.s32 v1, $0x0  }
0x60: {  	v7 =	vld [tilespmem:s16+$0x10];
	[tilespmem:s14+$0x24C0] =	vst v5;
	v4 =	vmin.u32 v4, $0xC34FF;
	v1 =	vnsel vm6, $0x0, v1;
	vm7 =	vgt.s32 v2, $0x0  }
0x61: {  	v5 =	vld [tilespmem:s16+$0x20];
	[tilespmem:s14+$0x24D0] =	vst v4;
	v1 =	vmin.u32 v1, $0xC34FF;
	v2 =	vnsel vm7, $0x0, v2;
	vm8 =	vgt.s32 v3, $0x0  }
0x62: {  	v4 =	vld [tilespmem:s16+$0x30];
	[tilespmem:s14+$0x24E0] =	vst v1;
	v1 =	vmin.u32 v2, $0xC34FF;
	v3 =	vnsel vm8, $0x0, v3;
	vm9 =	vgt.s32 v6, $0x0  }
0x63: {  	v2 =	vld [tilespmem:s16+$0x40];
	[tilespmem:s14+$0x24F0] =	vst v1;
	vm1 =	vgt.s32 v9, $0x0;
	v1 =	vmin.u32 v3, $0xC34FF;
	v3 =	vnsel vm9, $0x0, v6  }
0x64: {  	v62 =	vld [tilespmem:s16+$0x50];
	vm10 =	vgt.s32 v8, $0x0;
	v9 =	vnsel vm1, $0x0, v9;
	[tilespmem:s14+$0x2500] =	vst v1;
	v1 =	vmin.u32 v3, $0xC34FF  }
0x65: {  	v3 =	vnsel vm10, $0x0, v8;
	vm11 =	vgt.s32 v7, $0x0;
	v63 =	vmin.u32 v9, $0xC34FF;
	[tilespmem:s14+$0x2510] =	vst v1  }
0x66: {  	v1 =	vmin.u32 v3, $0xC34FF;
	v3 =	vnsel vm11, $0x0, v7;
	vm12 =	vgt.s32 v5, $0x0;
	[tilespmem:s16+$0x2520] =	vst v63  }
0x67: {  	[tilespmem:s16+$0x24C0] =	vst v1;
	v1 =	vmin.u32 v3, $0xC34FF;
	v3 =	vnsel vm12, $0x0, v5;
	vm13 =	vgt.s32 v4, $0x0  }
0x68: {  	[tilespmem:s16+$0x24D0] =	vst v1;
	v1 =	vmin.u32 v3, $0xC34FF;
	v3 =	vnsel vm13, $0x0, v4;
	vm14 =	vgt.s32 v2, $0x0  }
0x69: {  	[tilespmem:s16+$0x24E0] =	vst v1;
	v1 =	vmin.u32 v3, $0xC34FF;
	v2 =	vnsel vm14, $0x0, v2;
	vm15 =	vgt.s32 v62, $0x0  }
0x6a: {  	[tilespmem:s16+$0x24F0] =	vst v1;
	v1 =	vmin.u32 v2, $0xC34FF;
	v2 =	vnsel vm15, $0x0, v62  }
0x6b: {  	[tilespmem:s16+$0x2500] =	vst v1;
	v1 =	vmin.u32 v2, $0xC34FF  }
0x6c: {  	s5 =	rddreg [dreg:$0xb];
	s18 =	simm.s32 $0x620;
	[tilespmem:s16+$0x2510] =	vst v1  }
0x6d: {  	[tilespmem:s18], [sflag:$0x2] =	stream.linear.gather [hbm4b:s5+s6], $0x620, $0x38;
	[tilespmem:$0x16F90] =	vst v63  }
0x6e: {  	s19 =	rddreg [dreg:$0xc]  }
0x6f: {  	[tilespmem:s20], [sflag:$0x4] =	stream.linear.gather [hbm4b:s19+s6], $0x620, $0x38;
	[tilespmem:$0x16F90] =	vst v63  }
0x70: {  	s20 =	rddreg [dreg:$0xd]  }
0x71: {  	[tilespmem:s21], [sflag:$0x5] =	stream.linear.gather [hbm4b:s20+s6], $0x620, $0x38;
	[tilespmem:$0x16F90] =	vst v63  }
0x72: {  	s23 =	rddreg [dreg:$0xe]  }
0x73: {  	[tilespmem:s30], [sflag:$0x6] =	stream.linear.gather [hbm4b:s23+s6], $0x620, $0x38;
	[tilespmem:$0x16F90] =	vst v63  }
0x74: {  	_ =	swait.ge [sflag:s29], $0x620  }
0x75: {  	[sflag:s29] =	ssyncset.done $0x0  }
0x76: {  	s15 =	simm.s32 $0x1;
	s14 =	simm.s32 $0x1;
	[sflag:s29] =	ssyncadd.s32 $0xFFFFF9E0  }
.LBB2_8:
0x77: {  	p0 =	sgt.u32 s15, $0x1C  }
0x78: {  	s5 =	sadd.s32 @!p0 $0x3, s15  }
0x79: {  	s16 =	smul.u32 @!p0 $0xC400, s5;
	s5 =	sand.u32 @!p0 $0x3, s5  }
0x7a: {  	s18 =	sand.u32 $0x3, s14;
	s17 =	smul.u32 @!p0 $0x1880, s5  }
0x7b: {  	s18 =	smul.u32 $0x1880, s18;
	s23 =	simm.s32 @!p0 $0x0;
	s16 =	sadd.s32 @!p0 s9, s16  }
0x7c: {  	s5 =	sadd.s32 @!p0 $0x3, s5;
	s17 =	sshrl.u32 @!p0 s17, $0x2;
	s16 =	sshrl.u32 @!p0 s16, $0x3  }
0x7d: {  	s30 =	sshrl.u32 s18, $0x2;
	s17 =	sadd.s32 @!p0 $0xC40, s17;
	s16 =	sadd.s32 @!p0 s10, s16  }
0x7e: {  	[tilespmem:s17], [sflag:s5] =	stream.linear.gather @!p0 [hbm4b:s16+s23], $0x620, $0x38;
	[tilespmem:$0x16F90] =	vst v63  }
0x7f: {  	s16 =	sadd.s32 $0xC40, s30  }
0x80: {  	s19 =	sand.u32 $0x3, s15;
	v1 =	vmov s16  }
0x81: {  	s23 =	sadd.s32 $0x3, s19  }
0x82: {  	_ =	swait.ge [sflag:s23], $0x620  }
0x83: {  	[sflag:s23] =	ssyncset.done $0x0  }
0x84: {  	s17 =	simm.s32 $0x40;
	s16 =	simm.s32 $0x0;
	[sflag:s23] =	ssyncadd.s32 $0xFFFFF9E0  }
.LBB2_9:
0x85: {  	p0 =	sne.s32 s17, $0x1840;
	v2 =	vld.idx.msk [tilespmem:v1+s16+$0x0 ss:$0x1], $0xffff  }
0x86: {  	v3 =	vld [tilespmem:s16+$0x620];
	_ =	sdelay $0x2  }
.Ltmp3:
0x87: {  	(pc) =	sbr.rel @p0 .LBB2_9-.Ltmp3, $4  }
0x88: {  	_ = 	snop  }
0x89: {  	vm0 =	vgt.s32 v3, v2  }
0x8a: {  	v2 =	vsel vm0, v3, v2  }
0x8b: {  	[tilespmem:s16+$0x620] =	vst v2;
	s16 =	sshra.s32 s17, $0x2;
	s17 =	sadd.s32 $0x40, s17  }
0x8c: {  	_ =	sdelay $0x3  }
0x8d: {  	v1 =	vld.idx.msk [tilespmem:v1+s16+$0x0 ss:$0x1], $0xffff  }
0x8e: {  	v2 =	vld [tilespmem:s16+$0x620]  }
0x8f: {  	s15 =	sadd.s32 $0x1, s15  }
0x90: {  	p0 =	sne.s32 s15, $0x20  }
.Ltmp4:
0x91: {  	_ = 	snop;
	(pc) =	sbr.rel @p0 .LBB2_8-.Ltmp4, $4  }
0x92: {  	_ = 	snop  }
0x93: {  	vm0 =	vgt.s32 v2, v1  }
0x94: {  	v1 =	vsel vm0, v2, v1  }
0x95: {  	s14 =	sadd.s32 $0x1, s14;
	[tilespmem:s16+$0x620] =	vst v1  }
0x96: {  	s15 =	simm.s32 $0x0  }
0x97: {  	v1 =	vld [tilespmem:s15+$0x680]  }
0x98: {  	v2 =	vld [tilespmem:s15+$0x620]  }
0x99: {  	v3 =	vld [tilespmem:s15+$0x630]  }
0x9a: {  	v6 =	vld [tilespmem:s15+$0x640]  }
0x9b: {  	v7 =	vld [tilespmem:s15+$0x650]  }
0x9c: {  	v8 =	vld [tilespmem:s15+$0x660];
	vm0 =	vgt.s32 v1, $0x0  }
0x9d: {  	s14 =	simm.s32 $0x70;
	v9 =	vld [tilespmem:s15+$0x670];
	v1 =	vnsel vm0, $0x0, v1;
	vm0 =	vgt.s32 v2, $0x0  }
0x9e: {  	v10 =	vld [tilespmem:s14+$0x680];
	v1 =	vmin.u32 v1, $0xC34FF;
	v2 =	vnsel vm0, $0x0, v2;
	vm0 =	vgt.s32 v3, $0x0  }
0x9f: {  	v5 =	vld [tilespmem:s14+$0x620];
	[tilespmem:s15+$0x2B40] =	vst v1;
	v1 =	vmin.u32 v2, $0xC34FF;
	v2 =	vnsel vm0, $0x0, v3;
	vm0 =	vgt.s32 v6, $0x0  }
0xa0: {  	v4 =	vld [tilespmem:s14+$0x630];
	[tilespmem:s15+$0x2AE0] =	vst v1;
	v2 =	vmin.u32 v2, $0xC34FF;
	v3 =	vnsel vm0, $0x0, v6;
	vm0 =	vgt.s32 v7, $0x0  }
0xa1: {  	v1 =	vld [tilespmem:s14+$0x640];
	[tilespmem:s15+$0x2AF0] =	vst v2;
	v3 =	vmin.u32 v3, $0xC34FF;
	v6 =	vnsel vm0, $0x0, v7;
	vm0 =	vgt.s32 v8, $0x0  }
0xa2: {  	v2 =	vld [tilespmem:s14+$0x650];
	[tilespmem:s15+$0x2B00] =	vst v3;
	v6 =	vmin.u32 v6, $0xC34FF;
	v7 =	vnsel vm0, $0x0, v8;
	vm0 =	vgt.s32 v9, $0x0  }
0xa3: {  	vm1 =	vgt.s32 v10, $0x0;
	v3 =	vld [tilespmem:s14+$0x660];
	[tilespmem:s15+$0x2B10] =	vst v6;
	v8 =	vmin.u32 v7, $0xC34FF;
	v9 =	vnsel vm0, $0x0, v9  }
0xa4: {  	s16 =	simm.s32 $0xE0;
	s17 =	simm.s32 $0x540;
	vm0 =	vgt.s32 v5, $0x0;
	v7 =	vnsel vm1, $0x0, v10;
	v6 =	vld [tilespmem:s14+$0x670];
	[tilespmem:s15+$0x2B20] =	vst v8;
	v8 =	vmin.u32 v9, $0xC34FF  }
.LBB2_12:
0xa5: {  	p0 =	sne.s32 s17, $0x16C0;
	v9 =	vld [tilespmem:s16+$0x680];
	v10 =	vnsel vm0, $0x0, v5;
	vm0 =	vgt.s32 v4, $0x0;
	v7 =	vmin.u32 v7, $0xC34FF;
	[tilespmem:s15+$0x2B30] =	vst v8;
	s15 =	smov.u32 s14;
	s14 =	smov.u32 s16  }
0xa6: {  	v5 =	vld [tilespmem:s14+$0x620];
	v8 =	vmin.u32 v10, $0xC34FF;
	v10 =	vnsel vm0, $0x0, v4;
	vm0 =	vgt.s32 v1, $0x0;
	[tilespmem:s15+$0x2B40] =	vst v7  }
.Ltmp5:
0xa7: {  	v4 =	vld [tilespmem:s14+$0x630];
	[tilespmem:s15+$0x2AE0] =	vst v8;
	v7 =	vmin.u32 v10, $0xC34FF;
	v8 =	vnsel vm0, $0x0, v1;
	vm0 =	vgt.s32 v2, $0x0;
	(pc) =	sbr.rel @p0 .LBB2_12-.Ltmp5, $4  }
0xa8: {  	v1 =	vld [tilespmem:s14+$0x640];
	[tilespmem:s15+$0x2AF0] =	vst v7;
	v7 =	vmin.u32 v8, $0xC34FF;
	v8 =	vnsel vm0, $0x0, v2;
	vm0 =	vgt.s32 v3, $0x0  }
0xa9: {  	v2 =	vld [tilespmem:s14+$0x650];
	[tilespmem:s15+$0x2B00] =	vst v7;
	v7 =	vmin.u32 v8, $0xC34FF;
	v8 =	vnsel vm0, $0x0, v3;
	vm0 =	vgt.s32 v6, $0x0  }
0xaa: {  	v3 =	vld [tilespmem:s14+$0x660];
	vm1 =	vgt.s32 v9, $0x0;
	[tilespmem:s15+$0x2B10] =	vst v7;
	v8 =	vmin.u32 v8, $0xC34FF;
	v10 =	vnsel vm0, $0x0, v6  }
0xab: {  	s16 =	sshra.s32 s17, $0x2;
	s17 =	sadd.s32 $0x1C0, s17;
	vm0 =	vgt.s32 v5, $0x0;
	v6 =	vld [tilespmem:s14+$0x670];
	v7 =	vnsel vm1, $0x0, v9;
	[tilespmem:s15+$0x2B20] =	vst v8;
	v8 =	vmin.u32 v10, $0xC34FF  }
0xac: {  	v9 =	vld [tilespmem:s16+$0x680];
	[tilespmem:s15+$0x2B30] =	vst v8;
	v7 =	vmin.u32 v7, $0xC34FF;
	v5 =	vnsel vm0, $0x0, v5;
	vm5 =	vgt.s32 v4, $0x0  }
0xad: {  	v8 =	vld [tilespmem:s16+$0x620];
	[tilespmem:s14+$0x2B40] =	vst v7;
	v5 =	vmin.u32 v5, $0xC34FF;
	v4 =	vnsel vm5, $0x0, v4;
	vm6 =	vgt.s32 v1, $0x0  }
0xae: {  	v7 =	vld [tilespmem:s16+$0x630];
	[tilespmem:s14+$0x2AE0] =	vst v5;
	v4 =	vmin.u32 v4, $0xC34FF;
	v1 =	vnsel vm6, $0x0, v1;
	vm7 =	vgt.s32 v2, $0x0  }
0xaf: {  	v5 =	vld [tilespmem:s16+$0x640];
	[tilespmem:s14+$0x2AF0] =	vst v4;
	v1 =	vmin.u32 v1, $0xC34FF;
	v2 =	vnsel vm7, $0x0, v2;
	vm8 =	vgt.s32 v3, $0x0  }
0xb0: {  	v4 =	vld [tilespmem:s16+$0x650];
	[tilespmem:s14+$0x2B00] =	vst v1;
	v1 =	vmin.u32 v2, $0xC34FF;
	v3 =	vnsel vm8, $0x0, v3;
	vm9 =	vgt.s32 v6, $0x0  }
0xb1: {  	v2 =	vld [tilespmem:s16+$0x660];
	[tilespmem:s14+$0x2B10] =	vst v1;
	vm1 =	vgt.s32 v9, $0x0;
	v1 =	vmin.u32 v3, $0xC34FF;
	v3 =	vnsel vm9, $0x0, v6  }
0xb2: {  	v62 =	vld [tilespmem:s16+$0x670];
	vm10 =	vgt.s32 v8, $0x0;
	v9 =	vnsel vm1, $0x0, v9;
	[tilespmem:s14+$0x2B20] =	vst v1;
	v1 =	vmin.u32 v3, $0xC34FF  }
0xb3: {  	v3 =	vnsel vm10, $0x0, v8;
	vm11 =	vgt.s32 v7, $0x0;
	v63 =	vmin.u32 v9, $0xC34FF;
	[tilespmem:s14+$0x2B30] =	vst v1  }
0xb4: {  	v1 =	vmin.u32 v3, $0xC34FF;
	v3 =	vnsel vm11, $0x0, v7;
	vm12 =	vgt.s32 v5, $0x0;
	[tilespmem:s16+$0x2B40] =	vst v63  }
0xb5: {  	[tilespmem:s16+$0x2AE0] =	vst v1;
	v1 =	vmin.u32 v3, $0xC34FF;
	v3 =	vnsel vm12, $0x0, v5;
	vm13 =	vgt.s32 v4, $0x0  }
0xb6: {  	[tilespmem:s16+$0x2AF0] =	vst v1;
	v1 =	vmin.u32 v3, $0xC34FF;
	v3 =	vnsel vm13, $0x0, v4;
	vm14 =	vgt.s32 v2, $0x0  }
0xb7: {  	[tilespmem:s16+$0x2B00] =	vst v1;
	v1 =	vmin.u32 v3, $0xC34FF;
	v2 =	vnsel vm14, $0x0, v2;
	vm15 =	vgt.s32 v62, $0x0  }
0xb8: {  	[tilespmem:s16+$0x2B10] =	vst v1;
	v1 =	vmin.u32 v2, $0xC34FF;
	v2 =	vnsel vm15, $0x0, v62  }
0xb9: {  	[tilespmem:s16+$0x2B20] =	vst v1;
	v1 =	vmin.u32 v2, $0xC34FF  }
0xba: {  	s5 =	simm.s32 $0x24C0;
	s23 =	simm.s32 $0x3100;
	[tilespmem:s16+$0x2B30] =	vst v1  }
0xbb: {  	[tilespmem:s23], [sflag:$0x7] =	stream.indirect.gather [hbm4b:s4+s31], $0x1, s5, s31, $0xb8;
	[tilespmem:$0x16F90] =	vst v63  }
0xbc: {  	s30 =	simm.s32 $0x3D40  }
0xbd: {  	[tilespmem:s30], [sflag:$0x7] =	stream.indirect.gather [hbm4b:s1+s31], $0x1, s5, s31, $0xb8;
	[tilespmem:$0x16F90] =	vst v63  }
0xbe: {  	s15 =	simm.s32 $0x2AE0;
	s16 =	simm.s32 $0x3720  }
0xbf: {  	[tilespmem:s16], [sflag:$0x9] =	stream.indirect.gather [hbm4b:s2+s31], $0x1, s15, s31, $0xb8;
	[tilespmem:$0x16F90] =	vst v63  }
0xc0: {  	s17 =	simm.s32 $0x4360  }
0xc1: {  	[tilespmem:s17], [sflag:$0x9] =	stream.indirect.gather [hbm4b:s1+s31], $0x1, s15, s31, $0xb8;
	[tilespmem:$0x16F90] =	vst v63  }
0xc2: {  	s18 =	simm.s32 $0x2530;
	s19 =	simm.s32 $0x3170  }
0xc3: {  	[tilespmem:s19], [sflag:$0x8] =	stream.indirect.gather [hbm4b:s4+s31], $0x1, s18, s31, $0xb8;
	[tilespmem:$0x16F90] =	vst v63  }
0xc4: {  	s20 =	simm.s32 $0x3DB0;
	s21 =	simm.s32 $0x2B50  }
0xc5: {  	[tilespmem:s20], [sflag:$0x8] =	stream.indirect.gather [hbm4b:s1+s31], $0x1, s18, s31, $0xb8;
	[tilespmem:$0x16F90] =	vst v63  }
0xc6: {  	s14 =	simm.s32 $0x0;
	s23 =	simm.s32 $0x3790;
	s30 =	simm.s32 $0x43D0  }
0xc7: {  	[tilespmem:s23], [sflag:$0xA] =	stream.indirect.gather [hbm4b:s2+s31], $0x1, s21, s31, $0xb8;
	[tilespmem:$0x16F90] =	vst v63  }
0xc8: {  	s16 =	simm.s32 $0x4980;
	s15 =	simm.s32 $0xAB80;
	s17 =	simm.s32 $0x0  }
0xc9: {  	[tilespmem:s30], [sflag:$0xA] =	stream.indirect.gather [hbm4b:s1+s31], $0x1, s21, s31, $0xb8;
	[tilespmem:$0x16F90] =	vst v63  }
.LBB2_14:
0xca: {  	s5 =	sand.u32 $0x1, s17  }
0xcb: {  	s18 =	sadd.s32 $0x7, s5  }
0xcc: {  	_ =	swait.ge [sflag:s18], $0x70  }
0xcd: {  	[sflag:s18] =	ssyncset.done $0x0  }
0xce: {  	[sflag:s18] =	ssyncadd.s32 $0xFFFFFF90  }
0xcf: {  	_ =	swait.ge [sflag:s18], $0x70  }
0xd0: {  	[sflag:s18] =	ssyncset.done $0x0  }
0xd1: {  	s19 =	sadd.s32 $0x9, s5;
	[sflag:s18] =	ssyncadd.s32 $0xFFFFFF90  }
0xd2: {  	_ =	swait.ge [sflag:s19], $0x70  }
0xd3: {  	[sflag:s19] =	ssyncset.done $0x0  }
0xd4: {  	[sflag:s19] =	ssyncadd.s32 $0xFFFFFF90  }
0xd5: {  	p0 =	sgt.u32 s17, $0xB;
	_ =	swait.ge [sflag:s19], $0x70  }
0xd6: {  	s23 =	sshra.s32 @!p0 s14, $0x2;
	s30 =	simm.s32 @!p0 $0x70;
	[sflag:s19] =	ssyncset.done $0x0  }
0xd7: {  	s20 =	sadd.s32 @!p0 $0x31E0, s23;
	s21 =	sadd.s32 @!p0 $0x25A0, s23;
	[sflag:s19] =	ssyncadd.s32 $0xFFFFFF90  }
0xd8: {  	[tilespmem:s20], [sflag:s18] =	stream.indirect.gather @!p0 [hbm4b:s4+s30], $0x1, s21, s30, $0xb8;
	[tilespmem:$0x16F90] =	vst v63  }
0xd9: {  	s20 =	sadd.s32 @!p0 $0x3E20, s23  }
0xda: {  	[tilespmem:s20], [sflag:s18] =	stream.indirect.gather @!p0 [hbm4b:s1+s30], $0x1, s21, s30, $0xb8;
	[tilespmem:$0x16F90] =	vst v63  }
0xdb: {  	s18 =	sadd.s32 @!p0 $0x3800, s23;
	s20 =	sadd.s32 @!p0 $0x2BC0, s23  }
0xdc: {  	[tilespmem:s18], [sflag:s19] =	stream.indirect.gather @!p0 [hbm4b:s2+s30], $0x1, s20, s30, $0xb8;
	[tilespmem:$0x16F90] =	vst v63  }
0xdd: {  	p1 =	slt.u32 @!p0 s17, $0x2;
	s18 =	sadd.s32 @!p0 $0x4440, s23  }
0xde: {  	[tilespmem:s18], [sflag:s19] =	stream.indirect.gather @!p0 [hbm4b:s1+s30], $0x1, s20, s30, $0xb8;
	[tilespmem:$0x16F90] =	vst v63  }
0xdf: {  	p0 =	por p0, !p1;
	s18 =	sadd.s32 $0xB, s5  }
0xe0: {  	_ =	swait.ge @p0 [sflag:s18], $0x700  }
0xe1: {  	[sflag:s18] =	ssyncset.done @p0 $0x0  }
0xe2: {  	s23 =	sadd.s32 $0xD, s5;
	[sflag:s18] =	ssyncadd.s32 @p0 $0xFFFFF900  }
0xe3: {  	_ =	swait.ge @p0 [sflag:s23], $0x700  }
0xe4: {  	s21 =	sshra.s32 s14, $0x2;
	s14 =	sadd.s32 $0x1C0, s14;
	[sflag:s23] =	ssyncset.done @p0 $0x0  }
0xe5: {  	[sflag:s23] =	ssyncadd.s32 @p0 $0xFFFFF900;
	p0 =	sne.s32 s14, $0x1880  }
.Ltmp6:
0xe6: {  	s30 =	sadd.s32 $0x3100, s21;
	(pc) =	sbr.rel @p0 .LBB2_14-.Ltmp6, $4  }
0xe7: {  	[tilespmem:s16], [sflag:s18] =	stream.indirect.gather [hbm4b:s7+s31], $0x10, s30, s31, $0xb8;
	[tilespmem:$0x16F90] =	vst v63  }
0xe8: {  	s5 =	sadd.s32 $0x3720, s21  }
0xe9: {  	[tilespmem:s15], [sflag:s23] =	stream.indirect.gather [hbm4b:s7+s31], $0x10, s5, s31, $0xb8;
	[tilespmem:$0x16F90] =	vst v63  }
0xea: {  	s17 =	sadd.s32 $0x1, s17;
	s16 =	sadd.s32 $0x700, s16;
	s15 =	sadd.s32 $0x700, s15  }
0xeb: {  	_ =	swait.ge [sflag:s3], $0x700  }
0xec: {  	[sflag:s3] =	ssyncset.done $0x0  }
0xed: {  	[sflag:s3] =	ssyncadd.s32 $0xFFFFF900  }
0xee: {  	_ =	swait.ge [sflag:s25], $0x700  }
0xef: {  	[sflag:s25] =	ssyncset.done $0x0  }
0xf0: {  	[sflag:s25] =	ssyncadd.s32 $0xFFFFF900  }
0xf1: {  	_ =	swait.ge [sflag:s11], $0x700  }
0xf2: {  	v1 =	vbroadcast v16, $0x0;
	v2 =	vbroadcast v16, $0x1;
	[sflag:s11] =	ssyncset.done $0x0  }
0xf3: {  	v3 =	vbroadcast v16, $0x2;
	v4 =	vbroadcast v16, $0x3;
	[sflag:s11] =	ssyncadd.s32 $0xFFFFF900  }
0xf4: {  	v5 =	vbroadcast v16, $0x4;
	v6 =	vbroadcast v16, $0x5;
	_ =	swait.ge [sflag:s26], $0x700  }
0xf5: {  	v7 =	vbroadcast v16, $0x6;
	v8 =	vbroadcast v16, $0x7;
	[sflag:s26] =	ssyncset.done $0x0  }
0xf6: {  	v9 =	vbroadcast v16, $0x8;
	v10 =	vbroadcast v16, $0x9;
	[sflag:s26] =	ssyncadd.s32 $0xFFFFF900  }
0xf7: {  	v11 =	vbroadcast v16, $0xA;
	v12 =	vbroadcast v16, $0xB;
	s14 =	simm.s32 $0x0;
	_ =	swait.ge [sflag:s28], $0x6200  }
0xf8: {  	v13 =	vbroadcast v16, $0xC;
	v14 =	vbroadcast v16, $0xD;
	s15 =	simm.s32 $0x620;
	s23 =	simm.s32 $0x3D40;
	[sflag:s28] =	ssyncset.done $0x0  }
0xf9: {  	v15 =	vbroadcast v16, $0xE;
	v16 =	vbroadcast v16, $0xF;
	s16 =	simm.s32 $0x4360;
	s17 =	simm.s32 $0x0;
	[sflag:s28] =	ssyncadd.s32 $0xFFFF9E00  }
.LBB2_16:
0xfa: {  	v17 =	vmov s17  }
0xfb: {  	v17 =	vshll.u32 v17, $0x4  }
0xfc: {  	v18 =	vor.u32 v0, v17;
	_ =	sdelay $0x2  }
0xfd: {  	v17 =	vld [tilespmem:s23+$0x0]  }
0xfe: {  	v19 =	vld [tilespmem:s16+$0x0]  }
0xff: {  	v20 =	vld.idx.msk [tilespmem:v18+s22+$0x0], $0xffff;
	_ =	sdelay $0x2  }
0x100: {  	v17 =	vsub.f32 $0.0e+00, v17  }
0x101: {  	v19 =	vsub.f32 $0.0e+00, v19;
	v21 =	vld.idx.msk [tilespmem:v18+s12+$0x0], $0xffff  }
0x102: {  	v17 =	vmul.f32 $1.442695020e+00, v17;
	v22 =	vsub.f32 $0.0e+00, v20  }
0x103: {  	v19 =	vmul.f32 $1.442695020e+00, v19  }
0x104: {  	(erf) = vpow2.f32 v17;
	v17 =	vmul.f32 $1.442695020e+00, v22  }
0x105: {  	(erf) = vpow2.f32 v19;
	v19 =	vmul.f32 $1.442695020e+00, v20  }
0x106: {  	(erf) = vpow2.f32 v17;
	v17 =	vmul.f32 $1.442695020e+00, v21  }
0x107: {  	(erf) = vpow2.f32 v19  }
0x108: {  	(erf) = vpow2.f32 v17;
	_ =	sdelay $0x3  }
0x109: {  	v54 =	vld.idx.msk [tilespmem:v18+s13+$0x0], $0xffff  }
0x10a: {  	v19 =	vpop (erf)  }
0x10b: {  	v17 =	vpop (erf)  }
0x10c: {  	v55 =	vpop (erf)  }
0x10d: {  	v23 =	vpop (erf);
	v24 =	vadd.f32 v55, v19  }
0x10e: {  	v21 =	vsub.f32 $0.0e+00, v54;
	v25 =	vpop (erf)  }
0x10f: {  	v24 =	vadd.f32 v24, v25  }
0x110: {  	v21 =	vmul.f32 $1.442695020e+00, v21  }
0x111: {  	(erf) = vrcp.f32 v24  }
0x112: {  	(erf) = vpow2.f32 v21;
	_ =	sdelay $0x7  }
0x113: {  	v56 =	vpop (erf)  }
0x114: {  	v57 =	vpop (erf)  }
0x115: {  	v24 =	vadd.f32 v57, v17;
	_ =	sdelay $0x1  }
0x116: {  	v24 =	vadd.f32 v24, v23;
	_ =	sdelay $0x1  }
0x117: {  	(erf) = vrcp.f32 v24;
	_ =	sdelay $0x3  }
0x118: {  	v58 =	vld [tilespmem:s14+$0x0];
	v22 =	vmul.f32 v55, v1;
	_ =	sdelay $0x1  }
0x119: {  	v59 =	vld [tilespmem:s15+$0x0];
	v21 =	vmul.f32 v56, v22;
	_ =	sdelay $0x1  }
0x11a: {  	v60 =	vmul.f32 v23, v1;
	v21 =	vsub.f32 $0.0e+00, v21  }
0x11b: {  	vm0 =	vgt.s32 v58, $0xFFFFFFFF;
	v61 =	vpop (erf)  }
0x11c: {  	v21 =	vnsel vm0, $0x0, v21;
	v22 =	vmul.f32 v61, v60  }
0x11d: {  	v62 =	vor.u32 $0x1, v18;
	vm1 =	vgt.s32 v59, $0xFFFFFFFF;
	v20 =	vadd.f32 v21, v20  }
0x11e: {  	v22 =	vnsel vm1, $0x0, v22  }
0x11f: {  	v20 =	vadd.f32 v22, v20;
	_ =	sdelay $0x1  }
0x120: {  	[tilespmem:v18+s22+$0x0] =	vst.idx.msk $0xffff, v20  }
0x121: {  	v20 =	vld.idx.msk [tilespmem:v62+s22+$0x0], $0xffff;
	_ =	sdelay $0x3  }
0x122: {  	v63 =	vld.idx.msk [tilespmem:v62+s12+$0x0], $0xffff  }
0x123: {  	v27 =	vsub.f32 $0.0e+00, v20;
	_ =	sdelay $0x1  }
0x124: {  	v23 =	vmul.f32 $1.442695020e+00, v27  }
0x125: {  	v28 =	vmul.f32 $1.442695020e+00, v20  }
0x126: {  	v22 =	vmul.f32 $1.442695020e+00, v63;
	(erf) = vpow2.f32 v23  }
0x127: {  	(erf) = vpow2.f32 v28  }
0x128: {  	(erf) = vpow2.f32 v22;
	_ =	sdelay $0x3  }
0x129: {  	v29 =	vld.idx.msk [tilespmem:v62+s13+$0x0], $0xffff;
	_ =	sdelay $0x2  }
0x12a: {  	v23 =	vpop (erf)  }
0x12b: {  	v24 =	vpop (erf);
	v30 =	vadd.f32 v23, v19  }
0x12c: {  	v22 =	vsub.f32 $0.0e+00, v29;
	v26 =	vpop (erf)  }
0x12d: {  	v25 =	vadd.f32 v30, v26  }
0x12e: {  	v22 =	vmul.f32 $1.442695020e+00, v22  }
0x12f: {  	(erf) = vrcp.f32 v25  }
0x130: {  	(erf) = vpow2.f32 v22;
	_ =	sdelay $0x7  }
0x131: {  	v31 =	vpop (erf)  }
0x132: {  	v32 =	vpop (erf)  }
0x133: {  	v25 =	vadd.f32 v32, v17;
	_ =	sdelay $0x1  }
0x134: {  	v25 =	vadd.f32 v25, v24;
	_ =	sdelay $0x1  }
0x135: {  	(erf) = vrcp.f32 v25;
	_ =	sdelay $0x3  }
0x136: {  	v23 =	vmul.f32 v23, v2;
	_ =	sdelay $0x1  }
0x137: {  	v22 =	vmul.f32 v31, v23;
	_ =	sdelay $0x1  }
0x138: {  	v33 =	vmul.f32 v24, v2;
	v22 =	vsub.f32 $0.0e+00, v22  }
0x139: {  	v34 =	vpop (erf)  }
0x13a: {  	v22 =	vnsel vm0, $0x0, v22;
	v23 =	vmul.f32 v34, v33  }
0x13b: {  	v35 =	vor.u32 $0x2, v18;
	v20 =	vadd.f32 v22, v20  }
0x13c: {  	v23 =	vnsel vm1, $0x0, v23  }
0x13d: {  	v20 =	vadd.f32 v23, v20;
	_ =	sdelay $0x1  }
0x13e: {  	[tilespmem:v62+s22+$0x0] =	vst.idx.msk $0xffff, v20  }
0x13f: {  	v20 =	vld.idx.msk [tilespmem:v35+s22+$0x0], $0xffff;
	_ =	sdelay $0x3  }
0x140: {  	v21 =	vld.idx.msk [tilespmem:v35+s12+$0x0], $0xffff  }
0x141: {  	v36 =	vsub.f32 $0.0e+00, v20;
	_ =	sdelay $0x1  }
0x142: {  	v23 =	vmul.f32 $1.442695020e+00, v36  }
0x143: {  	v37 =	vmul.f32 $1.442695020e+00, v20  }
0x144: {  	v21 =	vmul.f32 $1.442695020e+00, v21;
	(erf) = vpow2.f32 v23  }
0x145: {  	(erf) = vpow2.f32 v37  }
0x146: {  	(erf) = vpow2.f32 v21;
	_ =	sdelay $0x3  }
0x147: {  	v38 =	vld.idx.msk [tilespmem:v35+s13+$0x0], $0xffff;
	_ =	sdelay $0x2  }
0x148: {  	v23 =	vpop (erf)  }
0x149: {  	v24 =	vpop (erf);
	v39 =	vadd.f32 v23, v19  }
0x14a: {  	v21 =	vsub.f32 $0.0e+00, v38;
	v40 =	vpop (erf)  }
0x14b: {  	v25 =	vadd.f32 v39, v40  }
0x14c: {  	v21 =	vmul.f32 $1.442695020e+00, v21  }
0x14d: {  	(erf) = vrcp.f32 v25  }
0x14e: {  	(erf) = vpow2.f32 v21;
	_ =	sdelay $0x7  }
0x14f: {  	v41 =	vpop (erf)  }
0x150: {  	v42 =	vpop (erf)  }
0x151: {  	v25 =	vadd.f32 v42, v17;
	_ =	sdelay $0x1  }
0x152: {  	v25 =	vadd.f32 v25, v24;
	_ =	sdelay $0x1  }
0x153: {  	(erf) = vrcp.f32 v25;
	_ =	sdelay $0x3  }
0x154: {  	v23 =	vmul.f32 v23, v3;
	_ =	sdelay $0x1  }
0x155: {  	v21 =	vmul.f32 v41, v23;
	_ =	sdelay $0x1  }
0x156: {  	v43 =	vmul.f32 v24, v3;
	v21 =	vsub.f32 $0.0e+00, v21  }
0x157: {  	v44 =	vpop (erf)  }
0x158: {  	v21 =	vnsel vm0, $0x0, v21;
	v23 =	vmul.f32 v44, v43  }
0x159: {  	v45 =	vor.u32 $0x3, v18;
	v20 =	vadd.f32 v21, v20  }
0x15a: {  	v23 =	vnsel vm1, $0x0, v23  }
0x15b: {  	v20 =	vadd.f32 v23, v20;
	_ =	sdelay $0x1  }
0x15c: {  	[tilespmem:v35+s22+$0x0] =	vst.idx.msk $0xffff, v20  }
0x15d: {  	v20 =	vld.idx.msk [tilespmem:v45+s22+$0x0], $0xffff;
	_ =	sdelay $0x3  }
0x15e: {  	v22 =	vld.idx.msk [tilespmem:v45+s12+$0x0], $0xffff  }
0x15f: {  	v46 =	vsub.f32 $0.0e+00, v20;
	_ =	sdelay $0x1  }
0x160: {  	v23 =	vmul.f32 $1.442695020e+00, v46  }
0x161: {  	v47 =	vmul.f32 $1.442695020e+00, v20  }
0x162: {  	v22 =	vmul.f32 $1.442695020e+00, v22;
	(erf) = vpow2.f32 v23  }
0x163: {  	(erf) = vpow2.f32 v47  }
0x164: {  	(erf) = vpow2.f32 v22;
	_ =	sdelay $0x3  }
0x165: {  	v48 =	vld.idx.msk [tilespmem:v45+s13+$0x0], $0xffff;
	_ =	sdelay $0x2  }
0x166: {  	v23 =	vpop (erf)  }
0x167: {  	v24 =	vpop (erf);
	v49 =	vadd.f32 v23, v19  }
0x168: {  	v22 =	vsub.f32 $0.0e+00, v48;
	v50 =	vpop (erf)  }
0x169: {  	v25 =	vadd.f32 v49, v50  }
0x16a: {  	v22 =	vmul.f32 $1.442695020e+00, v22  }
0x16b: {  	(erf) = vrcp.f32 v25  }
0x16c: {  	(erf) = vpow2.f32 v22;
	_ =	sdelay $0x7  }
0x16d: {  	v51 =	vpop (erf)  }
0x16e: {  	v52 =	vpop (erf)  }
0x16f: {  	v25 =	vadd.f32 v52, v17;
	_ =	sdelay $0x1  }
0x170: {  	v25 =	vadd.f32 v25, v24;
	_ =	sdelay $0x1  }
0x171: {  	(erf) = vrcp.f32 v25;
	_ =	sdelay $0x3  }
0x172: {  	v23 =	vmul.f32 v23, v4;
	_ =	sdelay $0x1  }
0x173: {  	v22 =	vmul.f32 v51, v23;
	_ =	sdelay $0x1  }
0x174: {  	v53 =	vmul.f32 v24, v4;
	v22 =	vsub.f32 $0.0e+00, v22  }
0x175: {  	v54 =	vpop (erf)  }
0x176: {  	v22 =	vnsel vm0, $0x0, v22;
	v23 =	vmul.f32 v54, v53  }
0x177: {  	v55 =	vor.u32 $0x4, v18;
	v20 =	vadd.f32 v22, v20  }
0x178: {  	v23 =	vnsel vm1, $0x0, v23  }
0x179: {  	v20 =	vadd.f32 v23, v20;
	_ =	sdelay $0x1  }
0x17a: {  	[tilespmem:v45+s22+$0x0] =	vst.idx.msk $0xffff, v20  }
0x17b: {  	v20 =	vld.idx.msk [tilespmem:v55+s22+$0x0], $0xffff;
	_ =	sdelay $0x3  }
0x17c: {  	v21 =	vld.idx.msk [tilespmem:v55+s12+$0x0], $0xffff  }
0x17d: {  	v56 =	vsub.f32 $0.0e+00, v20;
	_ =	sdelay $0x1  }
0x17e: {  	v23 =	vmul.f32 $1.442695020e+00, v56  }
0x17f: {  	v57 =	vmul.f32 $1.442695020e+00, v20  }
0x180: {  	v21 =	vmul.f32 $1.442695020e+00, v21;
	(erf) = vpow2.f32 v23  }
0x181: {  	(erf) = vpow2.f32 v57  }
0x182: {  	(erf) = vpow2.f32 v21;
	_ =	sdelay $0x3  }
0x183: {  	v58 =	vld.idx.msk [tilespmem:v55+s13+$0x0], $0xffff;
	_ =	sdelay $0x2  }
0x184: {  	v23 =	vpop (erf)  }
0x185: {  	v24 =	vpop (erf);
	v59 =	vadd.f32 v23, v19  }
0x186: {  	v21 =	vsub.f32 $0.0e+00, v58;
	v60 =	vpop (erf)  }
0x187: {  	v25 =	vadd.f32 v59, v60  }
0x188: {  	v21 =	vmul.f32 $1.442695020e+00, v21  }
0x189: {  	(erf) = vrcp.f32 v25  }
0x18a: {  	(erf) = vpow2.f32 v21;
	_ =	sdelay $0x7  }
0x18b: {  	v61 =	vpop (erf)  }
0x18c: {  	v62 =	vpop (erf)  }
0x18d: {  	v25 =	vadd.f32 v62, v17;
	_ =	sdelay $0x1  }
0x18e: {  	v25 =	vadd.f32 v25, v24;
	_ =	sdelay $0x1  }
0x18f: {  	(erf) = vrcp.f32 v25;
	_ =	sdelay $0x3  }
0x190: {  	v23 =	vmul.f32 v23, v5;
	_ =	sdelay $0x1  }
0x191: {  	v21 =	vmul.f32 v61, v23;
	_ =	sdelay $0x1  }
0x192: {  	v63 =	vmul.f32 v24, v5;
	v21 =	vsub.f32 $0.0e+00, v21  }
0x193: {  	v28 =	vpop (erf)  }
0x194: {  	v21 =	vnsel vm0, $0x0, v21;
	v23 =	vmul.f32 v28, v63  }
0x195: {  	v29 =	vor.u32 $0x5, v18;
	v20 =	vadd.f32 v21, v20  }
0x196: {  	v23 =	vnsel vm1, $0x0, v23  }
0x197: {  	v20 =	vadd.f32 v23, v20;
	_ =	sdelay $0x1  }
0x198: {  	[tilespmem:v55+s22+$0x0] =	vst.idx.msk $0xffff, v20  }
0x199: {  	v20 =	vld.idx.msk [tilespmem:v29+s22+$0x0], $0xffff;
	_ =	sdelay $0x3  }
0x19a: {  	v22 =	vld.idx.msk [tilespmem:v29+s12+$0x0], $0xffff  }
0x19b: {  	v30 =	vsub.f32 $0.0e+00, v20;
	_ =	sdelay $0x1  }
0x19c: {  	v23 =	vmul.f32 $1.442695020e+00, v30  }
0x19d: {  	v31 =	vmul.f32 $1.442695020e+00, v20  }
0x19e: {  	v22 =	vmul.f32 $1.442695020e+00, v22;
	(erf) = vpow2.f32 v23  }
0x19f: {  	(erf) = vpow2.f32 v31  }
0x1a0: {  	(erf) = vpow2.f32 v22;
	_ =	sdelay $0x3  }
0x1a1: {  	v32 =	vld.idx.msk [tilespmem:v29+s13+$0x0], $0xffff;
	_ =	sdelay $0x2  }
0x1a2: {  	v23 =	vpop (erf)  }
0x1a3: {  	v24 =	vpop (erf);
	v33 =	vadd.f32 v23, v19  }
0x1a4: {  	v22 =	vsub.f32 $0.0e+00, v32;
	v34 =	vpop (erf)  }
0x1a5: {  	v25 =	vadd.f32 v33, v34  }
0x1a6: {  	v22 =	vmul.f32 $1.442695020e+00, v22  }
0x1a7: {  	(erf) = vrcp.f32 v25  }
0x1a8: {  	(erf) = vpow2.f32 v22;
	_ =	sdelay $0x7  }
0x1a9: {  	v35 =	vpop (erf)  }
0x1aa: {  	v36 =	vpop (erf)  }
0x1ab: {  	v25 =	vadd.f32 v36, v17;
	_ =	sdelay $0x1  }
0x1ac: {  	v25 =	vadd.f32 v25, v24;
	_ =	sdelay $0x1  }
0x1ad: {  	(erf) = vrcp.f32 v25;
	_ =	sdelay $0x3  }
0x1ae: {  	v23 =	vmul.f32 v23, v6;
	_ =	sdelay $0x1  }
0x1af: {  	v22 =	vmul.f32 v35, v23;
	_ =	sdelay $0x1  }
0x1b0: {  	v37 =	vmul.f32 v24, v6;
	v22 =	vsub.f32 $0.0e+00, v22  }
0x1b1: {  	v38 =	vpop (erf)  }
0x1b2: {  	v22 =	vnsel vm0, $0x0, v22;
	v23 =	vmul.f32 v38, v37  }
0x1b3: {  	v39 =	vor.u32 $0x6, v18;
	v20 =	vadd.f32 v22, v20  }
0x1b4: {  	v23 =	vnsel vm1, $0x0, v23  }
0x1b5: {  	v20 =	vadd.f32 v23, v20;
	_ =	sdelay $0x1  }
0x1b6: {  	[tilespmem:v29+s22+$0x0] =	vst.idx.msk $0xffff, v20  }
0x1b7: {  	v20 =	vld.idx.msk [tilespmem:v39+s22+$0x0], $0xffff;
	_ =	sdelay $0x3  }
0x1b8: {  	v21 =	vld.idx.msk [tilespmem:v39+s12+$0x0], $0xffff  }
0x1b9: {  	v40 =	vsub.f32 $0.0e+00, v20;
	_ =	sdelay $0x1  }
0x1ba: {  	v23 =	vmul.f32 $1.442695020e+00, v40  }
0x1bb: {  	v41 =	vmul.f32 $1.442695020e+00, v20  }
0x1bc: {  	v21 =	vmul.f32 $1.442695020e+00, v21;
	(erf) = vpow2.f32 v23  }
0x1bd: {  	(erf) = vpow2.f32 v41  }
0x1be: {  	(erf) = vpow2.f32 v21;
	_ =	sdelay $0x3  }
0x1bf: {  	v42 =	vld.idx.msk [tilespmem:v39+s13+$0x0], $0xffff;
	_ =	sdelay $0x2  }
0x1c0: {  	v23 =	vpop (erf)  }
0x1c1: {  	v24 =	vpop (erf);
	v43 =	vadd.f32 v23, v19  }
0x1c2: {  	v21 =	vsub.f32 $0.0e+00, v42;
	v44 =	vpop (erf)  }
0x1c3: {  	v25 =	vadd.f32 v43, v44  }
0x1c4: {  	v21 =	vmul.f32 $1.442695020e+00, v21  }
0x1c5: {  	(erf) = vrcp.f32 v25  }
0x1c6: {  	(erf) = vpow2.f32 v21;
	_ =	sdelay $0x7  }
0x1c7: {  	v45 =	vpop (erf)  }
0x1c8: {  	v46 =	vpop (erf)  }
0x1c9: {  	v25 =	vadd.f32 v46, v17;
	_ =	sdelay $0x1  }
0x1ca: {  	v25 =	vadd.f32 v25, v24;
	_ =	sdelay $0x1  }
0x1cb: {  	(erf) = vrcp.f32 v25;
	_ =	sdelay $0x3  }
0x1cc: {  	v23 =	vmul.f32 v23, v7;
	_ =	sdelay $0x1  }
0x1cd: {  	v21 =	vmul.f32 v45, v23;
	_ =	sdelay $0x1  }
0x1ce: {  	v47 =	vmul.f32 v24, v7;
	v21 =	vsub.f32 $0.0e+00, v21  }
0x1cf: {  	v48 =	vpop (erf)  }
0x1d0: {  	v21 =	vnsel vm0, $0x0, v21;
	v23 =	vmul.f32 v48, v47  }
0x1d1: {  	v49 =	vor.u32 $0x7, v18;
	v20 =	vadd.f32 v21, v20  }
0x1d2: {  	v23 =	vnsel vm1, $0x0, v23  }
0x1d3: {  	v20 =	vadd.f32 v23, v20;
	_ =	sdelay $0x1  }
0x1d4: {  	[tilespmem:v39+s22+$0x0] =	vst.idx.msk $0xffff, v20  }
0x1d5: {  	v20 =	vld.idx.msk [tilespmem:v49+s22+$0x0], $0xffff;
	_ =	sdelay $0x3  }
0x1d6: {  	v22 =	vld.idx.msk [tilespmem:v49+s12+$0x0], $0xffff  }
0x1d7: {  	v50 =	vsub.f32 $0.0e+00, v20;
	_ =	sdelay $0x1  }
0x1d8: {  	v23 =	vmul.f32 $1.442695020e+00, v50  }
0x1d9: {  	v51 =	vmul.f32 $1.442695020e+00, v20  }
0x1da: {  	v22 =	vmul.f32 $1.442695020e+00, v22;
	(erf) = vpow2.f32 v23  }
0x1db: {  	(erf) = vpow2.f32 v51  }
0x1dc: {  	(erf) = vpow2.f32 v22;
	_ =	sdelay $0x3  }
0x1dd: {  	v52 =	vld.idx.msk [tilespmem:v49+s13+$0x0], $0xffff;
	_ =	sdelay $0x2  }
0x1de: {  	v23 =	vpop (erf)  }
0x1df: {  	v24 =	vpop (erf);
	v53 =	vadd.f32 v23, v19  }
0x1e0: {  	v22 =	vsub.f32 $0.0e+00, v52;
	v54 =	vpop (erf)  }
0x1e1: {  	v25 =	vadd.f32 v53, v54  }
0x1e2: {  	v22 =	vmul.f32 $1.442695020e+00, v22  }
0x1e3: {  	(erf) = vrcp.f32 v25  }
0x1e4: {  	(erf) = vpow2.f32 v22;
	_ =	sdelay $0x7  }
0x1e5: {  	v55 =	vpop (erf)  }
0x1e6: {  	v56 =	vpop (erf)  }
0x1e7: {  	v25 =	vadd.f32 v56, v17;
	_ =	sdelay $0x1  }
0x1e8: {  	v25 =	vadd.f32 v25, v24;
	_ =	sdelay $0x1  }
0x1e9: {  	(erf) = vrcp.f32 v25;
	_ =	sdelay $0x3  }
0x1ea: {  	v23 =	vmul.f32 v23, v8;
	_ =	sdelay $0x1  }
0x1eb: {  	v22 =	vmul.f32 v55, v23;
	_ =	sdelay $0x1  }
0x1ec: {  	v57 =	vmul.f32 v24, v8;
	v22 =	vsub.f32 $0.0e+00, v22  }
0x1ed: {  	v58 =	vpop (erf)  }
0x1ee: {  	v22 =	vnsel vm0, $0x0, v22;
	v23 =	vmul.f32 v58, v57  }
0x1ef: {  	v59 =	vor.u32 $0x8, v18;
	v20 =	vadd.f32 v22, v20  }
0x1f0: {  	v23 =	vnsel vm1, $0x0, v23  }
0x1f1: {  	v20 =	vadd.f32 v23, v20;
	_ =	sdelay $0x1  }
0x1f2: {  	[tilespmem:v49+s22+$0x0] =	vst.idx.msk $0xffff, v20  }
0x1f3: {  	v20 =	vld.idx.msk [tilespmem:v59+s22+$0x0], $0xffff;
	_ =	sdelay $0x3  }
0x1f4: {  	v21 =	vld.idx.msk [tilespmem:v59+s12+$0x0], $0xffff  }
0x1f5: {  	v60 =	vsub.f32 $0.0e+00, v20;
	_ =	sdelay $0x1  }
0x1f6: {  	v23 =	vmul.f32 $1.442695020e+00, v60  }
0x1f7: {  	v61 =	vmul.f32 $1.442695020e+00, v20  }
0x1f8: {  	v21 =	vmul.f32 $1.442695020e+00, v21;
	(erf) = vpow2.f32 v23  }
0x1f9: {  	(erf) = vpow2.f32 v61  }
0x1fa: {  	(erf) = vpow2.f32 v21;
	_ =	sdelay $0x3  }
0x1fb: {  	v62 =	vld.idx.msk [tilespmem:v59+s13+$0x0], $0xffff;
	_ =	sdelay $0x2  }
0x1fc: {  	v23 =	vpop (erf)  }
0x1fd: {  	v24 =	vpop (erf);
	v63 =	vadd.f32 v23, v19  }
0x1fe: {  	v21 =	vsub.f32 $0.0e+00, v62;
	v28 =	vpop (erf)  }
0x1ff: {  	v25 =	vadd.f32 v63, v28  }
0x200: {  	v21 =	vmul.f32 $1.442695020e+00, v21  }
0x201: {  	(erf) = vrcp.f32 v25  }
0x202: {  	(erf) = vpow2.f32 v21;
	_ =	sdelay $0x7  }
0x203: {  	v29 =	vpop (erf)  }
0x204: {  	v30 =	vpop (erf)  }
0x205: {  	v25 =	vadd.f32 v30, v17;
	_ =	sdelay $0x1  }
0x206: {  	v25 =	vadd.f32 v25, v24;
	_ =	sdelay $0x1  }
0x207: {  	(erf) = vrcp.f32 v25;
	_ =	sdelay $0x3  }
0x208: {  	v23 =	vmul.f32 v23, v9;
	_ =	sdelay $0x1  }
0x209: {  	v21 =	vmul.f32 v29, v23;
	_ =	sdelay $0x1  }
0x20a: {  	v31 =	vmul.f32 v24, v9;
	v21 =	vsub.f32 $0.0e+00, v21  }
0x20b: {  	v32 =	vpop (erf)  }
0x20c: {  	v21 =	vnsel vm0, $0x0, v21;
	v23 =	vmul.f32 v32, v31  }
0x20d: {  	v33 =	vor.u32 $0x9, v18;
	v20 =	vadd.f32 v21, v20  }
0x20e: {  	v23 =	vnsel vm1, $0x0, v23  }
0x20f: {  	v20 =	vadd.f32 v23, v20;
	_ =	sdelay $0x1  }
0x210: {  	[tilespmem:v59+s22+$0x0] =	vst.idx.msk $0xffff, v20  }
0x211: {  	v20 =	vld.idx.msk [tilespmem:v33+s22+$0x0], $0xffff;
	_ =	sdelay $0x3  }
0x212: {  	v22 =	vld.idx.msk [tilespmem:v33+s12+$0x0], $0xffff  }
0x213: {  	v34 =	vsub.f32 $0.0e+00, v20;
	_ =	sdelay $0x1  }
0x214: {  	v23 =	vmul.f32 $1.442695020e+00, v34  }
0x215: {  	v35 =	vmul.f32 $1.442695020e+00, v20  }
0x216: {  	v22 =	vmul.f32 $1.442695020e+00, v22;
	(erf) = vpow2.f32 v23  }
0x217: {  	(erf) = vpow2.f32 v35  }
0x218: {  	(erf) = vpow2.f32 v22;
	_ =	sdelay $0x3  }
0x219: {  	v36 =	vld.idx.msk [tilespmem:v33+s13+$0x0], $0xffff;
	_ =	sdelay $0x2  }
0x21a: {  	v23 =	vpop (erf)  }
0x21b: {  	v24 =	vpop (erf);
	v37 =	vadd.f32 v23, v19  }
0x21c: {  	v22 =	vsub.f32 $0.0e+00, v36;
	v38 =	vpop (erf)  }
0x21d: {  	v25 =	vadd.f32 v37, v38  }
0x21e: {  	v22 =	vmul.f32 $1.442695020e+00, v22  }
0x21f: {  	(erf) = vrcp.f32 v25  }
0x220: {  	(erf) = vpow2.f32 v22;
	_ =	sdelay $0x7  }
0x221: {  	v39 =	vpop (erf)  }
0x222: {  	v40 =	vpop (erf)  }
0x223: {  	v25 =	vadd.f32 v40, v17;
	_ =	sdelay $0x1  }
0x224: {  	v25 =	vadd.f32 v25, v24;
	_ =	sdelay $0x1  }
0x225: {  	(erf) = vrcp.f32 v25;
	_ =	sdelay $0x3  }
0x226: {  	v23 =	vmul.f32 v23, v10;
	_ =	sdelay $0x1  }
0x227: {  	v22 =	vmul.f32 v39, v23;
	_ =	sdelay $0x1  }
0x228: {  	v41 =	vmul.f32 v24, v10;
	v22 =	vsub.f32 $0.0e+00, v22  }
0x229: {  	v42 =	vpop (erf)  }
0x22a: {  	v22 =	vnsel vm0, $0x0, v22;
	v23 =	vmul.f32 v42, v41  }
0x22b: {  	v43 =	vor.u32 $0xA, v18;
	v20 =	vadd.f32 v22, v20  }
0x22c: {  	v23 =	vnsel vm1, $0x0, v23  }
0x22d: {  	v20 =	vadd.f32 v23, v20;
	_ =	sdelay $0x1  }
0x22e: {  	[tilespmem:v33+s22+$0x0] =	vst.idx.msk $0xffff, v20  }
0x22f: {  	v20 =	vld.idx.msk [tilespmem:v43+s22+$0x0], $0xffff;
	_ =	sdelay $0x3  }
0x230: {  	v21 =	vld.idx.msk [tilespmem:v43+s12+$0x0], $0xffff  }
0x231: {  	v44 =	vsub.f32 $0.0e+00, v20;
	_ =	sdelay $0x1  }
0x232: {  	v23 =	vmul.f32 $1.442695020e+00, v44  }
0x233: {  	v45 =	vmul.f32 $1.442695020e+00, v20  }
0x234: {  	v21 =	vmul.f32 $1.442695020e+00, v21;
	(erf) = vpow2.f32 v23  }
0x235: {  	(erf) = vpow2.f32 v45  }
0x236: {  	(erf) = vpow2.f32 v21;
	_ =	sdelay $0x3  }
0x237: {  	v46 =	vld.idx.msk [tilespmem:v43+s13+$0x0], $0xffff;
	_ =	sdelay $0x2  }
0x238: {  	v23 =	vpop (erf)  }
0x239: {  	v24 =	vpop (erf);
	v47 =	vadd.f32 v23, v19  }
0x23a: {  	v21 =	vsub.f32 $0.0e+00, v46;
	v48 =	vpop (erf)  }
0x23b: {  	v25 =	vadd.f32 v47, v48  }
0x23c: {  	v21 =	vmul.f32 $1.442695020e+00, v21  }
0x23d: {  	(erf) = vrcp.f32 v25  }
0x23e: {  	(erf) = vpow2.f32 v21;
	_ =	sdelay $0x7  }
0x23f: {  	v49 =	vpop (erf)  }
0x240: {  	v50 =	vpop (erf)  }
0x241: {  	v25 =	vadd.f32 v50, v17;
	_ =	sdelay $0x1  }
0x242: {  	v25 =	vadd.f32 v25, v24;
	_ =	sdelay $0x1  }
0x243: {  	(erf) = vrcp.f32 v25;
	_ =	sdelay $0x3  }
0x244: {  	v23 =	vmul.f32 v23, v11;
	_ =	sdelay $0x1  }
0x245: {  	v21 =	vmul.f32 v49, v23;
	_ =	sdelay $0x1  }
0x246: {  	v51 =	vmul.f32 v24, v11;
	v21 =	vsub.f32 $0.0e+00, v21  }
0x247: {  	v52 =	vpop (erf)  }
0x248: {  	v21 =	vnsel vm0, $0x0, v21;
	v23 =	vmul.f32 v52, v51  }
0x249: {  	v53 =	vor.u32 $0xB, v18;
	v20 =	vadd.f32 v21, v20  }
0x24a: {  	v23 =	vnsel vm1, $0x0, v23  }
0x24b: {  	v20 =	vadd.f32 v23, v20;
	_ =	sdelay $0x1  }
0x24c: {  	[tilespmem:v43+s22+$0x0] =	vst.idx.msk $0xffff, v20  }
0x24d: {  	v20 =	vld.idx.msk [tilespmem:v53+s22+$0x0], $0xffff;
	_ =	sdelay $0x3  }
0x24e: {  	v22 =	vld.idx.msk [tilespmem:v53+s12+$0x0], $0xffff  }
0x24f: {  	v54 =	vsub.f32 $0.0e+00, v20;
	_ =	sdelay $0x1  }
0x250: {  	v23 =	vmul.f32 $1.442695020e+00, v54  }
0x251: {  	v55 =	vmul.f32 $1.442695020e+00, v20  }
0x252: {  	v22 =	vmul.f32 $1.442695020e+00, v22;
	(erf) = vpow2.f32 v23  }
0x253: {  	(erf) = vpow2.f32 v55  }
0x254: {  	(erf) = vpow2.f32 v22;
	_ =	sdelay $0x3  }
0x255: {  	v56 =	vld.idx.msk [tilespmem:v53+s13+$0x0], $0xffff;
	_ =	sdelay $0x2  }
0x256: {  	v23 =	vpop (erf)  }
0x257: {  	v24 =	vpop (erf);
	v57 =	vadd.f32 v23, v19  }
0x258: {  	v22 =	vsub.f32 $0.0e+00, v56;
	v58 =	vpop (erf)  }
0x259: {  	v25 =	vadd.f32 v57, v58  }
0x25a: {  	v22 =	vmul.f32 $1.442695020e+00, v22  }
0x25b: {  	(erf) = vrcp.f32 v25  }
0x25c: {  	(erf) = vpow2.f32 v22;
	_ =	sdelay $0x7  }
0x25d: {  	v59 =	vpop (erf)  }
0x25e: {  	v60 =	vpop (erf)  }
0x25f: {  	v25 =	vadd.f32 v60, v17;
	_ =	sdelay $0x1  }
0x260: {  	v25 =	vadd.f32 v25, v24;
	_ =	sdelay $0x1  }
0x261: {  	(erf) = vrcp.f32 v25;
	_ =	sdelay $0x3  }
0x262: {  	v23 =	vmul.f32 v23, v12;
	_ =	sdelay $0x1  }
0x263: {  	v22 =	vmul.f32 v59, v23;
	_ =	sdelay $0x1  }
0x264: {  	v61 =	vmul.f32 v24, v12;
	v22 =	vsub.f32 $0.0e+00, v22  }
0x265: {  	v62 =	vpop (erf)  }
0x266: {  	v22 =	vnsel vm0, $0x0, v22;
	v23 =	vmul.f32 v62, v61  }
0x267: {  	v63 =	vor.u32 $0xC, v18;
	v20 =	vadd.f32 v22, v20  }
0x268: {  	v23 =	vnsel vm1, $0x0, v23  }
0x269: {  	v20 =	vadd.f32 v23, v20;
	_ =	sdelay $0x1  }
0x26a: {  	[tilespmem:v53+s22+$0x0] =	vst.idx.msk $0xffff, v20  }
0x26b: {  	v20 =	vld.idx.msk [tilespmem:v63+s22+$0x0], $0xffff;
	_ =	sdelay $0x3  }
0x26c: {  	v21 =	vld.idx.msk [tilespmem:v63+s12+$0x0], $0xffff  }
0x26d: {  	v28 =	vsub.f32 $0.0e+00, v20;
	_ =	sdelay $0x1  }
0x26e: {  	v23 =	vmul.f32 $1.442695020e+00, v28  }
0x26f: {  	v29 =	vmul.f32 $1.442695020e+00, v20  }
0x270: {  	v21 =	vmul.f32 $1.442695020e+00, v21;
	(erf) = vpow2.f32 v23  }
0x271: {  	(erf) = vpow2.f32 v29  }
0x272: {  	(erf) = vpow2.f32 v21;
	_ =	sdelay $0x3  }
0x273: {  	v30 =	vld.idx.msk [tilespmem:v63+s13+$0x0], $0xffff;
	_ =	sdelay $0x2  }
0x274: {  	v23 =	vpop (erf)  }
0x275: {  	v24 =	vpop (erf);
	v31 =	vadd.f32 v23, v19  }
0x276: {  	v21 =	vsub.f32 $0.0e+00, v30;
	v32 =	vpop (erf)  }
0x277: {  	v25 =	vadd.f32 v31, v32  }
0x278: {  	v21 =	vmul.f32 $1.442695020e+00, v21  }
0x279: {  	(erf) = vrcp.f32 v25  }
0x27a: {  	(erf) = vpow2.f32 v21;
	_ =	sdelay $0x7  }
0x27b: {  	v33 =	vpop (erf)  }
0x27c: {  	v34 =	vpop (erf)  }
0x27d: {  	v25 =	vadd.f32 v34, v17;
	_ =	sdelay $0x1  }
0x27e: {  	v25 =	vadd.f32 v25, v24;
	_ =	sdelay $0x1  }
0x27f: {  	(erf) = vrcp.f32 v25;
	_ =	sdelay $0x3  }
0x280: {  	v23 =	vmul.f32 v23, v13;
	_ =	sdelay $0x1  }
0x281: {  	v21 =	vmul.f32 v33, v23;
	_ =	sdelay $0x1  }
0x282: {  	v35 =	vmul.f32 v24, v13;
	v21 =	vsub.f32 $0.0e+00, v21  }
0x283: {  	v36 =	vpop (erf)  }
0x284: {  	v21 =	vnsel vm0, $0x0, v21;
	v23 =	vmul.f32 v36, v35  }
0x285: {  	v37 =	vor.u32 $0xD, v18;
	v20 =	vadd.f32 v21, v20  }
0x286: {  	v23 =	vnsel vm1, $0x0, v23  }
0x287: {  	v20 =	vadd.f32 v23, v20;
	_ =	sdelay $0x1  }
0x288: {  	[tilespmem:v63+s22+$0x0] =	vst.idx.msk $0xffff, v20  }
0x289: {  	v20 =	vld.idx.msk [tilespmem:v37+s22+$0x0], $0xffff;
	_ =	sdelay $0x3  }
0x28a: {  	v22 =	vld.idx.msk [tilespmem:v37+s12+$0x0], $0xffff  }
0x28b: {  	v38 =	vsub.f32 $0.0e+00, v20;
	_ =	sdelay $0x1  }
0x28c: {  	v23 =	vmul.f32 $1.442695020e+00, v38  }
0x28d: {  	v39 =	vmul.f32 $1.442695020e+00, v20  }
0x28e: {  	v22 =	vmul.f32 $1.442695020e+00, v22;
	(erf) = vpow2.f32 v23  }
0x28f: {  	(erf) = vpow2.f32 v39  }
0x290: {  	(erf) = vpow2.f32 v22;
	_ =	sdelay $0x3  }
0x291: {  	v40 =	vld.idx.msk [tilespmem:v37+s13+$0x0], $0xffff;
	_ =	sdelay $0x2  }
0x292: {  	v23 =	vpop (erf)  }
0x293: {  	v24 =	vpop (erf);
	v41 =	vadd.f32 v23, v19  }
0x294: {  	v22 =	vsub.f32 $0.0e+00, v40;
	v42 =	vpop (erf)  }
0x295: {  	v25 =	vadd.f32 v41, v42  }
0x296: {  	v22 =	vmul.f32 $1.442695020e+00, v22  }
0x297: {  	(erf) = vrcp.f32 v25  }
0x298: {  	(erf) = vpow2.f32 v22;
	_ =	sdelay $0x7  }
0x299: {  	v43 =	vpop (erf)  }
0x29a: {  	v44 =	vpop (erf)  }
0x29b: {  	v25 =	vadd.f32 v44, v17;
	_ =	sdelay $0x1  }
0x29c: {  	v25 =	vadd.f32 v25, v24;
	_ =	sdelay $0x1  }
0x29d: {  	(erf) = vrcp.f32 v25;
	_ =	sdelay $0x3  }
0x29e: {  	v23 =	vmul.f32 v23, v14;
	_ =	sdelay $0x1  }
0x29f: {  	v22 =	vmul.f32 v43, v23;
	_ =	sdelay $0x1  }
0x2a0: {  	v45 =	vmul.f32 v24, v14;
	v22 =	vsub.f32 $0.0e+00, v22  }
0x2a1: {  	v46 =	vpop (erf)  }
0x2a2: {  	v22 =	vnsel vm0, $0x0, v22;
	v23 =	vmul.f32 v46, v45  }
0x2a3: {  	v47 =	vor.u32 $0xE, v18;
	v20 =	vadd.f32 v22, v20  }
0x2a4: {  	v23 =	vnsel vm1, $0x0, v23  }
0x2a5: {  	v20 =	vadd.f32 v23, v20;
	_ =	sdelay $0x1  }
0x2a6: {  	[tilespmem:v37+s22+$0x0] =	vst.idx.msk $0xffff, v20  }
0x2a7: {  	v20 =	vld.idx.msk [tilespmem:v47+s22+$0x0], $0xffff;
	_ =	sdelay $0x3  }
0x2a8: {  	v21 =	vld.idx.msk [tilespmem:v47+s12+$0x0], $0xffff  }
0x2a9: {  	v48 =	vsub.f32 $0.0e+00, v20;
	_ =	sdelay $0x1  }
0x2aa: {  	v23 =	vmul.f32 $1.442695020e+00, v48  }
0x2ab: {  	v49 =	vmul.f32 $1.442695020e+00, v20  }
0x2ac: {  	v21 =	vmul.f32 $1.442695020e+00, v21;
	(erf) = vpow2.f32 v23  }
0x2ad: {  	(erf) = vpow2.f32 v49  }
0x2ae: {  	(erf) = vpow2.f32 v21;
	_ =	sdelay $0x3  }
0x2af: {  	v50 =	vld.idx.msk [tilespmem:v47+s13+$0x0], $0xffff;
	_ =	sdelay $0x2  }
0x2b0: {  	v23 =	vpop (erf)  }
0x2b1: {  	v24 =	vpop (erf);
	v51 =	vadd.f32 v23, v19  }
0x2b2: {  	v21 =	vsub.f32 $0.0e+00, v50;
	v52 =	vpop (erf)  }
0x2b3: {  	v25 =	vadd.f32 v51, v52  }
0x2b4: {  	v21 =	vmul.f32 $1.442695020e+00, v21  }
0x2b5: {  	(erf) = vrcp.f32 v25  }
0x2b6: {  	(erf) = vpow2.f32 v21;
	_ =	sdelay $0x7  }
0x2b7: {  	v53 =	vpop (erf)  }
0x2b8: {  	v54 =	vpop (erf)  }
0x2b9: {  	v25 =	vadd.f32 v54, v17;
	_ =	sdelay $0x1  }
0x2ba: {  	v25 =	vadd.f32 v25, v24;
	_ =	sdelay $0x1  }
0x2bb: {  	(erf) = vrcp.f32 v25;
	_ =	sdelay $0x3  }
0x2bc: {  	v23 =	vmul.f32 v23, v15;
	_ =	sdelay $0x1  }
0x2bd: {  	v21 =	vmul.f32 v53, v23;
	_ =	sdelay $0x1  }
0x2be: {  	v55 =	vmul.f32 v24, v15;
	v21 =	vsub.f32 $0.0e+00, v21  }
0x2bf: {  	v56 =	vpop (erf)  }
0x2c0: {  	v21 =	vnsel vm0, $0x0, v21;
	v23 =	vmul.f32 v56, v55  }
0x2c1: {  	v18 =	vor.u32 $0xF, v18;
	v20 =	vadd.f32 v21, v20  }
0x2c2: {  	v57 =	vnsel vm1, $0x0, v23  }
0x2c3: {  	v20 =	vadd.f32 v57, v20;
	_ =	sdelay $0x1  }
0x2c4: {  	[tilespmem:v47+s22+$0x0] =	vst.idx.msk $0xffff, v20  }
0x2c5: {  	v20 =	vld.idx.msk [tilespmem:v18+s22+$0x0], $0xffff;
	_ =	sdelay $0x3  }
0x2c6: {  	v58 =	vld.idx.msk [tilespmem:v18+s12+$0x0], $0xffff  }
0x2c7: {  	v59 =	vsub.f32 $0.0e+00, v20;
	_ =	sdelay $0x1  }
0x2c8: {  	v22 =	vmul.f32 $1.442695020e+00, v59  }
0x2c9: {  	v60 =	vmul.f32 $1.442695020e+00, v20  }
0x2ca: {  	v21 =	vmul.f32 $1.442695020e+00, v58;
	(erf) = vpow2.f32 v22  }
0x2cb: {  	(erf) = vpow2.f32 v60  }
0x2cc: {  	(erf) = vpow2.f32 v21;
	_ =	sdelay $0x3  }
0x2cd: {  	v61 =	vld.idx.msk [tilespmem:v18+s13+$0x0], $0xffff;
	_ =	sdelay $0x2  }
0x2ce: {  	v22 =	vpop (erf)  }
0x2cf: {  	v23 =	vpop (erf);
	v19 =	vadd.f32 v22, v19  }
0x2d0: {  	v21 =	vsub.f32 $0.0e+00, v61;
	v62 =	vpop (erf)  }
0x2d1: {  	v19 =	vadd.f32 v19, v62  }
0x2d2: {  	v21 =	vmul.f32 $1.442695020e+00, v21  }
0x2d3: {  	(erf) = vrcp.f32 v19  }
0x2d4: {  	(erf) = vpow2.f32 v21;
	_ =	sdelay $0x7  }
0x2d5: {  	v19 =	vpop (erf)  }
0x2d6: {  	v21 =	vpop (erf)  }
0x2d7: {  	v17 =	vadd.f32 v21, v17;
	_ =	sdelay $0x1  }
0x2d8: {  	v17 =	vadd.f32 v17, v23;
	_ =	sdelay $0x1  }
0x2d9: {  	(erf) = vrcp.f32 v17;
	_ =	sdelay $0x3  }
0x2da: {  	v17 =	vmul.f32 v22, v16;
	_ =	sdelay $0x1  }
0x2db: {  	v17 =	vmul.f32 v19, v17;
	_ =	sdelay $0x1  }
0x2dc: {  	v19 =	vmul.f32 v23, v16;
	v17 =	vsub.f32 $0.0e+00, v17  }
0x2dd: {  	v63 =	vpop (erf)  }
0x2de: {  	p0 =	sne.s32 s17, $0x610;
	v17 =	vnsel vm0, $0x0, v17;
	v19 =	vmul.f32 v63, v19  }
.Ltmp7:
0x2df: {  	v17 =	vadd.f32 v17, v20;
	(pc) =	sbr.rel @p0 .LBB2_16-.Ltmp7, $4  }
0x2e0: {  	v19 =	vnsel vm1, $0x0, v19  }
0x2e1: {  	v17 =	vadd.f32 v19, v17  }
0x2e2: {  	s14 =	sadd.s32 $0x10, s14;
	s15 =	sadd.s32 $0x10, s15  }
0x2e3: {  	s16 =	sadd.s32 $0x10, s16;
	s17 =	sadd.s32 $0x10, s17;
	s23 =	sadd.s32 $0x10, s23;
	[tilespmem:v18+s22+$0x0] =	vst.idx.msk $0xffff, v17  }
0x2e4: {  	s5 =	rddreg [dreg:$0xf]  }
0x2e5: {  	[hbm4b:s5+s6] =	stream.linear.scatter [tilespmem:s22], [sflag:$0xF], $0x6200, $0x38;
	[tilespmem:$0x16F90] =	vst v63  }
0x2e6: {  	_ =	swait.ge [sflag:s24], $0x6200  }
0x2e7: {  	s0 =	sadd.s32 $0x1, s0;
	s23 =	rddreg [dreg:$0x10]  }
0x2e8: {  	p0 =	sne.s32 s0, s23  }
.Ltmp8:
0x2e9: {  	_ = 	snop;
	(pc) =	sbr.rel @p0 .LBB2_1-.Ltmp8, $3  }
0x2ea: {  	_ =	sdelay $0x1  }
0x2eb: {  	s20 =	simm.s32 $0x1260;
	[sflag:s24] =	ssyncset.done $0x0  }
0x2ec: {  	s21 =	simm.s32 $0x1880;
	s30 =	simm.s32 $0x1EA0;
	[sflag:s24] =	ssyncadd.s32 $0xFFFF9E00  }
0x2ed: {  	_ =	sfence.sel $0x180000  }
0x2ee: {  	[bflag:$0x0] =	sbarrier.arrive $0xFFFF  }
0x2ef: {  	_ =	strace $0x9000004D  }
0x2f0: {  	s0 =	stileid.u32;
	[bflag:$0x2] =	sbarrier.arrive $0xFFFF  }
0x2f1: {  	p0 =	sne.s32 s0, $0x0;
	s0 =	rddreg [dreg:$0x5]  }
0x2f2: {  	s0 =	sadd.s32 @!p0 $0x100000, s0  }
0x2f3: {  	[sflag:s0] =	ssyncadd.tile.s32 @!p0 $0x1;
	_ =	shalt  }
.Lfunc_end2:
_tile_overlayer_lowered:
.L_overlay_start_2:
0x2f4: {  	(tag) =	ssettag $0x2  }
0x2f5: {  	s0 =	rddreg [dreg:$0x0];
	s2 =	stileid.u32  }
0x2f6: {  	s1 =	rddreg [dreg:$0x1];
	p0 =	sne.s32 s2, $0x0  }
0x2f7: {  	s3 =	rddreg [dreg:$0x2];
	[bflag:$0x3] =	sbarrier.arrive $0xFFFF;
	s2 =	simm.s32 @!p0 $0x1C0F  }
0x2f8: {  	[timem:s3], [sflag:s2] =	dma.local @!p0 [hbm:s0], s1  }
0x2f9: {  	s0 =	simm.s32 @!p0 $0xF  }
0x2fa: {  	_ =	swait.ge @!p0 [sflag:s0], s1  }
0x2fb: {  	s1 =	ssub.s32 @!p0 $0x0, s1;
	[sflag:s0] =	ssyncset.done @!p0 $0x0  }
0x2fc: {  	[sflag:s0] =	ssyncadd.s32 @!p0 s1  }
0x2fd: {  	[bflag:$0x3] =	sbarrier.arrive $0xFFFF  }
0x2fe: {  	_ =	shalt  }

// kernel: kernel.5.cloned.1.call-start
scs
__scs_entry_jumppad:
0x0: {  	(pc) =	sbr.rel $0x88, $3  }
0x1: {  	(tag) =	ssettag $0x0;
	lr =	simm.s32 $0x1  }
0x2: {  	[smem:$0x3F9B] =	sst lr;
	_ =	strace $0xD0000000  }
0x3: {  	_ = 	snop  }
0x4: {  	_ = 	snop  }
0x5: {  	_ = 	snop  }
0x6: {  	_ = 	snop  }
0x7: {  	_ = 	snop  }
__scs_overlays_trampoline_lowered:
0x8: {  	[smem:$0x3FAA] =	sst s0  }
0x9: {  	[smem:$0x3FAB] =	sst s1  }
0xa: {  	[smem:$0x3FAC] =	sst s2  }
0xb: {  	[smem:$0x3FAD] =	sst s3  }
0xc: {  	[smem:$0x3FAE] =	sst s4  }
0xd: {  	[smem:$0x3FAF] =	sst s5  }
0xe: {  	[smem:$0x3FB0] =	sst s6  }
0xf: {  	[smem:$0x3FB1] =	sst s7  }
0x10: {  	[smem:$0x3FB2] =	sst s8  }
0x11: {  	[smem:$0x3FB3] =	sst s9;
	s0 =	simm.s32 @!p0 $0x0  }
0x12: {  	s1 =	sld [smem:$0x3F99];
	s0 =	simm.s32 @p0 $0x1  }
0x13: {  	[smem:$0x3FB4] =	sst s0;
	s0 =	simm.s32 @!p1 $0x0  }
0x14: {  	s2 =	sld [smem:$0x3F98];
	s0 =	simm.s32 @p1 $0x1  }
0x15: {  	[smem:$0x3FB5] =	sst s0;
	s0 =	simm.s32 @!p2 $0x0  }
0x16: {  	s3 =	sld [smem:$0x3FDB];
	s0 =	simm.s32 @p2 $0x1  }
0x17: {  	s4 =	simm.s32 $0x1BF5;
	[smem:$0x3FB7] =	sst s0  }
0x18: {  	s0 =	sld [smem:$0x3F9A];
	_ =	swait.ge [sflag:s4], $0x0  }
0x19: {  	s7 =	sld [smem:$0x3F9B]  }
0x1a: {  	s8 =	sadd.s32 $0xFFFFE003, lr  }
0x1b: {  	s9 =	sadd.s32 $0xFFFFFEF7, lr;
	s5 =	simm.s32 $0xFFFFFFFF;
	p2 =	slt.u32 s8, $0xFFFFF086  }
0x1c: {  	p1 =	slt.u32 s9, $0xF7A;
	s5 =	simm.s32 @!p2 $0x0  }
0x1d: {  	s5 =	simm.s32 @p1 $0x1;
	p0 =	seq.s32 s7, s2  }
0x1e: {  	s7 =	smul.u32 @!p0 $0xF7A, s2;
	p2 =	seq.s32 @!p0 s5, $0x0  }
0x1f: {  	s9 =	smul.u32 $0xF7A, s1;
	s8 =	simm.s32 @!p0 $0x1BF5;
	p2 =	por !p2, p0  }
0x20: {  	[sflag:s8] =	ssyncset.s32 @!p0 $0xFFFFF086;
	s6 =	sadd.s32 @!p0 s3, s7;
	s7 =	simm.s32 @!p0 $0x108  }
0x21: {  	s3 =	sadd.s32 s3, s9;
	s6 =	sadd.s32 @!p0 $0x88, s6;
	s7 =	simm.s32 @p2 $0x1082  }
0x22: {  	[simem:s7], [sflag:s8] =	dma.local @!p0 [hbm:s6], $0xF7A  }
0x23: {  	s9 =	sor.u32 $0xD0000000, s2;
	s6 =	simm.s32 $0x108;
	_ =	swait.ge @!p0 [sflag:s8], $0x0  }
0x24: {  	s3 =	sadd.s32 $0x88, s3;
	s6 =	simm.s32 @!p1 $0x1082;
	[sflag:s4] =	ssyncset.s32 $0xFFFFF086  }
0x25: {  	[simem:s6], [sflag:s4] =	dma.local [hbm:s3], $0xF7A  }
0x26: {  	[smem:$0x3F9B] =	sst s1;
	(tag) =	ssettag s2;
	_ =	strace s9  }
0x27: {  	s1 =	sld [smem:$0x3FAB]  }
0x28: {  	s2 =	sld [smem:$0x3FAC]  }
0x29: {  	s4 =	sld [smem:$0x3FAE]  }
0x2a: {  	p0 =	seq.s32 s5, $0x0;
	s5 =	sld [smem:$0x3FAF]  }
0x2b: {  	s6 =	sld [smem:$0x3FB0]  }
0x2c: {  	s7 =	sld [smem:$0x3FB1]  }
0x2d: {  	s3 =	simm.s32 $0x108;
	s8 =	sld [smem:$0x3FB2]  }
0x2e: {  	s3 =	simm.s32 @!p0 $0x1082;
	s9 =	sld [smem:$0x3FB3]  }
0x2f: {  	lr =	sadd.s32 s0, s3;
	s0 =	sld [smem:$0x3FAA]  }
0x30: {  	s3 =	sld [smem:$0x3FAD]  }
0x31: {  	[smem:$0x3FB6] =	sst s10  }
0x32: {  	s10 =	sld [smem:$0x3FB4];
	_ =	sdelay $0x3  }
0x33: {  	p0 =	seq.s32 s10, $0x1;
	s10 =	sld [smem:$0x3FB6];
	_ =	sdelay $0x3  }
0x34: {  	[smem:$0x3FB6] =	sst s10  }
0x35: {  	s10 =	sld [smem:$0x3FB5];
	_ =	sdelay $0x3  }
0x36: {  	p1 =	seq.s32 s10, $0x1;
	s10 =	sld [smem:$0x3FB6];
	_ =	sdelay $0x3  }
0x37: {  	[smem:$0x3FB6] =	sst s10  }
0x38: {  	s10 =	sld [smem:$0x3FB7]  }
0x39: {  	_ = 	snop;
	(pc) =	sbr.ind lr, $3  }
0x3a: {  	_ = 	snop  }
0x3b: {  	_ = 	snop  }
0x3c: {  	p2 =	seq.s32 s10, $0x1;
	s10 =	sld [smem:$0x3FB6]  }
0x3d: {  	_ =	shalt  }
0x3e: {  	_ =	shalt  }
0x3f: {  	_ =	shalt  }
0x40: {  	_ =	shalt  }
0x41: {  	_ =	shalt  }
0x42: {  	_ =	shalt  }
0x43: {  	_ =	shalt  }
0x44: {  	_ =	shalt  }
0x45: {  	_ =	shalt  }
0x46: {  	_ =	shalt  }
0x47: {  	_ =	shalt  }
0x48: {  	_ =	shalt  }
0x49: {  	_ =	shalt  }
0x4a: {  	_ =	shalt  }
0x4b: {  	_ =	shalt  }
0x4c: {  	_ =	shalt  }
0x4d: {  	_ =	shalt  }
0x4e: {  	_ =	shalt  }
0x4f: {  	_ =	shalt  }
0x50: {  	_ =	shalt  }
0x51: {  	_ =	shalt  }
0x52: {  	_ =	shalt  }
0x53: {  	_ =	shalt  }
0x54: {  	_ =	shalt  }
0x55: {  	_ =	shalt  }
0x56: {  	_ =	shalt  }
0x57: {  	_ =	shalt  }
0x58: {  	_ =	shalt  }
0x59: {  	_ =	shalt  }
0x5a: {  	_ =	shalt  }
0x5b: {  	_ =	shalt  }
0x5c: {  	_ =	shalt  }
0x5d: {  	_ =	shalt  }
0x5e: {  	_ =	shalt  }
0x5f: {  	_ =	shalt  }
0x60: {  	_ =	shalt  }
0x61: {  	_ =	shalt  }
0x62: {  	_ =	shalt  }
0x63: {  	_ =	shalt  }
0x64: {  	_ =	shalt  }
0x65: {  	_ =	shalt  }
0x66: {  	_ =	shalt  }
0x67: {  	_ =	shalt  }
0x68: {  	_ =	shalt  }
0x69: {  	_ =	shalt  }
0x6a: {  	_ =	shalt  }
0x6b: {  	_ =	shalt  }
0x6c: {  	_ =	shalt  }
0x6d: {  	_ =	shalt  }
0x6e: {  	_ =	shalt  }
0x6f: {  	_ =	shalt  }
0x70: {  	_ =	shalt  }
0x71: {  	_ =	shalt  }
0x72: {  	_ =	shalt  }
0x73: {  	_ =	shalt  }
0x74: {  	_ =	shalt  }
0x75: {  	_ =	shalt  }
0x76: {  	_ =	shalt  }
0x77: {  	_ =	shalt  }
0x78: {  	_ =	shalt  }
0x79: {  	_ =	shalt  }
0x7a: {  	_ =	shalt  }
0x7b: {  	_ =	shalt  }
0x7c: {  	_ =	shalt  }
0x7d: {  	_ =	shalt  }
0x7e: {  	_ =	shalt  }
0x7f: {  	_ =	shalt  }
0x80: {  	_ =	shalt  }
0x81: {  	_ =	shalt  }
0x82: {  	_ =	shalt  }
0x83: {  	_ =	shalt  }
0x84: {  	_ =	shalt  }
0x85: {  	_ =	shalt  }
0x86: {  	_ =	shalt  }
0x87: {  	_ =	shalt  }
.Lfunc_end0:
.L_simem_size_0:
called_computation_lowered:
.L_overlay_start_0:
0x88: {  	s2 =	sld [smem:$0x3FD9]  }
0x89: {  	s3 =	sld [smem:$0x3FFE];
	_ =	sdelay $0x1  }
0x8a: {  	s1 =	srdreg.scid  }
0x8b: {  	s0 =	sand.u32 $0x1, s1  }
0x8c: {  	s14 =	sshll.u32 s0, $0xA;
	s2 =	sadd.s32 s3, s2  }
0x8d: {  	s2 =	sadd.s32 s2, s14  }
0x8e: {  	[smem:$0x3FC2] =	sst s2  }
0x8f: {  	_ = 	snop  }
0x90: {  	s2 =	sld [smem:$0x3FD0];
	_ =	sdelay $0x2  }
0x91: {  	s4 =	simm.s32 $0xA;
	s5 =	simm.s32 $0x10;
	s15 =	sld [smem:$0x3FC5]  }
0x92: {  	[smem:s5], [sflag:s4] =	dma.local [hbm:s2], $0x1  }
0x93: {  	_ =	swait.eq [sflag:s4], $0x1  }
0x94: {  	[sflag:s4] =	ssyncset.done $0x0  }
0x95: {  	[sflag:s4] =	ssyncadd.s32 $0xFFFFFFFF  }
0x96: {  	s16 =	sld [smem:$0x11];
	(tm) =	ssettm $0x1  }
0x97: {  	s17 =	sld [smem:$0x3FFB];
	_ =	sdelay $0x3  }
0x98: {  	_ =	strace s17  }
0x99: {  	s4 =	sld [smem:$0x3FFC];
	_ =	sdelay $0x3  }
0x9a: {  	_ =	strace s4  }
0x9b: {  	s4 =	sld [smem:$0x3FFD];
	_ =	sdelay $0x3  }
0x9c: {  	_ =	strace s4  }
0x9d: {  	_ =	strace $0x8FFFFFFF  }
0x9e: {  	s18 =	sld [smem:$0x3FDB];
	_ =	sdelay $0x1  }
0x9f: {  	s19 =	simm.s32 $_scs_section_size  }
0xa0: {  	s6 =	simm.s32 $_size__tile_overlayer_lowered;
	s7 =	simm.s32 $_tile_overlayer_lowered  }
0xa1: {  	s22 =	simm.s32 $0x1BFF;
	s21 =	sshll.u32 s7, $0x1;
	s4 =	sadd.s32 s19, s18  }
0xa2: {  	s8 =	simm.s32 $0x0;
	s20 =	sshll.u32 s6, $0x1;
	s6 =	sadd.s32 s21, s4  }
0xa3: {  	[timem:s8], [sflag:s22] =	dma.local [hbm:s6], s20  }
0xa4: {  	_ =	swait.ge [sflag:s22], s20  }
0xa5: {  	s5 =	ssub.s32 $0x0, s20;
	[sflag:s22] =	ssyncset.done $0x0  }
0xa6: {  	[sflag:s22] =	ssyncadd.s32 s5;
	_ =	sdelay $0x1  }
0xa7: {  	s23 =	simm.s32 $0x1B8B  }
0xa8: {  	_ =	swait.ge [sflag:s23], $0x1  }
0xa9: {  	[sflag:s23] =	ssyncset.done $0x0  }
0xaa: {  	s25 =	simm.s32 $0x1B8E;
	s24 =	sld [smem:$0x3FFE];
	[sflag:s23] =	ssyncadd.s32 $0xFFFFFFFF  }
0xab: {  	s26 =	simm.s32 $execute0_lowered;
	[smem:$0x3FD2] =	sst s25  }
0xac: {  	s6 =	sshll.u32 s26, $0x1;
	_ =	strace $0x80000046;
	[dreg:$0x1] =	wrdreg $0xFFFFFFFF  }
0xad: {  	s28 =	simm.s32 $_size_execute0_lowered;
	s4 =	sadd.s32 s4, s6;
	[dreg:$0x0] =	wrdreg $0x0  }
0xae: {  	s6 =	sshll.u32 s28, $0x1;
	[dreg:$0x2] =	wrdreg s4  }
0xaf: {  	[dreg:$0x3] =	wrdreg s6  }
0xb0: {  	[dreg:$0x4] =	wrdreg $0xC0  }
0xb1: {  	_ =	task [dreg:s8], $0x5FFFF  }
0xb2: {  	[dreg:$0x1] =	wrdreg $0xFFFFFFFF  }
0xb3: {  	[dreg:$0x0] =	wrdreg $0x60  }
0xb4: {  	[dreg:$0x2] =	wrdreg s16  }
0xb5: {  	[dreg:$0x3] =	wrdreg s15  }
0xb6: {  	[dreg:$0x4] =	wrdreg s24  }
0xb7: {  	[dreg:$0x5] =	wrdreg $0x9  }
0xb8: {  	_ =	task.clear_ibuf [dreg:s8], $0x6FFFF;
	_ =	strace $0x90000046  }
0xb9: {  	s29 =	simm.s32 $0x9;
	_ =	strace $0x80000048  }
0xba: {  	_ =	swait.ge [sflag:s29], $0x1  }
0xbb: {  	[sflag:s29] =	ssyncadd.s32 $0xFFFFFFFF  }
0xbc: {  	_ =	strace $0x90000048  }
0xbd: {  	_ =	sfence  }
0xbe: {  	s30 =	sld [smem:$0x0];
	_ =	sdelay $0x2  }
0xbf: {  	s31 =	sshll.u32 s1, $0xD;
	s1 =	sshrl.u32 s1, $0x2  }
0xc0: {  	s3 =	sand.u32 $0x4000, s31;
	s1 =	sadd.s32 s1, s30  }
0xc1: {  	s0 =	sor.u32 s3, s0;
	s1 =	sshll.u32 s1, $0x11  }
0xc2: {  	s0 =	sor.u32 s1, s0  }
0xc3: {  	s0 =	sadd.s32 $0x8F2B, s0  }
0xc4: {  	[sflag:s0] =	ssyncadd.remote.s32 $0x1  }
0xc5: {  	_ =	sfence.sel $0xFFFF  }
0xc6: {  	[dreg:$0x0] =	wrdreg $0xFFFFFFFF;
	(pc) =	sbr.abs _section_cstart, $3  }
0xc7: {  	[dreg:$0x1] =	wrdreg $0xFFFFFFFF  }
0xc8: {  	_ =	task.clear_ibuf [dreg:s8], $0x2FFFF;
	_ =	strace $0x9FFFFFFF  }
0xc9: {  	(tm) =	ssettm $0x7FFFFFFF  }
tec
execute0_lowered:
.L_overlay_start_1:
0x0: {  	(tag) =	ssettag $0x1  }
0x1: {  	s0 =	rddreg [dreg:$0x0]  }
0x2: {  	s2 =	rddreg [dreg:$0x1]  }
0x3: {  	v0 =	vimm.f32 $0.0e+00;
	vm0 =	vcmask $0x300;
	s3 =	srdreg.scid;
	s1 =	stileid.u32  }
0x4: {  	vm9 =	vcmask $0x704;
	vm10 =	vcmask $0xB08;
	s6 =	rddreg [dreg:$0x2];
	s4 =	simm.s32 $0x0;
	s11 =	simm.s32 $0x1C00;
	v1 =	vsel vm0, $0xBF800000, v0  }
0x5: {  	vm11 =	vcmask $0xF0C;
	vm12 =	vcmask $0x1310;
	s12 =	simm.s32 $0x5;
	s13 =	simm.s32 $0x700;
	s14 =	simm.s32 $0x3;
	v1 =	vsel vm9, $0x3F800000, v1  }
0x6: {  	v2 =	vimm.s32 $0xFEDCBA98;
	v3 =	vimm.s32 $0x67452301;
	s15 =	simm.s32 $0x4;
	s5 =	sand.u32 $0x1, s3;
	s7 =	sshll.u32 s1, $0x1;
	v1 =	vsel vm10, $0xBF800000, v1  }
0x7: {  	s16 =	simm.s32 $0x0;
	s3 =	rddreg [dreg:$0x3];
	v2 =	vunpack.c.l.s4.s8 v2;
	v3 =	vunpack.c.l.s4.s8 v3;
	s7 =	sor.u32 s5, s7;
	v1 =	vsel vm11, $0x3F800000, v1  }
0x8: {  	vm13 =	vcmask $0x1714;
	vm14 =	vcmask $0x1B18;
	[smem:$0x7FF] =	sst s4;
	s8 =	ssub.s32 $0x2, s5;
	s9 =	smul.u32 $0xC40, s7;
	v1 =	vsel vm12, $0xBF800000, v1  }
0x9: {  	s6 =	sadd.s32 $0x1000, s6;
	s10 =	sshrl.u32 s8, $0x1;
	s5 =	smul.u32 $0x620, s7;
	v4 =	vunpack.c.0.s8.s32 v2;
	v3 =	vunpack.c.0.s8.s32 v3;
	v1 =	vsel vm13, $0x3F800000, v1  }
0xa: {  	vm15 =	vcmask $0x1F1C;
	_ =	strace $0x80000047;
	v2 =	vlaneseq.u32;
	s10 =	ssub.s32 s8, s10;
	s7 =	sadd.s32 s0, s9;
	v1 =	vsel vm14, $0xBF800000, v1  }
0xb: {  	v2 =	vshrl.u32 v2, $0x1;
	s9 =	sadd.s32 $0xE0, s5;
	s10 =	smax.u32 s10, $0x1;
	v3 =	vcombine.low v3, v4;
	s8 =	sadd.s32 $0xE0, s7;
	v1 =	vsel vm15, $0x3F800000, v1  }
.LBB2_1:
0xc: {  	[tilespmem:$0x1C00] =	vst v0  }
0xd: {  	[tilespmem:s11], [sflag:$0x5] =	stream.linear.gather [hbm4b:s2+s4], $0x4, $0x38;
	[tilespmem:$0x1C10] =	vst v63  }
0xe: {  	_ =	swait.ge [sflag:s12], $0x4  }
0xf: {  	[sflag:s12] =	ssyncset.done $0x0  }
0x10: {  	[sflag:s12] =	ssyncadd.s32 $0xFFFFFFFC  }
0x11: {  	v4 =	vld [tilespmem:$0x1C00];
	_ =	sdelay $0x4  }
0x12: {  	[tilespmem:s4], [sflag:$0x1] =	stream.linear.gather [hbm4b:s7+s4], $0x700, $0x38;
	v4 =	vperm.xlane v4, v2;
	[tilespmem:$0x1C10] =	vst v63  }
0x13: {  	p0 =	por $0x0, $0x0;
	s17 =	simm.s32 $0x0  }
0x14: {  	[tilespmem:s13], [sflag:$0x2] =	stream.linear.gather [hbm4b:s8+s4], $0x700, $0x38;
	v4 =	vmul.f32 v1, v4;
	[tilespmem:$0x1C10] =	vst v63  }
.LBB2_2:
0x15: {  	s21 =	simm.s32 $0x1  }
0x16: {  	s21 =	simm.s32 @!p0 $0x0  }
0x17: {  	s20 =	sand.u32 $0x1, s17;
	s21 =	smul.u32 $0x1C00, s21  }
0x18: {  	s19 =	smul.u32 $0x70, s17;
	s18 =	sadd.s32 $0x1, s20  }
0x19: {  	_ =	swait.ge [sflag:s18], $0x700;
	s24 =	sshrl.u32 s21, $0x2  }
0x1a: {  	p1 =	slt.u32 s17, $0x2;
	s22 =	sadd.s32 s5, s19;
	[sflag:s18] =	ssyncset.done $0x0;
	v6 =	vmov s24  }
0x1b: {  	s23 =	sadd.s32 @!p1 $0x3, s20;
	p2 =	slt.s32 s22, $0xC2E0;
	[sflag:s18] =	ssyncadd.s32 $0xFFFFF900  }
0x1c: {  	s22 =	simm.s32 @!p2 $0xC2E0;
	_ =	swait.ge @!p1 [sflag:s23], $0x700  }
0x1d: {  	s21 =	smul.u32 $0x700, s20;
	s25 =	sadd.s32 $0xE00, s24;
	[sflag:s23] =	ssyncset.done @!p1 $0x0  }
0x1e: {  	s24 =	simm.s32 $0x40;
	v5 =	vmov s25;
	[sflag:s23] =	ssyncadd.s32 @!p1 $0xFFFFF900;
	s23 =	simm.s32 $0x0  }
.LBB2_3:
0x1f: {  	p1 =	sne.s32 s24, $0x1BC0;
	v7 =	vld.idx.msk [tilespmem:v6+s23+$0x0 ss:$0x1], $0xffff;
	_ =	sdelay $0x5  }
0x20: {  	v8 =	vmul.f32 v1, v7;
	_ =	sdelay $0x1  }
0x21: {  	v8 =	vmul.f32 $1.442695020e+00, v8;
	_ =	sdelay $0x1  }
0x22: {  	(erf) = vpow2.f32 v8;
	_ =	sdelay $0x8  }
0x23: {  	v8 =	vpop (erf)  }
0x24: {  	v9 =	vperm.xlane v8, v3;
	_ =	sdelay $0x1  }
0x25: {  	v9 =	vadd.f32 v8, v9;
	_ =	sdelay $0x1  }
0x26: {  	(erf) = vrcp.f32 v9;
	_ =	sdelay $0x7  }
0x27: {  	v8 =	vmul.f32 v8, v4  }
0x28: {  	v9 =	vpop (erf)  }
.Ltmp0:
0x29: {  	v8 =	vmul.f32 v9, v8;
	(pc) =	sbr.rel @p1 .LBB2_3-.Ltmp0, $3  }
0x2a: {  	_ = 	snop  }
0x2b: {  	v7 =	vadd.f32 v8, v7;
	_ =	sdelay $0x1  }
0x2c: {  	[tilespmem:v5+s23+$0x0 ss:$0x1] =	vst.idx.msk $0xffff, v7;
	s23 =	sshra.s32 s24, $0x2;
	s24 =	sadd.s32 $0x40, s24  }
0x2d: {  	_ =	sdelay $0x3  }
0x2e: {  	v6 =	vld.idx.msk [tilespmem:v6+s23+$0x0 ss:$0x1], $0xffff;
	_ =	sdelay $0x4  }
0x2f: {  	v7 =	vmul.f32 v1, v6;
	_ =	sdelay $0x1  }
0x30: {  	v7 =	vmul.f32 $1.442695020e+00, v7;
	_ =	sdelay $0x1  }
0x31: {  	(erf) = vpow2.f32 v7;
	_ =	sdelay $0x8  }
0x32: {  	v7 =	vpop (erf)  }
0x33: {  	v8 =	vperm.xlane v7, v3;
	_ =	sdelay $0x1  }
0x34: {  	v8 =	vadd.f32 v7, v8;
	_ =	sdelay $0x1  }
0x35: {  	(erf) = vrcp.f32 v8;
	_ =	sdelay $0x7  }
0x36: {  	v7 =	vmul.f32 v7, v4  }
0x37: {  	p1 =	sgt.u32 s17, $0xB;
	v8 =	vpop (erf)  }
0x38: {  	s19 =	sadd.s32 @!p1 s19, s9;
	v7 =	vmul.f32 v8, v7  }
0x39: {  	p2 =	slt.s32 @!p1 s19, $0xC2E0  }
0x3a: {  	p2 =	por !p2, p1;
	v6 =	vadd.f32 v7, v6  }
0x3b: {  	s22 =	sshll.u32 s22, $0x1;
	s20 =	sadd.s32 $0x3, s20;
	s19 =	simm.s32 @p2 $0xC2E0  }
0x3c: {  	s31 =	sadd.s32 $0xE00, s21;
	s22 =	sadd.s32 s6, s22;
	s19 =	sshll.u32 @!p1 s19, $0x1;
	[tilespmem:v5+s23+$0x0 ss:$0x1] =	vst.idx.msk $0xffff, v6  }
0x3d: {  	[hbm4b:s22+s4] =	stream.linear.scatter [tilespmem:s31], [sflag:s20], $0x700, $0x38;
	[tilespmem:$0x1C10] =	vst v63  }
0x3e: {  	s17 =	sadd.s32 $0x1, s17;
	s19 =	sadd.s32 @!p1 s0, s19;
	s20 =	simm.s32 @!p1 $0x0  }
0x3f: {  	[tilespmem:s21], [sflag:s18] =	stream.linear.gather @!p1 [hbm4b:s19+s20], $0x700, $0x38;
	[tilespmem:$0x1C10] =	vst v63  }
0x40: {  	p1 =	sne.s32 s17, $0xE  }
.Ltmp1:
0x41: {  	_ = 	snop;
	(pc) =	sbr.rel @p1 .LBB2_2-.Ltmp1, $2  }
0x42: {  	_ =	sdelay $0x2  }
0x43: {  	p0 =	por !p0, !p0  }
0x44: {  	s16 =	sadd.s32 $0x1, s16  }
0x45: {  	_ =	swait.ge [sflag:s14], $0x700;
	p0 =	sne.s32 s16, s10  }
.Ltmp2:
0x46: {  	[sflag:s14] =	ssyncset.done $0x0;
	(pc) =	sbr.rel @p0 .LBB2_1-.Ltmp2, $4  }
0x47: {  	[sflag:s14] =	ssyncadd.s32 $0xFFFFF900  }
0x48: {  	_ =	swait.ge [sflag:s15], $0x700  }
0x49: {  	[sflag:s15] =	ssyncset.done $0x0  }
0x4a: {  	[sflag:s15] =	ssyncadd.s32 $0xFFFFF900  }
0x4b: {  	_ =	sfence.sel $0x180000  }
0x4c: {  	[bflag:$0x0] =	sbarrier.arrive $0xFFFF  }
0x4d: {  	p0 =	sne.s32 s1, $0x0;
	_ =	strace $0x90000047  }
0x4e: {  	s0 =	sadd.s32 @!p0 $0x100000, s3;
	[bflag:$0x2] =	sbarrier.arrive $0xFFFF  }
0x4f: {  	[sflag:s0] =	ssyncadd.tile.s32 @!p0 $0x1;
	_ =	shalt  }
.Lfunc_end2:
_tile_overlayer_lowered:
.L_overlay_start_2:
0x50: {  	(tag) =	ssettag $0x2  }
0x51: {  	s0 =	rddreg [dreg:$0x0];
	s2 =	stileid.u32  }
0x52: {  	s1 =	rddreg [dreg:$0x1];
	p0 =	sne.s32 s2, $0x0  }
0x53: {  	s3 =	rddreg [dreg:$0x2];
	[bflag:$0x3] =	sbarrier.arrive $0xFFFF;
	s2 =	simm.s32 @!p0 $0x1C05  }
0x54: {  	[timem:s3], [sflag:s2] =	dma.local @!p0 [hbm:s0], s1  }
0x55: {  	s0 =	simm.s32 @!p0 $0x5  }
0x56: {  	_ =	swait.ge @!p0 [sflag:s0], s1  }
0x57: {  	s1 =	ssub.s32 @!p0 $0x0, s1;
	[sflag:s0] =	ssyncset.done @!p0 $0x0  }
0x58: {  	[sflag:s0] =	ssyncadd.s32 @!p0 s1  }
0x59: {  	[bflag:$0x3] =	sbarrier.arrive $0xFFFF  }
0x5a: {  	_ =	shalt  }

// kernel: kernel.8.cloned.1.call-start
scs
__scs_entry_jumppad:
0x0: {  	(pc) =	sbr.rel $0x88, $3  }
0x1: {  	(tag) =	ssettag $0x0;
	lr =	simm.s32 $0x1  }
0x2: {  	[smem:$0x3F9B] =	sst lr;
	_ =	strace $0xD0000000  }
0x3: {  	_ = 	snop  }
0x4: {  	_ = 	snop  }
0x5: {  	_ = 	snop  }
0x6: {  	_ = 	snop  }
0x7: {  	_ = 	snop  }
__scs_overlays_trampoline_lowered:
0x8: {  	[smem:$0x3FAA] =	sst s0  }
0x9: {  	[smem:$0x3FAB] =	sst s1  }
0xa: {  	[smem:$0x3FAC] =	sst s2  }
0xb: {  	[smem:$0x3FAD] =	sst s3  }
0xc: {  	[smem:$0x3FAE] =	sst s4  }
0xd: {  	[smem:$0x3FAF] =	sst s5  }
0xe: {  	[smem:$0x3FB0] =	sst s6  }
0xf: {  	[smem:$0x3FB1] =	sst s7  }
0x10: {  	[smem:$0x3FB2] =	sst s8  }
0x11: {  	[smem:$0x3FB3] =	sst s9;
	s0 =	simm.s32 @!p0 $0x0  }
0x12: {  	s1 =	sld [smem:$0x3F99];
	s0 =	simm.s32 @p0 $0x1  }
0x13: {  	[smem:$0x3FB4] =	sst s0;
	s0 =	simm.s32 @!p1 $0x0  }
0x14: {  	s2 =	sld [smem:$0x3F98];
	s0 =	simm.s32 @p1 $0x1  }
0x15: {  	[smem:$0x3FB5] =	sst s0;
	s0 =	simm.s32 @!p2 $0x0  }
0x16: {  	s3 =	sld [smem:$0x3FDB];
	s0 =	simm.s32 @p2 $0x1  }
0x17: {  	s4 =	simm.s32 $0x1BF5;
	[smem:$0x3FB7] =	sst s0  }
0x18: {  	s0 =	sld [smem:$0x3F9A];
	_ =	swait.ge [sflag:s4], $0x0  }
0x19: {  	s7 =	sld [smem:$0x3F9B]  }
0x1a: {  	s8 =	sadd.s32 $0xFFFFE003, lr  }
0x1b: {  	s9 =	sadd.s32 $0xFFFFFEF7, lr;
	s5 =	simm.s32 $0xFFFFFFFF;
	p2 =	slt.u32 s8, $0xFFFFF086  }
0x1c: {  	p1 =	slt.u32 s9, $0xF7A;
	s5 =	simm.s32 @!p2 $0x0  }
0x1d: {  	s5 =	simm.s32 @p1 $0x1;
	p0 =	seq.s32 s7, s2  }
0x1e: {  	s7 =	smul.u32 @!p0 $0xF7A, s2;
	p2 =	seq.s32 @!p0 s5, $0x0  }
0x1f: {  	s9 =	smul.u32 $0xF7A, s1;
	s8 =	simm.s32 @!p0 $0x1BF5;
	p2 =	por !p2, p0  }
0x20: {  	[sflag:s8] =	ssyncset.s32 @!p0 $0xFFFFF086;
	s6 =	sadd.s32 @!p0 s3, s7;
	s7 =	simm.s32 @!p0 $0x108  }
0x21: {  	s3 =	sadd.s32 s3, s9;
	s6 =	sadd.s32 @!p0 $0x88, s6;
	s7 =	simm.s32 @p2 $0x1082  }
0x22: {  	[simem:s7], [sflag:s8] =	dma.local @!p0 [hbm:s6], $0xF7A  }
0x23: {  	s9 =	sor.u32 $0xD0000000, s2;
	s6 =	simm.s32 $0x108;
	_ =	swait.ge @!p0 [sflag:s8], $0x0  }
0x24: {  	s3 =	sadd.s32 $0x88, s3;
	s6 =	simm.s32 @!p1 $0x1082;
	[sflag:s4] =	ssyncset.s32 $0xFFFFF086  }
0x25: {  	[simem:s6], [sflag:s4] =	dma.local [hbm:s3], $0xF7A  }
0x26: {  	[smem:$0x3F9B] =	sst s1;
	(tag) =	ssettag s2;
	_ =	strace s9  }
0x27: {  	s1 =	sld [smem:$0x3FAB]  }
0x28: {  	s2 =	sld [smem:$0x3FAC]  }
0x29: {  	s4 =	sld [smem:$0x3FAE]  }
0x2a: {  	p0 =	seq.s32 s5, $0x0;
	s5 =	sld [smem:$0x3FAF]  }
0x2b: {  	s6 =	sld [smem:$0x3FB0]  }
0x2c: {  	s7 =	sld [smem:$0x3FB1]  }
0x2d: {  	s3 =	simm.s32 $0x108;
	s8 =	sld [smem:$0x3FB2]  }
0x2e: {  	s3 =	simm.s32 @!p0 $0x1082;
	s9 =	sld [smem:$0x3FB3]  }
0x2f: {  	lr =	sadd.s32 s0, s3;
	s0 =	sld [smem:$0x3FAA]  }
0x30: {  	s3 =	sld [smem:$0x3FAD]  }
0x31: {  	[smem:$0x3FB6] =	sst s10  }
0x32: {  	s10 =	sld [smem:$0x3FB4];
	_ =	sdelay $0x3  }
0x33: {  	p0 =	seq.s32 s10, $0x1;
	s10 =	sld [smem:$0x3FB6];
	_ =	sdelay $0x3  }
0x34: {  	[smem:$0x3FB6] =	sst s10  }
0x35: {  	s10 =	sld [smem:$0x3FB5];
	_ =	sdelay $0x3  }
0x36: {  	p1 =	seq.s32 s10, $0x1;
	s10 =	sld [smem:$0x3FB6];
	_ =	sdelay $0x3  }
0x37: {  	[smem:$0x3FB6] =	sst s10  }
0x38: {  	s10 =	sld [smem:$0x3FB7]  }
0x39: {  	_ = 	snop;
	(pc) =	sbr.ind lr, $3  }
0x3a: {  	_ = 	snop  }
0x3b: {  	_ = 	snop  }
0x3c: {  	p2 =	seq.s32 s10, $0x1;
	s10 =	sld [smem:$0x3FB6]  }
0x3d: {  	_ =	shalt  }
0x3e: {  	_ =	shalt  }
0x3f: {  	_ =	shalt  }
0x40: {  	_ =	shalt  }
0x41: {  	_ =	shalt  }
0x42: {  	_ =	shalt  }
0x43: {  	_ =	shalt  }
0x44: {  	_ =	shalt  }
0x45: {  	_ =	shalt  }
0x46: {  	_ =	shalt  }
0x47: {  	_ =	shalt  }
0x48: {  	_ =	shalt  }
0x49: {  	_ =	shalt  }
0x4a: {  	_ =	shalt  }
0x4b: {  	_ =	shalt  }
0x4c: {  	_ =	shalt  }
0x4d: {  	_ =	shalt  }
0x4e: {  	_ =	shalt  }
0x4f: {  	_ =	shalt  }
0x50: {  	_ =	shalt  }
0x51: {  	_ =	shalt  }
0x52: {  	_ =	shalt  }
0x53: {  	_ =	shalt  }
0x54: {  	_ =	shalt  }
0x55: {  	_ =	shalt  }
0x56: {  	_ =	shalt  }
0x57: {  	_ =	shalt  }
0x58: {  	_ =	shalt  }
0x59: {  	_ =	shalt  }
0x5a: {  	_ =	shalt  }
0x5b: {  	_ =	shalt  }
0x5c: {  	_ =	shalt  }
0x5d: {  	_ =	shalt  }
0x5e: {  	_ =	shalt  }
0x5f: {  	_ =	shalt  }
0x60: {  	_ =	shalt  }
0x61: {  	_ =	shalt  }
0x62: {  	_ =	shalt  }
0x63: {  	_ =	shalt  }
0x64: {  	_ =	shalt  }
0x65: {  	_ =	shalt  }
0x66: {  	_ =	shalt  }
0x67: {  	_ =	shalt  }
0x68: {  	_ =	shalt  }
0x69: {  	_ =	shalt  }
0x6a: {  	_ =	shalt  }
0x6b: {  	_ =	shalt  }
0x6c: {  	_ =	shalt  }
0x6d: {  	_ =	shalt  }
0x6e: {  	_ =	shalt  }
0x6f: {  	_ =	shalt  }
0x70: {  	_ =	shalt  }
0x71: {  	_ =	shalt  }
0x72: {  	_ =	shalt  }
0x73: {  	_ =	shalt  }
0x74: {  	_ =	shalt  }
0x75: {  	_ =	shalt  }
0x76: {  	_ =	shalt  }
0x77: {  	_ =	shalt  }
0x78: {  	_ =	shalt  }
0x79: {  	_ =	shalt  }
0x7a: {  	_ =	shalt  }
0x7b: {  	_ =	shalt  }
0x7c: {  	_ =	shalt  }
0x7d: {  	_ =	shalt  }
0x7e: {  	_ =	shalt  }
0x7f: {  	_ =	shalt  }
0x80: {  	_ =	shalt  }
0x81: {  	_ =	shalt  }
0x82: {  	_ =	shalt  }
0x83: {  	_ =	shalt  }
0x84: {  	_ =	shalt  }
0x85: {  	_ =	shalt  }
0x86: {  	_ =	shalt  }
0x87: {  	_ =	shalt  }
.Lfunc_end0:
.L_simem_size_0:
called_computation.1_lowered:
.L_overlay_start_0:
0x88: {  	s2 =	sld [smem:$0x3FD9]  }
0x89: {  	s3 =	sld [smem:$0x3FFE];
	_ =	sdelay $0x1  }
0x8a: {  	s1 =	srdreg.scid  }
0x8b: {  	s0 =	sand.u32 $0x1, s1  }
0x8c: {  	s14 =	sshll.u32 s0, $0xA;
	s2 =	sadd.s32 s3, s2  }
0x8d: {  	s2 =	sadd.s32 s2, s14  }
0x8e: {  	[smem:$0x3FC2] =	sst s2  }
0x8f: {  	_ = 	snop  }
0x90: {  	s2 =	sld [smem:$0x3FC8]  }
0x91: {  	s15 =	sld [smem:$0x3FD0]  }
0x92: {  	s4 =	sld [smem:$0x3FC7]  }
0x93: {  	s5 =	sld [smem:$0x3FC6]  }
0x94: {  	s7 =	simm.s32 $0xA;
	s8 =	simm.s32 $0x10;
	s6 =	sld [smem:$0x3FC4]  }
0x95: {  	[smem:s8], [sflag:s7] =	dma.local [hbm:s15], $0x1  }
0x96: {  	_ =	swait.eq [sflag:s7], $0x1  }
0x97: {  	[sflag:s7] =	ssyncset.done $0x0  }
0x98: {  	[sflag:s7] =	ssyncadd.s32 $0xFFFFFFFF  }
0x99: {  	s16 =	sld [smem:$0x11];
	(tm) =	ssettm $0x1  }
0x9a: {  	s17 =	sld [smem:$0x3FFB];
	_ =	sdelay $0x3  }
0x9b: {  	_ =	strace s17  }
0x9c: {  	s7 =	sld [smem:$0x3FFC];
	_ =	sdelay $0x3  }
0x9d: {  	_ =	strace s7  }
0x9e: {  	s7 =	sld [smem:$0x3FFD];
	_ =	sdelay $0x3  }
0x9f: {  	_ =	strace s7  }
0xa0: {  	_ =	strace $0x8FFFFFFF  }
0xa1: {  	s18 =	sld [smem:$0x3FDB];
	_ =	sdelay $0x1  }
0xa2: {  	s19 =	simm.s32 $_scs_section_size  }
0xa3: {  	s9 =	simm.s32 $_size__tile_overlayer_lowered;
	s10 =	simm.s32 $_tile_overlayer_lowered  }
0xa4: {  	s22 =	simm.s32 $0x1BFF;
	s21 =	sshll.u32 s10, $0x1;
	s7 =	sadd.s32 s19, s18  }
0xa5: {  	s11 =	simm.s32 $0x0;
	s20 =	sshll.u32 s9, $0x1;
	s9 =	sadd.s32 s21, s7  }
0xa6: {  	[timem:s11], [sflag:s22] =	dma.local [hbm:s9], s20  }
0xa7: {  	_ =	swait.ge [sflag:s22], s20  }
0xa8: {  	s8 =	ssub.s32 $0x0, s20;
	[sflag:s22] =	ssyncset.done $0x0  }
0xa9: {  	[sflag:s22] =	ssyncadd.s32 s8;
	_ =	sdelay $0x1  }
0xaa: {  	s23 =	simm.s32 $0x1B8B  }
0xab: {  	_ =	swait.ge [sflag:s23], $0x1  }
0xac: {  	[sflag:s23] =	ssyncset.done $0x0  }
0xad: {  	s25 =	simm.s32 $0x1B8E;
	s24 =	sld [smem:$0x3FFE];
	[sflag:s23] =	ssyncadd.s32 $0xFFFFFFFF  }
0xae: {  	s26 =	simm.s32 $execute0_lowered;
	[smem:$0x3FD2] =	sst s25  }
0xaf: {  	s9 =	sshll.u32 s26, $0x1;
	_ =	strace $0x80000049;
	[dreg:$0x1] =	wrdreg $0xFFFFFFFF  }
0xb0: {  	s28 =	simm.s32 $_size_execute0_lowered;
	s7 =	sadd.s32 s7, s9;
	[dreg:$0x0] =	wrdreg $0x0  }
0xb1: {  	s9 =	sshll.u32 s28, $0x1;
	[dreg:$0x2] =	wrdreg s7  }
0xb2: {  	[dreg:$0x3] =	wrdreg s9  }
0xb3: {  	[dreg:$0x4] =	wrdreg $0xC0  }
0xb4: {  	_ =	task [dreg:s11], $0x5FFFF  }
0xb5: {  	[dreg:$0x1] =	wrdreg $0xFFFFFFFF  }
0xb6: {  	[dreg:$0x0] =	wrdreg $0x60  }
0xb7: {  	[dreg:$0x2] =	wrdreg s24  }
0xb8: {  	[dreg:$0x3] =	wrdreg s2  }
0xb9: {  	[dreg:$0x4] =	wrdreg s4  }
0xba: {  	[dreg:$0x5] =	wrdreg s5  }
0xbb: {  	[dreg:$0x6] =	wrdreg s6  }
0xbc: {  	[dreg:$0x7] =	wrdreg s16  }
0xbd: {  	[dreg:$0x8] =	wrdreg $0x9  }
0xbe: {  	_ =	task.clear_ibuf [dreg:s11], $0x9FFFF;
	_ =	strace $0x90000049  }
0xbf: {  	s29 =	simm.s32 $0x9;
	_ =	strace $0x8000004B  }
0xc0: {  	_ =	swait.ge [sflag:s29], $0x1  }
0xc1: {  	[sflag:s29] =	ssyncadd.s32 $0xFFFFFFFF  }
0xc2: {  	_ =	strace $0x9000004B  }
0xc3: {  	_ =	sfence  }
0xc4: {  	s30 =	sld [smem:$0x0];
	_ =	sdelay $0x2  }
0xc5: {  	s31 =	sshll.u32 s1, $0xD;
	s1 =	sshrl.u32 s1, $0x2  }
0xc6: {  	s3 =	sand.u32 $0x4000, s31;
	s1 =	sadd.s32 s1, s30  }
0xc7: {  	s0 =	sor.u32 s3, s0;
	s1 =	sshll.u32 s1, $0x11  }
0xc8: {  	s0 =	sor.u32 s1, s0  }
0xc9: {  	s0 =	sadd.s32 $0x8F2B, s0  }
0xca: {  	[sflag:s0] =	ssyncadd.remote.s32 $0x1  }
0xcb: {  	_ =	sfence.sel $0xFFFF  }
0xcc: {  	[dreg:$0x0] =	wrdreg $0xFFFFFFFF;
	(pc) =	sbr.abs _section_cstart, $3  }
0xcd: {  	[dreg:$0x1] =	wrdreg $0xFFFFFFFF  }
0xce: {  	_ =	task.clear_ibuf [dreg:s11], $0x2FFFF;
	_ =	strace $0x9FFFFFFF  }
0xcf: {  	(tm) =	ssettm $0x7FFFFFFF  }
tec
execute0_lowered:
.L_overlay_start_1:
0x0: {  	(tag) =	ssettag $0x1  }
0x1: {  	s1 =	rddreg [dreg:$0x0]  }
0x2: {  	s0 =	rddreg [dreg:$0x1]  }
0x3: {  	s2 =	rddreg [dreg:$0x2]  }
0x4: {  	s3 =	rddreg [dreg:$0x3]  }
0x5: {  	s4 =	srdreg.scid;
	s13 =	stileid.u32  }
0x6: {  	s6 =	rddreg [dreg:$0x5];
	s7 =	simm.s32 $0x0;
	s28 =	simm.s32 $0x7  }
0x7: {  	s4 =	sand.u32 $0x1, s4;
	s5 =	sshll.u32 s13, $0x1;
	s24 =	smul.u32 $0xC350, s13  }
0x8: {  	s5 =	sor.u32 s4, s5;
	s10 =	ssub.s32 $0x2, s4;
	s4 =	smul.u32 $0x61A8, s4  }
0x9: {  	[smem:$0x7FF] =	sst s7;
	s8 =	smul.u32 $0x61A8, s5;
	s11 =	sshrl.u32 s10, $0x1  }
0xa: {  	_ =	strace $0x8000004A;
	s15 =	ssub.s32 s10, s11;
	s31 =	sadd.s32 s4, s24  }
0xb: {  	s12 =	sshrl.u32 s8, $0x3;
	s30 =	smax.u32 s15, $0x1;
	[dreg:$0x14] =	wrdreg s31  }
0xc: {  	s5 =	smul.u32 $0x1880, s5;
	s17 =	sadd.s32 s2, s12;
	[dreg:$0x13] =	wrdreg s30  }
0xd: {  	s9 =	sadd.s32 $0x1000, s1;
	s18 =	sadd.s32 s3, s12;
	[dreg:$0x7] =	wrdreg s17  }
0xe: {  	s1 =	sadd.s32 s5, s1;
	s19 =	sadd.s32 s0, s12;
	[dreg:$0x8] =	wrdreg s18  }
0xf: {  	s14 =	simm.s32 $0x18900;
	s29 =	sadd.s32 $0x19800, s1;
	[dreg:$0x9] =	wrdreg s19  }
0x10: {  	s20 =	sadd.s32 $0x10, s12;
	s1 =	sadd.s32 $0x4A800, s1;
	[dreg:$0x11] =	wrdreg s29  }
0x11: {  	v0 =	vimm.s32 $0xFFEDCBA9;
	v1 =	vimm.s32 $0x87654321;
	s13 =	simm.s32 $0x18800;
	s21 =	sadd.s32 s2, s20;
	[dreg:$0x12] =	wrdreg s1  }
0x12: {  	v0 =	vunpack.c.l.s4.s8 v0;
	v1 =	vunpack.c.l.s4.s8 v1;
	s4 =	simm.s32 $0x18C00;
	s22 =	sadd.s32 s3, s20;
	[dreg:$0xa] =	wrdreg s21  }
0x13: {  	s23 =	sadd.s32 $0xC30, s12;
	s10 =	sadd.s32 s0, s20;
	[dreg:$0xb] =	wrdreg s22  }
0x14: {  	v2 =	vunpack.c.0.s8.s32 v0;
	v1 =	vunpack.c.0.s8.s32 v1;
	s11 =	simm.s32 $0x0;
	s12 =	sadd.s32 s2, s23;
	[dreg:$0xc] =	wrdreg s10  }
0x15: {  	s16 =	sadd.s32 $0x100, s8;
	s25 =	sadd.s32 s3, s23;
	[dreg:$0xd] =	wrdreg s12  }
0x16: {  	v0 =	vlaneseq.u32;
	v4 =	vcombine.low v1, v2;
	s5 =	simm.s32 $0xC400;
	s26 =	sadd.s32 s0, s23;
	[dreg:$0xe] =	wrdreg s25  }
0x17: {  	vm0 =	vcmask $0x3F3C;
	v3 =	vor.u32 $0x80000000, v0;
	s19 =	simm.s32 $0x80;
	[dreg:$0xf] =	wrdreg s26;
	s10 =	sadd.s32 s6, s23  }
0x18: {  	v1 =	vimm.s32 $0xFFFFFFFF;
	v2 =	vmul.u32 $0x10, v0;
	s1 =	simm.s32 $0x19C00;
	v4 =	vand.u32 $0xF, v4;
	s25 =	sadd.s32 $0x6180, s31;
	[dreg:$0x10] =	wrdreg s10  }
.LBB2_1:
0x19: {  	[dreg:$0x15] =	wrdreg s11  }
0x1a: {  	s10 =	rddreg [dreg:$0x4];
	s17 =	simm.s32 $0x1AC00  }
0x1b: {  	[tilespmem:s17], [sflag:$0x7] =	stream.linear.gather [hbm4b:s10+s7], $0x10, $0x38;
	[tilespmem:$0x1AC10] =	vst v63  }
0x1c: {  	_ =	swait.ge [sflag:s28], $0x10  }
0x1d: {  	[sflag:s28] =	ssyncset.done $0x0  }
0x1e: {  	s18 =	rddreg [dreg:$0x7];
	[sflag:s28] =	ssyncadd.s32 $0xFFFFFFF0  }
0x1f: {  	v20 =	vld [tilespmem:$0x1AC00];
	[tilespmem:s13], [sflag:$0x1] =	stream.linear.gather [hbm4b:s18+s7], $0x80, $0x38  }
0x20: {  	s20 =	rddreg [dreg:$0x8]  }
0x21: {  	[tilespmem:s14], [sflag:$0x1] =	stream.linear.gather [hbm4b:s20+s7], $0x80, $0x38;
	[tilespmem:$0x1AC10] =	vst v63  }
0x22: {  	s22 =	simm.s32 $0x18A00;
	s21 =	rddreg [dreg:$0x9]  }
0x23: {  	[tilespmem:s22], [sflag:$0x1] =	stream.linear.gather [hbm4b:s21+s7], $0x80, $0x38;
	[tilespmem:$0x1AC10] =	vst v63  }
0x24: {  	s24 =	simm.s32 $0x18880;
	s23 =	rddreg [dreg:$0xa]  }
0x25: {  	[tilespmem:s24], [sflag:$0x2] =	stream.linear.gather [hbm4b:s23+s7], $0x80, $0x38;
	[tilespmem:$0x1AC10] =	vst v63  }
0x26: {  	s29 =	simm.s32 $0x18980;
	s31 =	simm.s32 $0x18A80;
	s26 =	rddreg [dreg:$0xb]  }
0x27: {  	[tilespmem:s29], [sflag:$0x2] =	stream.linear.gather [hbm4b:s26+s7], $0x80, $0x38;
	[tilespmem:$0x1AC10] =	vst v63  }
0x28: {  	s11 =	simm.s32 $0x0;
	s10 =	simm.s32 $0x40;
	s30 =	rddreg [dreg:$0xc]  }
0x29: {  	[tilespmem:s31], [sflag:$0x2] =	stream.linear.gather [hbm4b:s30+s7], $0x80, $0x38;
	[tilespmem:$0x1AC10] =	vst v63  }
.LBB2_2:
0x2a: {  	p0 =	sne.s32 s10, $0x30FC0;
	[tilespmem:s11+$0x0] =	vst v1;
	s12 =	smov.u32 s10;
	s10 =	sadd.s32 $0x40, s10  }
.Ltmp0:
0x2b: {  	[tilespmem:s11+$0xC400] =	vst v1;
	(pc) =	sbr.rel @p0 .LBB2_2-.Ltmp0, $2  }
0x2c: {  	_ =	sdelay $0x2  }
0x2d: {  	s11 =	sshra.s32 s12, $0x2  }
0x2e: {  	[tilespmem:s11+$0x0] =	vst v1  }
0x2f: {  	[tilespmem:s11+$0xC400] =	vst v1;
	s10 =	simm.s32 $0x1  }
0x30: {  	_ =	swait.ge [sflag:s10], $0x80  }
0x31: {  	[sflag:s10] =	ssyncset.done $0x0  }
0x32: {  	[sflag:s10] =	ssyncadd.s32 $0xFFFFFF80  }
0x33: {  	_ =	swait.ge [sflag:s10], $0x80  }
0x34: {  	v5 =	vbroadcast v20, $0x0;
	v6 =	vbroadcast v20, $0x1;
	[sflag:s10] =	ssyncset.done $0x0  }
0x35: {  	v7 =	vbroadcast v20, $0x2;
	v8 =	vbroadcast v20, $0x3;
	[sflag:s10] =	ssyncadd.s32 $0xFFFFFF80  }
0x36: {  	v9 =	vbroadcast v20, $0x4;
	v10 =	vbroadcast v20, $0x5;
	_ =	swait.ge [sflag:s10], $0x80  }
0x37: {  	v11 =	vbroadcast v20, $0x6;
	v12 =	vbroadcast v20, $0x7;
	[sflag:s10] =	ssyncset.done $0x0  }
0x38: {  	v13 =	vbroadcast v20, $0x8;
	v14 =	vbroadcast v20, $0x9;
	[sflag:s10] =	ssyncadd.s32 $0xFFFFFF80  }
0x39: {  	v15 =	vbroadcast v20, $0xA;
	v16 =	vbroadcast v20, $0xB;
	[tilespmem:s4], [sflag:$0x3] =	stream.indirect.gather [hbm4b:s9+s19], $0x10, s13, s19, $0xb8;
	[tilespmem:$0x1AC10] =	vst v63  }
0x3a: {  	v17 =	vbroadcast v20, $0xC;
	v18 =	vbroadcast v20, $0xD;
	s12 =	simm.s32 $0x0;
	p0 =	por $0x0, $0x0;
	s24 =	rddreg [dreg:$0x14]  }
0x3b: {  	v19 =	vbroadcast v20, $0xE;
	v20 =	vbroadcast v20, $0xF;
	[tilespmem:s1], [sflag:$0x3] =	stream.indirect.gather [hbm4b:s9+s19], $0x10, s14, s19, $0xb8;
	[tilespmem:$0x1AC10] =	vst v63  }
.LBB2_4:
0x3c: {  	s13 =	sand.u32 $0x1, s12  }
0x3d: {  	s10 =	sadd.s32 $0x3, s13  }
0x3e: {  	_ =	swait.ge [sflag:s10], $0x800  }
0x3f: {  	[sflag:s10] =	ssyncset.done $0x0  }
0x40: {  	[sflag:s10] =	ssyncadd.s32 $0xFFFFF800  }
0x41: {  	p1 =	seq.s32 s12, $0xC2;
	_ =	swait.ge [sflag:s10], $0x800  }
0x42: {  	s11 =	sxor.u32 @!p1 $0x1, s13;
	[sflag:s10] =	ssyncset.done $0x0  }
0x43: {  	[sflag:s10] =	ssyncadd.s32 $0xFFFFF800;
	s10 =	sadd.s32 @!p1 $0x1, s11  }
0x44: {  	_ =	swait.ge @!p1 [sflag:s10], $0x80  }
0x45: {  	[sflag:s10] =	ssyncset.done @!p1 $0x0  }
0x46: {  	[sflag:s10] =	ssyncadd.s32 @!p1 $0xFFFFFF80  }
0x47: {  	_ =	swait.ge @!p1 [sflag:s10], $0x80  }
0x48: {  	[sflag:s10] =	ssyncset.done @!p1 $0x0  }
0x49: {  	[sflag:s10] =	ssyncadd.s32 @!p1 $0xFFFFFF80  }
0x4a: {  	_ =	swait.ge @!p1 [sflag:s10], $0x80  }
0x4b: {  	s21 =	simm.s32 $0x0;
	s18 =	simm.s32 @!p1 $0x80;
	[sflag:s10] =	ssyncset.done @!p1 $0x0  }
0x4c: {  	s14 =	sshll.u32 @!p1 s11, $0x7;
	[sflag:s10] =	ssyncadd.s32 @!p1 $0xFFFFFF80;
	s10 =	sshll.u32 @!p1 s11, $0xB  }
0x4d: {  	s15 =	sor.u32 @!p1 $0x18800, s14;
	s11 =	sadd.s32 @!p1 $0x3, s11;
	s17 =	sadd.s32 @!p1 $0x18C00, s10  }
0x4e: {  	[tilespmem:s17], [sflag:s11] =	stream.indirect.gather @!p1 [hbm4b:s9+s18], $0x10, s15, s18, $0xb8;
	[tilespmem:$0x1AC10] =	vst v63  }
0x4f: {  	p2 =	slt.u32 @!p1 s12, $0x2;
	v21 =	vmov s21;
	s14 =	sor.u32 @!p1 $0x18900, s14;
	s10 =	sadd.s32 @!p1 $0x19C00, s10  }
0x50: {  	v21 =	vshll.u32 v21, $0x4;
	[tilespmem:s10], [sflag:s11] =	stream.indirect.gather @!p1 [hbm4b:s9+s18], $0x10, s14, s18, $0xb8;
	[tilespmem:$0x1AC10] =	vst v63  }
0x51: {  	v23 =	vor.u32 v2, v21;
	p1 =	por p1, !p2;
	s14 =	sadd.s32 $0x5, s13;
	s10 =	simm.s32 $0x1  }
0x52: {  	_ =	swait.ge @p1 [sflag:s14], $0x80;
	s10 =	simm.s32 @!p0 $0x0  }
0x53: {  	v22 =	vor.u32 $0x1, v23;
	[sflag:s14] =	ssyncset.done @p1 $0x0;
	s10 =	sshll.u32 s10, $0x7  }
0x54: {  	s22 =	sshll.u32 s13, $0xB;
	v24 =	vor.u32 $0x2, v23;
	[sflag:s14] =	ssyncadd.s32 @p1 $0xFFFFFF80;
	s15 =	sor.u32 $0x18A00, s10  }
0x55: {  	v25 =	vor.u32 $0x3, v23;
	s17 =	sadd.s32 $0x18C00, s22;
	v21 =	vld [tilespmem:s15+$0x0]  }
0x56: {  	s18 =	sadd.s32 $0x19C00, s22;
	v26 =	vld.idx.msk [tilespmem:v23+s17+$0x0], $0xffff  }
0x57: {  	v28 =	vor.u32 $0x4, v23;
	v27 =	vld.idx.msk [tilespmem:v23+s18+$0x0], $0xffff  }
0x58: {  	v29 =	vld.idx.msk [tilespmem:v22+s17+$0x0], $0xffff  }
0x59: {  	v30 =	vld.idx.msk [tilespmem:v24+s17+$0x0], $0xffff  }
0x5a: {  	v32 =	vld.idx.msk [tilespmem:v25+s17+$0x0], $0xffff;
	v31 =	vsub.f32 $0.0e+00, v21  }
0x5b: {  	v22 =	vld.idx.msk [tilespmem:v22+s18+$0x0], $0xffff;
	v26 =	vsub.f32 $0.0e+00, v26  }
0x5c: {  	v33 =	vor.u32 $0x5, v23;
	v35 =	vld.idx.msk [tilespmem:v28+s17+$0x0], $0xffff;
	v31 =	vmul.f32 $1.442695020e+00, v31  }
0x5d: {  	v34 =	vor.u32 $0x6, v23;
	v29 =	vsub.f32 $0.0e+00, v29;
	v26 =	vmul.f32 $1.442695020e+00, v26  }
0x5e: {  	v27 =	vmul.f32 $1.442695020e+00, v27;
	v30 =	vsub.f32 $0.0e+00, v30;
	(erf) = vpow2.f32 v31  }
0x5f: {  	v45 =	vor.u32 $0x7, v23;
	v24 =	vld.idx.msk [tilespmem:v24+s18+$0x0], $0xffff;
	v29 =	vmul.f32 $1.442695020e+00, v29;
	(erf) = vpow2.f32 v26  }
0x60: {  	v25 =	vld.idx.msk [tilespmem:v25+s18+$0x0], $0xffff;
	v47 =	vsub.f32 $0.0e+00, v32;
	v46 =	vmul.f32 $1.442695020e+00, v30;
	(erf) = vpow2.f32 v27  }
0x61: {  	v48 =	vld.idx.msk [tilespmem:v33+s17+$0x0], $0xffff;
	v22 =	vmul.f32 $1.442695020e+00, v22;
	v49 =	vsub.f32 $0.0e+00, v35;
	(erf) = vpow2.f32 v29  }
0x62: {  	v28 =	vld.idx.msk [tilespmem:v28+s18+$0x0], $0xffff;
	v30 =	vmul.f32 $1.442695020e+00, v47;
	(erf) = vpow2.f32 v46  }
0x63: {  	v50 =	vor.u32 $0x8, v23;
	v51 =	vld.idx.msk [tilespmem:v34+s17+$0x0], $0xffff;
	(erf) = vpow2.f32 v22;
	v22 =	vmul.f32 $1.442695020e+00, v49  }
0x64: {  	v33 =	vld.idx.msk [tilespmem:v33+s18+$0x0], $0xffff  }
0x65: {  	v52 =	vld.idx.msk [tilespmem:v45+s17+$0x0], $0xffff;
	v24 =	vmul.f32 $1.442695020e+00, v24;
	(erf) = vpow2.f32 v30  }
0x66: {  	v25 =	vmul.f32 $1.442695020e+00, v25;
	v53 =	vsub.f32 $0.0e+00, v48;
	(erf) = vpow2.f32 v22  }
0x67: {  	v54 =	vor.u32 $0x9, v23;
	v28 =	vmul.f32 $1.442695020e+00, v28;
	v22 =	vpop (erf);
	(erf) = vpow2.f32 v24  }
0x68: {  	v55 =	vld.idx.msk [tilespmem:v50+s17+$0x0], $0xffff;
	v32 =	vsub.f32 $0.0e+00, v51;
	v30 =	vmul.f32 $1.442695020e+00, v53;
	v56 =	vpop (erf);
	(erf) = vpow2.f32 v25  }
0x69: {  	v33 =	vmul.f32 $1.442695020e+00, v33;
	v26 =	vld.idx.msk [tilespmem:v45+s18+$0x0], $0xffff;
	v57 =	vadd.f32 v56, v22;
	v58 =	vpop (erf);
	(erf) = vpow2.f32 v28  }
0x6a: {  	v59 =	vmul.f32 $1.442695020e+00, v32;
	v29 =	vsub.f32 $0.0e+00, v52;
	v60 =	vpop (erf);
	(erf) = vpow2.f32 v30  }
0x6b: {  	v25 =	vadd.f32 v57, v58;
	v61 =	vadd.f32 v60, v22;
	(erf) = vpow2.f32 v33;
	v62 =	vpop (erf)  }
0x6c: {  	v29 =	vmul.f32 $1.442695020e+00, v29;
	(erf) = vpow2.f32 v59;
	v40 =	vpop (erf)  }
0x6d: {  	v35 =	vor.u32 $0xD, v23;
	v27 =	vld.idx.msk [tilespmem:v50+s18+$0x0], $0xffff;
	(erf) = vrcp.f32 v25;
	v41 =	vadd.f32 v61, v40  }
0x6e: {  	v43 =	vld.idx.msk [tilespmem:v34+s18+$0x0], $0xffff;
	v26 =	vmul.f32 $1.442695020e+00, v26;
	v24 =	vsub.f32 $0.0e+00, v55;
	v42 =	vpop (erf);
	(erf) = vpow2.f32 v29  }
0x6f: {  	v63 =	vor.u32 $0xA, v23;
	v44 =	vadd.f32 v62, v22;
	v45 =	vpop (erf);
	(erf) = vrcp.f32 v41  }
0x70: {  	v46 =	vld.idx.msk [tilespmem:v54+s17+$0x0], $0xffff;
	v24 =	vmul.f32 $1.442695020e+00, v24;
	v47 =	vpop (erf);
	(erf) = vpow2.f32 v26  }
0x71: {  	v48 =	vor.u32 $0xB, v23;
	v32 =	vadd.f32 v45, v22;
	v30 =	vadd.f32 v44, v47;
	v49 =	vpop (erf)  }
0x72: {  	v31 =	vld.idx.msk [tilespmem:v54+s18+$0x0], $0xffff;
	v27 =	vmul.f32 $1.442695020e+00, v27;
	v28 =	vadd.f32 v42, v22;
	(erf) = vpow2.f32 v24;
	v37 =	vpop (erf)  }
0x73: {  	v36 =	vld.idx.msk [tilespmem:v35+s18+$0x0], $0xffff;
	v53 =	vmul.f32 $1.442695020e+00, v43;
	v32 =	vadd.f32 v32, v37;
	(erf) = vrcp.f32 v30;
	v51 =	vpop (erf)  }
0x74: {  	v50 =	vld.idx.msk [tilespmem:v63+s17+$0x0], $0xffff;
	v28 =	vadd.f32 v28, v49;
	v30 =	vadd.f32 v51, v22;
	v52 =	vpop (erf);
	(erf) = vpow2.f32 v27  }
0x75: {  	v62 =	vor.u32 $0xE, v23;
	v25 =	vsub.f32 $0.0e+00, v46;
	(erf) = vrcp.f32 v32;
	v54 =	vpop (erf)  }
0x76: {  	v30 =	vadd.f32 v30, v52;
	v56 =	vpop (erf);
	(erf) = vrcp.f32 v28  }
0x77: {  	v55 =	vor.u32 $0xC, v23;
	v57 =	vld.idx.msk [tilespmem:v48+s17+$0x0], $0xffff;
	v25 =	vmul.f32 $1.442695020e+00, v25;
	(erf) = vpow2.f32 v53;
	v58 =	vpop (erf)  }
0x78: {  	v36 =	vmul.f32 $1.442695020e+00, v36;
	v33 =	vld.idx.msk [tilespmem:v63+s18+$0x0], $0xffff;
	v27 =	vadd.f32 v58, v22;
	(erf) = vrcp.f32 v30;
	v59 =	vpop (erf)  }
0x79: {  	v61 =	vmul.f32 $1.442695020e+00, v31;
	v41 =	vld.idx.msk [tilespmem:v48+s18+$0x0], $0xffff;
	v24 =	vsub.f32 $0.0e+00, v50;
	v60 =	vpop (erf);
	(erf) = vpow2.f32 v25  }
0x7a: {  	v48 =	vld.idx.msk [tilespmem:v62+s17+$0x0], $0xffff;
	v27 =	vadd.f32 v27, v60;
	(erf) = vpow2.f32 v36  }
0x7b: {  	v31 =	vld.idx.msk [tilespmem:v62+s18+$0x0], $0xffff;
	v24 =	vmul.f32 $1.442695020e+00, v24;
	v40 =	vpop (erf);
	(erf) = vpow2.f32 v61  }
0x7c: {  	v63 =	vld.idx.msk [tilespmem:v55+s17+$0x0], $0xffff;
	v23 =	vor.u32 $0xF, v23;
	v42 =	vpop (erf);
	(erf) = vrcp.f32 v27  }
0x7d: {  	v43 =	vld.idx.msk [tilespmem:v35+s17+$0x0], $0xffff;
	v33 =	vmul.f32 $1.442695020e+00, v33;
	v28 =	vsub.f32 $0.0e+00, v57;
	v44 =	vpop (erf);
	(erf) = vpow2.f32 v24  }
0x7e: {  	v29 =	vadd.f32 v54, v22;
	v52 =	vmul.f32 $1.442695020e+00, v41;
	v45 =	vadd.f32 v40, v22;
	v46 =	vpop (erf)  }
0x7f: {  	v34 =	vsub.f32 $0.0e+00, v48;
	v28 =	vmul.f32 $1.442695020e+00, v28;
	v38 =	vpop (erf);
	(erf) = vpow2.f32 v33  }
0x80: {  	v32 =	vld.idx.msk [tilespmem:v55+s18+$0x0], $0xffff;
	v31 =	vmul.f32 $1.442695020e+00, v31;
	v47 =	vmul.f32 v56, v5;
	v24 =	vadd.f32 v45, v44;
	v49 =	vpop (erf)  }
0x81: {  	v36 =	vsub.f32 $0.0e+00, v63;
	(erf) = vpow2.f32 v28;
	v29 =	vadd.f32 v29, v49;
	v50 =	vpop (erf)  }
0x82: {  	v58 =	vmul.f32 $1.442695020e+00, v34;
	v27 =	vsub.f32 $0.0e+00, v43;
	(erf) = vrcp.f32 v24;
	v53 =	vpop (erf)  }
0x83: {  	v51 =	vld.idx.msk [tilespmem:v23+s17+$0x0], $0xffff;
	v36 =	vmul.f32 $1.442695020e+00, v36;
	(erf) = vrcp.f32 v29;
	v54 =	vpop (erf)  }
0x84: {  	v27 =	vmul.f32 $1.442695020e+00, v27;
	v25 =	vadd.f32 v53, v22;
	(erf) = vpow2.f32 v52;
	v55 =	vpop (erf)  }
0x85: {  	v32 =	vmul.f32 $1.442695020e+00, v32;
	(erf) = vpow2.f32 v36;
	v56 =	vpop (erf)  }
0x86: {  	v30 =	vmul.f32 v59, v6;
	v24 =	vadd.f32 v25, v55;
	(erf) = vpow2.f32 v27;
	v57 =	vpop (erf)  }
0x87: {  	v23 =	vld.idx.msk [tilespmem:v23+s18+$0x0], $0xffff;
	v33 =	vadd.f32 $0.0e+00, v47;
	(erf) = vpow2.f32 v32;
	v25 =	vadd.f32 v57, v22  }
0x88: {  	v26 =	vmul.f32 v42, v7;
	v28 =	vsub.f32 $0.0e+00, v51;
	(erf) = vrcp.f32 v24;
	v59 =	vpop (erf)  }
0x89: {  	v30 =	vadd.f32 v30, v33;
	(erf) = vpow2.f32 v58;
	v24 =	vadd.f32 v25, v59  }
0x8a: {  	v61 =	vmul.f32 $1.442695020e+00, v28;
	v60 =	vpop (erf);
	(erf) = vpow2.f32 v31  }
0x8b: {  	v62 =	vmul.f32 v38, v8;
	v26 =	vadd.f32 v26, v30;
	v63 =	vpop (erf);
	(erf) = vrcp.f32 v24  }
0x8c: {  	v23 =	vmul.f32 $1.442695020e+00, v23;
	v33 =	vpop (erf);
	(erf) = vpow2.f32 v61  }
0x8d: {  	v34 =	vmul.f32 v46, v9;
	v26 =	vadd.f32 v62, v26;
	v37 =	vpop (erf)  }
0x8e: {  	v25 =	vadd.f32 v60, v22;
	v38 =	vpop (erf);
	(erf) = vpow2.f32 v23  }
0x8f: {  	v39 =	vmul.f32 v50, v10;
	v23 =	vadd.f32 v34, v26;
	v40 =	vpop (erf)  }
0x90: {  	v25 =	vadd.f32 v25, v37;
	v41 =	vadd.f32 v38, v22;
	v42 =	vpop (erf)  }
0x91: {  	v24 =	vmul.f32 v33, v11;
	v23 =	vadd.f32 v39, v23;
	v43 =	vpop (erf)  }
0x92: {  	(erf) = vrcp.f32 v25;
	v27 =	vadd.f32 v40, v22;
	v44 =	vadd.f32 v41, v42;
	v45 =	vpop (erf)  }
0x93: {  	v46 =	vmul.f32 v56, v12;
	v23 =	vadd.f32 v24, v23;
	v47 =	vpop (erf)  }
0x94: {  	v27 =	vadd.f32 v27, v54;
	v28 =	vadd.f32 v45, v22;
	(erf) = vrcp.f32 v44;
	v48 =	vpop (erf)  }
0x95: {  	v49 =	vmul.f32 v63, v13;
	v23 =	vadd.f32 v46, v23;
	v50 =	vpop (erf)  }
0x96: {  	v28 =	vadd.f32 v28, v47;
	(erf) = vrcp.f32 v27;
	v51 =	vadd.f32 v50, v22  }
0x97: {  	v26 =	vmul.f32 v43, v14;
	v52 =	vpop (erf)  }
0x98: {  	v23 =	vadd.f32 v49, v23;
	(erf) = vrcp.f32 v28;
	v24 =	vadd.f32 v51, v52;
	_ =	sdelay $0x1  }
0x99: {  	v25 =	vmul.f32 v48, v15;
	v23 =	vadd.f32 v26, v23;
	(erf) = vrcp.f32 v24  }
0x9a: {  	v53 =	vpop (erf)  }
0x9b: {  	v24 =	vmul.f32 v53, v16;
	v23 =	vadd.f32 v25, v23  }
0x9c: {  	v54 =	vpop (erf)  }
0x9d: {  	v23 =	vadd.f32 v24, v23;
	v55 =	vmul.f32 v54, v17  }
0x9e: {  	v56 =	vpop (erf)  }
0x9f: {  	v23 =	vadd.f32 v55, v23;
	v57 =	vmul.f32 v56, v18  }
0xa0: {  	v58 =	vpop (erf)  }
0xa1: {  	v23 =	vadd.f32 v57, v23;
	v59 =	vmul.f32 v58, v19  }
0xa2: {  	v60 =	vpop (erf)  }
0xa3: {  	v23 =	vadd.f32 v59, v23;
	v61 =	vmul.f32 v60, v20;
	_ =	sdelay $0x1  }
0xa4: {  	v23 =	vadd.f32 v61, v23;
	_ =	sdelay $0x1  }
0xa5: {  	v22 =	vmul.f32 v23, v22;
	_ =	sdelay $0x1  }
0xa6: {  	v21 =	vsub.f32 v21, v22  }
0xa7: {  	s21 =	sor.u32 $0x18B00, s10  }
0xa8: {  	s22 =	sor.u32 $0x18800, s10;
	[tilespmem:s21+$0x0] =	vst v21  }
0xa9: {  	v21 =	vld [tilespmem:s22+$0x0];
	_ =	sdelay $0x4  }
0xaa: {  	s23 =	sadd.s32 $0x0, s24;
	v21 =	vshll.u32 v21, $0x4  }
0xab: {  	v22 =	vadd.s32 s23, v0;
	v21 =	vxor.u32 v3, v21  }
0xac: {  	(xrf1) =	vsort.ascd.msk.u32 $0xffff, v21, v22;
	_ =	sdelay $0xd  }
0xad: {  	v21, v23, _ =	vpop (xrf1)  }
0xae: {  	v62 =	vxor.u32 $0x80000000, v21  }
0xaf: {  	v63 =	vperm.xlane v62, v4;
	_ =	sdelay $0x1  }
0xb0: {  	v24 =	vshra.s32 v62, $0x4;
	v25 =	vshra.s32 v63, $0x4  }
0xb1: {  	s23 =	simm.s32 $0x80;
	v21 =	vand.u32 $0xF, v21;
	vm1 =	vne.s32 v24, v25  }
0xb2: {  	vm2 =	vlt.u32 v21, s23;
	vm1 =	vmor vm1, vm0  }
0xb3: {  	vm1 =	vmand vm2, vm1;
	_ =	sdelay $0x5  }
0xb4: {  	s26 =	sor.u32 $0x18900, s10;
	[tilespmem:v24+s7+$0x0] =	vst.idx.msk vm1, v23  }
0xb5: {  	v21 =	vld [tilespmem:s26+$0x0];
	_ =	sdelay $0x4  }
0xb6: {  	v21 =	vshll.u32 v21, $0x4  }
0xb7: {  	v21 =	vxor.u32 v3, v21  }
0xb8: {  	(xrf1) =	vsort.ascd.msk.u32 $0xffff, v21, v22;
	_ =	sdelay $0x6  }
0xb9: {  	s30 =	sshll.u32 s12, $0x7  }
0xba: {  	s19 =	sadd.s32 $0x1, s12;
	s29 =	simm.s32 $0x10;
	s20 =	sshll.u32 s13, $0x7  }
0xbb: {  	s10 =	sadd.s32 s8, s30;
	s31 =	sadd.s32 $0x10, s26;
	s26 =	simm.s32 $0x70  }
.LBB2_5:
0xbc: {  	s15 =	sadd.s32 $0x10, s15;
	s21 =	sadd.s32 $0x10, s21;
	s22 =	sadd.s32 $0x10, s22  }
0xbd: {  	p1 =	sne.s32 s29, $0x70;
	s11 =	smov.u32 s29;
	s29 =	sadd.s32 $0x10, s29  }
0xbe: {  	_ =	sdelay $0x1  }
0xbf: {  	v21, v22, _ =	vpop (xrf1)  }
0xc0: {  	v23 =	vxor.u32 $0x80000000, v21;
	v21 =	vand.u32 $0xF, v21  }
0xc1: {  	v24 =	vperm.xlane v23, v4;
	_ =	sdelay $0x1  }
0xc2: {  	v23 =	vshra.s32 v23, $0x4;
	v24 =	vshra.s32 v24, $0x4  }
0xc3: {  	vm1 =	vne.s32 v23, v24  }
0xc4: {  	vm2 =	vlt.u32 v21, s23;
	s23 =	smov.u32 s26;
	vm1 =	vmor vm1, vm0  }
0xc5: {  	vm1 =	vmand vm2, vm1;
	_ =	sdelay $0x1  }
0xc6: {  	v21 =	vmov s11  }
0xc7: {  	v21 =	vshll.u32 v21, $0x4  }
0xc8: {  	v30 =	vor.u32 v2, v21  }
0xc9: {  	v31 =	vor.u32 $0x1, v30;
	v32 =	vor.u32 $0x2, v30;
	v33 =	vor.u32 $0x3, v30  }
0xca: {  	v34 =	vor.u32 $0x4, v30;
	v35 =	vor.u32 $0x5, v30;
	v36 =	vor.u32 $0x6, v30;
	[tilespmem:v23+s5+$0x0] =	vst.idx.msk vm1, v22  }
0xcb: {  	v37 =	vor.u32 $0x7, v30;
	v38 =	vor.u32 $0x8, v30;
	v29 =	vor.u32 $0x9, v30  }
0xcc: {  	v28 =	vor.u32 $0xA, v30;
	v27 =	vor.u32 $0xB, v30;
	v25 =	vor.u32 $0xC, v30;
	v21 =	vld [tilespmem:s15+$0x0]  }
0xcd: {  	v26 =	vor.u32 $0xD, v30;
	v24 =	vor.u32 $0xE, v30;
	v23 =	vor.u32 $0xF, v30;
	v22 =	vld.idx.msk [tilespmem:v30+s17+$0x0], $0xffff  }
0xce: {  	v30 =	vld.idx.msk [tilespmem:v30+s18+$0x0], $0xffff  }
0xcf: {  	v39 =	vld.idx.msk [tilespmem:v31+s17+$0x0], $0xffff  }
0xd0: {  	v40 =	vld.idx.msk [tilespmem:v33+s17+$0x0], $0xffff  }
0xd1: {  	v41 =	vsub.f32 $0.0e+00, v21;
	v42 =	vld.idx.msk [tilespmem:v32+s17+$0x0], $0xffff  }
0xd2: {  	v43 =	vld.idx.msk [tilespmem:v26+s18+$0x0], $0xffff  }
0xd3: {  	v22 =	vsub.f32 $0.0e+00, v22;
	v41 =	vmul.f32 $1.442695020e+00, v41;
	v31 =	vld.idx.msk [tilespmem:v31+s18+$0x0], $0xffff  }
0xd4: {  	v44 =	vld.idx.msk [tilespmem:v34+s17+$0x0], $0xffff  }
0xd5: {  	v22 =	vmul.f32 $1.442695020e+00, v22;
	v39 =	vsub.f32 $0.0e+00, v39;
	v32 =	vld.idx.msk [tilespmem:v32+s18+$0x0], $0xffff  }
0xd6: {  	v45 =	vmul.f32 $1.442695020e+00, v30;
	(erf) = vpow2.f32 v41  }
0xd7: {  	v39 =	vmul.f32 $1.442695020e+00, v39;
	v41 =	vsub.f32 $0.0e+00, v42;
	v33 =	vld.idx.msk [tilespmem:v33+s18+$0x0], $0xffff;
	(erf) = vpow2.f32 v22  }
0xd8: {  	v22 =	vsub.f32 $0.0e+00, v40;
	v30 =	vmul.f32 $1.442695020e+00, v43;
	v40 =	vld.idx.msk [tilespmem:v35+s17+$0x0], $0xffff;
	(erf) = vpow2.f32 v45  }
0xd9: {  	v41 =	vmul.f32 $1.442695020e+00, v41;
	v34 =	vld.idx.msk [tilespmem:v34+s18+$0x0], $0xffff;
	(erf) = vpow2.f32 v39  }
0xda: {  	v31 =	vmul.f32 $1.442695020e+00, v31;
	v22 =	vmul.f32 $1.442695020e+00, v22;
	v39 =	vsub.f32 $0.0e+00, v44;
	v42 =	vld.idx.msk [tilespmem:v36+s17+$0x0], $0xffff  }
0xdb: {  	v32 =	vmul.f32 $1.442695020e+00, v32;
	v35 =	vld.idx.msk [tilespmem:v35+s18+$0x0], $0xffff;
	(erf) = vpow2.f32 v41  }
0xdc: {  	v39 =	vmul.f32 $1.442695020e+00, v39;
	v41 =	vld.idx.msk [tilespmem:v37+s17+$0x0], $0xffff;
	(erf) = vpow2.f32 v31  }
0xdd: {  	v31 =	vmul.f32 $1.442695020e+00, v33;
	(erf) = vpow2.f32 v22  }
0xde: {  	v33 =	vsub.f32 $0.0e+00, v40;
	v36 =	vld.idx.msk [tilespmem:v36+s18+$0x0], $0xffff;
	(erf) = vpow2.f32 v39  }
0xdf: {  	v34 =	vmul.f32 $1.442695020e+00, v34;
	v39 =	vld.idx.msk [tilespmem:v38+s17+$0x0], $0xffff;
	v22 =	vpop (erf);
	(erf) = vpow2.f32 v32  }
0xe0: {  	v32 =	vmul.f32 $1.442695020e+00, v33;
	v33 =	vsub.f32 $0.0e+00, v42;
	v40 =	vpop (erf);
	(erf) = vpow2.f32 v31  }
0xe1: {  	v35 =	vmul.f32 $1.442695020e+00, v35;
	v31 =	vadd.f32 v40, v22;
	v37 =	vld.idx.msk [tilespmem:v37+s18+$0x0], $0xffff;
	v40 =	vpop (erf);
	(erf) = vpow2.f32 v34  }
0xe2: {  	v33 =	vmul.f32 $1.442695020e+00, v33;
	v34 =	vsub.f32 $0.0e+00, v41;
	v41 =	vpop (erf);
	(erf) = vpow2.f32 v32  }
0xe3: {  	v40 =	vadd.f32 v31, v40;
	v32 =	vadd.f32 v41, v22;
	(erf) = vpow2.f32 v35  }
0xe4: {  	v34 =	vmul.f32 $1.442695020e+00, v34;
	v35 =	vld.idx.msk [tilespmem:v38+s18+$0x0], $0xffff;
	v38 =	vpop (erf);
	(erf) = vpow2.f32 v33  }
0xe5: {  	v39 =	vsub.f32 $0.0e+00, v39;
	v33 =	vadd.f32 v38, v22;
	(erf) = vrcp.f32 v40;
	v31 =	vpop (erf)  }
0xe6: {  	v40 =	vadd.f32 v32, v31;
	v32 =	vmul.f32 $1.442695020e+00, v36;
	v36 =	vpop (erf);
	(erf) = vpow2.f32 v34  }
0xe7: {  	v34 =	vadd.f32 v36, v22;
	v36 =	vmul.f32 $1.442695020e+00, v37;
	v37 =	vmul.f32 $1.442695020e+00, v39;
	v38 =	vpop (erf)  }
0xe8: {  	v39 =	vld.idx.msk [tilespmem:v29+s17+$0x0], $0xffff;
	(erf) = vrcp.f32 v40;
	v31 =	vpop (erf)  }
0xe9: {  	v40 =	vadd.f32 v33, v31;
	v33 =	vadd.f32 v38, v22;
	v38 =	vpop (erf);
	(erf) = vpow2.f32 v36  }
0xea: {  	v35 =	vmul.f32 $1.442695020e+00, v35;
	v34 =	vadd.f32 v34, v38;
	v36 =	vld.idx.msk [tilespmem:v28+s17+$0x0], $0xffff;
	v38 =	vpop (erf);
	(erf) = vpow2.f32 v37  }
0xeb: {  	v38 =	vadd.f32 v33, v38;
	(erf) = vrcp.f32 v40;
	v31 =	vpop (erf)  }
0xec: {  	v31 =	vadd.f32 v31, v22;
	v29 =	vld.idx.msk [tilespmem:v29+s18+$0x0], $0xffff;
	v37 =	vpop (erf);
	(erf) = vpow2.f32 v35  }
0xed: {  	(erf) = vrcp.f32 v38;
	v33 =	vpop (erf)  }
0xee: {  	v35 =	vsub.f32 $0.0e+00, v39;
	v31 =	vadd.f32 v31, v37;
	v37 =	vpop (erf);
	(erf) = vrcp.f32 v34  }
0xef: {  	v33 =	vadd.f32 v33, v22;
	v34 =	vmul.f32 v37, v5;
	v37 =	vld.idx.msk [tilespmem:v27+s17+$0x0], $0xffff;
	(erf) = vpow2.f32 v32;
	v32 =	vpop (erf)  }
0xf0: {  	v40 =	vmul.f32 $1.442695020e+00, v35;
	v32 =	vadd.f32 v32, v22;
	v28 =	vld.idx.msk [tilespmem:v28+s18+$0x0], $0xffff;
	(erf) = vrcp.f32 v31  }
0xf1: {  	v31 =	vsub.f32 $0.0e+00, v36;
	v36 =	vld.idx.msk [tilespmem:v25+s17+$0x0], $0xffff;
	v38 =	vpop (erf)  }
0xf2: {  	v34 =	vadd.f32 $0.0e+00, v34;
	v41 =	vmul.f32 v38, v6;
	v39 =	vpop (erf);
	(erf) = vpow2.f32 v40  }
0xf3: {  	v29 =	vmul.f32 $1.442695020e+00, v29;
	v31 =	vmul.f32 $1.442695020e+00, v31;
	v32 =	vadd.f32 v32, v39;
	v27 =	vld.idx.msk [tilespmem:v27+s18+$0x0], $0xffff;
	v35 =	vpop (erf)  }
0xf4: {  	v40 =	vadd.f32 v41, v34;
	v39 =	vadd.f32 v35, v22;
	v26 =	vld.idx.msk [tilespmem:v26+s17+$0x0], $0xffff;
	v38 =	vpop (erf);
	(erf) = vpow2.f32 v30  }
0xf5: {  	v41 =	vsub.f32 $0.0e+00, v37;
	v30 =	vmul.f32 v38, v7;
	v38 =	vpop (erf);
	(erf) = vpow2.f32 v29  }
0xf6: {  	v28 =	vmul.f32 $1.442695020e+00, v28;
	v29 =	vadd.f32 v39, v38;
	v25 =	vld.idx.msk [tilespmem:v25+s18+$0x0], $0xffff;
	v35 =	vpop (erf);
	(erf) = vrcp.f32 v32  }
0xf7: {  	v32 =	vmul.f32 $1.442695020e+00, v41;
	v30 =	vadd.f32 v30, v40;
	v34 =	vpop (erf);
	(erf) = vpow2.f32 v31  }
0xf8: {  	v31 =	vmul.f32 v34, v8;
	v34 =	vsub.f32 $0.0e+00, v36;
	v36 =	vld.idx.msk [tilespmem:v24+s17+$0x0], $0xffff;
	v37 =	vpop (erf);
	(erf) = vpow2.f32 v28  }
0xf9: {  	v28 =	vmul.f32 v35, v9;
	v33 =	vadd.f32 v33, v37;
	v35 =	vpop (erf);
	(erf) = vpow2.f32 v32  }
0xfa: {  	v26 =	vsub.f32 $0.0e+00, v26;
	v30 =	vadd.f32 v31, v30;
	v31 =	vld.idx.msk [tilespmem:v23+s17+$0x0], $0xffff;
	(erf) = vrcp.f32 v29  }
0xfb: {  	v37 =	vmul.f32 $1.442695020e+00, v27;
	v29 =	vmul.f32 $1.442695020e+00, v34;
	v32 =	vpop (erf)  }
0xfc: {  	v25 =	vmul.f32 $1.442695020e+00, v25;
	v34 =	vadd.f32 v32, v22;
	v24 =	vld.idx.msk [tilespmem:v24+s18+$0x0], $0xffff;
	(erf) = vrcp.f32 v33  }
0xfd: {  	v26 =	vmul.f32 $1.442695020e+00, v26;
	v28 =	vadd.f32 v28, v30;
	(erf) = vpow2.f32 v37;
	v27 =	vpop (erf)  }
0xfe: {  	v30 =	vsub.f32 $0.0e+00, v36;
	v23 =	vld.idx.msk [tilespmem:v23+s18+$0x0], $0xffff;
	v33 =	vpop (erf);
	(erf) = vpow2.f32 v29  }
0xff: {  	v33 =	vadd.f32 v34, v33;
	v32 =	vpop (erf);
	(erf) = vpow2.f32 v26  }
0x100: {  	v26 =	vmul.f32 $1.442695020e+00, v30;
	v30 =	vsub.f32 $0.0e+00, v31;
	v31 =	vpop (erf);
	(erf) = vpow2.f32 v25  }
0x101: {  	v25 =	vadd.f32 v31, v22;
	(erf) = vrcp.f32 v33;
	v29 =	vpop (erf)  }
0x102: {  	v33 =	vmul.f32 $1.442695020e+00, v24;
	v31 =	vpop (erf);
	(erf) = vpow2.f32 v26  }
0x103: {  	v26 =	vmul.f32 $1.442695020e+00, v30;
	v25 =	vadd.f32 v25, v29;
	v29 =	vpop (erf)  }
0x104: {  	v30 =	vmul.f32 v35, v10;
	v31 =	vadd.f32 v31, v22;
	(erf) = vpow2.f32 v33  }
0x105: {  	v23 =	vmul.f32 $1.442695020e+00, v23;
	v24 =	vpop (erf);
	(erf) = vrcp.f32 v25  }
0x106: {  	v25 =	vadd.f32 v30, v28;
	v24 =	vmul.f32 v24, v11;
	v28 =	vpop (erf);
	(erf) = vpow2.f32 v26  }
0x107: {  	v30 =	vadd.f32 v31, v28;
	v28 =	vpop (erf)  }
0x108: {  	v24 =	vadd.f32 v24, v25;
	v25 =	vadd.f32 v28, v22;
	v28 =	vpop (erf);
	(erf) = vpow2.f32 v23  }
0x109: {  	v23 =	vmul.f32 v32, v12;
	(erf) = vrcp.f32 v30;
	v26 =	vpop (erf)  }
0x10a: {  	v25 =	vadd.f32 v25, v26;
	v26 =	vadd.f32 v28, v22;
	v28 =	vpop (erf)  }
0x10b: {  	v30 =	vmul.f32 v29, v13;
	v23 =	vadd.f32 v23, v24;
	v29 =	vpop (erf)  }
0x10c: {  	v31 =	vadd.f32 v26, v27;
	v27 =	vadd.f32 v29, v22;
	(erf) = vrcp.f32 v25  }
0x10d: {  	v23 =	vadd.f32 v30, v23;
	v24 =	vpop (erf)  }
0x10e: {  	v29 =	vadd.f32 v27, v24;
	v25 =	vpop (erf);
	(erf) = vrcp.f32 v31  }
0x10f: {  	v25 =	vmul.f32 v25, v15;
	v26 =	vpop (erf)  }
0x110: {  	v27 =	vmul.f32 v28, v14;
	v28 =	vadd.f32 v26, v22;
	(erf) = vrcp.f32 v29  }
0x111: {  	v24 =	vpop (erf)  }
0x112: {  	v23 =	vadd.f32 v27, v23;
	v27 =	vadd.f32 v28, v24;
	v26 =	vpop (erf)  }
0x113: {  	v26 =	vmul.f32 v26, v16  }
0x114: {  	v23 =	vadd.f32 v25, v23;
	(erf) = vrcp.f32 v27  }
0x115: {  	v24 =	vpop (erf)  }
0x116: {  	v23 =	vadd.f32 v26, v23;
	v24 =	vmul.f32 v24, v17  }
0x117: {  	v25 =	vpop (erf)  }
0x118: {  	v23 =	vadd.f32 v24, v23;
	v24 =	vmul.f32 v25, v18  }
0x119: {  	v25 =	vpop (erf)  }
0x11a: {  	v23 =	vadd.f32 v24, v23;
	v25 =	vmul.f32 v25, v19;
	_ =	sdelay $0x1  }
0x11b: {  	v23 =	vadd.f32 v25, v23  }
0x11c: {  	v24 =	vpop (erf)  }
0x11d: {  	v24 =	vmul.f32 v24, v20;
	_ =	sdelay $0x1  }
0x11e: {  	v23 =	vadd.f32 v24, v23;
	_ =	sdelay $0x1  }
0x11f: {  	v22 =	vmul.f32 v23, v22;
	_ =	sdelay $0x1  }
0x120: {  	v21 =	vsub.f32 v21, v22;
	_ =	sdelay $0x1  }
0x121: {  	[tilespmem:s21+$0x0] =	vst v21  }
0x122: {  	v21 =	vld [tilespmem:s22+$0x0];
	_ =	sdelay $0x4  }
0x123: {  	s11 =	sadd.s32 s11, s24;
	v21 =	vshll.u32 v21, $0x4  }
0x124: {  	v22 =	vadd.s32 s11, v0;
	v21 =	vxor.u32 v3, v21  }
0x125: {  	(xrf1) =	vsort.ascd.msk.u32 $0xffff, v21, v22;
	_ =	sdelay $0xd  }
0x126: {  	v21, v23, _ =	vpop (xrf1)  }
0x127: {  	v24 =	vxor.u32 $0x80000000, v21;
	v21 =	vand.u32 $0xF, v21  }
0x128: {  	v25 =	vperm.xlane v24, v4;
	_ =	sdelay $0x1  }
0x129: {  	v24 =	vshra.s32 v24, $0x4;
	v25 =	vshra.s32 v25, $0x4  }
0x12a: {  	vm1 =	vne.s32 v24, v25  }
0x12b: {  	vm2 =	vlt.u32 v21, s26;
	vm1 =	vmor vm1, vm0  }
0x12c: {  	vm1 =	vmand vm2, vm1;
	_ =	sdelay $0x5  }
0x12d: {  	[tilespmem:v24+s7+$0x0] =	vst.idx.msk vm1, v23  }
0x12e: {  	v21 =	vld [tilespmem:s31+$0x0];
	_ =	sdelay $0x4  }
0x12f: {  	v21 =	vshll.u32 v21, $0x4  }
0x130: {  	v21 =	vxor.u32 v3, v21  }
0x131: {  	(xrf1) =	vsort.ascd.msk.u32 $0xffff, v21, v22;
	_ =	sdelay $0x4  }
.Ltmp1:
0x132: {  	(pc) =	sbr.rel @p1 .LBB2_5-.Ltmp1, $2  }
0x133: {  	_ =	sdelay $0x2  }
0x134: {  	s26 =	sadd.s32 $0xFFFFFFF0, s26;
	s31 =	sadd.s32 $0x10, s31  }
0x135: {  	_ =	sdelay $0x3  }
0x136: {  	v21, v22, _ =	vpop (xrf1)  }
0x137: {  	v23 =	vxor.u32 $0x80000000, v21  }
0x138: {  	v24 =	vperm.xlane v23, v4;
	_ =	sdelay $0x1  }
0x139: {  	v23 =	vshra.s32 v23, $0x4;
	v24 =	vshra.s32 v24, $0x4  }
0x13a: {  	v21 =	vand.u32 $0xF, v21;
	vm1 =	vne.s32 v23, v24  }
0x13b: {  	vm2 =	vlt.u32 v21, s23;
	vm1 =	vmor vm1, vm0  }
0x13c: {  	vm1 =	vmand vm2, vm1;
	_ =	sdelay $0x4  }
0x13d: {  	s10 =	sshrl.u32 s10, $0x3  }
0x13e: {  	s11 =	sor.u32 $0x18B00, s20;
	p1 =	sgt.u32 s12, $0xC0;
	s10 =	sadd.s32 s6, s10;
	[tilespmem:v23+s5+$0x0] =	vst.idx.msk vm1, v22  }
0x13f: {  	[hbm4b:s10+s7] =	stream.linear.scatter [tilespmem:s11], [sflag:s14], $0x80, $0x38;
	[tilespmem:$0x1AC10] =	vst v63  }
0x140: {  	s10 =	sadd.s32 @!p1 s30, s16  }
0x141: {  	s12 =	sor.u32 @!p1 $0x18800, s20;
	s10 =	sshrl.u32 @!p1 s10, $0x3  }
0x142: {  	s11 =	sadd.s32 @!p1 $0x1, s13;
	s14 =	simm.s32 @!p1 $0x0;
	s13 =	sadd.s32 @!p1 s2, s10  }
0x143: {  	[tilespmem:s12], [sflag:s11] =	stream.linear.gather @!p1 [hbm4b:s13+s14], $0x80, $0x38;
	[tilespmem:$0x1AC10] =	vst v63  }
0x144: {  	s12 =	sor.u32 @!p1 $0x18900, s20;
	s13 =	sadd.s32 @!p1 s3, s10  }
0x145: {  	[tilespmem:s12], [sflag:s11] =	stream.linear.gather @!p1 [hbm4b:s13+s14], $0x80, $0x38;
	[tilespmem:$0x1AC10] =	vst v63  }
0x146: {  	s10 =	sadd.s32 @!p1 s0, s10;
	s12 =	sor.u32 @!p1 $0x18A00, s20  }
0x147: {  	[tilespmem:s12], [sflag:s11] =	stream.linear.gather @!p1 [hbm4b:s10+s14], $0x80, $0x38;
	[tilespmem:$0x1AC10] =	vst v63  }
0x148: {  	p1 =	sne.s32 s19, $0xC3  }
.Ltmp2:
0x149: {  	_ = 	snop;
	(pc) =	sbr.rel @p1 .LBB2_4-.Ltmp2, $2  }
0x14a: {  	_ =	sdelay $0x2  }
0x14b: {  	p0 =	por !p0, !p0;
	s24 =	sadd.s32 $0x80, s24;
	s12 =	smov.u32 s19  }
0x14c: {  	s10 =	simm.s32 $0x6  }
0x14d: {  	_ =	swait.ge [sflag:s10], $0x80  }
0x14e: {  	[sflag:s10] =	ssyncset.done $0x0  }
0x14f: {  	s26 =	simm.s32 $0x5;
	[sflag:s10] =	ssyncadd.s32 $0xFFFFFF80  }
0x150: {  	_ =	swait.ge [sflag:s26], $0x80  }
0x151: {  	s11 =	simm.s32 $0x0;
	[sflag:s26] =	ssyncset.done $0x0  }
0x152: {  	s12 =	simm.s32 $0x18800;
	s29 =	rddreg [dreg:$0xd];
	[sflag:s26] =	ssyncadd.s32 $0xFFFFFF80  }
0x153: {  	[tilespmem:s12], [sflag:$0x7] =	stream.linear.gather [hbm4b:s29+s11], $0x28, $0x38;
	[tilespmem:$0x1AC10] =	vst v63  }
0x154: {  	_ =	swait.ge [sflag:s28], $0x28  }
0x155: {  	[sflag:s28] =	ssyncset.done $0x0  }
0x156: {  	s30 =	simm.s32 $0x18900;
	s13 =	rddreg [dreg:$0xe];
	[sflag:s28] =	ssyncadd.s32 $0xFFFFFFD8  }
0x157: {  	[tilespmem:s30], [sflag:$0x7] =	stream.linear.gather [hbm4b:s13+s11], $0x28, $0x38;
	[tilespmem:$0x1AC10] =	vst v63  }
0x158: {  	_ =	swait.ge [sflag:s28], $0x28  }
0x159: {  	[sflag:s28] =	ssyncset.done $0x0  }
0x15a: {  	s13 =	simm.s32 $0x18A00;
	s14 =	rddreg [dreg:$0xf];
	[sflag:s28] =	ssyncadd.s32 $0xFFFFFFD8  }
0x15b: {  	[tilespmem:s13], [sflag:$0x7] =	stream.linear.gather [hbm4b:s14+s11], $0x28, $0x38;
	[tilespmem:$0x1AC10] =	vst v63  }
0x15c: {  	_ =	swait.ge [sflag:s28], $0x28  }
0x15d: {  	[sflag:s28] =	ssyncset.done $0x0  }
0x15e: {  	s19 =	simm.s32 $0x80;
	[sflag:s28] =	ssyncadd.s32 $0xFFFFFFD8  }
0x15f: {  	[tilespmem:s4], [sflag:$0x7] =	stream.indirect.gather [hbm4b:s9+s19], $0x10, s12, s19, $0xb8;
	[tilespmem:$0x1AC10] =	vst v63  }
0x160: {  	_ =	swait.ge [sflag:s28], $0x800  }
0x161: {  	v21 =	vmov s11;
	[sflag:s28] =	ssyncset.done $0x0  }
0x162: {  	v21 =	vshll.u32 v21, $0x4;
	[sflag:s28] =	ssyncadd.s32 $0xFFFFF800  }
0x163: {  	v23 =	vor.u32 v2, v21;
	[tilespmem:s1], [sflag:$0x7] =	stream.indirect.gather [hbm4b:s9+s19], $0x10, s30, s19, $0xb8;
	[tilespmem:$0x1AC10] =	vst v63  }
0x164: {  	_ =	swait.ge [sflag:s28], $0x800  }
0x165: {  	v22 =	vor.u32 $0x1, v23;
	[sflag:s28] =	ssyncset.done $0x0  }
0x166: {  	v24 =	vor.u32 $0x2, v23;
	[sflag:s28] =	ssyncadd.s32 $0xFFFFF800  }
0x167: {  	v25 =	vor.u32 $0x3, v23;
	v21 =	vld [tilespmem:s13+$0x0]  }
0x168: {  	v26 =	vld.idx.msk [tilespmem:v23+s4+$0x0], $0xffff  }
0x169: {  	v28 =	vor.u32 $0x4, v23;
	v27 =	vld.idx.msk [tilespmem:v23+s1+$0x0], $0xffff  }
0x16a: {  	v29 =	vld.idx.msk [tilespmem:v22+s4+$0x0], $0xffff  }
0x16b: {  	v30 =	vld.idx.msk [tilespmem:v24+s4+$0x0], $0xffff  }
0x16c: {  	v32 =	vld.idx.msk [tilespmem:v25+s4+$0x0], $0xffff;
	v31 =	vsub.f32 $0.0e+00, v21  }
0x16d: {  	v22 =	vld.idx.msk [tilespmem:v22+s1+$0x0], $0xffff;
	v26 =	vsub.f32 $0.0e+00, v26  }
0x16e: {  	v33 =	vor.u32 $0x5, v23;
	v35 =	vld.idx.msk [tilespmem:v28+s4+$0x0], $0xffff;
	v31 =	vmul.f32 $1.442695020e+00, v31  }
0x16f: {  	v34 =	vor.u32 $0x6, v23;
	v29 =	vsub.f32 $0.0e+00, v29;
	v26 =	vmul.f32 $1.442695020e+00, v26  }
0x170: {  	v27 =	vmul.f32 $1.442695020e+00, v27;
	v30 =	vsub.f32 $0.0e+00, v30;
	(erf) = vpow2.f32 v31  }
0x171: {  	v45 =	vor.u32 $0x7, v23;
	v24 =	vld.idx.msk [tilespmem:v24+s1+$0x0], $0xffff;
	v29 =	vmul.f32 $1.442695020e+00, v29;
	(erf) = vpow2.f32 v26  }
0x172: {  	v25 =	vld.idx.msk [tilespmem:v25+s1+$0x0], $0xffff;
	v47 =	vsub.f32 $0.0e+00, v32;
	v46 =	vmul.f32 $1.442695020e+00, v30;
	(erf) = vpow2.f32 v27  }
0x173: {  	v48 =	vld.idx.msk [tilespmem:v33+s4+$0x0], $0xffff;
	v22 =	vmul.f32 $1.442695020e+00, v22;
	v49 =	vsub.f32 $0.0e+00, v35;
	(erf) = vpow2.f32 v29  }
0x174: {  	v28 =	vld.idx.msk [tilespmem:v28+s1+$0x0], $0xffff;
	v30 =	vmul.f32 $1.442695020e+00, v47;
	(erf) = vpow2.f32 v46  }
0x175: {  	v50 =	vor.u32 $0x8, v23;
	v51 =	vld.idx.msk [tilespmem:v34+s4+$0x0], $0xffff;
	(erf) = vpow2.f32 v22;
	v22 =	vmul.f32 $1.442695020e+00, v49  }
0x176: {  	v33 =	vld.idx.msk [tilespmem:v33+s1+$0x0], $0xffff  }
0x177: {  	v52 =	vld.idx.msk [tilespmem:v45+s4+$0x0], $0xffff;
	v24 =	vmul.f32 $1.442695020e+00, v24;
	(erf) = vpow2.f32 v30  }
0x178: {  	v25 =	vmul.f32 $1.442695020e+00, v25;
	v53 =	vsub.f32 $0.0e+00, v48;
	(erf) = vpow2.f32 v22  }
0x179: {  	v54 =	vor.u32 $0x9, v23;
	v28 =	vmul.f32 $1.442695020e+00, v28;
	v22 =	vpop (erf);
	(erf) = vpow2.f32 v24  }
0x17a: {  	v55 =	vld.idx.msk [tilespmem:v50+s4+$0x0], $0xffff;
	v32 =	vsub.f32 $0.0e+00, v51;
	v30 =	vmul.f32 $1.442695020e+00, v53;
	v56 =	vpop (erf);
	(erf) = vpow2.f32 v25  }
0x17b: {  	v33 =	vmul.f32 $1.442695020e+00, v33;
	v26 =	vld.idx.msk [tilespmem:v45+s1+$0x0], $0xffff;
	v57 =	vadd.f32 v56, v22;
	v58 =	vpop (erf);
	(erf) = vpow2.f32 v28  }
0x17c: {  	v59 =	vmul.f32 $1.442695020e+00, v32;
	v29 =	vsub.f32 $0.0e+00, v52;
	v60 =	vpop (erf);
	(erf) = vpow2.f32 v30  }
0x17d: {  	v25 =	vadd.f32 v57, v58;
	v61 =	vadd.f32 v60, v22;
	(erf) = vpow2.f32 v33;
	v62 =	vpop (erf)  }
0x17e: {  	v29 =	vmul.f32 $1.442695020e+00, v29;
	(erf) = vpow2.f32 v59;
	v40 =	vpop (erf)  }
0x17f: {  	v35 =	vor.u32 $0xD, v23;
	v27 =	vld.idx.msk [tilespmem:v50+s1+$0x0], $0xffff;
	(erf) = vrcp.f32 v25;
	v41 =	vadd.f32 v61, v40  }
0x180: {  	v43 =	vld.idx.msk [tilespmem:v34+s1+$0x0], $0xffff;
	v26 =	vmul.f32 $1.442695020e+00, v26;
	v24 =	vsub.f32 $0.0e+00, v55;
	v42 =	vpop (erf);
	(erf) = vpow2.f32 v29  }
0x181: {  	v63 =	vor.u32 $0xA, v23;
	v44 =	vadd.f32 v62, v22;
	v45 =	vpop (erf);
	(erf) = vrcp.f32 v41  }
0x182: {  	v46 =	vld.idx.msk [tilespmem:v54+s4+$0x0], $0xffff;
	v24 =	vmul.f32 $1.442695020e+00, v24;
	v47 =	vpop (erf);
	(erf) = vpow2.f32 v26  }
0x183: {  	v48 =	vor.u32 $0xB, v23;
	v32 =	vadd.f32 v45, v22;
	v30 =	vadd.f32 v44, v47;
	v49 =	vpop (erf)  }
0x184: {  	v31 =	vld.idx.msk [tilespmem:v54+s1+$0x0], $0xffff;
	v27 =	vmul.f32 $1.442695020e+00, v27;
	v28 =	vadd.f32 v42, v22;
	(erf) = vpow2.f32 v24;
	v37 =	vpop (erf)  }
0x185: {  	v36 =	vld.idx.msk [tilespmem:v35+s1+$0x0], $0xffff;
	v53 =	vmul.f32 $1.442695020e+00, v43;
	v32 =	vadd.f32 v32, v37;
	(erf) = vrcp.f32 v30;
	v51 =	vpop (erf)  }
0x186: {  	v50 =	vld.idx.msk [tilespmem:v63+s4+$0x0], $0xffff;
	v28 =	vadd.f32 v28, v49;
	v30 =	vadd.f32 v51, v22;
	v52 =	vpop (erf);
	(erf) = vpow2.f32 v27  }
0x187: {  	v62 =	vor.u32 $0xE, v23;
	v25 =	vsub.f32 $0.0e+00, v46;
	(erf) = vrcp.f32 v32;
	v54 =	vpop (erf)  }
0x188: {  	v30 =	vadd.f32 v30, v52;
	v56 =	vpop (erf);
	(erf) = vrcp.f32 v28  }
0x189: {  	v55 =	vor.u32 $0xC, v23;
	v57 =	vld.idx.msk [tilespmem:v48+s4+$0x0], $0xffff;
	v25 =	vmul.f32 $1.442695020e+00, v25;
	(erf) = vpow2.f32 v53;
	v58 =	vpop (erf)  }
0x18a: {  	v36 =	vmul.f32 $1.442695020e+00, v36;
	v33 =	vld.idx.msk [tilespmem:v63+s1+$0x0], $0xffff;
	v27 =	vadd.f32 v58, v22;
	(erf) = vrcp.f32 v30;
	v59 =	vpop (erf)  }
0x18b: {  	v61 =	vmul.f32 $1.442695020e+00, v31;
	v41 =	vld.idx.msk [tilespmem:v48+s1+$0x0], $0xffff;
	v24 =	vsub.f32 $0.0e+00, v50;
	v60 =	vpop (erf);
	(erf) = vpow2.f32 v25  }
0x18c: {  	v48 =	vld.idx.msk [tilespmem:v62+s4+$0x0], $0xffff;
	v27 =	vadd.f32 v27, v60;
	(erf) = vpow2.f32 v36  }
0x18d: {  	v31 =	vld.idx.msk [tilespmem:v62+s1+$0x0], $0xffff;
	v24 =	vmul.f32 $1.442695020e+00, v24;
	v40 =	vpop (erf);
	(erf) = vpow2.f32 v61  }
0x18e: {  	v63 =	vld.idx.msk [tilespmem:v55+s4+$0x0], $0xffff;
	v23 =	vor.u32 $0xF, v23;
	v42 =	vpop (erf);
	(erf) = vrcp.f32 v27  }
0x18f: {  	v43 =	vld.idx.msk [tilespmem:v35+s4+$0x0], $0xffff;
	v33 =	vmul.f32 $1.442695020e+00, v33;
	v28 =	vsub.f32 $0.0e+00, v57;
	v44 =	vpop (erf);
	(erf) = vpow2.f32 v24  }
0x190: {  	v29 =	vadd.f32 v54, v22;
	v52 =	vmul.f32 $1.442695020e+00, v41;
	v45 =	vadd.f32 v40, v22;
	v46 =	vpop (erf)  }
0x191: {  	v34 =	vsub.f32 $0.0e+00, v48;
	v28 =	vmul.f32 $1.442695020e+00, v28;
	v38 =	vpop (erf);
	(erf) = vpow2.f32 v33  }
0x192: {  	v32 =	vld.idx.msk [tilespmem:v55+s1+$0x0], $0xffff;
	v31 =	vmul.f32 $1.442695020e+00, v31;
	v47 =	vmul.f32 v56, v5;
	v24 =	vadd.f32 v45, v44;
	v49 =	vpop (erf)  }
0x193: {  	v36 =	vsub.f32 $0.0e+00, v63;
	(erf) = vpow2.f32 v28;
	v29 =	vadd.f32 v29, v49;
	v50 =	vpop (erf)  }
0x194: {  	v58 =	vmul.f32 $1.442695020e+00, v34;
	v27 =	vsub.f32 $0.0e+00, v43;
	(erf) = vrcp.f32 v24;
	v53 =	vpop (erf)  }
0x195: {  	v51 =	vld.idx.msk [tilespmem:v23+s4+$0x0], $0xffff;
	v36 =	vmul.f32 $1.442695020e+00, v36;
	(erf) = vrcp.f32 v29;
	v54 =	vpop (erf)  }
0x196: {  	v27 =	vmul.f32 $1.442695020e+00, v27;
	v25 =	vadd.f32 v53, v22;
	(erf) = vpow2.f32 v52;
	v55 =	vpop (erf)  }
0x197: {  	v32 =	vmul.f32 $1.442695020e+00, v32;
	(erf) = vpow2.f32 v36;
	v56 =	vpop (erf)  }
0x198: {  	v30 =	vmul.f32 v59, v6;
	v24 =	vadd.f32 v25, v55;
	(erf) = vpow2.f32 v27;
	v57 =	vpop (erf)  }
0x199: {  	v23 =	vld.idx.msk [tilespmem:v23+s1+$0x0], $0xffff;
	v33 =	vadd.f32 $0.0e+00, v47;
	(erf) = vpow2.f32 v32;
	v25 =	vadd.f32 v57, v22  }
0x19a: {  	v26 =	vmul.f32 v42, v7;
	v28 =	vsub.f32 $0.0e+00, v51;
	(erf) = vrcp.f32 v24;
	v59 =	vpop (erf)  }
0x19b: {  	v30 =	vadd.f32 v30, v33;
	(erf) = vpow2.f32 v58;
	v24 =	vadd.f32 v25, v59  }
0x19c: {  	v61 =	vmul.f32 $1.442695020e+00, v28;
	v60 =	vpop (erf);
	(erf) = vpow2.f32 v31  }
0x19d: {  	v62 =	vmul.f32 v38, v8;
	v26 =	vadd.f32 v26, v30;
	v63 =	vpop (erf);
	(erf) = vrcp.f32 v24  }
0x19e: {  	v23 =	vmul.f32 $1.442695020e+00, v23;
	v33 =	vpop (erf);
	(erf) = vpow2.f32 v61  }
0x19f: {  	v34 =	vmul.f32 v46, v9;
	v26 =	vadd.f32 v62, v26;
	v37 =	vpop (erf)  }
0x1a0: {  	v25 =	vadd.f32 v60, v22;
	v38 =	vpop (erf);
	(erf) = vpow2.f32 v23  }
0x1a1: {  	v39 =	vmul.f32 v50, v10;
	v23 =	vadd.f32 v34, v26;
	v40 =	vpop (erf)  }
0x1a2: {  	v25 =	vadd.f32 v25, v37;
	v41 =	vadd.f32 v38, v22;
	v42 =	vpop (erf)  }
0x1a3: {  	v24 =	vmul.f32 v33, v11;
	v23 =	vadd.f32 v39, v23;
	v43 =	vpop (erf)  }
0x1a4: {  	(erf) = vrcp.f32 v25;
	v27 =	vadd.f32 v40, v22;
	v44 =	vadd.f32 v41, v42;
	v45 =	vpop (erf)  }
0x1a5: {  	v46 =	vmul.f32 v56, v12;
	v23 =	vadd.f32 v24, v23;
	v47 =	vpop (erf)  }
0x1a6: {  	v27 =	vadd.f32 v27, v54;
	v28 =	vadd.f32 v45, v22;
	(erf) = vrcp.f32 v44;
	v48 =	vpop (erf)  }
0x1a7: {  	v49 =	vmul.f32 v63, v13;
	v23 =	vadd.f32 v46, v23;
	v50 =	vpop (erf)  }
0x1a8: {  	v28 =	vadd.f32 v28, v47;
	(erf) = vrcp.f32 v27;
	v51 =	vadd.f32 v50, v22  }
0x1a9: {  	v26 =	vmul.f32 v43, v14;
	v52 =	vpop (erf)  }
0x1aa: {  	v23 =	vadd.f32 v49, v23;
	(erf) = vrcp.f32 v28;
	v24 =	vadd.f32 v51, v52;
	_ =	sdelay $0x1  }
0x1ab: {  	v25 =	vmul.f32 v48, v15;
	v23 =	vadd.f32 v26, v23;
	(erf) = vrcp.f32 v24  }
0x1ac: {  	v53 =	vpop (erf)  }
0x1ad: {  	v24 =	vmul.f32 v53, v16;
	v23 =	vadd.f32 v25, v23  }
0x1ae: {  	v54 =	vpop (erf)  }
0x1af: {  	v23 =	vadd.f32 v24, v23;
	v55 =	vmul.f32 v54, v17  }
0x1b0: {  	v56 =	vpop (erf)  }
0x1b1: {  	v23 =	vadd.f32 v55, v23;
	v57 =	vmul.f32 v56, v18  }
0x1b2: {  	v58 =	vpop (erf)  }
0x1b3: {  	v23 =	vadd.f32 v57, v23;
	v59 =	vmul.f32 v58, v19  }
0x1b4: {  	v60 =	vpop (erf)  }
0x1b5: {  	v23 =	vadd.f32 v59, v23;
	v61 =	vmul.f32 v60, v20;
	_ =	sdelay $0x1  }
0x1b6: {  	v23 =	vadd.f32 v61, v23;
	_ =	sdelay $0x1  }
0x1b7: {  	v22 =	vmul.f32 v23, v22;
	_ =	sdelay $0x1  }
0x1b8: {  	v21 =	vsub.f32 v21, v22  }
0x1b9: {  	s14 =	simm.s32 $0x18B00  }
0x1ba: {  	[tilespmem:s14+$0x0] =	vst v21  }
0x1bb: {  	v21 =	vld [tilespmem:s12+$0x0];
	_ =	sdelay $0x4  }
0x1bc: {  	s31 =	sadd.s32 $0x0, s25;
	v21 =	vshll.u32 v21, $0x4  }
0x1bd: {  	v22 =	vadd.s32 s31, v0;
	v21 =	vxor.u32 v3, v21  }
0x1be: {  	(xrf1) =	vsort.ascd.msk.u32 $0xffff, v21, v22;
	_ =	sdelay $0xd  }
0x1bf: {  	v21, v23, _ =	vpop (xrf1)  }
0x1c0: {  	v62 =	vxor.u32 $0x80000000, v21  }
0x1c1: {  	v63 =	vperm.xlane v62, v4;
	_ =	sdelay $0x1  }
0x1c2: {  	v24 =	vshra.s32 v62, $0x4;
	v25 =	vshra.s32 v63, $0x4  }
0x1c3: {  	s15 =	simm.s32 $0x28;
	v21 =	vand.u32 $0xF, v21;
	vm1 =	vne.s32 v24, v25  }
0x1c4: {  	vm2 =	vlt.u32 v21, s15;
	vm1 =	vmor vm1, vm0  }
0x1c5: {  	vm1 =	vmand vm2, vm1;
	_ =	sdelay $0x5  }
0x1c6: {  	[tilespmem:v24+s7+$0x0] =	vst.idx.msk vm1, v23  }
0x1c7: {  	v21 =	vld [tilespmem:s30+$0x0];
	_ =	sdelay $0x4  }
0x1c8: {  	v21 =	vshll.u32 v21, $0x4  }
0x1c9: {  	v21 =	vxor.u32 v3, v21  }
0x1ca: {  	(xrf1) =	vsort.ascd.msk.u32 $0xffff, v21, v22;
	_ =	sdelay $0x8  }
0x1cb: {  	s17 =	simm.s32 $0x18910;
	s18 =	simm.s32 $0x10;
	s10 =	simm.s32 $0x18  }
.LBB2_8:
0x1cc: {  	s13 =	sadd.s32 $0x10, s13;
	s14 =	sadd.s32 $0x10, s14;
	s12 =	sadd.s32 $0x10, s12  }
0x1cd: {  	p0 =	sne.s32 s10, $0x8;
	s11 =	smov.u32 s10;
	s10 =	sadd.s32 $0xFFFFFFF0, s10  }
0x1ce: {  	_ =	sdelay $0x1  }
0x1cf: {  	v21, v22, _ =	vpop (xrf1)  }
0x1d0: {  	v23 =	vxor.u32 $0x80000000, v21;
	v21 =	vand.u32 $0xF, v21  }
0x1d1: {  	v24 =	vperm.xlane v23, v4;
	_ =	sdelay $0x1  }
0x1d2: {  	v23 =	vshra.s32 v23, $0x4;
	v24 =	vshra.s32 v24, $0x4  }
0x1d3: {  	vm1 =	vne.s32 v23, v24  }
0x1d4: {  	vm2 =	vlt.u32 v21, s15;
	s15 =	smov.u32 s11;
	vm1 =	vmor vm1, vm0  }
0x1d5: {  	vm1 =	vmand vm2, vm1;
	_ =	sdelay $0x1  }
0x1d6: {  	v21 =	vmov s18  }
0x1d7: {  	v21 =	vshll.u32 v21, $0x4  }
0x1d8: {  	v30 =	vor.u32 v2, v21  }
0x1d9: {  	v31 =	vor.u32 $0x1, v30;
	v32 =	vor.u32 $0x2, v30;
	v33 =	vor.u32 $0x3, v30  }
0x1da: {  	v34 =	vor.u32 $0x4, v30;
	v35 =	vor.u32 $0x5, v30;
	v36 =	vor.u32 $0x6, v30;
	[tilespmem:v23+s5+$0x0] =	vst.idx.msk vm1, v22  }
0x1db: {  	v37 =	vor.u32 $0x7, v30;
	v38 =	vor.u32 $0x8, v30;
	v29 =	vor.u32 $0x9, v30  }
0x1dc: {  	v28 =	vor.u32 $0xA, v30;
	v27 =	vor.u32 $0xB, v30;
	v25 =	vor.u32 $0xC, v30;
	v21 =	vld [tilespmem:s13+$0x0]  }
0x1dd: {  	v26 =	vor.u32 $0xD, v30;
	v24 =	vor.u32 $0xE, v30;
	v23 =	vor.u32 $0xF, v30;
	v22 =	vld.idx.msk [tilespmem:v30+s4+$0x0], $0xffff  }
0x1de: {  	v30 =	vld.idx.msk [tilespmem:v30+s1+$0x0], $0xffff  }
0x1df: {  	v39 =	vld.idx.msk [tilespmem:v31+s4+$0x0], $0xffff  }
0x1e0: {  	v40 =	vld.idx.msk [tilespmem:v33+s4+$0x0], $0xffff  }
0x1e1: {  	v41 =	vsub.f32 $0.0e+00, v21;
	v42 =	vld.idx.msk [tilespmem:v32+s4+$0x0], $0xffff  }
0x1e2: {  	v43 =	vld.idx.msk [tilespmem:v26+s1+$0x0], $0xffff  }
0x1e3: {  	v22 =	vsub.f32 $0.0e+00, v22;
	v41 =	vmul.f32 $1.442695020e+00, v41;
	v31 =	vld.idx.msk [tilespmem:v31+s1+$0x0], $0xffff  }
0x1e4: {  	v44 =	vld.idx.msk [tilespmem:v34+s4+$0x0], $0xffff  }
0x1e5: {  	v22 =	vmul.f32 $1.442695020e+00, v22;
	v39 =	vsub.f32 $0.0e+00, v39;
	v32 =	vld.idx.msk [tilespmem:v32+s1+$0x0], $0xffff  }
0x1e6: {  	v45 =	vmul.f32 $1.442695020e+00, v30;
	(erf) = vpow2.f32 v41  }
0x1e7: {  	v39 =	vmul.f32 $1.442695020e+00, v39;
	v41 =	vsub.f32 $0.0e+00, v42;
	v33 =	vld.idx.msk [tilespmem:v33+s1+$0x0], $0xffff;
	(erf) = vpow2.f32 v22  }
0x1e8: {  	v22 =	vsub.f32 $0.0e+00, v40;
	v30 =	vmul.f32 $1.442695020e+00, v43;
	v40 =	vld.idx.msk [tilespmem:v35+s4+$0x0], $0xffff;
	(erf) = vpow2.f32 v45  }
0x1e9: {  	v41 =	vmul.f32 $1.442695020e+00, v41;
	v34 =	vld.idx.msk [tilespmem:v34+s1+$0x0], $0xffff;
	(erf) = vpow2.f32 v39  }
0x1ea: {  	v31 =	vmul.f32 $1.442695020e+00, v31;
	v22 =	vmul.f32 $1.442695020e+00, v22;
	v39 =	vsub.f32 $0.0e+00, v44;
	v42 =	vld.idx.msk [tilespmem:v36+s4+$0x0], $0xffff  }
0x1eb: {  	v32 =	vmul.f32 $1.442695020e+00, v32;
	v35 =	vld.idx.msk [tilespmem:v35+s1+$0x0], $0xffff;
	(erf) = vpow2.f32 v41  }
0x1ec: {  	v39 =	vmul.f32 $1.442695020e+00, v39;
	v41 =	vld.idx.msk [tilespmem:v37+s4+$0x0], $0xffff;
	(erf) = vpow2.f32 v31  }
0x1ed: {  	v31 =	vmul.f32 $1.442695020e+00, v33;
	(erf) = vpow2.f32 v22  }
0x1ee: {  	v33 =	vsub.f32 $0.0e+00, v40;
	v36 =	vld.idx.msk [tilespmem:v36+s1+$0x0], $0xffff;
	(erf) = vpow2.f32 v39  }
0x1ef: {  	v34 =	vmul.f32 $1.442695020e+00, v34;
	v39 =	vld.idx.msk [tilespmem:v38+s4+$0x0], $0xffff;
	v22 =	vpop (erf);
	(erf) = vpow2.f32 v32  }
0x1f0: {  	v32 =	vmul.f32 $1.442695020e+00, v33;
	v33 =	vsub.f32 $0.0e+00, v42;
	v40 =	vpop (erf);
	(erf) = vpow2.f32 v31  }
0x1f1: {  	v35 =	vmul.f32 $1.442695020e+00, v35;
	v31 =	vadd.f32 v40, v22;
	v37 =	vld.idx.msk [tilespmem:v37+s1+$0x0], $0xffff;
	v40 =	vpop (erf);
	(erf) = vpow2.f32 v34  }
0x1f2: {  	v33 =	vmul.f32 $1.442695020e+00, v33;
	v34 =	vsub.f32 $0.0e+00, v41;
	v41 =	vpop (erf);
	(erf) = vpow2.f32 v32  }
0x1f3: {  	v40 =	vadd.f32 v31, v40;
	v32 =	vadd.f32 v41, v22;
	(erf) = vpow2.f32 v35  }
0x1f4: {  	v34 =	vmul.f32 $1.442695020e+00, v34;
	v35 =	vld.idx.msk [tilespmem:v38+s1+$0x0], $0xffff;
	v38 =	vpop (erf);
	(erf) = vpow2.f32 v33  }
0x1f5: {  	v39 =	vsub.f32 $0.0e+00, v39;
	v33 =	vadd.f32 v38, v22;
	(erf) = vrcp.f32 v40;
	v31 =	vpop (erf)  }
0x1f6: {  	v40 =	vadd.f32 v32, v31;
	v32 =	vmul.f32 $1.442695020e+00, v36;
	v36 =	vpop (erf);
	(erf) = vpow2.f32 v34  }
0x1f7: {  	v34 =	vadd.f32 v36, v22;
	v36 =	vmul.f32 $1.442695020e+00, v37;
	v37 =	vmul.f32 $1.442695020e+00, v39;
	v38 =	vpop (erf)  }
0x1f8: {  	v39 =	vld.idx.msk [tilespmem:v29+s4+$0x0], $0xffff;
	(erf) = vrcp.f32 v40;
	v31 =	vpop (erf)  }
0x1f9: {  	v40 =	vadd.f32 v33, v31;
	v33 =	vadd.f32 v38, v22;
	v38 =	vpop (erf);
	(erf) = vpow2.f32 v36  }
0x1fa: {  	v35 =	vmul.f32 $1.442695020e+00, v35;
	v34 =	vadd.f32 v34, v38;
	v36 =	vld.idx.msk [tilespmem:v28+s4+$0x0], $0xffff;
	v38 =	vpop (erf);
	(erf) = vpow2.f32 v37  }
0x1fb: {  	v38 =	vadd.f32 v33, v38;
	(erf) = vrcp.f32 v40;
	v31 =	vpop (erf)  }
0x1fc: {  	v31 =	vadd.f32 v31, v22;
	v29 =	vld.idx.msk [tilespmem:v29+s1+$0x0], $0xffff;
	v37 =	vpop (erf);
	(erf) = vpow2.f32 v35  }
0x1fd: {  	(erf) = vrcp.f32 v38;
	v33 =	vpop (erf)  }
0x1fe: {  	v35 =	vsub.f32 $0.0e+00, v39;
	v31 =	vadd.f32 v31, v37;
	v37 =	vpop (erf);
	(erf) = vrcp.f32 v34  }
0x1ff: {  	v33 =	vadd.f32 v33, v22;
	v34 =	vmul.f32 v37, v5;
	v37 =	vld.idx.msk [tilespmem:v27+s4+$0x0], $0xffff;
	(erf) = vpow2.f32 v32;
	v32 =	vpop (erf)  }
0x200: {  	v40 =	vmul.f32 $1.442695020e+00, v35;
	v32 =	vadd.f32 v32, v22;
	v28 =	vld.idx.msk [tilespmem:v28+s1+$0x0], $0xffff;
	(erf) = vrcp.f32 v31  }
0x201: {  	v31 =	vsub.f32 $0.0e+00, v36;
	v36 =	vld.idx.msk [tilespmem:v25+s4+$0x0], $0xffff;
	v38 =	vpop (erf)  }
0x202: {  	v34 =	vadd.f32 $0.0e+00, v34;
	v41 =	vmul.f32 v38, v6;
	v39 =	vpop (erf);
	(erf) = vpow2.f32 v40  }
0x203: {  	v29 =	vmul.f32 $1.442695020e+00, v29;
	v31 =	vmul.f32 $1.442695020e+00, v31;
	v32 =	vadd.f32 v32, v39;
	v27 =	vld.idx.msk [tilespmem:v27+s1+$0x0], $0xffff;
	v35 =	vpop (erf)  }
0x204: {  	v40 =	vadd.f32 v41, v34;
	v39 =	vadd.f32 v35, v22;
	v26 =	vld.idx.msk [tilespmem:v26+s4+$0x0], $0xffff;
	v38 =	vpop (erf);
	(erf) = vpow2.f32 v30  }
0x205: {  	v41 =	vsub.f32 $0.0e+00, v37;
	v30 =	vmul.f32 v38, v7;
	v38 =	vpop (erf);
	(erf) = vpow2.f32 v29  }
0x206: {  	v28 =	vmul.f32 $1.442695020e+00, v28;
	v29 =	vadd.f32 v39, v38;
	v25 =	vld.idx.msk [tilespmem:v25+s1+$0x0], $0xffff;
	v35 =	vpop (erf);
	(erf) = vrcp.f32 v32  }
0x207: {  	v32 =	vmul.f32 $1.442695020e+00, v41;
	v30 =	vadd.f32 v30, v40;
	v34 =	vpop (erf);
	(erf) = vpow2.f32 v31  }
0x208: {  	v31 =	vmul.f32 v34, v8;
	v34 =	vsub.f32 $0.0e+00, v36;
	v36 =	vld.idx.msk [tilespmem:v24+s4+$0x0], $0xffff;
	v37 =	vpop (erf);
	(erf) = vpow2.f32 v28  }
0x209: {  	v28 =	vmul.f32 v35, v9;
	v33 =	vadd.f32 v33, v37;
	v35 =	vpop (erf);
	(erf) = vpow2.f32 v32  }
0x20a: {  	v26 =	vsub.f32 $0.0e+00, v26;
	v30 =	vadd.f32 v31, v30;
	v31 =	vld.idx.msk [tilespmem:v23+s4+$0x0], $0xffff;
	(erf) = vrcp.f32 v29  }
0x20b: {  	v37 =	vmul.f32 $1.442695020e+00, v27;
	v29 =	vmul.f32 $1.442695020e+00, v34;
	v32 =	vpop (erf)  }
0x20c: {  	v25 =	vmul.f32 $1.442695020e+00, v25;
	v34 =	vadd.f32 v32, v22;
	v24 =	vld.idx.msk [tilespmem:v24+s1+$0x0], $0xffff;
	(erf) = vrcp.f32 v33  }
0x20d: {  	v26 =	vmul.f32 $1.442695020e+00, v26;
	v28 =	vadd.f32 v28, v30;
	(erf) = vpow2.f32 v37;
	v27 =	vpop (erf)  }
0x20e: {  	v30 =	vsub.f32 $0.0e+00, v36;
	v23 =	vld.idx.msk [tilespmem:v23+s1+$0x0], $0xffff;
	v33 =	vpop (erf);
	(erf) = vpow2.f32 v29  }
0x20f: {  	v33 =	vadd.f32 v34, v33;
	v32 =	vpop (erf);
	(erf) = vpow2.f32 v26  }
0x210: {  	v26 =	vmul.f32 $1.442695020e+00, v30;
	v30 =	vsub.f32 $0.0e+00, v31;
	v31 =	vpop (erf);
	(erf) = vpow2.f32 v25  }
0x211: {  	v25 =	vadd.f32 v31, v22;
	(erf) = vrcp.f32 v33;
	v29 =	vpop (erf)  }
0x212: {  	v33 =	vmul.f32 $1.442695020e+00, v24;
	v31 =	vpop (erf);
	(erf) = vpow2.f32 v26  }
0x213: {  	v26 =	vmul.f32 $1.442695020e+00, v30;
	v25 =	vadd.f32 v25, v29;
	v29 =	vpop (erf)  }
0x214: {  	v30 =	vmul.f32 v35, v10;
	v31 =	vadd.f32 v31, v22;
	(erf) = vpow2.f32 v33  }
0x215: {  	v23 =	vmul.f32 $1.442695020e+00, v23;
	v24 =	vpop (erf);
	(erf) = vrcp.f32 v25  }
0x216: {  	v25 =	vadd.f32 v30, v28;
	v24 =	vmul.f32 v24, v11;
	v28 =	vpop (erf);
	(erf) = vpow2.f32 v26  }
0x217: {  	v30 =	vadd.f32 v31, v28;
	v28 =	vpop (erf)  }
0x218: {  	v24 =	vadd.f32 v24, v25;
	v25 =	vadd.f32 v28, v22;
	v28 =	vpop (erf);
	(erf) = vpow2.f32 v23  }
0x219: {  	v23 =	vmul.f32 v32, v12;
	(erf) = vrcp.f32 v30;
	v26 =	vpop (erf)  }
0x21a: {  	v25 =	vadd.f32 v25, v26;
	v26 =	vadd.f32 v28, v22;
	v28 =	vpop (erf)  }
0x21b: {  	v30 =	vmul.f32 v29, v13;
	v23 =	vadd.f32 v23, v24;
	v29 =	vpop (erf)  }
0x21c: {  	v31 =	vadd.f32 v26, v27;
	v27 =	vadd.f32 v29, v22;
	(erf) = vrcp.f32 v25  }
0x21d: {  	v23 =	vadd.f32 v30, v23;
	v24 =	vpop (erf)  }
0x21e: {  	v29 =	vadd.f32 v27, v24;
	v25 =	vpop (erf);
	(erf) = vrcp.f32 v31  }
0x21f: {  	v25 =	vmul.f32 v25, v15;
	v26 =	vpop (erf)  }
0x220: {  	v27 =	vmul.f32 v28, v14;
	v28 =	vadd.f32 v26, v22;
	(erf) = vrcp.f32 v29  }
0x221: {  	v24 =	vpop (erf)  }
0x222: {  	v23 =	vadd.f32 v27, v23;
	v27 =	vadd.f32 v28, v24;
	v26 =	vpop (erf)  }
0x223: {  	v26 =	vmul.f32 v26, v16  }
0x224: {  	v23 =	vadd.f32 v25, v23;
	(erf) = vrcp.f32 v27  }
0x225: {  	v24 =	vpop (erf)  }
0x226: {  	v23 =	vadd.f32 v26, v23;
	v24 =	vmul.f32 v24, v17  }
0x227: {  	v25 =	vpop (erf)  }
0x228: {  	v23 =	vadd.f32 v24, v23;
	v24 =	vmul.f32 v25, v18  }
0x229: {  	v25 =	vpop (erf)  }
0x22a: {  	v23 =	vadd.f32 v24, v23;
	v25 =	vmul.f32 v25, v19;
	_ =	sdelay $0x1  }
0x22b: {  	v23 =	vadd.f32 v25, v23  }
0x22c: {  	v24 =	vpop (erf)  }
0x22d: {  	v24 =	vmul.f32 v24, v20;
	_ =	sdelay $0x1  }
0x22e: {  	v23 =	vadd.f32 v24, v23;
	_ =	sdelay $0x1  }
0x22f: {  	v22 =	vmul.f32 v23, v22;
	_ =	sdelay $0x1  }
0x230: {  	v21 =	vsub.f32 v21, v22;
	_ =	sdelay $0x1  }
0x231: {  	[tilespmem:s14+$0x0] =	vst v21  }
0x232: {  	v21 =	vld [tilespmem:s12+$0x0];
	_ =	sdelay $0x4  }
0x233: {  	s11 =	sadd.s32 s18, s25;
	v21 =	vshll.u32 v21, $0x4  }
0x234: {  	v22 =	vadd.s32 s11, v0;
	v21 =	vxor.u32 v3, v21  }
0x235: {  	(xrf1) =	vsort.ascd.msk.u32 $0xffff, v21, v22;
	_ =	sdelay $0xd  }
0x236: {  	v21, v23, _ =	vpop (xrf1)  }
0x237: {  	v24 =	vxor.u32 $0x80000000, v21;
	v21 =	vand.u32 $0xF, v21  }
0x238: {  	v25 =	vperm.xlane v24, v4;
	_ =	sdelay $0x1  }
0x239: {  	v24 =	vshra.s32 v24, $0x4;
	v25 =	vshra.s32 v25, $0x4  }
0x23a: {  	vm1 =	vne.s32 v24, v25  }
0x23b: {  	vm2 =	vlt.u32 v21, s15;
	vm1 =	vmor vm1, vm0  }
0x23c: {  	vm1 =	vmand vm2, vm1;
	_ =	sdelay $0x5  }
0x23d: {  	[tilespmem:v24+s7+$0x0] =	vst.idx.msk vm1, v23  }
0x23e: {  	v21 =	vld [tilespmem:s17+$0x0];
	_ =	sdelay $0x4  }
0x23f: {  	v21 =	vshll.u32 v21, $0x4  }
0x240: {  	v21 =	vxor.u32 v3, v21  }
0x241: {  	(xrf1) =	vsort.ascd.msk.u32 $0xffff, v21, v22;
	_ =	sdelay $0x4  }
.Ltmp3:
0x242: {  	(pc) =	sbr.rel @p0 .LBB2_8-.Ltmp3, $2  }
0x243: {  	_ =	sdelay $0x2  }
0x244: {  	s18 =	sadd.s32 $0x10, s18;
	s17 =	sadd.s32 $0x10, s17  }
0x245: {  	_ =	sdelay $0x3  }
0x246: {  	v5, v6, _ =	vpop (xrf1)  }
0x247: {  	v7 =	vxor.u32 $0x80000000, v5  }
0x248: {  	v8 =	vperm.xlane v7, v4;
	_ =	sdelay $0x1  }
0x249: {  	v7 =	vshra.s32 v7, $0x4;
	v8 =	vshra.s32 v8, $0x4  }
0x24a: {  	v5 =	vand.u32 $0xF, v5;
	vm1 =	vne.s32 v7, v8  }
0x24b: {  	vm2 =	vlt.u32 v5, s15;
	vm1 =	vmor vm1, vm0  }
0x24c: {  	vm1 =	vmand vm2, vm1;
	_ =	sdelay $0x5  }
0x24d: {  	s10 =	rddreg [dreg:$0x10];
	s11 =	simm.s32 $0x18B00;
	[tilespmem:v7+s5+$0x0] =	vst.idx.msk vm1, v6  }
0x24e: {  	[hbm4b:s10+s7] =	stream.linear.scatter [tilespmem:s11], [sflag:$0x7], $0x28, $0x38;
	[tilespmem:$0x1AC10] =	vst v63  }
0x24f: {  	_ =	swait.ge [sflag:s28], $0x28  }
0x250: {  	[sflag:s28] =	ssyncset.done $0x0  }
0x251: {  	s26 =	rddreg [dreg:$0x11];
	[sflag:s28] =	ssyncadd.s32 $0xFFFFFFD8  }
0x252: {  	[hbm4b:s26+s7] =	stream.linear.scatter [tilespmem:s7], [sflag:$0x7], $0xC400, $0x38;
	[tilespmem:$0x1AC10] =	vst v63  }
0x253: {  	_ =	swait.ge [sflag:s28], $0xC400  }
0x254: {  	[sflag:s28] =	ssyncset.done $0x0  }
0x255: {  	s29 =	rddreg [dreg:$0x12];
	[sflag:s28] =	ssyncadd.s32 $0xFFFF3C00  }
0x256: {  	[hbm4b:s29+s7] =	stream.linear.scatter [tilespmem:s5], [sflag:$0x7], $0xC400, $0x38;
	[tilespmem:$0x1AC10] =	vst v63  }
0x257: {  	_ =	swait.ge [sflag:s28], $0xC400  }
0x258: {  	s30 =	rddreg [dreg:$0x15]  }
0x259: {  	s31 =	rddreg [dreg:$0x13];
	s11 =	sadd.s32 $0x1, s30  }
0x25a: {  	p0 =	sne.s32 s11, s31  }
.Ltmp4:
0x25b: {  	_ = 	snop;
	(pc) =	sbr.rel @p0 .LBB2_1-.Ltmp4, $3  }
0x25c: {  	_ =	sdelay $0x1  }
0x25d: {  	[sflag:s28] =	ssyncset.done $0x0  }
0x25e: {  	s13 =	simm.s32 $0x18800;
	s14 =	simm.s32 $0x18900;
	[sflag:s28] =	ssyncadd.s32 $0xFFFF3C00  }
0x25f: {  	_ =	sfence.sel $0x180000  }
0x260: {  	[bflag:$0x0] =	sbarrier.arrive $0xFFFF  }
0x261: {  	_ =	strace $0x9000004A  }
0x262: {  	s0 =	stileid.u32;
	[bflag:$0x2] =	sbarrier.arrive $0xFFFF  }
0x263: {  	p0 =	sne.s32 s0, $0x0;
	s0 =	rddreg [dreg:$0x6]  }
0x264: {  	s0 =	sadd.s32 @!p0 $0x100000, s0  }
0x265: {  	[sflag:s0] =	ssyncadd.tile.s32 @!p0 $0x1;
	_ =	shalt  }
.Lfunc_end2:
_tile_overlayer_lowered:
.L_overlay_start_2:
0x266: {  	(tag) =	ssettag $0x2  }
0x267: {  	s0 =	rddreg [dreg:$0x0];
	s2 =	stileid.u32  }
0x268: {  	s1 =	rddreg [dreg:$0x1];
	p0 =	sne.s32 s2, $0x0  }
0x269: {  	s3 =	rddreg [dreg:$0x2];
	[bflag:$0x3] =	sbarrier.arrive $0xFFFF;
	s2 =	simm.s32 @!p0 $0x1C07  }
0x26a: {  	[timem:s3], [sflag:s2] =	dma.local @!p0 [hbm:s0], s1  }
0x26b: {  	s0 =	simm.s32 @!p0 $0x7  }
0x26c: {  	_ =	swait.ge @!p0 [sflag:s0], s1  }
0x26d: {  	s1 =	ssub.s32 @!p0 $0x0, s1;
	[sflag:s0] =	ssyncset.done @!p0 $0x0  }
0x26e: {  	[sflag:s0] =	ssyncadd.s32 @!p0 s1  }
0x26f: {  	[bflag:$0x3] =	sbarrier.arrive $0xFFFF  }
0x270: {  	_ =	shalt  }

</sc_bundles>
